<compile_context>
chip_gen: v7x
topology: tpu7x:2x2x1
jax: 0.10.2.dev20260603
libtpu: 0.0.44.dev20260713+nightly
codegen_flags: <defaults>
</compile_context>

<pallas_src>
import functools

import jax
import jax.numpy as jnp
from jax import lax
from jax.experimental import pallas as pl
from jax.experimental.pallas import tpu as pltpu
from jax.experimental.pallas import tpu_sc as plsc

B = 4096
F = 26
V = 100000
D = 32
NUM = 13

_NC = 2
_NS = 16
_NW = _NC * _NS
_FD = F * D
_ROWS_PER_W = _FD // _NW
_LANES = 16


def _sc_gather_t(tt, catT):
    mesh = plsc.VectorSubcoreMesh(core_axis_name="c", subcore_axis_name="s")

    @functools.partial(
        pl.kernel,
        out_type=jax.ShapeDtypeStruct((_FD, B), jnp.float32),
        mesh=mesh,
        scratch_types=[
            pltpu.VMEM((V,), jnp.float32),
            pltpu.VMEM((B,), jnp.int32),
            pltpu.VMEM((B,), jnp.float32),
            pltpu.VMEM((B,), jnp.float32),
            pltpu.SemaphoreType.DMA,
            pltpu.SemaphoreType.DMA,
            pltpu.SemaphoreType.DMA,
        ],
        compiler_params=pltpu.CompilerParams(needs_layout_passes=False),
    )
    def gather_kernel(tt_hbm, catT_hbm, out_hbm, row_v, idx_v, o0_v, o1_v,
                      row_sem, osem0, osem1):
        wid = lax.axis_index("s") * _NC + lax.axis_index("c")
        base = wid * _ROWS_PER_W
        osems = [osem0, osem1]
        obufs = [o0_v, o1_v]
        pltpu.sync_copy(catT_hbm.at[base // D], idx_v)
        row_copy = pltpu.async_copy(tt_hbm.at[base], row_v, row_sem)
        out_copies = [None, None]
        for j in range(_ROWS_PER_W):
            r = base + j
            if j > 0:
                @pl.when((base + j) // D != (base + j - 1) // D)
                def _():
                    pltpu.sync_copy(catT_hbm.at[r // D], idx_v)
            row_copy.wait()
            if out_copies[j % 2] is not None:
                out_copies[j % 2].wait()

            ob = obufs[j % 2]

            def body(i, carry):
                o = pl.multiple_of(i * _LANES, _LANES)
                iv = idx_v[pl.ds(o, _LANES)]
                ob[pl.ds(o, _LANES)] = plsc.load_gather(row_v, [iv])
                return carry

            lax.fori_loop(0, B // _LANES, body, 0)
            if j + 1 < _ROWS_PER_W:
                row_copy = pltpu.async_copy(tt_hbm.at[r + 1], row_v, row_sem)
            out_copies[j % 2] = pltpu.async_copy(
                ob, out_hbm.at[r], osems[j % 2])
        for c in out_copies:
            if c is not None:
                c.wait()

    return gather_kernel(tt, catT)


_BN = 2048


def _mlp_kernel(embT_ref, numT_ref, w1e_ref, w1n_ref, b1_ref, w2_ref, b2_ref,
                w3_ref, b3_ref, w4_ref, b4_ref, out_ref):
    x1 = jnp.dot(w1e_ref[...], embT_ref[...],
                 preferred_element_type=jnp.float32)
    x1 = x1 + jnp.dot(w1n_ref[...], numT_ref[...],
                      preferred_element_type=jnp.float32)
    h1 = jnp.maximum(x1 + b1_ref[...], 0.0)
    h2 = jnp.maximum(
        jnp.dot(w2_ref[...], h1, preferred_element_type=jnp.float32)
        + b2_ref[...], 0.0)
    h3 = jnp.maximum(
        jnp.dot(w3_ref[...], h2, preferred_element_type=jnp.float32)
        + b3_ref[...], 0.0)
    out_ref[...] = (
        jnp.sum(h3 * w4_ref[...], axis=0, keepdims=True) + b4_ref[...])


def _mlp(embT, numT_pad, W1eT, W1nT, b1c, W2T, b2c, W3T, b3c, w4c, b4):
    grid = (B // _BN,)
    full = lambda shape: pl.BlockSpec(shape, lambda i: (0, 0))
    return pl.pallas_call(
        _mlp_kernel,
        grid=grid,
        in_specs=[
            pl.BlockSpec((_FD, _BN), lambda i: (0, i)),
            pl.BlockSpec((16, _BN), lambda i: (0, i)),
            full((512, _FD)),
            full((512, 16)),
            full((512, 1)),
            full((256, 512)),
            full((256, 1)),
            full((128, 256)),
            full((128, 1)),
            full((128, 1)),
            full((1, 1)),
        ],
        out_specs=pl.BlockSpec((1, _BN), lambda i: (0, i)),
        out_shape=jax.ShapeDtypeStruct((1, B), jnp.float32),
        compiler_params=pltpu.CompilerParams(
            dimension_semantics=("arbitrary",),
        ),
    )(embT, numT_pad, W1eT, W1nT, b1c, W2T, b2c, W3T, b3c, w4c, b4)


def kernel(numerical_features, cat_features, tables, W1, b1, W2, b2, W3, b3,
           W4, b4):
    tt = jnp.transpose(tables, (0, 2, 1)).reshape(_FD, V)
    catT = cat_features.astype(jnp.int32).T

    embT = _sc_gather_t(tt, catT)

    numT_pad = jnp.pad(numerical_features.T, ((0, 16 - NUM), (0, 0)))
    W1eT = W1[:_FD].T
    W1nT = jnp.pad(W1[_FD:], ((0, 16 - NUM), (0, 0))).T
    outT = _mlp(embT, numT_pad, W1eT, W1nT,
                b1.reshape(-1, 1), W2.T, b2.reshape(-1, 1),
                W3.T, b3.reshape(-1, 1), W4.reshape(-1, 1),
                b4.reshape(1, 1))
    return outT.reshape(B, 1)

# --- scband reference (transcript-rebuilt; emitter-appended) ---
"""Pipeline reference for scband-synthetic-model-tfde-23502061043760 (READ-ONLY COPY).

The authoritative reference and input builder live on the scoring server;
editing this copy changes nothing except your own understanding.
"""

import jax, jax.numpy as jnp
import numpy as np

B = 4096
F = 26
V = 100000
D = 32
NUM = 13
MLP = [512, 256, 128]


def setup_inputs(seed: int = 0) -> dict:
    key = jax.random.key(seed)
    ks = jax.random.split(key, 16)
    numerical_features = jax.random.normal(ks[0], (B, NUM), dtype=jnp.float32)
    cat_features = jax.random.randint(ks[1], (B, F), 0, V, dtype=jnp.int64)
    tables = jax.random.normal(ks[2], (F, V, D), dtype=jnp.float32) * 0.01
    in_dim = F * D + NUM
    dims = [in_dim] + MLP + [1]
    params = {}
    for i in range(len(dims) - 1):
        fan_in = dims[i]
        params[f"W{i+1}"] = jax.random.normal(ks[3 + i], (dims[i], dims[i + 1]), dtype=jnp.float32) * (1.0 / np.sqrt(fan_in))
        params[f"b{i+1}"] = jnp.zeros((dims[i + 1],), dtype=jnp.float32)
    out = {"numerical_features": numerical_features, "cat_features": cat_features, "tables": tables}
    out.update(params)
    return out


def reference(numerical_features, cat_features, tables, W1, b1, W2, b2, W3, b3, W4, b4):
    # embedding lookup: one-hot lookup per table (combiner is a no-op for nnz=1)
    field_idx = jnp.arange(tables.shape[0])[None, :]  # [1, F]
    emb = tables[field_idx, cat_features]  # gather -> [B, F, D]
    emb = emb.reshape(emb.shape[0], -1)  # concat of per-table outputs -> [B, F*D]
    x = jnp.concatenate([emb, numerical_features], axis=1)
    x = jax.nn.relu(x @ W1 + b1)
    x = jax.nn.relu(x @ W2 + b2)
    x = jax.nn.relu(x @ W3 + b3)
    x = x @ W4 + b4
    return x

if __name__ == "__main__":
    import jax
    _d = setup_inputs()
    print(jax.jit(kernel)(*tuple(_d.values())))

</pallas_src>

<mosaic_0001>
#map = affine_map<(d0, d1) -> (0, 0)>
module attributes {stable_mosaic.version = 14 : i64} {
  func.func @gather_kernel(%arg0: i32, %arg1: i32, %arg2: memref<832x100000xf32, #tpu.memory_space<hbm>>, %arg3: memref<26x4096xi32, #tpu.memory_space<hbm>>, %arg4: memref<832x4096xf32, #tpu.memory_space<hbm>>, %arg5: memref<100000xf32, #tpu.memory_space<vmem>>, %arg6: memref<4096xi32, #tpu.memory_space<vmem>>, %arg7: memref<4096xf32, #tpu.memory_space<vmem>>, %arg8: memref<4096xf32, #tpu.memory_space<vmem>>, %arg9: memref<!tpu.dma_semaphore, #tpu.memory_space<semaphore_mem>>, %arg10: memref<!tpu.dma_semaphore, #tpu.memory_space<semaphore_mem>>, %arg11: memref<!tpu.dma_semaphore, #tpu.memory_space<semaphore_mem>>) attributes {dimension_semantics = [#tpu.dimension_semantics<core_parallel>, #tpu.dimension_semantics<subcore_parallel>], iteration_bounds = array<i64: 2, 16>, scalar_prefetch = 0 : i64, scratch_operands = 7 : i64, tpu.core_type = #tpu.core_type<sc_vector_subcore>, window_params = [{transform_indices = #map}, {transform_indices = #map}, {transform_indices = #map}]} {
    %mul3A = arith.constant 2 : i32
    %mul3A_0 = arith.muli %arg1, %mul3A : i32
    %add3A = arith.addi %mul3A_0, %arg0 : i32
    %mul3A_1 = arith.constant 26 : i32
    %mul3A_2 = arith.muli %add3A, %mul3A_1 : i32
    %jit3A = arith.constant 32 : i32
    %div3A = arith.divsi %mul3A_2, %jit3A : i32
    %sign3A = arith.constant 0 : i32
    %sign3A_3 = arith.cmpi sgt, %mul3A_2, %sign3A : i32
    %sign3A_4 = arith.extui %sign3A_3 : i1 to i32
    %sign3A_5 = arith.constant 0 : i32
    %sign3A_6 = arith.cmpi slt, %mul3A_2, %sign3A_5 : i32
    %sign3A_7 = arith.extui %sign3A_6 : i1 to i32
    %sign3A_8 = arith.subi %sign3A_4, %sign3A_7 : i32
    %sign3A_9 = arith.constant 0 : i32
    %sign3A_10 = arith.cmpi sgt, %jit3A, %sign3A_9 : i32
    %sign3A_11 = arith.extui %sign3A_10 : i1 to i32
    %sign3A_12 = arith.constant 0 : i32
    %sign3A_13 = arith.cmpi slt, %jit3A, %sign3A_12 : i32
    %sign3A_14 = arith.extui %sign3A_13 : i1 to i32
    %sign3A_15 = arith.subi %sign3A_11, %sign3A_14 : i32
    %ne3A = arith.cmpi ne, %sign3A_8, %sign3A_15 : i32
    %rem3A = arith.remsi %mul3A_2, %jit3A : i32
    %ne3A_16 = arith.constant 0 : i32
    %ne3A_17 = arith.cmpi ne, %rem3A, %ne3A_16 : i32
    %and3A = arith.andi %ne3A, %ne3A_17 : i1
    %sub3A = arith.constant 1 : i32
    %sub3A_18 = arith.subi %div3A, %sub3A : i32
    %select_n3A = arith.select %and3A, %sub3A_18, %div3A : i32
    "tpu.region"() ({
      %run_scoped3A = tpu.sem_alloc : memref<!tpu.dma_semaphore, #tpu.memory_space<semaphore_mem>>
      %dma_start3A_2346 = arith.constant 0 : i32
      %dma_start3A_2347 = tpu.memref_slice %arg3[%select_n3A, %dma_start3A_2346] : memref<26x4096xi32, #tpu.memory_space<hbm>> -> memref<1x4096xi32, #tpu.memory_space<hbm>>
      %dma_start3A_2348 = tpu.memref_squeeze %dma_start3A_2347 : memref<1x4096xi32, #tpu.memory_space<hbm>> -> memref<4096xi32, #tpu.memory_space<hbm>>
      %dma_start3A_2349 = arith.constant 0 : i32
      %dma_start3A_2350 = tpu.memref_slice %arg3[%select_n3A, %dma_start3A_2349] : memref<26x4096xi32, #tpu.memory_space<hbm>> -> memref<1x4096xi32, #tpu.memory_space<hbm>>
      %dma_start3A_2351 = tpu.memref_squeeze %dma_start3A_2350 : memref<1x4096xi32, #tpu.memory_space<hbm>> -> memref<4096xi32, #tpu.memory_space<hbm>>
      tpu.enqueue_dma source(%dma_start3A_2351 : memref<4096xi32, #tpu.memory_space<hbm>>) target(%arg6 : memref<4096xi32, #tpu.memory_space<vmem>>) target_semaphore(%run_scoped3A : memref<!tpu.dma_semaphore, #tpu.memory_space<semaphore_mem>>)
      %dma_wait3A_2352 = arith.constant 0 : i32
      %dma_wait3A_2353 = tpu.memref_slice %arg3[%select_n3A, %dma_wait3A_2352] : memref<26x4096xi32, #tpu.memory_space<hbm>> -> memref<1x4096xi32, #tpu.memory_space<hbm>>
      %dma_wait3A_2354 = tpu.memref_squeeze %dma_wait3A_2353 : memref<1x4096xi32, #tpu.memory_space<hbm>> -> memref<4096xi32, #tpu.memory_space<hbm>>
      %dma_wait3A_2355 = arith.constant 0 : i32
      %dma_wait3A_2356 = tpu.memref_slice %arg3[%select_n3A, %dma_wait3A_2355] : memref<26x4096xi32, #tpu.memory_space<hbm>> -> memref<1x4096xi32, #tpu.memory_space<hbm>>
      %dma_wait3A_2357 = tpu.memref_squeeze %dma_wait3A_2356 : memref<1x4096xi32, #tpu.memory_space<hbm>> -> memref<4096xi32, #tpu.memory_space<hbm>>
      tpu.wait_dma2 semaphore(%run_scoped3A : memref<!tpu.dma_semaphore, #tpu.memory_space<semaphore_mem>>) src(%dma_wait3A_2357 : memref<4096xi32, #tpu.memory_space<hbm>>) dst(%arg6 : memref<4096xi32, #tpu.memory_space<vmem>>)
      tpu.yield
    }) : () -> ()
    %dma_start3A = arith.constant 0 : i32
    %dma_start3A_19 = tpu.memref_slice %arg2[%mul3A_2, %dma_start3A] : memref<832x100000xf32, #tpu.memory_space<hbm>> -> memref<1x100000xf32, #tpu.memory_space<hbm>>
    %dma_start3A_20 = tpu.memref_squeeze %dma_start3A_19 : memref<1x100000xf32, #tpu.memory_space<hbm>> -> memref<100000xf32, #tpu.memory_space<hbm>>
    %dma_start3A_21 = arith.constant 0 : i32
    %dma_start3A_22 = tpu.memref_slice %arg2[%mul3A_2, %dma_start3A_21] : memref<832x100000xf32, #tpu.memory_space<hbm>> -> memref<1x100000xf32, #tpu.memory_space<hbm>>
    %dma_start3A_23 = tpu.memref_squeeze %dma_start3A_22 : memref<1x100000xf32, #tpu.memory_space<hbm>> -> memref<100000xf32, #tpu.memory_space<hbm>>
    tpu.enqueue_dma source(%dma_start3A_23 : memref<100000xf32, #tpu.memory_space<hbm>>) target(%arg5 : memref<100000xf32, #tpu.memory_space<vmem>>) target_semaphore(%arg9 : memref<!tpu.dma_semaphore, #tpu.memory_space<semaphore_mem>>)
    %add3A_24 = arith.constant 0 : i32
    %add3A_25 = arith.addi %mul3A_2, %add3A_24 : i32
    %dma_wait3A = arith.constant 0 : i32
    %dma_wait3A_26 = tpu.memref_slice %arg2[%mul3A_2, %dma_wait3A] : memref<832x100000xf32, #tpu.memory_space<hbm>> -> memref<1x100000xf32, #tpu.memory_space<hbm>>
    %dma_wait3A_27 = tpu.memref_squeeze %dma_wait3A_26 : memref<1x100000xf32, #tpu.memory_space<hbm>> -> memref<100000xf32, #tpu.memory_space<hbm>>
    %dma_wait3A_28 = arith.constant 0 : i32
    %dma_wait3A_29 = tpu.memref_slice %arg2[%mul3A_2, %dma_wait3A_28] : memref<832x100000xf32, #tpu.memory_space<hbm>> -> memref<1x100000xf32, #tpu.memory_space<hbm>>
    %dma_wait3A_30 = tpu.memref_squeeze %dma_wait3A_29 : memref<1x100000xf32, #tpu.memory_space<hbm>> -> memref<100000xf32, #tpu.memory_space<hbm>>
    tpu.wait_dma2 semaphore(%arg9 : memref<!tpu.dma_semaphore, #tpu.memory_space<semaphore_mem>>) src(%dma_wait3A_30 : memref<100000xf32, #tpu.memory_space<hbm>>) dst(%arg5 : memref<100000xf32, #tpu.memory_space<vmem>>)
    %scan3A = arith.constant 0 : i32
    %scan3A_31 = arith.constant 0 : i32
    %scan3A_32 = arith.constant 256 : i32
    %scan3A_33 = arith.addi %scan3A_31, %scan3A_32 : i32
    %scan3A_34 = arith.constant 1 : i32
    scf.for %scan3A_2346 = %scan3A_31 to %scan3A_33 step %scan3A_34  : i32 {
      %mul3A_2347 = arith.constant 16 : i32
      %mul3A_2348 = arith.muli %scan3A_2346, %mul3A_2347 : i32
      %multiple_of3A = tpu.assume_multiple %mul3A_2348, 16 : i32
      %get3A = arith.index_cast %multiple_of3A : i32 to index
      %get3A_2349 = tpu.vector_load %arg6[%get3A] {strides = array<i32>} : memref<4096xi32, #tpu.memory_space<vmem>>, vector<16xi32>,
      %gather3A = tpu.vector_load_idx %arg5[%get3A_2349] : memref<100000xf32, #tpu.memory_space<vmem>>[vector<16xi32>], vector<16xf32>,
      %swap3A = arith.index_cast %multiple_of3A : i32 to index
      %swap3A_2350 = tpu.vector_load %arg7[%swap3A] {strides = array<i32>} : memref<4096xf32, #tpu.memory_space<vmem>>, vector<16xf32>,
      tpu.vector_store %arg7[%swap3A], %gather3A {strides = array<i32>} : memref<4096xf32, #tpu.memory_space<vmem>>, vector<16xf32>,
    }
    %scan3A_35 = arith.constant 256 : i32
    %add3A_36 = arith.constant 1 : i32
    %add3A_37 = arith.addi %add3A_25, %add3A_36 : i32
    %dma_start3A_38 = arith.constant 0 : i32
    %dma_start3A_39 = tpu.memref_slice %arg2[%add3A_37, %dma_start3A_38] : memref<832x100000xf32, #tpu.memory_space<hbm>> -> memref<1x100000xf32, #tpu.memory_space<hbm>>
    %dma_start3A_40 = tpu.memref_squeeze %dma_start3A_39 : memref<1x100000xf32, #tpu.memory_space<hbm>> -> memref<100000xf32, #tpu.memory_space<hbm>>
    %dma_start3A_41 = arith.constant 0 : i32
    %dma_start3A_42 = tpu.memref_slice %arg2[%add3A_37, %dma_start3A_41] : memref<832x100000xf32, #tpu.memory_space<hbm>> -> memref<1x100000xf32, #tpu.memory_space<hbm>>
    %dma_start3A_43 = tpu.memref_squeeze %dma_start3A_42 : memref<1x100000xf32, #tpu.memory_space<hbm>> -> memref<100000xf32, #tpu.memory_space<hbm>>
    tpu.enqueue_dma source(%dma_start3A_43 : memref<100000xf32, #tpu.memory_space<hbm>>) target(%arg5 : memref<100000xf32, #tpu.memory_space<vmem>>) target_semaphore(%arg9 : memref<!tpu.dma_semaphore, #tpu.memory_space<semaphore_mem>>)
    %dma_start3A_44 = arith.constant 0 : i32
    %dma_start3A_45 = tpu.memref_slice %arg4[%add3A_25, %dma_start3A_44] : memref<832x4096xf32, #tpu.memory_space<hbm>> -> memref<1x4096xf32, #tpu.memory_space<hbm>>
    %dma_start3A_46 = tpu.memref_squeeze %dma_start3A_45 : memref<1x4096xf32, #tpu.memory_space<hbm>> -> memref<4096xf32, #tpu.memory_space<hbm>>
    %dma_start3A_47 = arith.constant 0 : i32
    %dma_start3A_48 = tpu.memref_slice %arg4[%add3A_25, %dma_start3A_47] : memref<832x4096xf32, #tpu.memory_space<hbm>> -> memref<1x4096xf32, #tpu.memory_space<hbm>>
    %dma_start3A_49 = tpu.memref_squeeze %dma_start3A_48 : memref<1x4096xf32, #tpu.memory_space<hbm>> -> memref<4096xf32, #tpu.memory_space<hbm>>
    tpu.enqueue_dma source(%arg7 : memref<4096xf32, #tpu.memory_space<vmem>>) target(%dma_start3A_49 : memref<4096xf32, #tpu.memory_space<hbm>>) target_semaphore(%arg10 : memref<!tpu.dma_semaphore, #tpu.memory_space<semaphore_mem>>)
    %add3A_50 = arith.constant 1 : i32
    %add3A_51 = arith.addi %mul3A_2, %add3A_50 : i32
    %add3A_52 = arith.constant 1 : i32
    %add3A_53 = arith.addi %mul3A_2, %add3A_52 : i32
    %jit3A_54 = arith.constant 32 : i32
    %div3A_55 = arith.divsi %add3A_53, %jit3A_54 : i32
    %sign3A_56 = arith.constant 0 : i32
    %sign3A_57 = arith.cmpi sgt, %add3A_53, %sign3A_56 : i32
    %sign3A_58 = arith.extui %sign3A_57 : i1 to i32
    %sign3A_59 = arith.constant 0 : i32
    %sign3A_60 = arith.cmpi slt, %add3A_53, %sign3A_59 : i32
    %sign3A_61 = arith.extui %sign3A_60 : i1 to i32
    %sign3A_62 = arith.subi %sign3A_58, %sign3A_61 : i32
    %sign3A_63 = arith.constant 0 : i32
    %sign3A_64 = arith.cmpi sgt, %jit3A_54, %sign3A_63 : i32
    %sign3A_65 = arith.extui %sign3A_64 : i1 to i32
    %sign3A_66 = arith.constant 0 : i32
    %sign3A_67 = arith.cmpi slt, %jit3A_54, %sign3A_66 : i32
    %sign3A_68 = arith.extui %sign3A_67 : i1 to i32
    %sign3A_69 = arith.subi %sign3A_65, %sign3A_68 : i32
    %ne3A_70 = arith.cmpi ne, %sign3A_62, %sign3A_69 : i32
    %rem3A_71 = arith.remsi %add3A_53, %jit3A_54 : i32
    %ne3A_72 = arith.constant 0 : i32
    %ne3A_73 = arith.cmpi ne, %rem3A_71, %ne3A_72 : i32
    %and3A_74 = arith.andi %ne3A_70, %ne3A_73 : i1
    %sub3A_75 = arith.constant 1 : i32
    %sub3A_76 = arith.subi %div3A_55, %sub3A_75 : i32
    %select_n3A_77 = arith.select %and3A_74, %sub3A_76, %div3A_55 : i32
    %add3A_78 = arith.constant 1 : i32
    %add3A_79 = arith.addi %mul3A_2, %add3A_78 : i32
    %sub3A_80 = arith.constant 1 : i32
    %sub3A_81 = arith.subi %add3A_79, %sub3A_80 : i32
    %jit3A_82 = arith.constant 32 : i32
    %div3A_83 = arith.divsi %sub3A_81, %jit3A_82 : i32
    %sign3A_84 = arith.constant 0 : i32
    %sign3A_85 = arith.cmpi sgt, %sub3A_81, %sign3A_84 : i32
    %sign3A_86 = arith.extui %sign3A_85 : i1 to i32
    %sign3A_87 = arith.constant 0 : i32
    %sign3A_88 = arith.cmpi slt, %sub3A_81, %sign3A_87 : i32
    %sign3A_89 = arith.extui %sign3A_88 : i1 to i32
    %sign3A_90 = arith.subi %sign3A_86, %sign3A_89 : i32
    %sign3A_91 = arith.constant 0 : i32
    %sign3A_92 = arith.cmpi sgt, %jit3A_82, %sign3A_91 : i32
    %sign3A_93 = arith.extui %sign3A_92 : i1 to i32
    %sign3A_94 = arith.constant 0 : i32
    %sign3A_95 = arith.cmpi slt, %jit3A_82, %sign3A_94 : i32
    %sign3A_96 = arith.extui %sign3A_95 : i1 to i32
    %sign3A_97 = arith.subi %sign3A_93, %sign3A_96 : i32
    %ne3A_98 = arith.cmpi ne, %sign3A_90, %sign3A_97 : i32
    %rem3A_99 = arith.remsi %sub3A_81, %jit3A_82 : i32
    %ne3A_100 = arith.constant 0 : i32
    %ne3A_101 = arith.cmpi ne, %rem3A_99, %ne3A_100 : i32
    %and3A_102 = arith.andi %ne3A_98, %ne3A_101 : i1
    %sub3A_103 = arith.constant 1 : i32
    %sub3A_104 = arith.subi %div3A_83, %sub3A_103 : i32
    %select_n3A_105 = arith.select %and3A_102, %sub3A_104, %div3A_83 : i32
    %ne3A_106 = arith.cmpi ne, %select_n3A_77, %select_n3A_105 : i32
    %convert_element_type3A = arith.extui %ne3A_106 : i1 to i32
    %cond3A = arith.constant 0 : i32
    %cond3A_107 = arith.cmpi ne, %convert_element_type3A, %cond3A : i32
    scf.if %cond3A_107 {
      %jit3A_2346 = arith.constant 32 : i32
      %div3A_2347 = arith.divsi %add3A_51, %jit3A_2346 : i32
      %sign3A_2348 = arith.constant 0 : i32
      %sign3A_2349 = arith.cmpi sgt, %add3A_51, %sign3A_2348 : i32
      %sign3A_2350 = arith.extui %sign3A_2349 : i1 to i32
      %sign3A_2351 = arith.constant 0 : i32
      %sign3A_2352 = arith.cmpi slt, %add3A_51, %sign3A_2351 : i32
      %sign3A_2353 = arith.extui %sign3A_2352 : i1 to i32
      %sign3A_2354 = arith.subi %sign3A_2350, %sign3A_2353 : i32
      %sign3A_2355 = arith.constant 0 : i32
      %sign3A_2356 = arith.cmpi sgt, %jit3A_2346, %sign3A_2355 : i32
      %sign3A_2357 = arith.extui %sign3A_2356 : i1 to i32
      %sign3A_2358 = arith.constant 0 : i32
      %sign3A_2359 = arith.cmpi slt, %jit3A_2346, %sign3A_2358 : i32
      %sign3A_2360 = arith.extui %sign3A_2359 : i1 to i32
      %sign3A_2361 = arith.subi %sign3A_2357, %sign3A_2360 : i32
      %ne3A_2362 = arith.cmpi ne, %sign3A_2354, %sign3A_2361 : i32
      %rem3A_2363 = arith.remsi %add3A_51, %jit3A_2346 : i32
      %ne3A_2364 = arith.constant 0 : i32
      %ne3A_2365 = arith.cmpi ne, %rem3A_2363, %ne3A_2364 : i32
      %and3A_2366 = arith.andi %ne3A_2362, %ne3A_2365 : i1
      %sub3A_2367 = arith.constant 1 : i32
      %sub3A_2368 = arith.subi %div3A_2347, %sub3A_2367 : i32
      %select_n3A_2369 = arith.select %and3A_2366, %sub3A_2368, %div3A_2347 : i32
      "tpu.region"() ({
        %run_scoped3A = tpu.sem_alloc : memref<!tpu.dma_semaphore, #tpu.memory_space<semaphore_mem>>
        %dma_start3A_2370 = arith.constant 0 : i32
        %dma_start3A_2371 = tpu.memref_slice %arg3[%select_n3A_2369, %dma_start3A_2370] : memref<26x4096xi32, #tpu.memory_space<hbm>> -> memref<1x4096xi32, #tpu.memory_space<hbm>>
        %dma_start3A_2372 = tpu.memref_squeeze %dma_start3A_2371 : memref<1x4096xi32, #tpu.memory_space<hbm>> -> memref<4096xi32, #tpu.memory_space<hbm>>
        %dma_start3A_2373 = arith.constant 0 : i32
        %dma_start3A_2374 = tpu.memref_slice %arg3[%select_n3A_2369, %dma_start3A_2373] : memref<26x4096xi32, #tpu.memory_space<hbm>> -> memref<1x4096xi32, #tpu.memory_space<hbm>>
        %dma_start3A_2375 = tpu.memref_squeeze %dma_start3A_2374 : memref<1x4096xi32, #tpu.memory_space<hbm>> -> memref<4096xi32, #tpu.memory_space<hbm>>
        tpu.enqueue_dma source(%dma_start3A_2375 : memref<4096xi32, #tpu.memory_space<hbm>>) target(%arg6 : memref<4096xi32, #tpu.memory_space<vmem>>) target_semaphore(%run_scoped3A : memref<!tpu.dma_semaphore, #tpu.memory_space<semaphore_mem>>)
        %dma_wait3A_2376 = arith.constant 0 : i32
        %dma_wait3A_2377 = tpu.memref_slice %arg3[%select_n3A_2369, %dma_wait3A_2376] : memref<26x4096xi32, #tpu.memory_space<hbm>> -> memref<1x4096xi32, #tpu.memory_space<hbm>>
        %dma_wait3A_2378 = tpu.memref_squeeze %dma_wait3A_2377 : memref<1x4096xi32, #tpu.memory_space<hbm>> -> memref<4096xi32, #tpu.memory_space<hbm>>
        %dma_wait3A_2379 = arith.constant 0 : i32
        %dma_wait3A_2380 = tpu.memref_slice %arg3[%select_n3A_2369, %dma_wait3A_2379] : memref<26x4096xi32, #tpu.memory_space<hbm>> -> memref<1x4096xi32, #tpu.memory_space<hbm>>
        %dma_wait3A_2381 = tpu.memref_squeeze %dma_wait3A_2380 : memref<1x4096xi32, #tpu.memory_space<hbm>> -> memref<4096xi32, #tpu.memory_space<hbm>>
        tpu.wait_dma2 semaphore(%run_scoped3A : memref<!tpu.dma_semaphore, #tpu.memory_space<semaphore_mem>>) src(%dma_wait3A_2381 : memref<4096xi32, #tpu.memory_space<hbm>>) dst(%arg6 : memref<4096xi32, #tpu.memory_space<vmem>>)
        tpu.yield
      }) : () -> ()
    } else {
    }
    %dma_wait3A_108 = arith.constant 0 : i32
    %dma_wait3A_109 = tpu.memref_slice %arg2[%add3A_37, %dma_wait3A_108] : memref<832x100000xf32, #tpu.memory_space<hbm>> -> memref<1x100000xf32, #tpu.memory_space<hbm>>
    %dma_wait3A_110 = tpu.memref_squeeze %dma_wait3A_109 : memref<1x100000xf32, #tpu.memory_space<hbm>> -> memref<100000xf32, #tpu.memory_space<hbm>>
    %dma_wait3A_111 = arith.constant 0 : i32
    %dma_wait3A_112 = tpu.memref_slice %arg2[%add3A_37, %dma_wait3A_111] : memref<832x100000xf32, #tpu.memory_space<hbm>> -> memref<1x100000xf32, #tpu.memory_space<hbm>>
    %dma_wait3A_113 = tpu.memref_squeeze %dma_wait3A_112 : memref<1x100000xf32, #tpu.memory_space<hbm>> -> memref<100000xf32, #tpu.memory_space<hbm>>
    tpu.wait_dma2 semaphore(%arg9 : memref<!tpu.dma_semaphore, #tpu.memory_space<semaphore_mem>>) src(%dma_wait3A_113 : memref<100000xf32, #tpu.memory_space<hbm>>) dst(%arg5 : memref<100000xf32, #tpu.memory_space<vmem>>)
    %scan3A_114 = arith.constant 0 : i32
    %scan3A_115 = arith.constant 0 : i32
    %scan3A_116 = arith.constant 256 : i32
    %scan3A_117 = arith.addi %scan3A_115, %scan3A_116 : i32
    %scan3A_118 = arith.constant 1 : i32
    scf.for %scan3A_2346 = %scan3A_115 to %scan3A_117 step %scan3A_118  : i32 {
      %mul3A_2347 = arith.constant 16 : i32
      %mul3A_2348 = arith.muli %scan3A_2346, %mul3A_2347 : i32
      %multiple_of3A = tpu.assume_multiple %mul3A_2348, 16 : i32
      %get3A = arith.index_cast %multiple_of3A : i32 to index
      %get3A_2349 = tpu.vector_load %arg6[%get3A] {strides = array<i32>} : memref<4096xi32, #tpu.memory_space<vmem>>, vector<16xi32>,
      %gather3A = tpu.vector_load_idx %arg5[%get3A_2349] : memref<100000xf32, #tpu.memory_space<vmem>>[vector<16xi32>], vector<16xf32>,
      %swap3A = arith.index_cast %multiple_of3A : i32 to index
      %swap3A_2350 = tpu.vector_load %arg8[%swap3A] {strides = array<i32>} : memref<4096xf32, #tpu.memory_space<vmem>>, vector<16xf32>,
      tpu.vector_store %arg8[%swap3A], %gather3A {strides = array<i32>} : memref<4096xf32, #tpu.memory_space<vmem>>, vector<16xf32>,
    }
    %scan3A_119 = arith.constant 256 : i32
    %add3A_120 = arith.constant 1 : i32
    %add3A_121 = arith.addi %add3A_51, %add3A_120 : i32
    %dma_start3A_122 = arith.constant 0 : i32
    %dma_start3A_123 = tpu.memref_slice %arg2[%add3A_121, %dma_start3A_122] : memref<832x100000xf32, #tpu.memory_space<hbm>> -> memref<1x100000xf32, #tpu.memory_space<hbm>>
    %dma_start3A_124 = tpu.memref_squeeze %dma_start3A_123 : memref<1x100000xf32, #tpu.memory_space<hbm>> -> memref<100000xf32, #tpu.memory_space<hbm>>
    %dma_start3A_125 = arith.constant 0 : i32
    %dma_start3A_126 = tpu.memref_slice %arg2[%add3A_121, %dma_start3A_125] : memref<832x100000xf32, #tpu.memory_space<hbm>> -> memref<1x100000xf32, #tpu.memory_space<hbm>>
    %dma_start3A_127 = tpu.memref_squeeze %dma_start3A_126 : memref<1x100000xf32, #tpu.memory_space<hbm>> -> memref<100000xf32, #tpu.memory_space<hbm>>
    tpu.enqueue_dma source(%dma_start3A_127 : memref<100000xf32, #tpu.memory_space<hbm>>) target(%arg5 : memref<100000xf32, #tpu.memory_space<vmem>>) target_semaphore(%arg9 : memref<!tpu.dma_semaphore, #tpu.memory_space<semaphore_mem>>)
    %dma_start3A_128 = arith.constant 0 : i32
    %dma_start3A_129 = tpu.memref_slice %arg4[%add3A_51, %dma_start3A_128] : memref<832x4096xf32, #tpu.memory_space<hbm>> -> memref<1x4096xf32, #tpu.memory_space<hbm>>
    %dma_start3A_130 = tpu.memref_squeeze %dma_start3A_129 : memref<1x4096xf32, #tpu.memory_space<hbm>> -> memref<4096xf32, #tpu.memory_space<hbm>>
    %dma_start3A_131 = arith.constant 0 : i32
    %dma_start3A_132 = tpu.memref_slice %arg4[%add3A_51, %dma_start3A_131] : memref<832x4096xf32, #tpu.memory_space<hbm>> -> memref<1x4096xf32, #tpu.memory_space<hbm>>
    %dma_start3A_133 = tpu.memref_squeeze %dma_start3A_132 : memref<1x4096xf32, #tpu.memory_space<hbm>> -> memref<4096xf32, #tpu.memory_space<hbm>>
    tpu.enqueue_dma source(%arg8 : memref<4096xf32, #tpu.memory_space<vmem>>) target(%dma_start3A_133 : memref<4096xf32, #tpu.memory_space<hbm>>) target_semaphore(%arg11 : memref<!tpu.dma_semaphore, #tpu.memory_space<semaphore_mem>>)
    %add3A_134 = arith.constant 2 : i32
    %add3A_135 = arith.addi %mul3A_2, %add3A_134 : i32
    %add3A_136 = arith.constant 2 : i32
    %add3A_137 = arith.addi %mul3A_2, %add3A_136 : i32
    %jit3A_138 = arith.constant 32 : i32
    %div3A_139 = arith.divsi %add3A_137, %jit3A_138 : i32
    %sign3A_140 = arith.constant 0 : i32
    %sign3A_141 = arith.cmpi sgt, %add3A_137, %sign3A_140 : i32
    %sign3A_142 = arith.extui %sign3A_141 : i1 to i32
    %sign3A_143 = arith.constant 0 : i32
    %sign3A_144 = arith.cmpi slt, %add3A_137, %sign3A_143 : i32
    %sign3A_145 = arith.extui %sign3A_144 : i1 to i32
    %sign3A_146 = arith.subi %sign3A_142, %sign3A_145 : i32
    %sign3A_147 = arith.constant 0 : i32
    %sign3A_148 = arith.cmpi sgt, %jit3A_138, %sign3A_147 : i32
    %sign3A_149 = arith.extui %sign3A_148 : i1 to i32
    %sign3A_150 = arith.constant 0 : i32
    %sign3A_151 = arith.cmpi slt, %jit3A_138, %sign3A_150 : i32
    %sign3A_152 = arith.extui %sign3A_151 : i1 to i32
    %sign3A_153 = arith.subi %sign3A_149, %sign3A_152 : i32
    %ne3A_154 = arith.cmpi ne, %sign3A_146, %sign3A_153 : i32
    %rem3A_155 = arith.remsi %add3A_137, %jit3A_138 : i32
    %ne3A_156 = arith.constant 0 : i32
    %ne3A_157 = arith.cmpi ne, %rem3A_155, %ne3A_156 : i32
    %and3A_158 = arith.andi %ne3A_154, %ne3A_157 : i1
    %sub3A_159 = arith.constant 1 : i32
    %sub3A_160 = arith.subi %div3A_139, %sub3A_159 : i32
    %select_n3A_161 = arith.select %and3A_158, %sub3A_160, %div3A_139 : i32
    %add3A_162 = arith.constant 2 : i32
    %add3A_163 = arith.addi %mul3A_2, %add3A_162 : i32
    %sub3A_164 = arith.constant 1 : i32
    %sub3A_165 = arith.subi %add3A_163, %sub3A_164 : i32
    %jit3A_166 = arith.constant 32 : i32
    %div3A_167 = arith.divsi %sub3A_165, %jit3A_166 : i32
    %sign3A_168 = arith.constant 0 : i32
    %sign3A_169 = arith.cmpi sgt, %sub3A_165, %sign3A_168 : i32
    %sign3A_170 = arith.extui %sign3A_169 : i1 to i32
    %sign3A_171 = arith.constant 0 : i32
    %sign3A_172 = arith.cmpi slt, %sub3A_165, %sign3A_171 : i32
    %sign3A_173 = arith.extui %sign3A_172 : i1 to i32
    %sign3A_174 = arith.subi %sign3A_170, %sign3A_173 : i32
    %sign3A_175 = arith.constant 0 : i32
    %sign3A_176 = arith.cmpi sgt, %jit3A_166, %sign3A_175 : i32
    %sign3A_177 = arith.extui %sign3A_176 : i1 to i32
    %sign3A_178 = arith.constant 0 : i32
    %sign3A_179 = arith.cmpi slt, %jit3A_166, %sign3A_178 : i32
    %sign3A_180 = arith.extui %sign3A_179 : i1 to i32
    %sign3A_181 = arith.subi %sign3A_177, %sign3A_180 : i32
    %ne3A_182 = arith.cmpi ne, %sign3A_174, %sign3A_181 : i32
    %rem3A_183 = arith.remsi %sub3A_165, %jit3A_166 : i32
    %ne3A_184 = arith.constant 0 : i32
    %ne3A_185 = arith.cmpi ne, %rem3A_183, %ne3A_184 : i32
    %and3A_186 = arith.andi %ne3A_182, %ne3A_185 : i1
    %sub3A_187 = arith.constant 1 : i32
    %sub3A_188 = arith.subi %div3A_167, %sub3A_187 : i32
    %select_n3A_189 = arith.select %and3A_186, %sub3A_188, %div3A_167 : i32
    %ne3A_190 = arith.cmpi ne, %select_n3A_161, %select_n3A_189 : i32
    %convert_element_type3A_191 = arith.extui %ne3A_190 : i1 to i32
    %cond3A_192 = arith.constant 0 : i32
    %cond3A_193 = arith.cmpi ne, %convert_element_type3A_191, %cond3A_192 : i32
    scf.if %cond3A_193 {
      %jit3A_2346 = arith.constant 32 : i32
      %div3A_2347 = arith.divsi %add3A_135, %jit3A_2346 : i32
      %sign3A_2348 = arith.constant 0 : i32
      %sign3A_2349 = arith.cmpi sgt, %add3A_135, %sign3A_2348 : i32
      %sign3A_2350 = arith.extui %sign3A_2349 : i1 to i32
      %sign3A_2351 = arith.constant 0 : i32
      %sign3A_2352 = arith.cmpi slt, %add3A_135, %sign3A_2351 : i32
      %sign3A_2353 = arith.extui %sign3A_2352 : i1 to i32
      %sign3A_2354 = arith.subi %sign3A_2350, %sign3A_2353 : i32
      %sign3A_2355 = arith.constant 0 : i32
      %sign3A_2356 = arith.cmpi sgt, %jit3A_2346, %sign3A_2355 : i32
      %sign3A_2357 = arith.extui %sign3A_2356 : i1 to i32
      %sign3A_2358 = arith.constant 0 : i32
      %sign3A_2359 = arith.cmpi slt, %jit3A_2346, %sign3A_2358 : i32
      %sign3A_2360 = arith.extui %sign3A_2359 : i1 to i32
      %sign3A_2361 = arith.subi %sign3A_2357, %sign3A_2360 : i32
      %ne3A_2362 = arith.cmpi ne, %sign3A_2354, %sign3A_2361 : i32
      %rem3A_2363 = arith.remsi %add3A_135, %jit3A_2346 : i32
      %ne3A_2364 = arith.constant 0 : i32
      %ne3A_2365 = arith.cmpi ne, %rem3A_2363, %ne3A_2364 : i32
      %and3A_2366 = arith.andi %ne3A_2362, %ne3A_2365 : i1
      %sub3A_2367 = arith.constant 1 : i32
      %sub3A_2368 = arith.subi %div3A_2347, %sub3A_2367 : i32
      %select_n3A_2369 = arith.select %and3A_2366, %sub3A_2368, %div3A_2347 : i32
      "tpu.region"() ({
        %run_scoped3A = tpu.sem_alloc : memref<!tpu.dma_semaphore, #tpu.memory_space<semaphore_mem>>
        %dma_start3A_2370 = arith.constant 0 : i32
        %dma_start3A_2371 = tpu.memref_slice %arg3[%select_n3A_2369, %dma_start3A_2370] : memref<26x4096xi32, #tpu.memory_space<hbm>> -> memref<1x4096xi32, #tpu.memory_space<hbm>>
        %dma_start3A_2372 = tpu.memref_squeeze %dma_start3A_2371 : memref<1x4096xi32, #tpu.memory_space<hbm>> -> memref<4096xi32, #tpu.memory_space<hbm>>
        %dma_start3A_2373 = arith.constant 0 : i32
        %dma_start3A_2374 = tpu.memref_slice %arg3[%select_n3A_2369, %dma_start3A_2373] : memref<26x4096xi32, #tpu.memory_space<hbm>> -> memref<1x4096xi32, #tpu.memory_space<hbm>>
        %dma_start3A_2375 = tpu.memref_squeeze %dma_start3A_2374 : memref<1x4096xi32, #tpu.memory_space<hbm>> -> memref<4096xi32, #tpu.memory_space<hbm>>
        tpu.enqueue_dma source(%dma_start3A_2375 : memref<4096xi32, #tpu.memory_space<hbm>>) target(%arg6 : memref<4096xi32, #tpu.memory_space<vmem>>) target_semaphore(%run_scoped3A : memref<!tpu.dma_semaphore, #tpu.memory_space<semaphore_mem>>)
        %dma_wait3A_2376 = arith.constant 0 : i32
        %dma_wait3A_2377 = tpu.memref_slice %arg3[%select_n3A_2369, %dma_wait3A_2376] : memref<26x4096xi32, #tpu.memory_space<hbm>> -> memref<1x4096xi32, #tpu.memory_space<hbm>>
        %dma_wait3A_2378 = tpu.memref_squeeze %dma_wait3A_2377 : memref<1x4096xi32, #tpu.memory_space<hbm>> -> memref<4096xi32, #tpu.memory_space<hbm>>
        %dma_wait3A_2379 = arith.constant 0 : i32
        %dma_wait3A_2380 = tpu.memref_slice %arg3[%select_n3A_2369, %dma_wait3A_2379] : memref<26x4096xi32, #tpu.memory_space<hbm>> -> memref<1x4096xi32, #tpu.memory_space<hbm>>
        %dma_wait3A_2381 = tpu.memref_squeeze %dma_wait3A_2380 : memref<1x4096xi32, #tpu.memory_space<hbm>> -> memref<4096xi32, #tpu.memory_space<hbm>>
        tpu.wait_dma2 semaphore(%run_scoped3A : memref<!tpu.dma_semaphore, #tpu.memory_space<semaphore_mem>>) src(%dma_wait3A_2381 : memref<4096xi32, #tpu.memory_space<hbm>>) dst(%arg6 : memref<4096xi32, #tpu.memory_space<vmem>>)
        tpu.yield
      }) : () -> ()
    } else {
    }
    %dma_wait3A_194 = arith.constant 0 : i32
    %dma_wait3A_195 = tpu.memref_slice %arg2[%add3A_121, %dma_wait3A_194] : memref<832x100000xf32, #tpu.memory_space<hbm>> -> memref<1x100000xf32, #tpu.memory_space<hbm>>
    %dma_wait3A_196 = tpu.memref_squeeze %dma_wait3A_195 : memref<1x100000xf32, #tpu.memory_space<hbm>> -> memref<100000xf32, #tpu.memory_space<hbm>>
    %dma_wait3A_197 = arith.constant 0 : i32
    %dma_wait3A_198 = tpu.memref_slice %arg2[%add3A_121, %dma_wait3A_197] : memref<832x100000xf32, #tpu.memory_space<hbm>> -> memref<1x100000xf32, #tpu.memory_space<hbm>>
    %dma_wait3A_199 = tpu.memref_squeeze %dma_wait3A_198 : memref<1x100000xf32, #tpu.memory_space<hbm>> -> memref<100000xf32, #tpu.memory_space<hbm>>
    tpu.wait_dma2 semaphore(%arg9 : memref<!tpu.dma_semaphore, #tpu.memory_space<semaphore_mem>>) src(%dma_wait3A_199 : memref<100000xf32, #tpu.memory_space<hbm>>) dst(%arg5 : memref<100000xf32, #tpu.memory_space<vmem>>)
    %dma_wait3A_200 = arith.constant 0 : i32
    %dma_wait3A_201 = tpu.memref_slice %arg4[%add3A_25, %dma_wait3A_200] : memref<832x4096xf32, #tpu.memory_space<hbm>> -> memref<1x4096xf32, #tpu.memory_space<hbm>>
    %dma_wait3A_202 = tpu.memref_squeeze %dma_wait3A_201 : memref<1x4096xf32, #tpu.memory_space<hbm>> -> memref<4096xf32, #tpu.memory_space<hbm>>
    %dma_wait3A_203 = arith.constant 0 : i32
    %dma_wait3A_204 = tpu.memref_slice %arg4[%add3A_25, %dma_wait3A_203] : memref<832x4096xf32, #tpu.memory_space<hbm>> -> memref<1x4096xf32, #tpu.memory_space<hbm>>
    %dma_wait3A_205 = tpu.memref_squeeze %dma_wait3A_204 : memref<1x4096xf32, #tpu.memory_space<hbm>> -> memref<4096xf32, #tpu.memory_space<hbm>>
    tpu.wait_dma2 semaphore(%arg10 : memref<!tpu.dma_semaphore, #tpu.memory_space<semaphore_mem>>) src(%arg7 : memref<4096xf32, #tpu.memory_space<vmem>>) dst(%dma_wait3A_205 : memref<4096xf32, #tpu.memory_space<hbm>>)
    %scan3A_206 = arith.constant 0 : i32
    %scan3A_207 = arith.constant 0 : i32
    %scan3A_208 = arith.constant 256 : i32
    %scan3A_209 = arith.addi %scan3A_207, %scan3A_208 : i32
    %scan3A_210 = arith.constant 1 : i32
    scf.for %scan3A_2346 = %scan3A_207 to %scan3A_209 step %scan3A_210  : i32 {
      %mul3A_2347 = arith.constant 16 : i32
      %mul3A_2348 = arith.muli %scan3A_2346, %mul3A_2347 : i32
      %multiple_of3A = tpu.assume_multiple %mul3A_2348, 16 : i32
      %get3A = arith.index_cast %multiple_of3A : i32 to index
      %get3A_2349 = tpu.vector_load %arg6[%get3A] {strides = array<i32>} : memref<4096xi32, #tpu.memory_space<vmem>>, vector<16xi32>,
      %gather3A = tpu.vector_load_idx %arg5[%get3A_2349] : memref<100000xf32, #tpu.memory_space<vmem>>[vector<16xi32>], vector<16xf32>,
      %swap3A = arith.index_cast %multiple_of3A : i32 to index
      %swap3A_2350 = tpu.vector_load %arg7[%swap3A] {strides = array<i32>} : memref<4096xf32, #tpu.memory_space<vmem>>, vector<16xf32>,
      tpu.vector_store %arg7[%swap3A], %gather3A {strides = array<i32>} : memref<4096xf32, #tpu.memory_space<vmem>>, vector<16xf32>,
    }
    %scan3A_211 = arith.constant 256 : i32
    %add3A_212 = arith.constant 1 : i32
    %add3A_213 = arith.addi %add3A_135, %add3A_212 : i32
    %dma_start3A_214 = arith.constant 0 : i32
    %dma_start3A_215 = tpu.memref_slice %arg2[%add3A_213, %dma_start3A_214] : memref<832x100000xf32, #tpu.memory_space<hbm>> -> memref<1x100000xf32, #tpu.memory_space<hbm>>
    %dma_start3A_216 = tpu.memref_squeeze %dma_start3A_215 : memref<1x100000xf32, #tpu.memory_space<hbm>> -> memref<100000xf32, #tpu.memory_space<hbm>>
    %dma_start3A_217 = arith.constant 0 : i32
    %dma_start3A_218 = tpu.memref_slice %arg2[%add3A_213, %dma_start3A_217] : memref<832x100000xf32, #tpu.memory_space<hbm>> -> memref<1x100000xf32, #tpu.memory_space<hbm>>
    %dma_start3A_219 = tpu.memref_squeeze %dma_start3A_218 : memref<1x100000xf32, #tpu.memory_space<hbm>> -> memref<100000xf32, #tpu.memory_space<hbm>>
    tpu.enqueue_dma source(%dma_start3A_219 : memref<100000xf32, #tpu.memory_space<hbm>>) target(%arg5 : memref<100000xf32, #tpu.memory_space<vmem>>) target_semaphore(%arg9 : memref<!tpu.dma_semaphore, #tpu.memory_space<semaphore_mem>>)
    %dma_start3A_220 = arith.constant 0 : i32
    %dma_start3A_221 = tpu.memref_slice %arg4[%add3A_135, %dma_start3A_220] : memref<832x4096xf32, #tpu.memory_space<hbm>> -> memref<1x4096xf32, #tpu.memory_space<hbm>>
    %dma_start3A_222 = tpu.memref_squeeze %dma_start3A_221 : memref<1x4096xf32, #tpu.memory_space<hbm>> -> memref<4096xf32, #tpu.memory_space<hbm>>
    %dma_start3A_223 = arith.constant 0 : i32
    %dma_start3A_224 = tpu.memref_slice %arg4[%add3A_135, %dma_start3A_223] : memref<832x4096xf32, #tpu.memory_space<hbm>> -> memref<1x4096xf32, #tpu.memory_space<hbm>>
    %dma_start3A_225 = tpu.memref_squeeze %dma_start3A_224 : memref<1x4096xf32, #tpu.memory_space<hbm>> -> memref<4096xf32, #tpu.memory_space<hbm>>
    tpu.enqueue_dma source(%arg7 : memref<4096xf32, #tpu.memory_space<vmem>>) target(%dma_start3A_225 : memref<4096xf32, #tpu.memory_space<hbm>>) target_semaphore(%arg10 : memref<!tpu.dma_semaphore, #tpu.memory_space<semaphore_mem>>)
    %add3A_226 = arith.constant 3 : i32
    %add3A_227 = arith.addi %mul3A_2, %add3A_226 : i32
    %add3A_228 = arith.constant 3 : i32
    %add3A_229 = arith.addi %mul3A_2, %add3A_228 : i32
    %jit3A_230 = arith.constant 32 : i32
    %div3A_231 = arith.divsi %add3A_229, %jit3A_230 : i32
    %sign3A_232 = arith.constant 0 : i32
    %sign3A_233 = arith.cmpi sgt, %add3A_229, %sign3A_232 : i32
    %sign3A_234 = arith.extui %sign3A_233 : i1 to i32
    %sign3A_235 = arith.constant 0 : i32
    %sign3A_236 = arith.cmpi slt, %add3A_229, %sign3A_235 : i32
    %sign3A_237 = arith.extui %sign3A_236 : i1 to i32
    %sign3A_238 = arith.subi %sign3A_234, %sign3A_237 : i32
    %sign3A_239 = arith.constant 0 : i32
    %sign3A_240 = arith.cmpi sgt, %jit3A_230, %sign3A_239 : i32
    %sign3A_241 = arith.extui %sign3A_240 : i1 to i32
    %sign3A_242 = arith.constant 0 : i32
    %sign3A_243 = arith.cmpi slt, %jit3A_230, %sign3A_242 : i32
    %sign3A_244 = arith.extui %sign3A_243 : i1 to i32
    %sign3A_245 = arith.subi %sign3A_241, %sign3A_244 : i32
    %ne3A_246 = arith.cmpi ne, %sign3A_238, %sign3A_245 : i32
    %rem3A_247 = arith.remsi %add3A_229, %jit3A_230 : i32
    %ne3A_248 = arith.constant 0 : i32
    %ne3A_249 = arith.cmpi ne, %rem3A_247, %ne3A_248 : i32
    %and3A_250 = arith.andi %ne3A_246, %ne3A_249 : i1
    %sub3A_251 = arith.constant 1 : i32
    %sub3A_252 = arith.subi %div3A_231, %sub3A_251 : i32
    %select_n3A_253 = arith.select %and3A_250, %sub3A_252, %div3A_231 : i32
    %add3A_254 = arith.constant 3 : i32
    %add3A_255 = arith.addi %mul3A_2, %add3A_254 : i32
    %sub3A_256 = arith.constant 1 : i32
    %sub3A_257 = arith.subi %add3A_255, %sub3A_256 : i32
    %jit3A_258 = arith.constant 32 : i32
    %div3A_259 = arith.divsi %sub3A_257, %jit3A_258 : i32
    %sign3A_260 = arith.constant 0 : i32
    %sign3A_261 = arith.cmpi sgt, %sub3A_257, %sign3A_260 : i32
    %sign3A_262 = arith.extui %sign3A_261 : i1 to i32
    %sign3A_263 = arith.constant 0 : i32
    %sign3A_264 = arith.cmpi slt, %sub3A_257, %sign3A_263 : i32
    %sign3A_265 = arith.extui %sign3A_264 : i1 to i32
    %sign3A_266 = arith.subi %sign3A_262, %sign3A_265 : i32
    %sign3A_267 = arith.constant 0 : i32
    %sign3A_268 = arith.cmpi sgt, %jit3A_258, %sign3A_267 : i32
    %sign3A_269 = arith.extui %sign3A_268 : i1 to i32
    %sign3A_270 = arith.constant 0 : i32
    %sign3A_271 = arith.cmpi slt, %jit3A_258, %sign3A_270 : i32
    %sign3A_272 = arith.extui %sign3A_271 : i1 to i32
    %sign3A_273 = arith.subi %sign3A_269, %sign3A_272 : i32
    %ne3A_274 = arith.cmpi ne, %sign3A_266, %sign3A_273 : i32
    %rem3A_275 = arith.remsi %sub3A_257, %jit3A_258 : i32
    %ne3A_276 = arith.constant 0 : i32
    %ne3A_277 = arith.cmpi ne, %rem3A_275, %ne3A_276 : i32
    %and3A_278 = arith.andi %ne3A_274, %ne3A_277 : i1
    %sub3A_279 = arith.constant 1 : i32
    %sub3A_280 = arith.subi %div3A_259, %sub3A_279 : i32
    %select_n3A_281 = arith.select %and3A_278, %sub3A_280, %div3A_259 : i32
    %ne3A_282 = arith.cmpi ne, %select_n3A_253, %select_n3A_281 : i32
    %convert_element_type3A_283 = arith.extui %ne3A_282 : i1 to i32
    %cond3A_284 = arith.constant 0 : i32
    %cond3A_285 = arith.cmpi ne, %convert_element_type3A_283, %cond3A_284 : i32
    scf.if %cond3A_285 {
      %jit3A_2346 = arith.constant 32 : i32
      %div3A_2347 = arith.divsi %add3A_227, %jit3A_2346 : i32
      %sign3A_2348 = arith.constant 0 : i32
      %sign3A_2349 = arith.cmpi sgt, %add3A_227, %sign3A_2348 : i32
      %sign3A_2350 = arith.extui %sign3A_2349 : i1 to i32
      %sign3A_2351 = arith.constant 0 : i32
      %sign3A_2352 = arith.cmpi slt, %add3A_227, %sign3A_2351 : i32
      %sign3A_2353 = arith.extui %sign3A_2352 : i1 to i32
      %sign3A_2354 = arith.subi %sign3A_2350, %sign3A_2353 : i32
      %sign3A_2355 = arith.constant 0 : i32
      %sign3A_2356 = arith.cmpi sgt, %jit3A_2346, %sign3A_2355 : i32
      %sign3A_2357 = arith.extui %sign3A_2356 : i1 to i32
      %sign3A_2358 = arith.constant 0 : i32
      %sign3A_2359 = arith.cmpi slt, %jit3A_2346, %sign3A_2358 : i32
      %sign3A_2360 = arith.extui %sign3A_2359 : i1 to i32
      %sign3A_2361 = arith.subi %sign3A_2357, %sign3A_2360 : i32
      %ne3A_2362 = arith.cmpi ne, %sign3A_2354, %sign3A_2361 : i32
      %rem3A_2363 = arith.remsi %add3A_227, %jit3A_2346 : i32
      %ne3A_2364 = arith.constant 0 : i32
      %ne3A_2365 = arith.cmpi ne, %rem3A_2363, %ne3A_2364 : i32
      %and3A_2366 = arith.andi %ne3A_2362, %ne3A_2365 : i1
      %sub3A_2367 = arith.constant 1 : i32
      %sub3A_2368 = arith.subi %div3A_2347, %sub3A_2367 : i32
      %select_n3A_2369 = arith.select %and3A_2366, %sub3A_2368, %div3A_2347 : i32
      "tpu.region"() ({
        %run_scoped3A = tpu.sem_alloc : memref<!tpu.dma_semaphore, #tpu.memory_space<semaphore_mem>>
        %dma_start3A_2370 = arith.constant 0 : i32
        %dma_start3A_2371 = tpu.memref_slice %arg3[%select_n3A_2369, %dma_start3A_2370] : memref<26x4096xi32, #tpu.memory_space<hbm>> -> memref<1x4096xi32, #tpu.memory_space<hbm>>
        %dma_start3A_2372 = tpu.memref_squeeze %dma_start3A_2371 : memref<1x4096xi32, #tpu.memory_space<hbm>> -> memref<4096xi32, #tpu.memory_space<hbm>>
        %dma_start3A_2373 = arith.constant 0 : i32
        %dma_start3A_2374 = tpu.memref_slice %arg3[%select_n3A_2369, %dma_start3A_2373] : memref<26x4096xi32, #tpu.memory_space<hbm>> -> memref<1x4096xi32, #tpu.memory_space<hbm>>
        %dma_start3A_2375 = tpu.memref_squeeze %dma_start3A_2374 : memref<1x4096xi32, #tpu.memory_space<hbm>> -> memref<4096xi32, #tpu.memory_space<hbm>>
        tpu.enqueue_dma source(%dma_start3A_2375 : memref<4096xi32, #tpu.memory_space<hbm>>) target(%arg6 : memref<4096xi32, #tpu.memory_space<vmem>>) target_semaphore(%run_scoped3A : memref<!tpu.dma_semaphore, #tpu.memory_space<semaphore_mem>>)
        %dma_wait3A_2376 = arith.constant 0 : i32
        %dma_wait3A_2377 = tpu.memref_slice %arg3[%select_n3A_2369, %dma_wait3A_2376] : memref<26x4096xi32, #tpu.memory_space<hbm>> -> memref<1x4096xi32, #tpu.memory_space<hbm>>
        %dma_wait3A_2378 = tpu.memref_squeeze %dma_wait3A_2377 : memref<1x4096xi32, #tpu.memory_space<hbm>> -> memref<4096xi32, #tpu.memory_space<hbm>>
        %dma_wait3A_2379 = arith.constant 0 : i32
        %dma_wait3A_2380 = tpu.memref_slice %arg3[%select_n3A_2369, %dma_wait3A_2379] : memref<26x4096xi32, #tpu.memory_space<hbm>> -> memref<1x4096xi32, #tpu.memory_space<hbm>>
        %dma_wait3A_2381 = tpu.memref_squeeze %dma_wait3A_2380 : memref<1x4096xi32, #tpu.memory_space<hbm>> -> memref<4096xi32, #tpu.memory_space<hbm>>
        tpu.wait_dma2 semaphore(%run_scoped3A : memref<!tpu.dma_semaphore, #tpu.memory_space<semaphore_mem>>) src(%dma_wait3A_2381 : memref<4096xi32, #tpu.memory_space<hbm>>) dst(%arg6 : memref<4096xi32, #tpu.memory_space<vmem>>)
        tpu.yield
      }) : () -> ()
    } else {
    }
    %dma_wait3A_286 = arith.constant 0 : i32
    %dma_wait3A_287 = tpu.memref_slice %arg2[%add3A_213, %dma_wait3A_286] : memref<832x100000xf32, #tpu.memory_space<hbm>> -> memref<1x100000xf32, #tpu.memory_space<hbm>>
    %dma_wait3A_288 = tpu.memref_squeeze %dma_wait3A_287 : memref<1x100000xf32, #tpu.memory_space<hbm>> -> memref<100000xf32, #tpu.memory_space<hbm>>
    %dma_wait3A_289 = arith.constant 0 : i32
    %dma_wait3A_290 = tpu.memref_slice %arg2[%add3A_213, %dma_wait3A_289] : memref<832x100000xf32, #tpu.memory_space<hbm>> -> memref<1x100000xf32, #tpu.memory_space<hbm>>
    %dma_wait3A_291 = tpu.memref_squeeze %dma_wait3A_290 : memref<1x100000xf32, #tpu.memory_space<hbm>> -> memref<100000xf32, #tpu.memory_space<hbm>>
    tpu.wait_dma2 semaphore(%arg9 : memref<!tpu.dma_semaphore, #tpu.memory_space<semaphore_mem>>) src(%dma_wait3A_291 : memref<100000xf32, #tpu.memory_space<hbm>>) dst(%arg5 : memref<100000xf32, #tpu.memory_space<vmem>>)
    %dma_wait3A_292 = arith.constant 0 : i32
    %dma_wait3A_293 = tpu.memref_slice %arg4[%add3A_51, %dma_wait3A_292] : memref<832x4096xf32, #tpu.memory_space<hbm>> -> memref<1x4096xf32, #tpu.memory_space<hbm>>
    %dma_wait3A_294 = tpu.memref_squeeze %dma_wait3A_293 : memref<1x4096xf32, #tpu.memory_space<hbm>> -> memref<4096xf32, #tpu.memory_space<hbm>>
    %dma_wait3A_295 = arith.constant 0 : i32
    %dma_wait3A_296 = tpu.memref_slice %arg4[%add3A_51, %dma_wait3A_295] : memref<832x4096xf32, #tpu.memory_space<hbm>> -> memref<1x4096xf32, #tpu.memory_space<hbm>>
    %dma_wait3A_297 = tpu.memref_squeeze %dma_wait3A_296 : memref<1x4096xf32, #tpu.memory_space<hbm>> -> memref<4096xf32, #tpu.memory_space<hbm>>
    tpu.wait_dma2 semaphore(%arg11 : memref<!tpu.dma_semaphore, #tpu.memory_space<semaphore_mem>>) src(%arg8 : memref<4096xf32, #tpu.memory_space<vmem>>) dst(%dma_wait3A_297 : memref<4096xf32, #tpu.memory_space<hbm>>)
    %scan3A_298 = arith.constant 0 : i32
    %scan3A_299 = arith.constant 0 : i32
    %scan3A_300 = arith.constant 256 : i32
    %scan3A_301 = arith.addi %scan3A_299, %scan3A_300 : i32
    %scan3A_302 = arith.constant 1 : i32
    scf.for %scan3A_2346 = %scan3A_299 to %scan3A_301 step %scan3A_302  : i32 {
      %mul3A_2347 = arith.constant 16 : i32
      %mul3A_2348 = arith.muli %scan3A_2346, %mul3A_2347 : i32
      %multiple_of3A = tpu.assume_multiple %mul3A_2348, 16 : i32
      %get3A = arith.index_cast %multiple_of3A : i32 to index
      %get3A_2349 = tpu.vector_load %arg6[%get3A] {strides = array<i32>} : memref<4096xi32, #tpu.memory_space<vmem>>, vector<16xi32>,
      %gather3A = tpu.vector_load_idx %arg5[%get3A_2349] : memref<100000xf32, #tpu.memory_space<vmem>>[vector<16xi32>], vector<16xf32>,
      %swap3A = arith.index_cast %multiple_of3A : i32 to index
      %swap3A_2350 = tpu.vector_load %arg8[%swap3A] {strides = array<i32>} : memref<4096xf32, #tpu.memory_space<vmem>>, vector<16xf32>,
      tpu.vector_store %arg8[%swap3A], %gather3A {strides = array<i32>} : memref<4096xf32, #tpu.memory_space<vmem>>, vector<16xf32>,
    }
    %scan3A_303 = arith.constant 256 : i32
    %add3A_304 = arith.constant 1 : i32
    %add3A_305 = arith.addi %add3A_227, %add3A_304 : i32
    %dma_start3A_306 = arith.constant 0 : i32
    %dma_start3A_307 = tpu.memref_slice %arg2[%add3A_305, %dma_start3A_306] : memref<832x100000xf32, #tpu.memory_space<hbm>> -> memref<1x100000xf32, #tpu.memory_space<hbm>>
    %dma_start3A_308 = tpu.memref_squeeze %dma_start3A_307 : memref<1x100000xf32, #tpu.memory_space<hbm>> -> memref<100000xf32, #tpu.memory_space<hbm>>
    %dma_start3A_309 = arith.constant 0 : i32
    %dma_start3A_310 = tpu.memref_slice %arg2[%add3A_305, %dma_start3A_309] : memref<832x100000xf32, #tpu.memory_space<hbm>> -> memref<1x100000xf32, #tpu.memory_space<hbm>>
    %dma_start3A_311 = tpu.memref_squeeze %dma_start3A_310 : memref<1x100000xf32, #tpu.memory_space<hbm>> -> memref<100000xf32, #tpu.memory_space<hbm>>
    tpu.enqueue_dma source(%dma_start3A_311 : memref<100000xf32, #tpu.memory_space<hbm>>) target(%arg5 : memref<100000xf32, #tpu.memory_space<vmem>>) target_semaphore(%arg9 : memref<!tpu.dma_semaphore, #tpu.memory_space<semaphore_mem>>)
    %dma_start3A_312 = arith.constant 0 : i32
    %dma_start3A_313 = tpu.memref_slice %arg4[%add3A_227, %dma_start3A_312] : memref<832x4096xf32, #tpu.memory_space<hbm>> -> memref<1x4096xf32, #tpu.memory_space<hbm>>
    %dma_start3A_314 = tpu.memref_squeeze %dma_start3A_313 : memref<1x4096xf32, #tpu.memory_space<hbm>> -> memref<4096xf32, #tpu.memory_space<hbm>>
    %dma_start3A_315 = arith.constant 0 : i32
    %dma_start3A_316 = tpu.memref_slice %arg4[%add3A_227, %dma_start3A_315] : memref<832x4096xf32, #tpu.memory_space<hbm>> -> memref<1x4096xf32, #tpu.memory_space<hbm>>
    %dma_start3A_317 = tpu.memref_squeeze %dma_start3A_316 : memref<1x4096xf32, #tpu.memory_space<hbm>> -> memref<4096xf32, #tpu.memory_space<hbm>>
    tpu.enqueue_dma source(%arg8 : memref<4096xf32, #tpu.memory_space<vmem>>) target(%dma_start3A_317 : memref<4096xf32, #tpu.memory_space<hbm>>) target_semaphore(%arg11 : memref<!tpu.dma_semaphore, #tpu.memory_space<semaphore_mem>>)
    %add3A_318 = arith.constant 4 : i32
    %add3A_319 = arith.addi %mul3A_2, %add3A_318 : i32
    %add3A_320 = arith.constant 4 : i32
    %add3A_321 = arith.addi %mul3A_2, %add3A_320 : i32
    %jit3A_322 = arith.constant 32 : i32
    %div3A_323 = arith.divsi %add3A_321, %jit3A_322 : i32
    %sign3A_324 = arith.constant 0 : i32
    %sign3A_325 = arith.cmpi sgt, %add3A_321, %sign3A_324 : i32
    %sign3A_326 = arith.extui %sign3A_325 : i1 to i32
    %sign3A_327 = arith.constant 0 : i32
    %sign3A_328 = arith.cmpi slt, %add3A_321, %sign3A_327 : i32
    %sign3A_329 = arith.extui %sign3A_328 : i1 to i32
    %sign3A_330 = arith.subi %sign3A_326, %sign3A_329 : i32
    %sign3A_331 = arith.constant 0 : i32
    %sign3A_332 = arith.cmpi sgt, %jit3A_322, %sign3A_331 : i32
    %sign3A_333 = arith.extui %sign3A_332 : i1 to i32
    %sign3A_334 = arith.constant 0 : i32
    %sign3A_335 = arith.cmpi slt, %jit3A_322, %sign3A_334 : i32
    %sign3A_336 = arith.extui %sign3A_335 : i1 to i32
    %sign3A_337 = arith.subi %sign3A_333, %sign3A_336 : i32
    %ne3A_338 = arith.cmpi ne, %sign3A_330, %sign3A_337 : i32
    %rem3A_339 = arith.remsi %add3A_321, %jit3A_322 : i32
    %ne3A_340 = arith.constant 0 : i32
    %ne3A_341 = arith.cmpi ne, %rem3A_339, %ne3A_340 : i32
    %and3A_342 = arith.andi %ne3A_338, %ne3A_341 : i1
    %sub3A_343 = arith.constant 1 : i32
    %sub3A_344 = arith.subi %div3A_323, %sub3A_343 : i32
    %select_n3A_345 = arith.select %and3A_342, %sub3A_344, %div3A_323 : i32
    %add3A_346 = arith.constant 4 : i32
    %add3A_347 = arith.addi %mul3A_2, %add3A_346 : i32
    %sub3A_348 = arith.constant 1 : i32
    %sub3A_349 = arith.subi %add3A_347, %sub3A_348 : i32
    %jit3A_350 = arith.constant 32 : i32
    %div3A_351 = arith.divsi %sub3A_349, %jit3A_350 : i32
    %sign3A_352 = arith.constant 0 : i32
    %sign3A_353 = arith.cmpi sgt, %sub3A_349, %sign3A_352 : i32
    %sign3A_354 = arith.extui %sign3A_353 : i1 to i32
    %sign3A_355 = arith.constant 0 : i32
    %sign3A_356 = arith.cmpi slt, %sub3A_349, %sign3A_355 : i32
    %sign3A_357 = arith.extui %sign3A_356 : i1 to i32
    %sign3A_358 = arith.subi %sign3A_354, %sign3A_357 : i32
    %sign3A_359 = arith.constant 0 : i32
    %sign3A_360 = arith.cmpi sgt, %jit3A_350, %sign3A_359 : i32
    %sign3A_361 = arith.extui %sign3A_360 : i1 to i32
    %sign3A_362 = arith.constant 0 : i32
    %sign3A_363 = arith.cmpi slt, %jit3A_350, %sign3A_362 : i32
    %sign3A_364 = arith.extui %sign3A_363 : i1 to i32
    %sign3A_365 = arith.subi %sign3A_361, %sign3A_364 : i32
    %ne3A_366 = arith.cmpi ne, %sign3A_358, %sign3A_365 : i32
    %rem3A_367 = arith.remsi %sub3A_349, %jit3A_350 : i32
    %ne3A_368 = arith.constant 0 : i32
    %ne3A_369 = arith.cmpi ne, %rem3A_367, %ne3A_368 : i32
    %and3A_370 = arith.andi %ne3A_366, %ne3A_369 : i1
    %sub3A_371 = arith.constant 1 : i32
    %sub3A_372 = arith.subi %div3A_351, %sub3A_371 : i32
    %select_n3A_373 = arith.select %and3A_370, %sub3A_372, %div3A_351 : i32
    %ne3A_374 = arith.cmpi ne, %select_n3A_345, %select_n3A_373 : i32
    %convert_element_type3A_375 = arith.extui %ne3A_374 : i1 to i32
    %cond3A_376 = arith.constant 0 : i32
    %cond3A_377 = arith.cmpi ne, %convert_element_type3A_375, %cond3A_376 : i32
    scf.if %cond3A_377 {
      %jit3A_2346 = arith.constant 32 : i32
      %div3A_2347 = arith.divsi %add3A_319, %jit3A_2346 : i32
      %sign3A_2348 = arith.constant 0 : i32
      %sign3A_2349 = arith.cmpi sgt, %add3A_319, %sign3A_2348 : i32
      %sign3A_2350 = arith.extui %sign3A_2349 : i1 to i32
      %sign3A_2351 = arith.constant 0 : i32
      %sign3A_2352 = arith.cmpi slt, %add3A_319, %sign3A_2351 : i32
      %sign3A_2353 = arith.extui %sign3A_2352 : i1 to i32
      %sign3A_2354 = arith.subi %sign3A_2350, %sign3A_2353 : i32
      %sign3A_2355 = arith.constant 0 : i32
      %sign3A_2356 = arith.cmpi sgt, %jit3A_2346, %sign3A_2355 : i32
      %sign3A_2357 = arith.extui %sign3A_2356 : i1 to i32
      %sign3A_2358 = arith.constant 0 : i32
      %sign3A_2359 = arith.cmpi slt, %jit3A_2346, %sign3A_2358 : i32
      %sign3A_2360 = arith.extui %sign3A_2359 : i1 to i32
      %sign3A_2361 = arith.subi %sign3A_2357, %sign3A_2360 : i32
      %ne3A_2362 = arith.cmpi ne, %sign3A_2354, %sign3A_2361 : i32
      %rem3A_2363 = arith.remsi %add3A_319, %jit3A_2346 : i32
      %ne3A_2364 = arith.constant 0 : i32
      %ne3A_2365 = arith.cmpi ne, %rem3A_2363, %ne3A_2364 : i32
      %and3A_2366 = arith.andi %ne3A_2362, %ne3A_2365 : i1
      %sub3A_2367 = arith.constant 1 : i32
      %sub3A_2368 = arith.subi %div3A_2347, %sub3A_2367 : i32
      %select_n3A_2369 = arith.select %and3A_2366, %sub3A_2368, %div3A_2347 : i32
      "tpu.region"() ({
        %run_scoped3A = tpu.sem_alloc : memref<!tpu.dma_semaphore, #tpu.memory_space<semaphore_mem>>
        %dma_start3A_2370 = arith.constant 0 : i32
        %dma_start3A_2371 = tpu.memref_slice %arg3[%select_n3A_2369, %dma_start3A_2370] : memref<26x4096xi32, #tpu.memory_space<hbm>> -> memref<1x4096xi32, #tpu.memory_space<hbm>>
        %dma_start3A_2372 = tpu.memref_squeeze %dma_start3A_2371 : memref<1x4096xi32, #tpu.memory_space<hbm>> -> memref<4096xi32, #tpu.memory_space<hbm>>
        %dma_start3A_2373 = arith.constant 0 : i32
        %dma_start3A_2374 = tpu.memref_slice %arg3[%select_n3A_2369, %dma_start3A_2373] : memref<26x4096xi32, #tpu.memory_space<hbm>> -> memref<1x4096xi32, #tpu.memory_space<hbm>>
        %dma_start3A_2375 = tpu.memref_squeeze %dma_start3A_2374 : memref<1x4096xi32, #tpu.memory_space<hbm>> -> memref<4096xi32, #tpu.memory_space<hbm>>
        tpu.enqueue_dma source(%dma_start3A_2375 : memref<4096xi32, #tpu.memory_space<hbm>>) target(%arg6 : memref<4096xi32, #tpu.memory_space<vmem>>) target_semaphore(%run_scoped3A : memref<!tpu.dma_semaphore, #tpu.memory_space<semaphore_mem>>)
        %dma_wait3A_2376 = arith.constant 0 : i32
        %dma_wait3A_2377 = tpu.memref_slice %arg3[%select_n3A_2369, %dma_wait3A_2376] : memref<26x4096xi32, #tpu.memory_space<hbm>> -> memref<1x4096xi32, #tpu.memory_space<hbm>>
        %dma_wait3A_2378 = tpu.memref_squeeze %dma_wait3A_2377 : memref<1x4096xi32, #tpu.memory_space<hbm>> -> memref<4096xi32, #tpu.memory_space<hbm>>
        %dma_wait3A_2379 = arith.constant 0 : i32
        %dma_wait3A_2380 = tpu.memref_slice %arg3[%select_n3A_2369, %dma_wait3A_2379] : memref<26x4096xi32, #tpu.memory_space<hbm>> -> memref<1x4096xi32, #tpu.memory_space<hbm>>
        %dma_wait3A_2381 = tpu.memref_squeeze %dma_wait3A_2380 : memref<1x4096xi32, #tpu.memory_space<hbm>> -> memref<4096xi32, #tpu.memory_space<hbm>>
        tpu.wait_dma2 semaphore(%run_scoped3A : memref<!tpu.dma_semaphore, #tpu.memory_space<semaphore_mem>>) src(%dma_wait3A_2381 : memref<4096xi32, #tpu.memory_space<hbm>>) dst(%arg6 : memref<4096xi32, #tpu.memory_space<vmem>>)
        tpu.yield
      }) : () -> ()
    } else {
    }
    %dma_wait3A_378 = arith.constant 0 : i32
    %dma_wait3A_379 = tpu.memref_slice %arg2[%add3A_305, %dma_wait3A_378] : memref<832x100000xf32, #tpu.memory_space<hbm>> -> memref<1x100000xf32, #tpu.memory_space<hbm>>
    %dma_wait3A_380 = tpu.memref_squeeze %dma_wait3A_379 : memref<1x100000xf32, #tpu.memory_space<hbm>> -> memref<100000xf32, #tpu.memory_space<hbm>>
    %dma_wait3A_381 = arith.constant 0 : i32
    %dma_wait3A_382 = tpu.memref_slice %arg2[%add3A_305, %dma_wait3A_381] : memref<832x100000xf32, #tpu.memory_space<hbm>> -> memref<1x100000xf32, #tpu.memory_space<hbm>>
    %dma_wait3A_383 = tpu.memref_squeeze %dma_wait3A_382 : memref<1x100000xf32, #tpu.memory_space<hbm>> -> memref<100000xf32, #tpu.memory_space<hbm>>
    tpu.wait_dma2 semaphore(%arg9 : memref<!tpu.dma_semaphore, #tpu.memory_space<semaphore_mem>>) src(%dma_wait3A_383 : memref<100000xf32, #tpu.memory_space<hbm>>) dst(%arg5 : memref<100000xf32, #tpu.memory_space<vmem>>)
    %dma_wait3A_384 = arith.constant 0 : i32
    %dma_wait3A_385 = tpu.memref_slice %arg4[%add3A_135, %dma_wait3A_384] : memref<832x4096xf32, #tpu.memory_space<hbm>> -> memref<1x4096xf32, #tpu.memory_space<hbm>>
    %dma_wait3A_386 = tpu.memref_squeeze %dma_wait3A_385 : memref<1x4096xf32, #tpu.memory_space<hbm>> -> memref<4096xf32, #tpu.memory_space<hbm>>
    %dma_wait3A_387 = arith.constant 0 : i32
    %dma_wait3A_388 = tpu.memref_slice %arg4[%add3A_135, %dma_wait3A_387] : memref<832x4096xf32, #tpu.memory_space<hbm>> -> memref<1x4096xf32, #tpu.memory_space<hbm>>
    %dma_wait3A_389 = tpu.memref_squeeze %dma_wait3A_388 : memref<1x4096xf32, #tpu.memory_space<hbm>> -> memref<4096xf32, #tpu.memory_space<hbm>>
    tpu.wait_dma2 semaphore(%arg10 : memref<!tpu.dma_semaphore, #tpu.memory_space<semaphore_mem>>) src(%arg7 : memref<4096xf32, #tpu.memory_space<vmem>>) dst(%dma_wait3A_389 : memref<4096xf32, #tpu.memory_space<hbm>>)
    %scan3A_390 = arith.constant 0 : i32
    %scan3A_391 = arith.constant 0 : i32
    %scan3A_392 = arith.constant 256 : i32
    %scan3A_393 = arith.addi %scan3A_391, %scan3A_392 : i32
    %scan3A_394 = arith.constant 1 : i32
    scf.for %scan3A_2346 = %scan3A_391 to %scan3A_393 step %scan3A_394  : i32 {
      %mul3A_2347 = arith.constant 16 : i32
      %mul3A_2348 = arith.muli %scan3A_2346, %mul3A_2347 : i32
      %multiple_of3A = tpu.assume_multiple %mul3A_2348, 16 : i32
      %get3A = arith.index_cast %multiple_of3A : i32 to index
      %get3A_2349 = tpu.vector_load %arg6[%get3A] {strides = array<i32>} : memref<4096xi32, #tpu.memory_space<vmem>>, vector<16xi32>,
      %gather3A = tpu.vector_load_idx %arg5[%get3A_2349] : memref<100000xf32, #tpu.memory_space<vmem>>[vector<16xi32>], vector<16xf32>,
      %swap3A = arith.index_cast %multiple_of3A : i32 to index
      %swap3A_2350 = tpu.vector_load %arg7[%swap3A] {strides = array<i32>} : memref<4096xf32, #tpu.memory_space<vmem>>, vector<16xf32>,
      tpu.vector_store %arg7[%swap3A], %gather3A {strides = array<i32>} : memref<4096xf32, #tpu.memory_space<vmem>>, vector<16xf32>,
    }
    %scan3A_395 = arith.constant 256 : i32
    %add3A_396 = arith.constant 1 : i32
    %add3A_397 = arith.addi %add3A_319, %add3A_396 : i32
    %dma_start3A_398 = arith.constant 0 : i32
    %dma_start3A_399 = tpu.memref_slice %arg2[%add3A_397, %dma_start3A_398] : memref<832x100000xf32, #tpu.memory_space<hbm>> -> memref<1x100000xf32, #tpu.memory_space<hbm>>
    %dma_start3A_400 = tpu.memref_squeeze %dma_start3A_399 : memref<1x100000xf32, #tpu.memory_space<hbm>> -> memref<100000xf32, #tpu.memory_space<hbm>>
    %dma_start3A_401 = arith.constant 0 : i32
    %dma_start3A_402 = tpu.memref_slice %arg2[%add3A_397, %dma_start3A_401] : memref<832x100000xf32, #tpu.memory_space<hbm>> -> memref<1x100000xf32, #tpu.memory_space<hbm>>
    %dma_start3A_403 = tpu.memref_squeeze %dma_start3A_402 : memref<1x100000xf32, #tpu.memory_space<hbm>> -> memref<100000xf32, #tpu.memory_space<hbm>>
    tpu.enqueue_dma source(%dma_start3A_403 : memref<100000xf32, #tpu.memory_space<hbm>>) target(%arg5 : memref<100000xf32, #tpu.memory_space<vmem>>) target_semaphore(%arg9 : memref<!tpu.dma_semaphore, #tpu.memory_space<semaphore_mem>>)
    %dma_start3A_404 = arith.constant 0 : i32
    %dma_start3A_405 = tpu.memref_slice %arg4[%add3A_319, %dma_start3A_404] : memref<832x4096xf32, #tpu.memory_space<hbm>> -> memref<1x4096xf32, #tpu.memory_space<hbm>>
    %dma_start3A_406 = tpu.memref_squeeze %dma_start3A_405 : memref<1x4096xf32, #tpu.memory_space<hbm>> -> memref<4096xf32, #tpu.memory_space<hbm>>
    %dma_start3A_407 = arith.constant 0 : i32
    %dma_start3A_408 = tpu.memref_slice %arg4[%add3A_319, %dma_start3A_407] : memref<832x4096xf32, #tpu.memory_space<hbm>> -> memref<1x4096xf32, #tpu.memory_space<hbm>>
    %dma_start3A_409 = tpu.memref_squeeze %dma_start3A_408 : memref<1x4096xf32, #tpu.memory_space<hbm>> -> memref<4096xf32, #tpu.memory_space<hbm>>
    tpu.enqueue_dma source(%arg7 : memref<4096xf32, #tpu.memory_space<vmem>>) target(%dma_start3A_409 : memref<4096xf32, #tpu.memory_space<hbm>>) target_semaphore(%arg10 : memref<!tpu.dma_semaphore, #tpu.memory_space<semaphore_mem>>)
    %add3A_410 = arith.constant 5 : i32
    %add3A_411 = arith.addi %mul3A_2, %add3A_410 : i32
    %add3A_412 = arith.constant 5 : i32
    %add3A_413 = arith.addi %mul3A_2, %add3A_412 : i32
    %jit3A_414 = arith.constant 32 : i32
    %div3A_415 = arith.divsi %add3A_413, %jit3A_414 : i32
    %sign3A_416 = arith.constant 0 : i32
    %sign3A_417 = arith.cmpi sgt, %add3A_413, %sign3A_416 : i32
    %sign3A_418 = arith.extui %sign3A_417 : i1 to i32
    %sign3A_419 = arith.constant 0 : i32
    %sign3A_420 = arith.cmpi slt, %add3A_413, %sign3A_419 : i32
    %sign3A_421 = arith.extui %sign3A_420 : i1 to i32
    %sign3A_422 = arith.subi %sign3A_418, %sign3A_421 : i32
    %sign3A_423 = arith.constant 0 : i32
    %sign3A_424 = arith.cmpi sgt, %jit3A_414, %sign3A_423 : i32
    %sign3A_425 = arith.extui %sign3A_424 : i1 to i32
    %sign3A_426 = arith.constant 0 : i32
    %sign3A_427 = arith.cmpi slt, %jit3A_414, %sign3A_426 : i32
    %sign3A_428 = arith.extui %sign3A_427 : i1 to i32
    %sign3A_429 = arith.subi %sign3A_425, %sign3A_428 : i32
    %ne3A_430 = arith.cmpi ne, %sign3A_422, %sign3A_429 : i32
    %rem3A_431 = arith.remsi %add3A_413, %jit3A_414 : i32
    %ne3A_432 = arith.constant 0 : i32
    %ne3A_433 = arith.cmpi ne, %rem3A_431, %ne3A_432 : i32
    %and3A_434 = arith.andi %ne3A_430, %ne3A_433 : i1
    %sub3A_435 = arith.constant 1 : i32
    %sub3A_436 = arith.subi %div3A_415, %sub3A_435 : i32
    %select_n3A_437 = arith.select %and3A_434, %sub3A_436, %div3A_415 : i32
    %add3A_438 = arith.constant 5 : i32
    %add3A_439 = arith.addi %mul3A_2, %add3A_438 : i32
    %sub3A_440 = arith.constant 1 : i32
    %sub3A_441 = arith.subi %add3A_439, %sub3A_440 : i32
    %jit3A_442 = arith.constant 32 : i32
    %div3A_443 = arith.divsi %sub3A_441, %jit3A_442 : i32
    %sign3A_444 = arith.constant 0 : i32
    %sign3A_445 = arith.cmpi sgt, %sub3A_441, %sign3A_444 : i32
    %sign3A_446 = arith.extui %sign3A_445 : i1 to i32
    %sign3A_447 = arith.constant 0 : i32
    %sign3A_448 = arith.cmpi slt, %sub3A_441, %sign3A_447 : i32
    %sign3A_449 = arith.extui %sign3A_448 : i1 to i32
    %sign3A_450 = arith.subi %sign3A_446, %sign3A_449 : i32
    %sign3A_451 = arith.constant 0 : i32
    %sign3A_452 = arith.cmpi sgt, %jit3A_442, %sign3A_451 : i32
    %sign3A_453 = arith.extui %sign3A_452 : i1 to i32
    %sign3A_454 = arith.constant 0 : i32
    %sign3A_455 = arith.cmpi slt, %jit3A_442, %sign3A_454 : i32
    %sign3A_456 = arith.extui %sign3A_455 : i1 to i32
    %sign3A_457 = arith.subi %sign3A_453, %sign3A_456 : i32
    %ne3A_458 = arith.cmpi ne, %sign3A_450, %sign3A_457 : i32
    %rem3A_459 = arith.remsi %sub3A_441, %jit3A_442 : i32
    %ne3A_460 = arith.constant 0 : i32
    %ne3A_461 = arith.cmpi ne, %rem3A_459, %ne3A_460 : i32
    %and3A_462 = arith.andi %ne3A_458, %ne3A_461 : i1
    %sub3A_463 = arith.constant 1 : i32
    %sub3A_464 = arith.subi %div3A_443, %sub3A_463 : i32
    %select_n3A_465 = arith.select %and3A_462, %sub3A_464, %div3A_443 : i32
    %ne3A_466 = arith.cmpi ne, %select_n3A_437, %select_n3A_465 : i32
    %convert_element_type3A_467 = arith.extui %ne3A_466 : i1 to i32
    %cond3A_468 = arith.constant 0 : i32
    %cond3A_469 = arith.cmpi ne, %convert_element_type3A_467, %cond3A_468 : i32
    scf.if %cond3A_469 {
      %jit3A_2346 = arith.constant 32 : i32
      %div3A_2347 = arith.divsi %add3A_411, %jit3A_2346 : i32
      %sign3A_2348 = arith.constant 0 : i32
      %sign3A_2349 = arith.cmpi sgt, %add3A_411, %sign3A_2348 : i32
      %sign3A_2350 = arith.extui %sign3A_2349 : i1 to i32
      %sign3A_2351 = arith.constant 0 : i32
      %sign3A_2352 = arith.cmpi slt, %add3A_411, %sign3A_2351 : i32
      %sign3A_2353 = arith.extui %sign3A_2352 : i1 to i32
      %sign3A_2354 = arith.subi %sign3A_2350, %sign3A_2353 : i32
      %sign3A_2355 = arith.constant 0 : i32
      %sign3A_2356 = arith.cmpi sgt, %jit3A_2346, %sign3A_2355 : i32
      %sign3A_2357 = arith.extui %sign3A_2356 : i1 to i32
      %sign3A_2358 = arith.constant 0 : i32
      %sign3A_2359 = arith.cmpi slt, %jit3A_2346, %sign3A_2358 : i32
      %sign3A_2360 = arith.extui %sign3A_2359 : i1 to i32
      %sign3A_2361 = arith.subi %sign3A_2357, %sign3A_2360 : i32
      %ne3A_2362 = arith.cmpi ne, %sign3A_2354, %sign3A_2361 : i32
      %rem3A_2363 = arith.remsi %add3A_411, %jit3A_2346 : i32
      %ne3A_2364 = arith.constant 0 : i32
      %ne3A_2365 = arith.cmpi ne, %rem3A_2363, %ne3A_2364 : i32
      %and3A_2366 = arith.andi %ne3A_2362, %ne3A_2365 : i1
      %sub3A_2367 = arith.constant 1 : i32
      %sub3A_2368 = arith.subi %div3A_2347, %sub3A_2367 : i32
      %select_n3A_2369 = arith.select %and3A_2366, %sub3A_2368, %div3A_2347 : i32
      "tpu.region"() ({
        %run_scoped3A = tpu.sem_alloc : memref<!tpu.dma_semaphore, #tpu.memory_space<semaphore_mem>>
        %dma_start3A_2370 = arith.constant 0 : i32
        %dma_start3A_2371 = tpu.memref_slice %arg3[%select_n3A_2369, %dma_start3A_2370] : memref<26x4096xi32, #tpu.memory_space<hbm>> -> memref<1x4096xi32, #tpu.memory_space<hbm>>
        %dma_start3A_2372 = tpu.memref_squeeze %dma_start3A_2371 : memref<1x4096xi32, #tpu.memory_space<hbm>> -> memref<4096xi32, #tpu.memory_space<hbm>>
        %dma_start3A_2373 = arith.constant 0 : i32
        %dma_start3A_2374 = tpu.memref_slice %arg3[%select_n3A_2369, %dma_start3A_2373] : memref<26x4096xi32, #tpu.memory_space<hbm>> -> memref<1x4096xi32, #tpu.memory_space<hbm>>
        %dma_start3A_2375 = tpu.memref_squeeze %dma_start3A_2374 : memref<1x4096xi32, #tpu.memory_space<hbm>> -> memref<4096xi32, #tpu.memory_space<hbm>>
        tpu.enqueue_dma source(%dma_start3A_2375 : memref<4096xi32, #tpu.memory_space<hbm>>) target(%arg6 : memref<4096xi32, #tpu.memory_space<vmem>>) target_semaphore(%run_scoped3A : memref<!tpu.dma_semaphore, #tpu.memory_space<semaphore_mem>>)
        %dma_wait3A_2376 = arith.constant 0 : i32
        %dma_wait3A_2377 = tpu.memref_slice %arg3[%select_n3A_2369, %dma_wait3A_2376] : memref<26x4096xi32, #tpu.memory_space<hbm>> -> memref<1x4096xi32, #tpu.memory_space<hbm>>
        %dma_wait3A_2378 = tpu.memref_squeeze %dma_wait3A_2377 : memref<1x4096xi32, #tpu.memory_space<hbm>> -> memref<4096xi32, #tpu.memory_space<hbm>>
        %dma_wait3A_2379 = arith.constant 0 : i32
        %dma_wait3A_2380 = tpu.memref_slice %arg3[%select_n3A_2369, %dma_wait3A_2379] : memref<26x4096xi32, #tpu.memory_space<hbm>> -> memref<1x4096xi32, #tpu.memory_space<hbm>>
        %dma_wait3A_2381 = tpu.memref_squeeze %dma_wait3A_2380 : memref<1x4096xi32, #tpu.memory_space<hbm>> -> memref<4096xi32, #tpu.memory_space<hbm>>
        tpu.wait_dma2 semaphore(%run_scoped3A : memref<!tpu.dma_semaphore, #tpu.memory_space<semaphore_mem>>) src(%dma_wait3A_2381 : memref<4096xi32, #tpu.memory_space<hbm>>) dst(%arg6 : memref<4096xi32, #tpu.memory_space<vmem>>)
        tpu.yield
      }) : () -> ()
    } else {
    }
    %dma_wait3A_470 = arith.constant 0 : i32
    %dma_wait3A_471 = tpu.memref_slice %arg2[%add3A_397, %dma_wait3A_470] : memref<832x100000xf32, #tpu.memory_space<hbm>> -> memref<1x100000xf32, #tpu.memory_space<hbm>>
    %dma_wait3A_472 = tpu.memref_squeeze %dma_wait3A_471 : memref<1x100000xf32, #tpu.memory_space<hbm>> -> memref<100000xf32, #tpu.memory_space<hbm>>
    %dma_wait3A_473 = arith.constant 0 : i32
    %dma_wait3A_474 = tpu.memref_slice %arg2[%add3A_397, %dma_wait3A_473] : memref<832x100000xf32, #tpu.memory_space<hbm>> -> memref<1x100000xf32, #tpu.memory_space<hbm>>
    %dma_wait3A_475 = tpu.memref_squeeze %dma_wait3A_474 : memref<1x100000xf32, #tpu.memory_space<hbm>> -> memref<100000xf32, #tpu.memory_space<hbm>>
    tpu.wait_dma2 semaphore(%arg9 : memref<!tpu.dma_semaphore, #tpu.memory_space<semaphore_mem>>) src(%dma_wait3A_475 : memref<100000xf32, #tpu.memory_space<hbm>>) dst(%arg5 : memref<100000xf32, #tpu.memory_space<vmem>>)
    %dma_wait3A_476 = arith.constant 0 : i32
    %dma_wait3A_477 = tpu.memref_slice %arg4[%add3A_227, %dma_wait3A_476] : memref<832x4096xf32, #tpu.memory_space<hbm>> -> memref<1x4096xf32, #tpu.memory_space<hbm>>
    %dma_wait3A_478 = tpu.memref_squeeze %dma_wait3A_477 : memref<1x4096xf32, #tpu.memory_space<hbm>> -> memref<4096xf32, #tpu.memory_space<hbm>>
    %dma_wait3A_479 = arith.constant 0 : i32
    %dma_wait3A_480 = tpu.memref_slice %arg4[%add3A_227, %dma_wait3A_479] : memref<832x4096xf32, #tpu.memory_space<hbm>> -> memref<1x4096xf32, #tpu.memory_space<hbm>>
    %dma_wait3A_481 = tpu.memref_squeeze %dma_wait3A_480 : memref<1x4096xf32, #tpu.memory_space<hbm>> -> memref<4096xf32, #tpu.memory_space<hbm>>
    tpu.wait_dma2 semaphore(%arg11 : memref<!tpu.dma_semaphore, #tpu.memory_space<semaphore_mem>>) src(%arg8 : memref<4096xf32, #tpu.memory_space<vmem>>) dst(%dma_wait3A_481 : memref<4096xf32, #tpu.memory_space<hbm>>)
    %scan3A_482 = arith.constant 0 : i32
    %scan3A_483 = arith.constant 0 : i32
    %scan3A_484 = arith.constant 256 : i32
    %scan3A_485 = arith.addi %scan3A_483, %scan3A_484 : i32
    %scan3A_486 = arith.constant 1 : i32
    scf.for %scan3A_2346 = %scan3A_483 to %scan3A_485 step %scan3A_486  : i32 {
      %mul3A_2347 = arith.constant 16 : i32
      %mul3A_2348 = arith.muli %scan3A_2346, %mul3A_2347 : i32
      %multiple_of3A = tpu.assume_multiple %mul3A_2348, 16 : i32
      %get3A = arith.index_cast %multiple_of3A : i32 to index
      %get3A_2349 = tpu.vector_load %arg6[%get3A] {strides = array<i32>} : memref<4096xi32, #tpu.memory_space<vmem>>, vector<16xi32>,
      %gather3A = tpu.vector_load_idx %arg5[%get3A_2349] : memref<100000xf32, #tpu.memory_space<vmem>>[vector<16xi32>], vector<16xf32>,
      %swap3A = arith.index_cast %multiple_of3A : i32 to index
      %swap3A_2350 = tpu.vector_load %arg8[%swap3A] {strides = array<i32>} : memref<4096xf32, #tpu.memory_space<vmem>>, vector<16xf32>,
      tpu.vector_store %arg8[%swap3A], %gather3A {strides = array<i32>} : memref<4096xf32, #tpu.memory_space<vmem>>, vector<16xf32>,
    }
    %scan3A_487 = arith.constant 256 : i32
    %add3A_488 = arith.constant 1 : i32
    %add3A_489 = arith.addi %add3A_411, %add3A_488 : i32
    %dma_start3A_490 = arith.constant 0 : i32
    %dma_start3A_491 = tpu.memref_slice %arg2[%add3A_489, %dma_start3A_490] : memref<832x100000xf32, #tpu.memory_space<hbm>> -> memref<1x100000xf32, #tpu.memory_space<hbm>>
    %dma_start3A_492 = tpu.memref_squeeze %dma_start3A_491 : memref<1x100000xf32, #tpu.memory_space<hbm>> -> memref<100000xf32, #tpu.memory_space<hbm>>
    %dma_start3A_493 = arith.constant 0 : i32
    %dma_start3A_494 = tpu.memref_slice %arg2[%add3A_489, %dma_start3A_493] : memref<832x100000xf32, #tpu.memory_space<hbm>> -> memref<1x100000xf32, #tpu.memory_space<hbm>>
    %dma_start3A_495 = tpu.memref_squeeze %dma_start3A_494 : memref<1x100000xf32, #tpu.memory_space<hbm>> -> memref<100000xf32, #tpu.memory_space<hbm>>
    tpu.enqueue_dma source(%dma_start3A_495 : memref<100000xf32, #tpu.memory_space<hbm>>) target(%arg5 : memref<100000xf32, #tpu.memory_space<vmem>>) target_semaphore(%arg9 : memref<!tpu.dma_semaphore, #tpu.memory_space<semaphore_mem>>)
    %dma_start3A_496 = arith.constant 0 : i32
    %dma_start3A_497 = tpu.memref_slice %arg4[%add3A_411, %dma_start3A_496] : memref<832x4096xf32, #tpu.memory_space<hbm>> -> memref<1x4096xf32, #tpu.memory_space<hbm>>
    %dma_start3A_498 = tpu.memref_squeeze %dma_start3A_497 : memref<1x4096xf32, #tpu.memory_space<hbm>> -> memref<4096xf32, #tpu.memory_space<hbm>>
    %dma_start3A_499 = arith.constant 0 : i32
    %dma_start3A_500 = tpu.memref_slice %arg4[%add3A_411, %dma_start3A_499] : memref<832x4096xf32, #tpu.memory_space<hbm>> -> memref<1x4096xf32, #tpu.memory_space<hbm>>
    %dma_start3A_501 = tpu.memref_squeeze %dma_start3A_500 : memref<1x4096xf32, #tpu.memory_space<hbm>> -> memref<4096xf32, #tpu.memory_space<hbm>>
    tpu.enqueue_dma source(%arg8 : memref<4096xf32, #tpu.memory_space<vmem>>) target(%dma_start3A_501 : memref<4096xf32, #tpu.memory_space<hbm>>) target_semaphore(%arg11 : memref<!tpu.dma_semaphore, #tpu.memory_space<semaphore_mem>>)
    %add3A_502 = arith.constant 6 : i32
    %add3A_503 = arith.addi %mul3A_2, %add3A_502 : i32
    %add3A_504 = arith.constant 6 : i32
    %add3A_505 = arith.addi %mul3A_2, %add3A_504 : i32
    %jit3A_506 = arith.constant 32 : i32
    %div3A_507 = arith.divsi %add3A_505, %jit3A_506 : i32
    %sign3A_508 = arith.constant 0 : i32
    %sign3A_509 = arith.cmpi sgt, %add3A_505, %sign3A_508 : i32
    %sign3A_510 = arith.extui %sign3A_509 : i1 to i32
    %sign3A_511 = arith.constant 0 : i32
    %sign3A_512 = arith.cmpi slt, %add3A_505, %sign3A_511 : i32
    %sign3A_513 = arith.extui %sign3A_512 : i1 to i32
    %sign3A_514 = arith.subi %sign3A_510, %sign3A_513 : i32
    %sign3A_515 = arith.constant 0 : i32
    %sign3A_516 = arith.cmpi sgt, %jit3A_506, %sign3A_515 : i32
    %sign3A_517 = arith.extui %sign3A_516 : i1 to i32
    %sign3A_518 = arith.constant 0 : i32
    %sign3A_519 = arith.cmpi slt, %jit3A_506, %sign3A_518 : i32
    %sign3A_520 = arith.extui %sign3A_519 : i1 to i32
    %sign3A_521 = arith.subi %sign3A_517, %sign3A_520 : i32
    %ne3A_522 = arith.cmpi ne, %sign3A_514, %sign3A_521 : i32
    %rem3A_523 = arith.remsi %add3A_505, %jit3A_506 : i32
    %ne3A_524 = arith.constant 0 : i32
    %ne3A_525 = arith.cmpi ne, %rem3A_523, %ne3A_524 : i32
    %and3A_526 = arith.andi %ne3A_522, %ne3A_525 : i1
    %sub3A_527 = arith.constant 1 : i32
    %sub3A_528 = arith.subi %div3A_507, %sub3A_527 : i32
    %select_n3A_529 = arith.select %and3A_526, %sub3A_528, %div3A_507 : i32
    %add3A_530 = arith.constant 6 : i32
    %add3A_531 = arith.addi %mul3A_2, %add3A_530 : i32
    %sub3A_532 = arith.constant 1 : i32
    %sub3A_533 = arith.subi %add3A_531, %sub3A_532 : i32
    %jit3A_534 = arith.constant 32 : i32
    %div3A_535 = arith.divsi %sub3A_533, %jit3A_534 : i32
    %sign3A_536 = arith.constant 0 : i32
    %sign3A_537 = arith.cmpi sgt, %sub3A_533, %sign3A_536 : i32
    %sign3A_538 = arith.extui %sign3A_537 : i1 to i32
    %sign3A_539 = arith.constant 0 : i32
    %sign3A_540 = arith.cmpi slt, %sub3A_533, %sign3A_539 : i32
    %sign3A_541 = arith.extui %sign3A_540 : i1 to i32
    %sign3A_542 = arith.subi %sign3A_538, %sign3A_541 : i32
    %sign3A_543 = arith.constant 0 : i32
    %sign3A_544 = arith.cmpi sgt, %jit3A_534, %sign3A_543 : i32
    %sign3A_545 = arith.extui %sign3A_544 : i1 to i32
    %sign3A_546 = arith.constant 0 : i32
    %sign3A_547 = arith.cmpi slt, %jit3A_534, %sign3A_546 : i32
    %sign3A_548 = arith.extui %sign3A_547 : i1 to i32
    %sign3A_549 = arith.subi %sign3A_545, %sign3A_548 : i32
    %ne3A_550 = arith.cmpi ne, %sign3A_542, %sign3A_549 : i32
    %rem3A_551 = arith.remsi %sub3A_533, %jit3A_534 : i32
    %ne3A_552 = arith.constant 0 : i32
    %ne3A_553 = arith.cmpi ne, %rem3A_551, %ne3A_552 : i32
    %and3A_554 = arith.andi %ne3A_550, %ne3A_553 : i1
    %sub3A_555 = arith.constant 1 : i32
    %sub3A_556 = arith.subi %div3A_535, %sub3A_555 : i32
    %select_n3A_557 = arith.select %and3A_554, %sub3A_556, %div3A_535 : i32
    %ne3A_558 = arith.cmpi ne, %select_n3A_529, %select_n3A_557 : i32
    %convert_element_type3A_559 = arith.extui %ne3A_558 : i1 to i32
    %cond3A_560 = arith.constant 0 : i32
    %cond3A_561 = arith.cmpi ne, %convert_element_type3A_559, %cond3A_560 : i32
    scf.if %cond3A_561 {
      %jit3A_2346 = arith.constant 32 : i32
      %div3A_2347 = arith.divsi %add3A_503, %jit3A_2346 : i32
      %sign3A_2348 = arith.constant 0 : i32
      %sign3A_2349 = arith.cmpi sgt, %add3A_503, %sign3A_2348 : i32
      %sign3A_2350 = arith.extui %sign3A_2349 : i1 to i32
      %sign3A_2351 = arith.constant 0 : i32
      %sign3A_2352 = arith.cmpi slt, %add3A_503, %sign3A_2351 : i32
      %sign3A_2353 = arith.extui %sign3A_2352 : i1 to i32
      %sign3A_2354 = arith.subi %sign3A_2350, %sign3A_2353 : i32
      %sign3A_2355 = arith.constant 0 : i32
      %sign3A_2356 = arith.cmpi sgt, %jit3A_2346, %sign3A_2355 : i32
      %sign3A_2357 = arith.extui %sign3A_2356 : i1 to i32
      %sign3A_2358 = arith.constant 0 : i32
      %sign3A_2359 = arith.cmpi slt, %jit3A_2346, %sign3A_2358 : i32
      %sign3A_2360 = arith.extui %sign3A_2359 : i1 to i32
      %sign3A_2361 = arith.subi %sign3A_2357, %sign3A_2360 : i32
      %ne3A_2362 = arith.cmpi ne, %sign3A_2354, %sign3A_2361 : i32
      %rem3A_2363 = arith.remsi %add3A_503, %jit3A_2346 : i32
      %ne3A_2364 = arith.constant 0 : i32
      %ne3A_2365 = arith.cmpi ne, %rem3A_2363, %ne3A_2364 : i32
      %and3A_2366 = arith.andi %ne3A_2362, %ne3A_2365 : i1
      %sub3A_2367 = arith.constant 1 : i32
      %sub3A_2368 = arith.subi %div3A_2347, %sub3A_2367 : i32
      %select_n3A_2369 = arith.select %and3A_2366, %sub3A_2368, %div3A_2347 : i32
      "tpu.region"() ({
        %run_scoped3A = tpu.sem_alloc : memref<!tpu.dma_semaphore, #tpu.memory_space<semaphore_mem>>
        %dma_start3A_2370 = arith.constant 0 : i32
        %dma_start3A_2371 = tpu.memref_slice %arg3[%select_n3A_2369, %dma_start3A_2370] : memref<26x4096xi32, #tpu.memory_space<hbm>> -> memref<1x4096xi32, #tpu.memory_space<hbm>>
        %dma_start3A_2372 = tpu.memref_squeeze %dma_start3A_2371 : memref<1x4096xi32, #tpu.memory_space<hbm>> -> memref<4096xi32, #tpu.memory_space<hbm>>
        %dma_start3A_2373 = arith.constant 0 : i32
        %dma_start3A_2374 = tpu.memref_slice %arg3[%select_n3A_2369, %dma_start3A_2373] : memref<26x4096xi32, #tpu.memory_space<hbm>> -> memref<1x4096xi32, #tpu.memory_space<hbm>>
        %dma_start3A_2375 = tpu.memref_squeeze %dma_start3A_2374 : memref<1x4096xi32, #tpu.memory_space<hbm>> -> memref<4096xi32, #tpu.memory_space<hbm>>
        tpu.enqueue_dma source(%dma_start3A_2375 : memref<4096xi32, #tpu.memory_space<hbm>>) target(%arg6 : memref<4096xi32, #tpu.memory_space<vmem>>) target_semaphore(%run_scoped3A : memref<!tpu.dma_semaphore, #tpu.memory_space<semaphore_mem>>)
        %dma_wait3A_2376 = arith.constant 0 : i32
        %dma_wait3A_2377 = tpu.memref_slice %arg3[%select_n3A_2369, %dma_wait3A_2376] : memref<26x4096xi32, #tpu.memory_space<hbm>> -> memref<1x4096xi32, #tpu.memory_space<hbm>>
        %dma_wait3A_2378 = tpu.memref_squeeze %dma_wait3A_2377 : memref<1x4096xi32, #tpu.memory_space<hbm>> -> memref<4096xi32, #tpu.memory_space<hbm>>
        %dma_wait3A_2379 = arith.constant 0 : i32
        %dma_wait3A_2380 = tpu.memref_slice %arg3[%select_n3A_2369, %dma_wait3A_2379] : memref<26x4096xi32, #tpu.memory_space<hbm>> -> memref<1x4096xi32, #tpu.memory_space<hbm>>
        %dma_wait3A_2381 = tpu.memref_squeeze %dma_wait3A_2380 : memref<1x4096xi32, #tpu.memory_space<hbm>> -> memref<4096xi32, #tpu.memory_space<hbm>>
        tpu.wait_dma2 semaphore(%run_scoped3A : memref<!tpu.dma_semaphore, #tpu.memory_space<semaphore_mem>>) src(%dma_wait3A_2381 : memref<4096xi32, #tpu.memory_space<hbm>>) dst(%arg6 : memref<4096xi32, #tpu.memory_space<vmem>>)
        tpu.yield
      }) : () -> ()
    } else {
    }
    %dma_wait3A_562 = arith.constant 0 : i32
    %dma_wait3A_563 = tpu.memref_slice %arg2[%add3A_489, %dma_wait3A_562] : memref<832x100000xf32, #tpu.memory_space<hbm>> -> memref<1x100000xf32, #tpu.memory_space<hbm>>
    %dma_wait3A_564 = tpu.memref_squeeze %dma_wait3A_563 : memref<1x100000xf32, #tpu.memory_space<hbm>> -> memref<100000xf32, #tpu.memory_space<hbm>>
    %dma_wait3A_565 = arith.constant 0 : i32
    %dma_wait3A_566 = tpu.memref_slice %arg2[%add3A_489, %dma_wait3A_565] : memref<832x100000xf32, #tpu.memory_space<hbm>> -> memref<1x100000xf32, #tpu.memory_space<hbm>>
    %dma_wait3A_567 = tpu.memref_squeeze %dma_wait3A_566 : memref<1x100000xf32, #tpu.memory_space<hbm>> -> memref<100000xf32, #tpu.memory_space<hbm>>
    tpu.wait_dma2 semaphore(%arg9 : memref<!tpu.dma_semaphore, #tpu.memory_space<semaphore_mem>>) src(%dma_wait3A_567 : memref<100000xf32, #tpu.memory_space<hbm>>) dst(%arg5 : memref<100000xf32, #tpu.memory_space<vmem>>)
    %dma_wait3A_568 = arith.constant 0 : i32
    %dma_wait3A_569 = tpu.memref_slice %arg4[%add3A_319, %dma_wait3A_568] : memref<832x4096xf32, #tpu.memory_space<hbm>> -> memref<1x4096xf32, #tpu.memory_space<hbm>>
    %dma_wait3A_570 = tpu.memref_squeeze %dma_wait3A_569 : memref<1x4096xf32, #tpu.memory_space<hbm>> -> memref<4096xf32, #tpu.memory_space<hbm>>
    %dma_wait3A_571 = arith.constant 0 : i32
    %dma_wait3A_572 = tpu.memref_slice %arg4[%add3A_319, %dma_wait3A_571] : memref<832x4096xf32, #tpu.memory_space<hbm>> -> memref<1x4096xf32, #tpu.memory_space<hbm>>
    %dma_wait3A_573 = tpu.memref_squeeze %dma_wait3A_572 : memref<1x4096xf32, #tpu.memory_space<hbm>> -> memref<4096xf32, #tpu.memory_space<hbm>>
    tpu.wait_dma2 semaphore(%arg10 : memref<!tpu.dma_semaphore, #tpu.memory_space<semaphore_mem>>) src(%arg7 : memref<4096xf32, #tpu.memory_space<vmem>>) dst(%dma_wait3A_573 : memref<4096xf32, #tpu.memory_space<hbm>>)
    %scan3A_574 = arith.constant 0 : i32
    %scan3A_575 = arith.constant 0 : i32
    %scan3A_576 = arith.constant 256 : i32
    %scan3A_577 = arith.addi %scan3A_575, %scan3A_576 : i32
    %scan3A_578 = arith.constant 1 : i32
    scf.for %scan3A_2346 = %scan3A_575 to %scan3A_577 step %scan3A_578  : i32 {
      %mul3A_2347 = arith.constant 16 : i32
      %mul3A_2348 = arith.muli %scan3A_2346, %mul3A_2347 : i32
      %multiple_of3A = tpu.assume_multiple %mul3A_2348, 16 : i32
      %get3A = arith.index_cast %multiple_of3A : i32 to index
      %get3A_2349 = tpu.vector_load %arg6[%get3A] {strides = array<i32>} : memref<4096xi32, #tpu.memory_space<vmem>>, vector<16xi32>,
      %gather3A = tpu.vector_load_idx %arg5[%get3A_2349] : memref<100000xf32, #tpu.memory_space<vmem>>[vector<16xi32>], vector<16xf32>,
      %swap3A = arith.index_cast %multiple_of3A : i32 to index
      %swap3A_2350 = tpu.vector_load %arg7[%swap3A] {strides = array<i32>} : memref<4096xf32, #tpu.memory_space<vmem>>, vector<16xf32>,
      tpu.vector_store %arg7[%swap3A], %gather3A {strides = array<i32>} : memref<4096xf32, #tpu.memory_space<vmem>>, vector<16xf32>,
    }
    %scan3A_579 = arith.constant 256 : i32
    %add3A_580 = arith.constant 1 : i32
    %add3A_581 = arith.addi %add3A_503, %add3A_580 : i32
    %dma_start3A_582 = arith.constant 0 : i32
    %dma_start3A_583 = tpu.memref_slice %arg2[%add3A_581, %dma_start3A_582] : memref<832x100000xf32, #tpu.memory_space<hbm>> -> memref<1x100000xf32, #tpu.memory_space<hbm>>
    %dma_start3A_584 = tpu.memref_squeeze %dma_start3A_583 : memref<1x100000xf32, #tpu.memory_space<hbm>> -> memref<100000xf32, #tpu.memory_space<hbm>>
    %dma_start3A_585 = arith.constant 0 : i32
    %dma_start3A_586 = tpu.memref_slice %arg2[%add3A_581, %dma_start3A_585] : memref<832x100000xf32, #tpu.memory_space<hbm>> -> memref<1x100000xf32, #tpu.memory_space<hbm>>
    %dma_start3A_587 = tpu.memref_squeeze %dma_start3A_586 : memref<1x100000xf32, #tpu.memory_space<hbm>> -> memref<100000xf32, #tpu.memory_space<hbm>>
    tpu.enqueue_dma source(%dma_start3A_587 : memref<100000xf32, #tpu.memory_space<hbm>>) target(%arg5 : memref<100000xf32, #tpu.memory_space<vmem>>) target_semaphore(%arg9 : memref<!tpu.dma_semaphore, #tpu.memory_space<semaphore_mem>>)
    %dma_start3A_588 = arith.constant 0 : i32
    %dma_start3A_589 = tpu.memref_slice %arg4[%add3A_503, %dma_start3A_588] : memref<832x4096xf32, #tpu.memory_space<hbm>> -> memref<1x4096xf32, #tpu.memory_space<hbm>>
    %dma_start3A_590 = tpu.memref_squeeze %dma_start3A_589 : memref<1x4096xf32, #tpu.memory_space<hbm>> -> memref<4096xf32, #tpu.memory_space<hbm>>
    %dma_start3A_591 = arith.constant 0 : i32
    %dma_start3A_592 = tpu.memref_slice %arg4[%add3A_503, %dma_start3A_591] : memref<832x4096xf32, #tpu.memory_space<hbm>> -> memref<1x4096xf32, #tpu.memory_space<hbm>>
    %dma_start3A_593 = tpu.memref_squeeze %dma_start3A_592 : memref<1x4096xf32, #tpu.memory_space<hbm>> -> memref<4096xf32, #tpu.memory_space<hbm>>
    tpu.enqueue_dma source(%arg7 : memref<4096xf32, #tpu.memory_space<vmem>>) target(%dma_start3A_593 : memref<4096xf32, #tpu.memory_space<hbm>>) target_semaphore(%arg10 : memref<!tpu.dma_semaphore, #tpu.memory_space<semaphore_mem>>)
    %add3A_594 = arith.constant 7 : i32
    %add3A_595 = arith.addi %mul3A_2, %add3A_594 : i32
    %add3A_596 = arith.constant 7 : i32
    %add3A_597 = arith.addi %mul3A_2, %add3A_596 : i32
    %jit3A_598 = arith.constant 32 : i32
    %div3A_599 = arith.divsi %add3A_597, %jit3A_598 : i32
    %sign3A_600 = arith.constant 0 : i32
    %sign3A_601 = arith.cmpi sgt, %add3A_597, %sign3A_600 : i32
    %sign3A_602 = arith.extui %sign3A_601 : i1 to i32
    %sign3A_603 = arith.constant 0 : i32
    %sign3A_604 = arith.cmpi slt, %add3A_597, %sign3A_603 : i32
    %sign3A_605 = arith.extui %sign3A_604 : i1 to i32
    %sign3A_606 = arith.subi %sign3A_602, %sign3A_605 : i32
    %sign3A_607 = arith.constant 0 : i32
    %sign3A_608 = arith.cmpi sgt, %jit3A_598, %sign3A_607 : i32
    %sign3A_609 = arith.extui %sign3A_608 : i1 to i32
    %sign3A_610 = arith.constant 0 : i32
    %sign3A_611 = arith.cmpi slt, %jit3A_598, %sign3A_610 : i32
    %sign3A_612 = arith.extui %sign3A_611 : i1 to i32
    %sign3A_613 = arith.subi %sign3A_609, %sign3A_612 : i32
    %ne3A_614 = arith.cmpi ne, %sign3A_606, %sign3A_613 : i32
    %rem3A_615 = arith.remsi %add3A_597, %jit3A_598 : i32
    %ne3A_616 = arith.constant 0 : i32
    %ne3A_617 = arith.cmpi ne, %rem3A_615, %ne3A_616 : i32
    %and3A_618 = arith.andi %ne3A_614, %ne3A_617 : i1
    %sub3A_619 = arith.constant 1 : i32
    %sub3A_620 = arith.subi %div3A_599, %sub3A_619 : i32
    %select_n3A_621 = arith.select %and3A_618, %sub3A_620, %div3A_599 : i32
    %add3A_622 = arith.constant 7 : i32
    %add3A_623 = arith.addi %mul3A_2, %add3A_622 : i32
    %sub3A_624 = arith.constant 1 : i32
    %sub3A_625 = arith.subi %add3A_623, %sub3A_624 : i32
    %jit3A_626 = arith.constant 32 : i32
    %div3A_627 = arith.divsi %sub3A_625, %jit3A_626 : i32
    %sign3A_628 = arith.constant 0 : i32
    %sign3A_629 = arith.cmpi sgt, %sub3A_625, %sign3A_628 : i32
    %sign3A_630 = arith.extui %sign3A_629 : i1 to i32
    %sign3A_631 = arith.constant 0 : i32
    %sign3A_632 = arith.cmpi slt, %sub3A_625, %sign3A_631 : i32
    %sign3A_633 = arith.extui %sign3A_632 : i1 to i32
    %sign3A_634 = arith.subi %sign3A_630, %sign3A_633 : i32
    %sign3A_635 = arith.constant 0 : i32
    %sign3A_636 = arith.cmpi sgt, %jit3A_626, %sign3A_635 : i32
    %sign3A_637 = arith.extui %sign3A_636 : i1 to i32
    %sign3A_638 = arith.constant 0 : i32
    %sign3A_639 = arith.cmpi slt, %jit3A_626, %sign3A_638 : i32
    %sign3A_640 = arith.extui %sign3A_639 : i1 to i32
    %sign3A_641 = arith.subi %sign3A_637, %sign3A_640 : i32
    %ne3A_642 = arith.cmpi ne, %sign3A_634, %sign3A_641 : i32
    %rem3A_643 = arith.remsi %sub3A_625, %jit3A_626 : i32
    %ne3A_644 = arith.constant 0 : i32
    %ne3A_645 = arith.cmpi ne, %rem3A_643, %ne3A_644 : i32
    %and3A_646 = arith.andi %ne3A_642, %ne3A_645 : i1
    %sub3A_647 = arith.constant 1 : i32
    %sub3A_648 = arith.subi %div3A_627, %sub3A_647 : i32
    %select_n3A_649 = arith.select %and3A_646, %sub3A_648, %div3A_627 : i32
    %ne3A_650 = arith.cmpi ne, %select_n3A_621, %select_n3A_649 : i32
    %convert_element_type3A_651 = arith.extui %ne3A_650 : i1 to i32
    %cond3A_652 = arith.constant 0 : i32
    %cond3A_653 = arith.cmpi ne, %convert_element_type3A_651, %cond3A_652 : i32
    scf.if %cond3A_653 {
      %jit3A_2346 = arith.constant 32 : i32
      %div3A_2347 = arith.divsi %add3A_595, %jit3A_2346 : i32
      %sign3A_2348 = arith.constant 0 : i32
      %sign3A_2349 = arith.cmpi sgt, %add3A_595, %sign3A_2348 : i32
      %sign3A_2350 = arith.extui %sign3A_2349 : i1 to i32
      %sign3A_2351 = arith.constant 0 : i32
      %sign3A_2352 = arith.cmpi slt, %add3A_595, %sign3A_2351 : i32
      %sign3A_2353 = arith.extui %sign3A_2352 : i1 to i32
      %sign3A_2354 = arith.subi %sign3A_2350, %sign3A_2353 : i32
      %sign3A_2355 = arith.constant 0 : i32
      %sign3A_2356 = arith.cmpi sgt, %jit3A_2346, %sign3A_2355 : i32
      %sign3A_2357 = arith.extui %sign3A_2356 : i1 to i32
      %sign3A_2358 = arith.constant 0 : i32
      %sign3A_2359 = arith.cmpi slt, %jit3A_2346, %sign3A_2358 : i32
      %sign3A_2360 = arith.extui %sign3A_2359 : i1 to i32
      %sign3A_2361 = arith.subi %sign3A_2357, %sign3A_2360 : i32
      %ne3A_2362 = arith.cmpi ne, %sign3A_2354, %sign3A_2361 : i32
      %rem3A_2363 = arith.remsi %add3A_595, %jit3A_2346 : i32
      %ne3A_2364 = arith.constant 0 : i32
      %ne3A_2365 = arith.cmpi ne, %rem3A_2363, %ne3A_2364 : i32
      %and3A_2366 = arith.andi %ne3A_2362, %ne3A_2365 : i1
      %sub3A_2367 = arith.constant 1 : i32
      %sub3A_2368 = arith.subi %div3A_2347, %sub3A_2367 : i32
      %select_n3A_2369 = arith.select %and3A_2366, %sub3A_2368, %div3A_2347 : i32
      "tpu.region"() ({
        %run_scoped3A = tpu.sem_alloc : memref<!tpu.dma_semaphore, #tpu.memory_space<semaphore_mem>>
        %dma_start3A_2370 = arith.constant 0 : i32
        %dma_start3A_2371 = tpu.memref_slice %arg3[%select_n3A_2369, %dma_start3A_2370] : memref<26x4096xi32, #tpu.memory_space<hbm>> -> memref<1x4096xi32, #tpu.memory_space<hbm>>
        %dma_start3A_2372 = tpu.memref_squeeze %dma_start3A_2371 : memref<1x4096xi32, #tpu.memory_space<hbm>> -> memref<4096xi32, #tpu.memory_space<hbm>>
        %dma_start3A_2373 = arith.constant 0 : i32
        %dma_start3A_2374 = tpu.memref_slice %arg3[%select_n3A_2369, %dma_start3A_2373] : memref<26x4096xi32, #tpu.memory_space<hbm>> -> memref<1x4096xi32, #tpu.memory_space<hbm>>
        %dma_start3A_2375 = tpu.memref_squeeze %dma_start3A_2374 : memref<1x4096xi32, #tpu.memory_space<hbm>> -> memref<4096xi32, #tpu.memory_space<hbm>>
        tpu.enqueue_dma source(%dma_start3A_2375 : memref<4096xi32, #tpu.memory_space<hbm>>) target(%arg6 : memref<4096xi32, #tpu.memory_space<vmem>>) target_semaphore(%run_scoped3A : memref<!tpu.dma_semaphore, #tpu.memory_space<semaphore_mem>>)
        %dma_wait3A_2376 = arith.constant 0 : i32
        %dma_wait3A_2377 = tpu.memref_slice %arg3[%select_n3A_2369, %dma_wait3A_2376] : memref<26x4096xi32, #tpu.memory_space<hbm>> -> memref<1x4096xi32, #tpu.memory_space<hbm>>
        %dma_wait3A_2378 = tpu.memref_squeeze %dma_wait3A_2377 : memref<1x4096xi32, #tpu.memory_space<hbm>> -> memref<4096xi32, #tpu.memory_space<hbm>>
        %dma_wait3A_2379 = arith.constant 0 : i32
        %dma_wait3A_2380 = tpu.memref_slice %arg3[%select_n3A_2369, %dma_wait3A_2379] : memref<26x4096xi32, #tpu.memory_space<hbm>> -> memref<1x4096xi32, #tpu.memory_space<hbm>>
        %dma_wait3A_2381 = tpu.memref_squeeze %dma_wait3A_2380 : memref<1x4096xi32, #tpu.memory_space<hbm>> -> memref<4096xi32, #tpu.memory_space<hbm>>
        tpu.wait_dma2 semaphore(%run_scoped3A : memref<!tpu.dma_semaphore, #tpu.memory_space<semaphore_mem>>) src(%dma_wait3A_2381 : memref<4096xi32, #tpu.memory_space<hbm>>) dst(%arg6 : memref<4096xi32, #tpu.memory_space<vmem>>)
        tpu.yield
      }) : () -> ()
    } else {
    }
    %dma_wait3A_654 = arith.constant 0 : i32
    %dma_wait3A_655 = tpu.memref_slice %arg2[%add3A_581, %dma_wait3A_654] : memref<832x100000xf32, #tpu.memory_space<hbm>> -> memref<1x100000xf32, #tpu.memory_space<hbm>>
    %dma_wait3A_656 = tpu.memref_squeeze %dma_wait3A_655 : memref<1x100000xf32, #tpu.memory_space<hbm>> -> memref<100000xf32, #tpu.memory_space<hbm>>
    %dma_wait3A_657 = arith.constant 0 : i32
    %dma_wait3A_658 = tpu.memref_slice %arg2[%add3A_581, %dma_wait3A_657] : memref<832x100000xf32, #tpu.memory_space<hbm>> -> memref<1x100000xf32, #tpu.memory_space<hbm>>
    %dma_wait3A_659 = tpu.memref_squeeze %dma_wait3A_658 : memref<1x100000xf32, #tpu.memory_space<hbm>> -> memref<100000xf32, #tpu.memory_space<hbm>>
    tpu.wait_dma2 semaphore(%arg9 : memref<!tpu.dma_semaphore, #tpu.memory_space<semaphore_mem>>) src(%dma_wait3A_659 : memref<100000xf32, #tpu.memory_space<hbm>>) dst(%arg5 : memref<100000xf32, #tpu.memory_space<vmem>>)
    %dma_wait3A_660 = arith.constant 0 : i32
    %dma_wait3A_661 = tpu.memref_slice %arg4[%add3A_411, %dma_wait3A_660] : memref<832x4096xf32, #tpu.memory_space<hbm>> -> memref<1x4096xf32, #tpu.memory_space<hbm>>
    %dma_wait3A_662 = tpu.memref_squeeze %dma_wait3A_661 : memref<1x4096xf32, #tpu.memory_space<hbm>> -> memref<4096xf32, #tpu.memory_space<hbm>>
    %dma_wait3A_663 = arith.constant 0 : i32
    %dma_wait3A_664 = tpu.memref_slice %arg4[%add3A_411, %dma_wait3A_663] : memref<832x4096xf32, #tpu.memory_space<hbm>> -> memref<1x4096xf32, #tpu.memory_space<hbm>>
    %dma_wait3A_665 = tpu.memref_squeeze %dma_wait3A_664 : memref<1x4096xf32, #tpu.memory_space<hbm>> -> memref<4096xf32, #tpu.memory_space<hbm>>
    tpu.wait_dma2 semaphore(%arg11 : memref<!tpu.dma_semaphore, #tpu.memory_space<semaphore_mem>>) src(%arg8 : memref<4096xf32, #tpu.memory_space<vmem>>) dst(%dma_wait3A_665 : memref<4096xf32, #tpu.memory_space<hbm>>)
    %scan3A_666 = arith.constant 0 : i32
    %scan3A_667 = arith.constant 0 : i32
    %scan3A_668 = arith.constant 256 : i32
    %scan3A_669 = arith.addi %scan3A_667, %scan3A_668 : i32
    %scan3A_670 = arith.constant 1 : i32
    scf.for %scan3A_2346 = %scan3A_667 to %scan3A_669 step %scan3A_670  : i32 {
      %mul3A_2347 = arith.constant 16 : i32
      %mul3A_2348 = arith.muli %scan3A_2346, %mul3A_2347 : i32
      %multiple_of3A = tpu.assume_multiple %mul3A_2348, 16 : i32
      %get3A = arith.index_cast %multiple_of3A : i32 to index
      %get3A_2349 = tpu.vector_load %arg6[%get3A] {strides = array<i32>} : memref<4096xi32, #tpu.memory_space<vmem>>, vector<16xi32>,
      %gather3A = tpu.vector_load_idx %arg5[%get3A_2349] : memref<100000xf32, #tpu.memory_space<vmem>>[vector<16xi32>], vector<16xf32>,
      %swap3A = arith.index_cast %multiple_of3A : i32 to index
      %swap3A_2350 = tpu.vector_load %arg8[%swap3A] {strides = array<i32>} : memref<4096xf32, #tpu.memory_space<vmem>>, vector<16xf32>,
      tpu.vector_store %arg8[%swap3A], %gather3A {strides = array<i32>} : memref<4096xf32, #tpu.memory_space<vmem>>, vector<16xf32>,
    }
    %scan3A_671 = arith.constant 256 : i32
    %add3A_672 = arith.constant 1 : i32
    %add3A_673 = arith.addi %add3A_595, %add3A_672 : i32
    %dma_start3A_674 = arith.constant 0 : i32
    %dma_start3A_675 = tpu.memref_slice %arg2[%add3A_673, %dma_start3A_674] : memref<832x100000xf32, #tpu.memory_space<hbm>> -> memref<1x100000xf32, #tpu.memory_space<hbm>>
    %dma_start3A_676 = tpu.memref_squeeze %dma_start3A_675 : memref<1x100000xf32, #tpu.memory_space<hbm>> -> memref<100000xf32, #tpu.memory_space<hbm>>
    %dma_start3A_677 = arith.constant 0 : i32
    %dma_start3A_678 = tpu.memref_slice %arg2[%add3A_673, %dma_start3A_677] : memref<832x100000xf32, #tpu.memory_space<hbm>> -> memref<1x100000xf32, #tpu.memory_space<hbm>>
    %dma_start3A_679 = tpu.memref_squeeze %dma_start3A_678 : memref<1x100000xf32, #tpu.memory_space<hbm>> -> memref<100000xf32, #tpu.memory_space<hbm>>
    tpu.enqueue_dma source(%dma_start3A_679 : memref<100000xf32, #tpu.memory_space<hbm>>) target(%arg5 : memref<100000xf32, #tpu.memory_space<vmem>>) target_semaphore(%arg9 : memref<!tpu.dma_semaphore, #tpu.memory_space<semaphore_mem>>)
    %dma_start3A_680 = arith.constant 0 : i32
    %dma_start3A_681 = tpu.memref_slice %arg4[%add3A_595, %dma_start3A_680] : memref<832x4096xf32, #tpu.memory_space<hbm>> -> memref<1x4096xf32, #tpu.memory_space<hbm>>
    %dma_start3A_682 = tpu.memref_squeeze %dma_start3A_681 : memref<1x4096xf32, #tpu.memory_space<hbm>> -> memref<4096xf32, #tpu.memory_space<hbm>>
    %dma_start3A_683 = arith.constant 0 : i32
    %dma_start3A_684 = tpu.memref_slice %arg4[%add3A_595, %dma_start3A_683] : memref<832x4096xf32, #tpu.memory_space<hbm>> -> memref<1x4096xf32, #tpu.memory_space<hbm>>
    %dma_start3A_685 = tpu.memref_squeeze %dma_start3A_684 : memref<1x4096xf32, #tpu.memory_space<hbm>> -> memref<4096xf32, #tpu.memory_space<hbm>>
    tpu.enqueue_dma source(%arg8 : memref<4096xf32, #tpu.memory_space<vmem>>) target(%dma_start3A_685 : memref<4096xf32, #tpu.memory_space<hbm>>) target_semaphore(%arg11 : memref<!tpu.dma_semaphore, #tpu.memory_space<semaphore_mem>>)
    %add3A_686 = arith.constant 8 : i32
    %add3A_687 = arith.addi %mul3A_2, %add3A_686 : i32
    %add3A_688 = arith.constant 8 : i32
    %add3A_689 = arith.addi %mul3A_2, %add3A_688 : i32
    %jit3A_690 = arith.constant 32 : i32
    %div3A_691 = arith.divsi %add3A_689, %jit3A_690 : i32
    %sign3A_692 = arith.constant 0 : i32
    %sign3A_693 = arith.cmpi sgt, %add3A_689, %sign3A_692 : i32
    %sign3A_694 = arith.extui %sign3A_693 : i1 to i32
    %sign3A_695 = arith.constant 0 : i32
    %sign3A_696 = arith.cmpi slt, %add3A_689, %sign3A_695 : i32
    %sign3A_697 = arith.extui %sign3A_696 : i1 to i32
    %sign3A_698 = arith.subi %sign3A_694, %sign3A_697 : i32
    %sign3A_699 = arith.constant 0 : i32
    %sign3A_700 = arith.cmpi sgt, %jit3A_690, %sign3A_699 : i32
    %sign3A_701 = arith.extui %sign3A_700 : i1 to i32
    %sign3A_702 = arith.constant 0 : i32
    %sign3A_703 = arith.cmpi slt, %jit3A_690, %sign3A_702 : i32
    %sign3A_704 = arith.extui %sign3A_703 : i1 to i32
    %sign3A_705 = arith.subi %sign3A_701, %sign3A_704 : i32
    %ne3A_706 = arith.cmpi ne, %sign3A_698, %sign3A_705 : i32
    %rem3A_707 = arith.remsi %add3A_689, %jit3A_690 : i32
    %ne3A_708 = arith.constant 0 : i32
    %ne3A_709 = arith.cmpi ne, %rem3A_707, %ne3A_708 : i32
    %and3A_710 = arith.andi %ne3A_706, %ne3A_709 : i1
    %sub3A_711 = arith.constant 1 : i32
    %sub3A_712 = arith.subi %div3A_691, %sub3A_711 : i32
    %select_n3A_713 = arith.select %and3A_710, %sub3A_712, %div3A_691 : i32
    %add3A_714 = arith.constant 8 : i32
    %add3A_715 = arith.addi %mul3A_2, %add3A_714 : i32
    %sub3A_716 = arith.constant 1 : i32
    %sub3A_717 = arith.subi %add3A_715, %sub3A_716 : i32
    %jit3A_718 = arith.constant 32 : i32
    %div3A_719 = arith.divsi %sub3A_717, %jit3A_718 : i32
    %sign3A_720 = arith.constant 0 : i32
    %sign3A_721 = arith.cmpi sgt, %sub3A_717, %sign3A_720 : i32
    %sign3A_722 = arith.extui %sign3A_721 : i1 to i32
    %sign3A_723 = arith.constant 0 : i32
    %sign3A_724 = arith.cmpi slt, %sub3A_717, %sign3A_723 : i32
    %sign3A_725 = arith.extui %sign3A_724 : i1 to i32
    %sign3A_726 = arith.subi %sign3A_722, %sign3A_725 : i32
    %sign3A_727 = arith.constant 0 : i32
    %sign3A_728 = arith.cmpi sgt, %jit3A_718, %sign3A_727 : i32
    %sign3A_729 = arith.extui %sign3A_728 : i1 to i32
    %sign3A_730 = arith.constant 0 : i32
    %sign3A_731 = arith.cmpi slt, %jit3A_718, %sign3A_730 : i32
    %sign3A_732 = arith.extui %sign3A_731 : i1 to i32
    %sign3A_733 = arith.subi %sign3A_729, %sign3A_732 : i32
    %ne3A_734 = arith.cmpi ne, %sign3A_726, %sign3A_733 : i32
    %rem3A_735 = arith.remsi %sub3A_717, %jit3A_718 : i32
    %ne3A_736 = arith.constant 0 : i32
    %ne3A_737 = arith.cmpi ne, %rem3A_735, %ne3A_736 : i32
    %and3A_738 = arith.andi %ne3A_734, %ne3A_737 : i1
    %sub3A_739 = arith.constant 1 : i32
    %sub3A_740 = arith.subi %div3A_719, %sub3A_739 : i32
    %select_n3A_741 = arith.select %and3A_738, %sub3A_740, %div3A_719 : i32
    %ne3A_742 = arith.cmpi ne, %select_n3A_713, %select_n3A_741 : i32
    %convert_element_type3A_743 = arith.extui %ne3A_742 : i1 to i32
    %cond3A_744 = arith.constant 0 : i32
    %cond3A_745 = arith.cmpi ne, %convert_element_type3A_743, %cond3A_744 : i32
    scf.if %cond3A_745 {
      %jit3A_2346 = arith.constant 32 : i32
      %div3A_2347 = arith.divsi %add3A_687, %jit3A_2346 : i32
      %sign3A_2348 = arith.constant 0 : i32
      %sign3A_2349 = arith.cmpi sgt, %add3A_687, %sign3A_2348 : i32
      %sign3A_2350 = arith.extui %sign3A_2349 : i1 to i32
      %sign3A_2351 = arith.constant 0 : i32
      %sign3A_2352 = arith.cmpi slt, %add3A_687, %sign3A_2351 : i32
      %sign3A_2353 = arith.extui %sign3A_2352 : i1 to i32
      %sign3A_2354 = arith.subi %sign3A_2350, %sign3A_2353 : i32
      %sign3A_2355 = arith.constant 0 : i32
      %sign3A_2356 = arith.cmpi sgt, %jit3A_2346, %sign3A_2355 : i32
      %sign3A_2357 = arith.extui %sign3A_2356 : i1 to i32
      %sign3A_2358 = arith.constant 0 : i32
      %sign3A_2359 = arith.cmpi slt, %jit3A_2346, %sign3A_2358 : i32
      %sign3A_2360 = arith.extui %sign3A_2359 : i1 to i32
      %sign3A_2361 = arith.subi %sign3A_2357, %sign3A_2360 : i32
      %ne3A_2362 = arith.cmpi ne, %sign3A_2354, %sign3A_2361 : i32
      %rem3A_2363 = arith.remsi %add3A_687, %jit3A_2346 : i32
      %ne3A_2364 = arith.constant 0 : i32
      %ne3A_2365 = arith.cmpi ne, %rem3A_2363, %ne3A_2364 : i32
      %and3A_2366 = arith.andi %ne3A_2362, %ne3A_2365 : i1
      %sub3A_2367 = arith.constant 1 : i32
      %sub3A_2368 = arith.subi %div3A_2347, %sub3A_2367 : i32
      %select_n3A_2369 = arith.select %and3A_2366, %sub3A_2368, %div3A_2347 : i32
      "tpu.region"() ({
        %run_scoped3A = tpu.sem_alloc : memref<!tpu.dma_semaphore, #tpu.memory_space<semaphore_mem>>
        %dma_start3A_2370 = arith.constant 0 : i32
        %dma_start3A_2371 = tpu.memref_slice %arg3[%select_n3A_2369, %dma_start3A_2370] : memref<26x4096xi32, #tpu.memory_space<hbm>> -> memref<1x4096xi32, #tpu.memory_space<hbm>>
        %dma_start3A_2372 = tpu.memref_squeeze %dma_start3A_2371 : memref<1x4096xi32, #tpu.memory_space<hbm>> -> memref<4096xi32, #tpu.memory_space<hbm>>
        %dma_start3A_2373 = arith.constant 0 : i32
        %dma_start3A_2374 = tpu.memref_slice %arg3[%select_n3A_2369, %dma_start3A_2373] : memref<26x4096xi32, #tpu.memory_space<hbm>> -> memref<1x4096xi32, #tpu.memory_space<hbm>>
        %dma_start3A_2375 = tpu.memref_squeeze %dma_start3A_2374 : memref<1x4096xi32, #tpu.memory_space<hbm>> -> memref<4096xi32, #tpu.memory_space<hbm>>
        tpu.enqueue_dma source(%dma_start3A_2375 : memref<4096xi32, #tpu.memory_space<hbm>>) target(%arg6 : memref<4096xi32, #tpu.memory_space<vmem>>) target_semaphore(%run_scoped3A : memref<!tpu.dma_semaphore, #tpu.memory_space<semaphore_mem>>)
        %dma_wait3A_2376 = arith.constant 0 : i32
        %dma_wait3A_2377 = tpu.memref_slice %arg3[%select_n3A_2369, %dma_wait3A_2376] : memref<26x4096xi32, #tpu.memory_space<hbm>> -> memref<1x4096xi32, #tpu.memory_space<hbm>>
        %dma_wait3A_2378 = tpu.memref_squeeze %dma_wait3A_2377 : memref<1x4096xi32, #tpu.memory_space<hbm>> -> memref<4096xi32, #tpu.memory_space<hbm>>
        %dma_wait3A_2379 = arith.constant 0 : i32
        %dma_wait3A_2380 = tpu.memref_slice %arg3[%select_n3A_2369, %dma_wait3A_2379] : memref<26x4096xi32, #tpu.memory_space<hbm>> -> memref<1x4096xi32, #tpu.memory_space<hbm>>
        %dma_wait3A_2381 = tpu.memref_squeeze %dma_wait3A_2380 : memref<1x4096xi32, #tpu.memory_space<hbm>> -> memref<4096xi32, #tpu.memory_space<hbm>>
        tpu.wait_dma2 semaphore(%run_scoped3A : memref<!tpu.dma_semaphore, #tpu.memory_space<semaphore_mem>>) src(%dma_wait3A_2381 : memref<4096xi32, #tpu.memory_space<hbm>>) dst(%arg6 : memref<4096xi32, #tpu.memory_space<vmem>>)
        tpu.yield
      }) : () -> ()
    } else {
    }
    %dma_wait3A_746 = arith.constant 0 : i32
    %dma_wait3A_747 = tpu.memref_slice %arg2[%add3A_673, %dma_wait3A_746] : memref<832x100000xf32, #tpu.memory_space<hbm>> -> memref<1x100000xf32, #tpu.memory_space<hbm>>
    %dma_wait3A_748 = tpu.memref_squeeze %dma_wait3A_747 : memref<1x100000xf32, #tpu.memory_space<hbm>> -> memref<100000xf32, #tpu.memory_space<hbm>>
    %dma_wait3A_749 = arith.constant 0 : i32
    %dma_wait3A_750 = tpu.memref_slice %arg2[%add3A_673, %dma_wait3A_749] : memref<832x100000xf32, #tpu.memory_space<hbm>> -> memref<1x100000xf32, #tpu.memory_space<hbm>>
    %dma_wait3A_751 = tpu.memref_squeeze %dma_wait3A_750 : memref<1x100000xf32, #tpu.memory_space<hbm>> -> memref<100000xf32, #tpu.memory_space<hbm>>
    tpu.wait_dma2 semaphore(%arg9 : memref<!tpu.dma_semaphore, #tpu.memory_space<semaphore_mem>>) src(%dma_wait3A_751 : memref<100000xf32, #tpu.memory_space<hbm>>) dst(%arg5 : memref<100000xf32, #tpu.memory_space<vmem>>)
    %dma_wait3A_752 = arith.constant 0 : i32
    %dma_wait3A_753 = tpu.memref_slice %arg4[%add3A_503, %dma_wait3A_752] : memref<832x4096xf32, #tpu.memory_space<hbm>> -> memref<1x4096xf32, #tpu.memory_space<hbm>>
    %dma_wait3A_754 = tpu.memref_squeeze %dma_wait3A_753 : memref<1x4096xf32, #tpu.memory_space<hbm>> -> memref<4096xf32, #tpu.memory_space<hbm>>
    %dma_wait3A_755 = arith.constant 0 : i32
    %dma_wait3A_756 = tpu.memref_slice %arg4[%add3A_503, %dma_wait3A_755] : memref<832x4096xf32, #tpu.memory_space<hbm>> -> memref<1x4096xf32, #tpu.memory_space<hbm>>
    %dma_wait3A_757 = tpu.memref_squeeze %dma_wait3A_756 : memref<1x4096xf32, #tpu.memory_space<hbm>> -> memref<4096xf32, #tpu.memory_space<hbm>>
    tpu.wait_dma2 semaphore(%arg10 : memref<!tpu.dma_semaphore, #tpu.memory_space<semaphore_mem>>) src(%arg7 : memref<4096xf32, #tpu.memory_space<vmem>>) dst(%dma_wait3A_757 : memref<4096xf32, #tpu.memory_space<hbm>>)
    %scan3A_758 = arith.constant 0 : i32
    %scan3A_759 = arith.constant 0 : i32
    %scan3A_760 = arith.constant 256 : i32
    %scan3A_761 = arith.addi %scan3A_759, %scan3A_760 : i32
    %scan3A_762 = arith.constant 1 : i32
    scf.for %scan3A_2346 = %scan3A_759 to %scan3A_761 step %scan3A_762  : i32 {
      %mul3A_2347 = arith.constant 16 : i32
      %mul3A_2348 = arith.muli %scan3A_2346, %mul3A_2347 : i32
      %multiple_of3A = tpu.assume_multiple %mul3A_2348, 16 : i32
      %get3A = arith.index_cast %multiple_of3A : i32 to index
      %get3A_2349 = tpu.vector_load %arg6[%get3A] {strides = array<i32>} : memref<4096xi32, #tpu.memory_space<vmem>>, vector<16xi32>,
      %gather3A = tpu.vector_load_idx %arg5[%get3A_2349] : memref<100000xf32, #tpu.memory_space<vmem>>[vector<16xi32>], vector<16xf32>,
      %swap3A = arith.index_cast %multiple_of3A : i32 to index
      %swap3A_2350 = tpu.vector_load %arg7[%swap3A] {strides = array<i32>} : memref<4096xf32, #tpu.memory_space<vmem>>, vector<16xf32>,
      tpu.vector_store %arg7[%swap3A], %gather3A {strides = array<i32>} : memref<4096xf32, #tpu.memory_space<vmem>>, vector<16xf32>,
    }
    %scan3A_763 = arith.constant 256 : i32
    %add3A_764 = arith.constant 1 : i32
    %add3A_765 = arith.addi %add3A_687, %add3A_764 : i32
    %dma_start3A_766 = arith.constant 0 : i32
    %dma_start3A_767 = tpu.memref_slice %arg2[%add3A_765, %dma_start3A_766] : memref<832x100000xf32, #tpu.memory_space<hbm>> -> memref<1x100000xf32, #tpu.memory_space<hbm>>
    %dma_start3A_768 = tpu.memref_squeeze %dma_start3A_767 : memref<1x100000xf32, #tpu.memory_space<hbm>> -> memref<100000xf32, #tpu.memory_space<hbm>>
    %dma_start3A_769 = arith.constant 0 : i32
    %dma_start3A_770 = tpu.memref_slice %arg2[%add3A_765, %dma_start3A_769] : memref<832x100000xf32, #tpu.memory_space<hbm>> -> memref<1x100000xf32, #tpu.memory_space<hbm>>
    %dma_start3A_771 = tpu.memref_squeeze %dma_start3A_770 : memref<1x100000xf32, #tpu.memory_space<hbm>> -> memref<100000xf32, #tpu.memory_space<hbm>>
    tpu.enqueue_dma source(%dma_start3A_771 : memref<100000xf32, #tpu.memory_space<hbm>>) target(%arg5 : memref<100000xf32, #tpu.memory_space<vmem>>) target_semaphore(%arg9 : memref<!tpu.dma_semaphore, #tpu.memory_space<semaphore_mem>>)
    %dma_start3A_772 = arith.constant 0 : i32
    %dma_start3A_773 = tpu.memref_slice %arg4[%add3A_687, %dma_start3A_772] : memref<832x4096xf32, #tpu.memory_space<hbm>> -> memref<1x4096xf32, #tpu.memory_space<hbm>>
    %dma_start3A_774 = tpu.memref_squeeze %dma_start3A_773 : memref<1x4096xf32, #tpu.memory_space<hbm>> -> memref<4096xf32, #tpu.memory_space<hbm>>
    %dma_start3A_775 = arith.constant 0 : i32
    %dma_start3A_776 = tpu.memref_slice %arg4[%add3A_687, %dma_start3A_775] : memref<832x4096xf32, #tpu.memory_space<hbm>> -> memref<1x4096xf32, #tpu.memory_space<hbm>>
    %dma_start3A_777 = tpu.memref_squeeze %dma_start3A_776 : memref<1x4096xf32, #tpu.memory_space<hbm>> -> memref<4096xf32, #tpu.memory_space<hbm>>
    tpu.enqueue_dma source(%arg7 : memref<4096xf32, #tpu.memory_space<vmem>>) target(%dma_start3A_777 : memref<4096xf32, #tpu.memory_space<hbm>>) target_semaphore(%arg10 : memref<!tpu.dma_semaphore, #tpu.memory_space<semaphore_mem>>)
    %add3A_778 = arith.constant 9 : i32
    %add3A_779 = arith.addi %mul3A_2, %add3A_778 : i32
    %add3A_780 = arith.constant 9 : i32
    %add3A_781 = arith.addi %mul3A_2, %add3A_780 : i32
    %jit3A_782 = arith.constant 32 : i32
    %div3A_783 = arith.divsi %add3A_781, %jit3A_782 : i32
    %sign3A_784 = arith.constant 0 : i32
    %sign3A_785 = arith.cmpi sgt, %add3A_781, %sign3A_784 : i32
    %sign3A_786 = arith.extui %sign3A_785 : i1 to i32
    %sign3A_787 = arith.constant 0 : i32
    %sign3A_788 = arith.cmpi slt, %add3A_781, %sign3A_787 : i32
    %sign3A_789 = arith.extui %sign3A_788 : i1 to i32
    %sign3A_790 = arith.subi %sign3A_786, %sign3A_789 : i32
    %sign3A_791 = arith.constant 0 : i32
    %sign3A_792 = arith.cmpi sgt, %jit3A_782, %sign3A_791 : i32
    %sign3A_793 = arith.extui %sign3A_792 : i1 to i32
    %sign3A_794 = arith.constant 0 : i32
    %sign3A_795 = arith.cmpi slt, %jit3A_782, %sign3A_794 : i32
    %sign3A_796 = arith.extui %sign3A_795 : i1 to i32
    %sign3A_797 = arith.subi %sign3A_793, %sign3A_796 : i32
    %ne3A_798 = arith.cmpi ne, %sign3A_790, %sign3A_797 : i32
    %rem3A_799 = arith.remsi %add3A_781, %jit3A_782 : i32
    %ne3A_800 = arith.constant 0 : i32
    %ne3A_801 = arith.cmpi ne, %rem3A_799, %ne3A_800 : i32
    %and3A_802 = arith.andi %ne3A_798, %ne3A_801 : i1
    %sub3A_803 = arith.constant 1 : i32
    %sub3A_804 = arith.subi %div3A_783, %sub3A_803 : i32
    %select_n3A_805 = arith.select %and3A_802, %sub3A_804, %div3A_783 : i32
    %add3A_806 = arith.constant 9 : i32
    %add3A_807 = arith.addi %mul3A_2, %add3A_806 : i32
    %sub3A_808 = arith.constant 1 : i32
    %sub3A_809 = arith.subi %add3A_807, %sub3A_808 : i32
    %jit3A_810 = arith.constant 32 : i32
    %div3A_811 = arith.divsi %sub3A_809, %jit3A_810 : i32
    %sign3A_812 = arith.constant 0 : i32
    %sign3A_813 = arith.cmpi sgt, %sub3A_809, %sign3A_812 : i32
    %sign3A_814 = arith.extui %sign3A_813 : i1 to i32
    %sign3A_815 = arith.constant 0 : i32
    %sign3A_816 = arith.cmpi slt, %sub3A_809, %sign3A_815 : i32
    %sign3A_817 = arith.extui %sign3A_816 : i1 to i32
    %sign3A_818 = arith.subi %sign3A_814, %sign3A_817 : i32
    %sign3A_819 = arith.constant 0 : i32
    %sign3A_820 = arith.cmpi sgt, %jit3A_810, %sign3A_819 : i32
    %sign3A_821 = arith.extui %sign3A_820 : i1 to i32
    %sign3A_822 = arith.constant 0 : i32
    %sign3A_823 = arith.cmpi slt, %jit3A_810, %sign3A_822 : i32
    %sign3A_824 = arith.extui %sign3A_823 : i1 to i32
    %sign3A_825 = arith.subi %sign3A_821, %sign3A_824 : i32
    %ne3A_826 = arith.cmpi ne, %sign3A_818, %sign3A_825 : i32
    %rem3A_827 = arith.remsi %sub3A_809, %jit3A_810 : i32
    %ne3A_828 = arith.constant 0 : i32
    %ne3A_829 = arith.cmpi ne, %rem3A_827, %ne3A_828 : i32
    %and3A_830 = arith.andi %ne3A_826, %ne3A_829 : i1
    %sub3A_831 = arith.constant 1 : i32
    %sub3A_832 = arith.subi %div3A_811, %sub3A_831 : i32
    %select_n3A_833 = arith.select %and3A_830, %sub3A_832, %div3A_811 : i32
    %ne3A_834 = arith.cmpi ne, %select_n3A_805, %select_n3A_833 : i32
    %convert_element_type3A_835 = arith.extui %ne3A_834 : i1 to i32
    %cond3A_836 = arith.constant 0 : i32
    %cond3A_837 = arith.cmpi ne, %convert_element_type3A_835, %cond3A_836 : i32
    scf.if %cond3A_837 {
      %jit3A_2346 = arith.constant 32 : i32
      %div3A_2347 = arith.divsi %add3A_779, %jit3A_2346 : i32
      %sign3A_2348 = arith.constant 0 : i32
      %sign3A_2349 = arith.cmpi sgt, %add3A_779, %sign3A_2348 : i32
      %sign3A_2350 = arith.extui %sign3A_2349 : i1 to i32
      %sign3A_2351 = arith.constant 0 : i32
      %sign3A_2352 = arith.cmpi slt, %add3A_779, %sign3A_2351 : i32
      %sign3A_2353 = arith.extui %sign3A_2352 : i1 to i32
      %sign3A_2354 = arith.subi %sign3A_2350, %sign3A_2353 : i32
      %sign3A_2355 = arith.constant 0 : i32
      %sign3A_2356 = arith.cmpi sgt, %jit3A_2346, %sign3A_2355 : i32
      %sign3A_2357 = arith.extui %sign3A_2356 : i1 to i32
      %sign3A_2358 = arith.constant 0 : i32
      %sign3A_2359 = arith.cmpi slt, %jit3A_2346, %sign3A_2358 : i32
      %sign3A_2360 = arith.extui %sign3A_2359 : i1 to i32
      %sign3A_2361 = arith.subi %sign3A_2357, %sign3A_2360 : i32
      %ne3A_2362 = arith.cmpi ne, %sign3A_2354, %sign3A_2361 : i32
      %rem3A_2363 = arith.remsi %add3A_779, %jit3A_2346 : i32
      %ne3A_2364 = arith.constant 0 : i32
      %ne3A_2365 = arith.cmpi ne, %rem3A_2363, %ne3A_2364 : i32
      %and3A_2366 = arith.andi %ne3A_2362, %ne3A_2365 : i1
      %sub3A_2367 = arith.constant 1 : i32
      %sub3A_2368 = arith.subi %div3A_2347, %sub3A_2367 : i32
      %select_n3A_2369 = arith.select %and3A_2366, %sub3A_2368, %div3A_2347 : i32
      "tpu.region"() ({
        %run_scoped3A = tpu.sem_alloc : memref<!tpu.dma_semaphore, #tpu.memory_space<semaphore_mem>>
        %dma_start3A_2370 = arith.constant 0 : i32
        %dma_start3A_2371 = tpu.memref_slice %arg3[%select_n3A_2369, %dma_start3A_2370] : memref<26x4096xi32, #tpu.memory_space<hbm>> -> memref<1x4096xi32, #tpu.memory_space<hbm>>
        %dma_start3A_2372 = tpu.memref_squeeze %dma_start3A_2371 : memref<1x4096xi32, #tpu.memory_space<hbm>> -> memref<4096xi32, #tpu.memory_space<hbm>>
        %dma_start3A_2373 = arith.constant 0 : i32
        %dma_start3A_2374 = tpu.memref_slice %arg3[%select_n3A_2369, %dma_start3A_2373] : memref<26x4096xi32, #tpu.memory_space<hbm>> -> memref<1x4096xi32, #tpu.memory_space<hbm>>
        %dma_start3A_2375 = tpu.memref_squeeze %dma_start3A_2374 : memref<1x4096xi32, #tpu.memory_space<hbm>> -> memref<4096xi32, #tpu.memory_space<hbm>>
        tpu.enqueue_dma source(%dma_start3A_2375 : memref<4096xi32, #tpu.memory_space<hbm>>) target(%arg6 : memref<4096xi32, #tpu.memory_space<vmem>>) target_semaphore(%run_scoped3A : memref<!tpu.dma_semaphore, #tpu.memory_space<semaphore_mem>>)
        %dma_wait3A_2376 = arith.constant 0 : i32
        %dma_wait3A_2377 = tpu.memref_slice %arg3[%select_n3A_2369, %dma_wait3A_2376] : memref<26x4096xi32, #tpu.memory_space<hbm>> -> memref<1x4096xi32, #tpu.memory_space<hbm>>
        %dma_wait3A_2378 = tpu.memref_squeeze %dma_wait3A_2377 : memref<1x4096xi32, #tpu.memory_space<hbm>> -> memref<4096xi32, #tpu.memory_space<hbm>>
        %dma_wait3A_2379 = arith.constant 0 : i32
        %dma_wait3A_2380 = tpu.memref_slice %arg3[%select_n3A_2369, %dma_wait3A_2379] : memref<26x4096xi32, #tpu.memory_space<hbm>> -> memref<1x4096xi32, #tpu.memory_space<hbm>>
        %dma_wait3A_2381 = tpu.memref_squeeze %dma_wait3A_2380 : memref<1x4096xi32, #tpu.memory_space<hbm>> -> memref<4096xi32, #tpu.memory_space<hbm>>
        tpu.wait_dma2 semaphore(%run_scoped3A : memref<!tpu.dma_semaphore, #tpu.memory_space<semaphore_mem>>) src(%dma_wait3A_2381 : memref<4096xi32, #tpu.memory_space<hbm>>) dst(%arg6 : memref<4096xi32, #tpu.memory_space<vmem>>)
        tpu.yield
      }) : () -> ()
    } else {
    }
    %dma_wait3A_838 = arith.constant 0 : i32
    %dma_wait3A_839 = tpu.memref_slice %arg2[%add3A_765, %dma_wait3A_838] : memref<832x100000xf32, #tpu.memory_space<hbm>> -> memref<1x100000xf32, #tpu.memory_space<hbm>>
    %dma_wait3A_840 = tpu.memref_squeeze %dma_wait3A_839 : memref<1x100000xf32, #tpu.memory_space<hbm>> -> memref<100000xf32, #tpu.memory_space<hbm>>
    %dma_wait3A_841 = arith.constant 0 : i32
    %dma_wait3A_842 = tpu.memref_slice %arg2[%add3A_765, %dma_wait3A_841] : memref<832x100000xf32, #tpu.memory_space<hbm>> -> memref<1x100000xf32, #tpu.memory_space<hbm>>
    %dma_wait3A_843 = tpu.memref_squeeze %dma_wait3A_842 : memref<1x100000xf32, #tpu.memory_space<hbm>> -> memref<100000xf32, #tpu.memory_space<hbm>>
    tpu.wait_dma2 semaphore(%arg9 : memref<!tpu.dma_semaphore, #tpu.memory_space<semaphore_mem>>) src(%dma_wait3A_843 : memref<100000xf32, #tpu.memory_space<hbm>>) dst(%arg5 : memref<100000xf32, #tpu.memory_space<vmem>>)
    %dma_wait3A_844 = arith.constant 0 : i32
    %dma_wait3A_845 = tpu.memref_slice %arg4[%add3A_595, %dma_wait3A_844] : memref<832x4096xf32, #tpu.memory_space<hbm>> -> memref<1x4096xf32, #tpu.memory_space<hbm>>
    %dma_wait3A_846 = tpu.memref_squeeze %dma_wait3A_845 : memref<1x4096xf32, #tpu.memory_space<hbm>> -> memref<4096xf32, #tpu.memory_space<hbm>>
    %dma_wait3A_847 = arith.constant 0 : i32
    %dma_wait3A_848 = tpu.memref_slice %arg4[%add3A_595, %dma_wait3A_847] : memref<832x4096xf32, #tpu.memory_space<hbm>> -> memref<1x4096xf32, #tpu.memory_space<hbm>>
    %dma_wait3A_849 = tpu.memref_squeeze %dma_wait3A_848 : memref<1x4096xf32, #tpu.memory_space<hbm>> -> memref<4096xf32, #tpu.memory_space<hbm>>
    tpu.wait_dma2 semaphore(%arg11 : memref<!tpu.dma_semaphore, #tpu.memory_space<semaphore_mem>>) src(%arg8 : memref<4096xf32, #tpu.memory_space<vmem>>) dst(%dma_wait3A_849 : memref<4096xf32, #tpu.memory_space<hbm>>)
    %scan3A_850 = arith.constant 0 : i32
    %scan3A_851 = arith.constant 0 : i32
    %scan3A_852 = arith.constant 256 : i32
    %scan3A_853 = arith.addi %scan3A_851, %scan3A_852 : i32
    %scan3A_854 = arith.constant 1 : i32
    scf.for %scan3A_2346 = %scan3A_851 to %scan3A_853 step %scan3A_854  : i32 {
      %mul3A_2347 = arith.constant 16 : i32
      %mul3A_2348 = arith.muli %scan3A_2346, %mul3A_2347 : i32
      %multiple_of3A = tpu.assume_multiple %mul3A_2348, 16 : i32
      %get3A = arith.index_cast %multiple_of3A : i32 to index
      %get3A_2349 = tpu.vector_load %arg6[%get3A] {strides = array<i32>} : memref<4096xi32, #tpu.memory_space<vmem>>, vector<16xi32>,
      %gather3A = tpu.vector_load_idx %arg5[%get3A_2349] : memref<100000xf32, #tpu.memory_space<vmem>>[vector<16xi32>], vector<16xf32>,
      %swap3A = arith.index_cast %multiple_of3A : i32 to index
      %swap3A_2350 = tpu.vector_load %arg8[%swap3A] {strides = array<i32>} : memref<4096xf32, #tpu.memory_space<vmem>>, vector<16xf32>,
      tpu.vector_store %arg8[%swap3A], %gather3A {strides = array<i32>} : memref<4096xf32, #tpu.memory_space<vmem>>, vector<16xf32>,
    }
    %scan3A_855 = arith.constant 256 : i32
    %add3A_856 = arith.constant 1 : i32
    %add3A_857 = arith.addi %add3A_779, %add3A_856 : i32
    %dma_start3A_858 = arith.constant 0 : i32
    %dma_start3A_859 = tpu.memref_slice %arg2[%add3A_857, %dma_start3A_858] : memref<832x100000xf32, #tpu.memory_space<hbm>> -> memref<1x100000xf32, #tpu.memory_space<hbm>>
    %dma_start3A_860 = tpu.memref_squeeze %dma_start3A_859 : memref<1x100000xf32, #tpu.memory_space<hbm>> -> memref<100000xf32, #tpu.memory_space<hbm>>
    %dma_start3A_861 = arith.constant 0 : i32
    %dma_start3A_862 = tpu.memref_slice %arg2[%add3A_857, %dma_start3A_861] : memref<832x100000xf32, #tpu.memory_space<hbm>> -> memref<1x100000xf32, #tpu.memory_space<hbm>>
    %dma_start3A_863 = tpu.memref_squeeze %dma_start3A_862 : memref<1x100000xf32, #tpu.memory_space<hbm>> -> memref<100000xf32, #tpu.memory_space<hbm>>
    tpu.enqueue_dma source(%dma_start3A_863 : memref<100000xf32, #tpu.memory_space<hbm>>) target(%arg5 : memref<100000xf32, #tpu.memory_space<vmem>>) target_semaphore(%arg9 : memref<!tpu.dma_semaphore, #tpu.memory_space<semaphore_mem>>)
    %dma_start3A_864 = arith.constant 0 : i32
    %dma_start3A_865 = tpu.memref_slice %arg4[%add3A_779, %dma_start3A_864] : memref<832x4096xf32, #tpu.memory_space<hbm>> -> memref<1x4096xf32, #tpu.memory_space<hbm>>
    %dma_start3A_866 = tpu.memref_squeeze %dma_start3A_865 : memref<1x4096xf32, #tpu.memory_space<hbm>> -> memref<4096xf32, #tpu.memory_space<hbm>>
    %dma_start3A_867 = arith.constant 0 : i32
    %dma_start3A_868 = tpu.memref_slice %arg4[%add3A_779, %dma_start3A_867] : memref<832x4096xf32, #tpu.memory_space<hbm>> -> memref<1x4096xf32, #tpu.memory_space<hbm>>
    %dma_start3A_869 = tpu.memref_squeeze %dma_start3A_868 : memref<1x4096xf32, #tpu.memory_space<hbm>> -> memref<4096xf32, #tpu.memory_space<hbm>>
    tpu.enqueue_dma source(%arg8 : memref<4096xf32, #tpu.memory_space<vmem>>) target(%dma_start3A_869 : memref<4096xf32, #tpu.memory_space<hbm>>) target_semaphore(%arg11 : memref<!tpu.dma_semaphore, #tpu.memory_space<semaphore_mem>>)
    %add3A_870 = arith.constant 10 : i32
    %add3A_871 = arith.addi %mul3A_2, %add3A_870 : i32
    %add3A_872 = arith.constant 10 : i32
    %add3A_873 = arith.addi %mul3A_2, %add3A_872 : i32
    %jit3A_874 = arith.constant 32 : i32
    %div3A_875 = arith.divsi %add3A_873, %jit3A_874 : i32
    %sign3A_876 = arith.constant 0 : i32
    %sign3A_877 = arith.cmpi sgt, %add3A_873, %sign3A_876 : i32
    %sign3A_878 = arith.extui %sign3A_877 : i1 to i32
    %sign3A_879 = arith.constant 0 : i32
    %sign3A_880 = arith.cmpi slt, %add3A_873, %sign3A_879 : i32
    %sign3A_881 = arith.extui %sign3A_880 : i1 to i32
    %sign3A_882 = arith.subi %sign3A_878, %sign3A_881 : i32
    %sign3A_883 = arith.constant 0 : i32
    %sign3A_884 = arith.cmpi sgt, %jit3A_874, %sign3A_883 : i32
    %sign3A_885 = arith.extui %sign3A_884 : i1 to i32
    %sign3A_886 = arith.constant 0 : i32
    %sign3A_887 = arith.cmpi slt, %jit3A_874, %sign3A_886 : i32
    %sign3A_888 = arith.extui %sign3A_887 : i1 to i32
    %sign3A_889 = arith.subi %sign3A_885, %sign3A_888 : i32
    %ne3A_890 = arith.cmpi ne, %sign3A_882, %sign3A_889 : i32
    %rem3A_891 = arith.remsi %add3A_873, %jit3A_874 : i32
    %ne3A_892 = arith.constant 0 : i32
    %ne3A_893 = arith.cmpi ne, %rem3A_891, %ne3A_892 : i32
    %and3A_894 = arith.andi %ne3A_890, %ne3A_893 : i1
    %sub3A_895 = arith.constant 1 : i32
    %sub3A_896 = arith.subi %div3A_875, %sub3A_895 : i32
    %select_n3A_897 = arith.select %and3A_894, %sub3A_896, %div3A_875 : i32
    %add3A_898 = arith.constant 10 : i32
    %add3A_899 = arith.addi %mul3A_2, %add3A_898 : i32
    %sub3A_900 = arith.constant 1 : i32
    %sub3A_901 = arith.subi %add3A_899, %sub3A_900 : i32
    %jit3A_902 = arith.constant 32 : i32
    %div3A_903 = arith.divsi %sub3A_901, %jit3A_902 : i32
    %sign3A_904 = arith.constant 0 : i32
    %sign3A_905 = arith.cmpi sgt, %sub3A_901, %sign3A_904 : i32
    %sign3A_906 = arith.extui %sign3A_905 : i1 to i32
    %sign3A_907 = arith.constant 0 : i32
    %sign3A_908 = arith.cmpi slt, %sub3A_901, %sign3A_907 : i32
    %sign3A_909 = arith.extui %sign3A_908 : i1 to i32
    %sign3A_910 = arith.subi %sign3A_906, %sign3A_909 : i32
    %sign3A_911 = arith.constant 0 : i32
    %sign3A_912 = arith.cmpi sgt, %jit3A_902, %sign3A_911 : i32
    %sign3A_913 = arith.extui %sign3A_912 : i1 to i32
    %sign3A_914 = arith.constant 0 : i32
    %sign3A_915 = arith.cmpi slt, %jit3A_902, %sign3A_914 : i32
    %sign3A_916 = arith.extui %sign3A_915 : i1 to i32
    %sign3A_917 = arith.subi %sign3A_913, %sign3A_916 : i32
    %ne3A_918 = arith.cmpi ne, %sign3A_910, %sign3A_917 : i32
    %rem3A_919 = arith.remsi %sub3A_901, %jit3A_902 : i32
    %ne3A_920 = arith.constant 0 : i32
    %ne3A_921 = arith.cmpi ne, %rem3A_919, %ne3A_920 : i32
    %and3A_922 = arith.andi %ne3A_918, %ne3A_921 : i1
    %sub3A_923 = arith.constant 1 : i32
    %sub3A_924 = arith.subi %div3A_903, %sub3A_923 : i32
    %select_n3A_925 = arith.select %and3A_922, %sub3A_924, %div3A_903 : i32
    %ne3A_926 = arith.cmpi ne, %select_n3A_897, %select_n3A_925 : i32
    %convert_element_type3A_927 = arith.extui %ne3A_926 : i1 to i32
    %cond3A_928 = arith.constant 0 : i32
    %cond3A_929 = arith.cmpi ne, %convert_element_type3A_927, %cond3A_928 : i32
    scf.if %cond3A_929 {
      %jit3A_2346 = arith.constant 32 : i32
      %div3A_2347 = arith.divsi %add3A_871, %jit3A_2346 : i32
      %sign3A_2348 = arith.constant 0 : i32
      %sign3A_2349 = arith.cmpi sgt, %add3A_871, %sign3A_2348 : i32
      %sign3A_2350 = arith.extui %sign3A_2349 : i1 to i32
      %sign3A_2351 = arith.constant 0 : i32
      %sign3A_2352 = arith.cmpi slt, %add3A_871, %sign3A_2351 : i32
      %sign3A_2353 = arith.extui %sign3A_2352 : i1 to i32
      %sign3A_2354 = arith.subi %sign3A_2350, %sign3A_2353 : i32
      %sign3A_2355 = arith.constant 0 : i32
      %sign3A_2356 = arith.cmpi sgt, %jit3A_2346, %sign3A_2355 : i32
      %sign3A_2357 = arith.extui %sign3A_2356 : i1 to i32
      %sign3A_2358 = arith.constant 0 : i32
      %sign3A_2359 = arith.cmpi slt, %jit3A_2346, %sign3A_2358 : i32
      %sign3A_2360 = arith.extui %sign3A_2359 : i1 to i32
      %sign3A_2361 = arith.subi %sign3A_2357, %sign3A_2360 : i32
      %ne3A_2362 = arith.cmpi ne, %sign3A_2354, %sign3A_2361 : i32
      %rem3A_2363 = arith.remsi %add3A_871, %jit3A_2346 : i32
      %ne3A_2364 = arith.constant 0 : i32
      %ne3A_2365 = arith.cmpi ne, %rem3A_2363, %ne3A_2364 : i32
      %and3A_2366 = arith.andi %ne3A_2362, %ne3A_2365 : i1
      %sub3A_2367 = arith.constant 1 : i32
      %sub3A_2368 = arith.subi %div3A_2347, %sub3A_2367 : i32
      %select_n3A_2369 = arith.select %and3A_2366, %sub3A_2368, %div3A_2347 : i32
      "tpu.region"() ({
        %run_scoped3A = tpu.sem_alloc : memref<!tpu.dma_semaphore, #tpu.memory_space<semaphore_mem>>
        %dma_start3A_2370 = arith.constant 0 : i32
        %dma_start3A_2371 = tpu.memref_slice %arg3[%select_n3A_2369, %dma_start3A_2370] : memref<26x4096xi32, #tpu.memory_space<hbm>> -> memref<1x4096xi32, #tpu.memory_space<hbm>>
        %dma_start3A_2372 = tpu.memref_squeeze %dma_start3A_2371 : memref<1x4096xi32, #tpu.memory_space<hbm>> -> memref<4096xi32, #tpu.memory_space<hbm>>
        %dma_start3A_2373 = arith.constant 0 : i32
        %dma_start3A_2374 = tpu.memref_slice %arg3[%select_n3A_2369, %dma_start3A_2373] : memref<26x4096xi32, #tpu.memory_space<hbm>> -> memref<1x4096xi32, #tpu.memory_space<hbm>>
        %dma_start3A_2375 = tpu.memref_squeeze %dma_start3A_2374 : memref<1x4096xi32, #tpu.memory_space<hbm>> -> memref<4096xi32, #tpu.memory_space<hbm>>
        tpu.enqueue_dma source(%dma_start3A_2375 : memref<4096xi32, #tpu.memory_space<hbm>>) target(%arg6 : memref<4096xi32, #tpu.memory_space<vmem>>) target_semaphore(%run_scoped3A : memref<!tpu.dma_semaphore, #tpu.memory_space<semaphore_mem>>)
        %dma_wait3A_2376 = arith.constant 0 : i32
        %dma_wait3A_2377 = tpu.memref_slice %arg3[%select_n3A_2369, %dma_wait3A_2376] : memref<26x4096xi32, #tpu.memory_space<hbm>> -> memref<1x4096xi32, #tpu.memory_space<hbm>>
        %dma_wait3A_2378 = tpu.memref_squeeze %dma_wait3A_2377 : memref<1x4096xi32, #tpu.memory_space<hbm>> -> memref<4096xi32, #tpu.memory_space<hbm>>
        %dma_wait3A_2379 = arith.constant 0 : i32
        %dma_wait3A_2380 = tpu.memref_slice %arg3[%select_n3A_2369, %dma_wait3A_2379] : memref<26x4096xi32, #tpu.memory_space<hbm>> -> memref<1x4096xi32, #tpu.memory_space<hbm>>
        %dma_wait3A_2381 = tpu.memref_squeeze %dma_wait3A_2380 : memref<1x4096xi32, #tpu.memory_space<hbm>> -> memref<4096xi32, #tpu.memory_space<hbm>>
        tpu.wait_dma2 semaphore(%run_scoped3A : memref<!tpu.dma_semaphore, #tpu.memory_space<semaphore_mem>>) src(%dma_wait3A_2381 : memref<4096xi32, #tpu.memory_space<hbm>>) dst(%arg6 : memref<4096xi32, #tpu.memory_space<vmem>>)
        tpu.yield
      }) : () -> ()
    } else {
    }
    %dma_wait3A_930 = arith.constant 0 : i32
    %dma_wait3A_931 = tpu.memref_slice %arg2[%add3A_857, %dma_wait3A_930] : memref<832x100000xf32, #tpu.memory_space<hbm>> -> memref<1x100000xf32, #tpu.memory_space<hbm>>
    %dma_wait3A_932 = tpu.memref_squeeze %dma_wait3A_931 : memref<1x100000xf32, #tpu.memory_space<hbm>> -> memref<100000xf32, #tpu.memory_space<hbm>>
    %dma_wait3A_933 = arith.constant 0 : i32
    %dma_wait3A_934 = tpu.memref_slice %arg2[%add3A_857, %dma_wait3A_933] : memref<832x100000xf32, #tpu.memory_space<hbm>> -> memref<1x100000xf32, #tpu.memory_space<hbm>>
    %dma_wait3A_935 = tpu.memref_squeeze %dma_wait3A_934 : memref<1x100000xf32, #tpu.memory_space<hbm>> -> memref<100000xf32, #tpu.memory_space<hbm>>
    tpu.wait_dma2 semaphore(%arg9 : memref<!tpu.dma_semaphore, #tpu.memory_space<semaphore_mem>>) src(%dma_wait3A_935 : memref<100000xf32, #tpu.memory_space<hbm>>) dst(%arg5 : memref<100000xf32, #tpu.memory_space<vmem>>)
    %dma_wait3A_936 = arith.constant 0 : i32
    %dma_wait3A_937 = tpu.memref_slice %arg4[%add3A_687, %dma_wait3A_936] : memref<832x4096xf32, #tpu.memory_space<hbm>> -> memref<1x4096xf32, #tpu.memory_space<hbm>>
    %dma_wait3A_938 = tpu.memref_squeeze %dma_wait3A_937 : memref<1x4096xf32, #tpu.memory_space<hbm>> -> memref<4096xf32, #tpu.memory_space<hbm>>
    %dma_wait3A_939 = arith.constant 0 : i32
    %dma_wait3A_940 = tpu.memref_slice %arg4[%add3A_687, %dma_wait3A_939] : memref<832x4096xf32, #tpu.memory_space<hbm>> -> memref<1x4096xf32, #tpu.memory_space<hbm>>
    %dma_wait3A_941 = tpu.memref_squeeze %dma_wait3A_940 : memref<1x4096xf32, #tpu.memory_space<hbm>> -> memref<4096xf32, #tpu.memory_space<hbm>>
    tpu.wait_dma2 semaphore(%arg10 : memref<!tpu.dma_semaphore, #tpu.memory_space<semaphore_mem>>) src(%arg7 : memref<4096xf32, #tpu.memory_space<vmem>>) dst(%dma_wait3A_941 : memref<4096xf32, #tpu.memory_space<hbm>>)
    %scan3A_942 = arith.constant 0 : i32
    %scan3A_943 = arith.constant 0 : i32
    %scan3A_944 = arith.constant 256 : i32
    %scan3A_945 = arith.addi %scan3A_943, %scan3A_944 : i32
    %scan3A_946 = arith.constant 1 : i32
    scf.for %scan3A_2346 = %scan3A_943 to %scan3A_945 step %scan3A_946  : i32 {
      %mul3A_2347 = arith.constant 16 : i32
      %mul3A_2348 = arith.muli %scan3A_2346, %mul3A_2347 : i32
      %multiple_of3A = tpu.assume_multiple %mul3A_2348, 16 : i32
      %get3A = arith.index_cast %multiple_of3A : i32 to index
      %get3A_2349 = tpu.vector_load %arg6[%get3A] {strides = array<i32>} : memref<4096xi32, #tpu.memory_space<vmem>>, vector<16xi32>,
      %gather3A = tpu.vector_load_idx %arg5[%get3A_2349] : memref<100000xf32, #tpu.memory_space<vmem>>[vector<16xi32>], vector<16xf32>,
      %swap3A = arith.index_cast %multiple_of3A : i32 to index
      %swap3A_2350 = tpu.vector_load %arg7[%swap3A] {strides = array<i32>} : memref<4096xf32, #tpu.memory_space<vmem>>, vector<16xf32>,
      tpu.vector_store %arg7[%swap3A], %gather3A {strides = array<i32>} : memref<4096xf32, #tpu.memory_space<vmem>>, vector<16xf32>,
    }
    %scan3A_947 = arith.constant 256 : i32
    %add3A_948 = arith.constant 1 : i32
    %add3A_949 = arith.addi %add3A_871, %add3A_948 : i32
    %dma_start3A_950 = arith.constant 0 : i32
    %dma_start3A_951 = tpu.memref_slice %arg2[%add3A_949, %dma_start3A_950] : memref<832x100000xf32, #tpu.memory_space<hbm>> -> memref<1x100000xf32, #tpu.memory_space<hbm>>
    %dma_start3A_952 = tpu.memref_squeeze %dma_start3A_951 : memref<1x100000xf32, #tpu.memory_space<hbm>> -> memref<100000xf32, #tpu.memory_space<hbm>>
    %dma_start3A_953 = arith.constant 0 : i32
    %dma_start3A_954 = tpu.memref_slice %arg2[%add3A_949, %dma_start3A_953] : memref<832x100000xf32, #tpu.memory_space<hbm>> -> memref<1x100000xf32, #tpu.memory_space<hbm>>
    %dma_start3A_955 = tpu.memref_squeeze %dma_start3A_954 : memref<1x100000xf32, #tpu.memory_space<hbm>> -> memref<100000xf32, #tpu.memory_space<hbm>>
    tpu.enqueue_dma source(%dma_start3A_955 : memref<100000xf32, #tpu.memory_space<hbm>>) target(%arg5 : memref<100000xf32, #tpu.memory_space<vmem>>) target_semaphore(%arg9 : memref<!tpu.dma_semaphore, #tpu.memory_space<semaphore_mem>>)
    %dma_start3A_956 = arith.constant 0 : i32
    %dma_start3A_957 = tpu.memref_slice %arg4[%add3A_871, %dma_start3A_956] : memref<832x4096xf32, #tpu.memory_space<hbm>> -> memref<1x4096xf32, #tpu.memory_space<hbm>>
    %dma_start3A_958 = tpu.memref_squeeze %dma_start3A_957 : memref<1x4096xf32, #tpu.memory_space<hbm>> -> memref<4096xf32, #tpu.memory_space<hbm>>
    %dma_start3A_959 = arith.constant 0 : i32
    %dma_start3A_960 = tpu.memref_slice %arg4[%add3A_871, %dma_start3A_959] : memref<832x4096xf32, #tpu.memory_space<hbm>> -> memref<1x4096xf32, #tpu.memory_space<hbm>>
    %dma_start3A_961 = tpu.memref_squeeze %dma_start3A_960 : memref<1x4096xf32, #tpu.memory_space<hbm>> -> memref<4096xf32, #tpu.memory_space<hbm>>
    tpu.enqueue_dma source(%arg7 : memref<4096xf32, #tpu.memory_space<vmem>>) target(%dma_start3A_961 : memref<4096xf32, #tpu.memory_space<hbm>>) target_semaphore(%arg10 : memref<!tpu.dma_semaphore, #tpu.memory_space<semaphore_mem>>)
    %add3A_962 = arith.constant 11 : i32
    %add3A_963 = arith.addi %mul3A_2, %add3A_962 : i32
    %add3A_964 = arith.constant 11 : i32
    %add3A_965 = arith.addi %mul3A_2, %add3A_964 : i32
    %jit3A_966 = arith.constant 32 : i32
    %div3A_967 = arith.divsi %add3A_965, %jit3A_966 : i32
    %sign3A_968 = arith.constant 0 : i32
    %sign3A_969 = arith.cmpi sgt, %add3A_965, %sign3A_968 : i32
    %sign3A_970 = arith.extui %sign3A_969 : i1 to i32
    %sign3A_971 = arith.constant 0 : i32
    %sign3A_972 = arith.cmpi slt, %add3A_965, %sign3A_971 : i32
    %sign3A_973 = arith.extui %sign3A_972 : i1 to i32
    %sign3A_974 = arith.subi %sign3A_970, %sign3A_973 : i32
    %sign3A_975 = arith.constant 0 : i32
    %sign3A_976 = arith.cmpi sgt, %jit3A_966, %sign3A_975 : i32
    %sign3A_977 = arith.extui %sign3A_976 : i1 to i32
    %sign3A_978 = arith.constant 0 : i32
    %sign3A_979 = arith.cmpi slt, %jit3A_966, %sign3A_978 : i32
    %sign3A_980 = arith.extui %sign3A_979 : i1 to i32
    %sign3A_981 = arith.subi %sign3A_977, %sign3A_980 : i32
    %ne3A_982 = arith.cmpi ne, %sign3A_974, %sign3A_981 : i32
    %rem3A_983 = arith.remsi %add3A_965, %jit3A_966 : i32
    %ne3A_984 = arith.constant 0 : i32
    %ne3A_985 = arith.cmpi ne, %rem3A_983, %ne3A_984 : i32
    %and3A_986 = arith.andi %ne3A_982, %ne3A_985 : i1
    %sub3A_987 = arith.constant 1 : i32
    %sub3A_988 = arith.subi %div3A_967, %sub3A_987 : i32
    %select_n3A_989 = arith.select %and3A_986, %sub3A_988, %div3A_967 : i32
    %add3A_990 = arith.constant 11 : i32
    %add3A_991 = arith.addi %mul3A_2, %add3A_990 : i32
    %sub3A_992 = arith.constant 1 : i32
    %sub3A_993 = arith.subi %add3A_991, %sub3A_992 : i32
    %jit3A_994 = arith.constant 32 : i32
    %div3A_995 = arith.divsi %sub3A_993, %jit3A_994 : i32
    %sign3A_996 = arith.constant 0 : i32
    %sign3A_997 = arith.cmpi sgt, %sub3A_993, %sign3A_996 : i32
    %sign3A_998 = arith.extui %sign3A_997 : i1 to i32
    %sign3A_999 = arith.constant 0 : i32
    %sign3A_1000 = arith.cmpi slt, %sub3A_993, %sign3A_999 : i32
    %sign3A_1001 = arith.extui %sign3A_1000 : i1 to i32
    %sign3A_1002 = arith.subi %sign3A_998, %sign3A_1001 : i32
    %sign3A_1003 = arith.constant 0 : i32
    %sign3A_1004 = arith.cmpi sgt, %jit3A_994, %sign3A_1003 : i32
    %sign3A_1005 = arith.extui %sign3A_1004 : i1 to i32
    %sign3A_1006 = arith.constant 0 : i32
    %sign3A_1007 = arith.cmpi slt, %jit3A_994, %sign3A_1006 : i32
    %sign3A_1008 = arith.extui %sign3A_1007 : i1 to i32
    %sign3A_1009 = arith.subi %sign3A_1005, %sign3A_1008 : i32
    %ne3A_1010 = arith.cmpi ne, %sign3A_1002, %sign3A_1009 : i32
    %rem3A_1011 = arith.remsi %sub3A_993, %jit3A_994 : i32
    %ne3A_1012 = arith.constant 0 : i32
    %ne3A_1013 = arith.cmpi ne, %rem3A_1011, %ne3A_1012 : i32
    %and3A_1014 = arith.andi %ne3A_1010, %ne3A_1013 : i1
    %sub3A_1015 = arith.constant 1 : i32
    %sub3A_1016 = arith.subi %div3A_995, %sub3A_1015 : i32
    %select_n3A_1017 = arith.select %and3A_1014, %sub3A_1016, %div3A_995 : i32
    %ne3A_1018 = arith.cmpi ne, %select_n3A_989, %select_n3A_1017 : i32
    %convert_element_type3A_1019 = arith.extui %ne3A_1018 : i1 to i32
    %cond3A_1020 = arith.constant 0 : i32
    %cond3A_1021 = arith.cmpi ne, %convert_element_type3A_1019, %cond3A_1020 : i32
    scf.if %cond3A_1021 {
      %jit3A_2346 = arith.constant 32 : i32
      %div3A_2347 = arith.divsi %add3A_963, %jit3A_2346 : i32
      %sign3A_2348 = arith.constant 0 : i32
      %sign3A_2349 = arith.cmpi sgt, %add3A_963, %sign3A_2348 : i32
      %sign3A_2350 = arith.extui %sign3A_2349 : i1 to i32
      %sign3A_2351 = arith.constant 0 : i32
      %sign3A_2352 = arith.cmpi slt, %add3A_963, %sign3A_2351 : i32
      %sign3A_2353 = arith.extui %sign3A_2352 : i1 to i32
      %sign3A_2354 = arith.subi %sign3A_2350, %sign3A_2353 : i32
      %sign3A_2355 = arith.constant 0 : i32
      %sign3A_2356 = arith.cmpi sgt, %jit3A_2346, %sign3A_2355 : i32
      %sign3A_2357 = arith.extui %sign3A_2356 : i1 to i32
      %sign3A_2358 = arith.constant 0 : i32
      %sign3A_2359 = arith.cmpi slt, %jit3A_2346, %sign3A_2358 : i32
      %sign3A_2360 = arith.extui %sign3A_2359 : i1 to i32
      %sign3A_2361 = arith.subi %sign3A_2357, %sign3A_2360 : i32
      %ne3A_2362 = arith.cmpi ne, %sign3A_2354, %sign3A_2361 : i32
      %rem3A_2363 = arith.remsi %add3A_963, %jit3A_2346 : i32
      %ne3A_2364 = arith.constant 0 : i32
      %ne3A_2365 = arith.cmpi ne, %rem3A_2363, %ne3A_2364 : i32
      %and3A_2366 = arith.andi %ne3A_2362, %ne3A_2365 : i1
      %sub3A_2367 = arith.constant 1 : i32
      %sub3A_2368 = arith.subi %div3A_2347, %sub3A_2367 : i32
      %select_n3A_2369 = arith.select %and3A_2366, %sub3A_2368, %div3A_2347 : i32
      "tpu.region"() ({
        %run_scoped3A = tpu.sem_alloc : memref<!tpu.dma_semaphore, #tpu.memory_space<semaphore_mem>>
        %dma_start3A_2370 = arith.constant 0 : i32
        %dma_start3A_2371 = tpu.memref_slice %arg3[%select_n3A_2369, %dma_start3A_2370] : memref<26x4096xi32, #tpu.memory_space<hbm>> -> memref<1x4096xi32, #tpu.memory_space<hbm>>
        %dma_start3A_2372 = tpu.memref_squeeze %dma_start3A_2371 : memref<1x4096xi32, #tpu.memory_space<hbm>> -> memref<4096xi32, #tpu.memory_space<hbm>>
        %dma_start3A_2373 = arith.constant 0 : i32
        %dma_start3A_2374 = tpu.memref_slice %arg3[%select_n3A_2369, %dma_start3A_2373] : memref<26x4096xi32, #tpu.memory_space<hbm>> -> memref<1x4096xi32, #tpu.memory_space<hbm>>
        %dma_start3A_2375 = tpu.memref_squeeze %dma_start3A_2374 : memref<1x4096xi32, #tpu.memory_space<hbm>> -> memref<4096xi32, #tpu.memory_space<hbm>>
        tpu.enqueue_dma source(%dma_start3A_2375 : memref<4096xi32, #tpu.memory_space<hbm>>) target(%arg6 : memref<4096xi32, #tpu.memory_space<vmem>>) target_semaphore(%run_scoped3A : memref<!tpu.dma_semaphore, #tpu.memory_space<semaphore_mem>>)
        %dma_wait3A_2376 = arith.constant 0 : i32
        %dma_wait3A_2377 = tpu.memref_slice %arg3[%select_n3A_2369, %dma_wait3A_2376] : memref<26x4096xi32, #tpu.memory_space<hbm>> -> memref<1x4096xi32, #tpu.memory_space<hbm>>
        %dma_wait3A_2378 = tpu.memref_squeeze %dma_wait3A_2377 : memref<1x4096xi32, #tpu.memory_space<hbm>> -> memref<4096xi32, #tpu.memory_space<hbm>>
        %dma_wait3A_2379 = arith.constant 0 : i32
        %dma_wait3A_2380 = tpu.memref_slice %arg3[%select_n3A_2369, %dma_wait3A_2379] : memref<26x4096xi32, #tpu.memory_space<hbm>> -> memref<1x4096xi32, #tpu.memory_space<hbm>>
        %dma_wait3A_2381 = tpu.memref_squeeze %dma_wait3A_2380 : memref<1x4096xi32, #tpu.memory_space<hbm>> -> memref<4096xi32, #tpu.memory_space<hbm>>
        tpu.wait_dma2 semaphore(%run_scoped3A : memref<!tpu.dma_semaphore, #tpu.memory_space<semaphore_mem>>) src(%dma_wait3A_2381 : memref<4096xi32, #tpu.memory_space<hbm>>) dst(%arg6 : memref<4096xi32, #tpu.memory_space<vmem>>)
        tpu.yield
      }) : () -> ()
    } else {
    }
    %dma_wait3A_1022 = arith.constant 0 : i32
    %dma_wait3A_1023 = tpu.memref_slice %arg2[%add3A_949, %dma_wait3A_1022] : memref<832x100000xf32, #tpu.memory_space<hbm>> -> memref<1x100000xf32, #tpu.memory_space<hbm>>
    %dma_wait3A_1024 = tpu.memref_squeeze %dma_wait3A_1023 : memref<1x100000xf32, #tpu.memory_space<hbm>> -> memref<100000xf32, #tpu.memory_space<hbm>>
    %dma_wait3A_1025 = arith.constant 0 : i32
    %dma_wait3A_1026 = tpu.memref_slice %arg2[%add3A_949, %dma_wait3A_1025] : memref<832x100000xf32, #tpu.memory_space<hbm>> -> memref<1x100000xf32, #tpu.memory_space<hbm>>
    %dma_wait3A_1027 = tpu.memref_squeeze %dma_wait3A_1026 : memref<1x100000xf32, #tpu.memory_space<hbm>> -> memref<100000xf32, #tpu.memory_space<hbm>>
    tpu.wait_dma2 semaphore(%arg9 : memref<!tpu.dma_semaphore, #tpu.memory_space<semaphore_mem>>) src(%dma_wait3A_1027 : memref<100000xf32, #tpu.memory_space<hbm>>) dst(%arg5 : memref<100000xf32, #tpu.memory_space<vmem>>)
    %dma_wait3A_1028 = arith.constant 0 : i32
    %dma_wait3A_1029 = tpu.memref_slice %arg4[%add3A_779, %dma_wait3A_1028] : memref<832x4096xf32, #tpu.memory_space<hbm>> -> memref<1x4096xf32, #tpu.memory_space<hbm>>
    %dma_wait3A_1030 = tpu.memref_squeeze %dma_wait3A_1029 : memref<1x4096xf32, #tpu.memory_space<hbm>> -> memref<4096xf32, #tpu.memory_space<hbm>>
    %dma_wait3A_1031 = arith.constant 0 : i32
    %dma_wait3A_1032 = tpu.memref_slice %arg4[%add3A_779, %dma_wait3A_1031] : memref<832x4096xf32, #tpu.memory_space<hbm>> -> memref<1x4096xf32, #tpu.memory_space<hbm>>
    %dma_wait3A_1033 = tpu.memref_squeeze %dma_wait3A_1032 : memref<1x4096xf32, #tpu.memory_space<hbm>> -> memref<4096xf32, #tpu.memory_space<hbm>>
    tpu.wait_dma2 semaphore(%arg11 : memref<!tpu.dma_semaphore, #tpu.memory_space<semaphore_mem>>) src(%arg8 : memref<4096xf32, #tpu.memory_space<vmem>>) dst(%dma_wait3A_1033 : memref<4096xf32, #tpu.memory_space<hbm>>)
    %scan3A_1034 = arith.constant 0 : i32
    %scan3A_1035 = arith.constant 0 : i32
    %scan3A_1036 = arith.constant 256 : i32
    %scan3A_1037 = arith.addi %scan3A_1035, %scan3A_1036 : i32
    %scan3A_1038 = arith.constant 1 : i32
    scf.for %scan3A_2346 = %scan3A_1035 to %scan3A_1037 step %scan3A_1038  : i32 {
      %mul3A_2347 = arith.constant 16 : i32
      %mul3A_2348 = arith.muli %scan3A_2346, %mul3A_2347 : i32
      %multiple_of3A = tpu.assume_multiple %mul3A_2348, 16 : i32
      %get3A = arith.index_cast %multiple_of3A : i32 to index
      %get3A_2349 = tpu.vector_load %arg6[%get3A] {strides = array<i32>} : memref<4096xi32, #tpu.memory_space<vmem>>, vector<16xi32>,
      %gather3A = tpu.vector_load_idx %arg5[%get3A_2349] : memref<100000xf32, #tpu.memory_space<vmem>>[vector<16xi32>], vector<16xf32>,
      %swap3A = arith.index_cast %multiple_of3A : i32 to index
      %swap3A_2350 = tpu.vector_load %arg8[%swap3A] {strides = array<i32>} : memref<4096xf32, #tpu.memory_space<vmem>>, vector<16xf32>,
      tpu.vector_store %arg8[%swap3A], %gather3A {strides = array<i32>} : memref<4096xf32, #tpu.memory_space<vmem>>, vector<16xf32>,
    }
    %scan3A_1039 = arith.constant 256 : i32
    %add3A_1040 = arith.constant 1 : i32
    %add3A_1041 = arith.addi %add3A_963, %add3A_1040 : i32
    %dma_start3A_1042 = arith.constant 0 : i32
    %dma_start3A_1043 = tpu.memref_slice %arg2[%add3A_1041, %dma_start3A_1042] : memref<832x100000xf32, #tpu.memory_space<hbm>> -> memref<1x100000xf32, #tpu.memory_space<hbm>>
    %dma_start3A_1044 = tpu.memref_squeeze %dma_start3A_1043 : memref<1x100000xf32, #tpu.memory_space<hbm>> -> memref<100000xf32, #tpu.memory_space<hbm>>
    %dma_start3A_1045 = arith.constant 0 : i32
    %dma_start3A_1046 = tpu.memref_slice %arg2[%add3A_1041, %dma_start3A_1045] : memref<832x100000xf32, #tpu.memory_space<hbm>> -> memref<1x100000xf32, #tpu.memory_space<hbm>>
    %dma_start3A_1047 = tpu.memref_squeeze %dma_start3A_1046 : memref<1x100000xf32, #tpu.memory_space<hbm>> -> memref<100000xf32, #tpu.memory_space<hbm>>
    tpu.enqueue_dma source(%dma_start3A_1047 : memref<100000xf32, #tpu.memory_space<hbm>>) target(%arg5 : memref<100000xf32, #tpu.memory_space<vmem>>) target_semaphore(%arg9 : memref<!tpu.dma_semaphore, #tpu.memory_space<semaphore_mem>>)
    %dma_start3A_1048 = arith.constant 0 : i32
    %dma_start3A_1049 = tpu.memref_slice %arg4[%add3A_963, %dma_start3A_1048] : memref<832x4096xf32, #tpu.memory_space<hbm>> -> memref<1x4096xf32, #tpu.memory_space<hbm>>
    %dma_start3A_1050 = tpu.memref_squeeze %dma_start3A_1049 : memref<1x4096xf32, #tpu.memory_space<hbm>> -> memref<4096xf32, #tpu.memory_space<hbm>>
    %dma_start3A_1051 = arith.constant 0 : i32
    %dma_start3A_1052 = tpu.memref_slice %arg4[%add3A_963, %dma_start3A_1051] : memref<832x4096xf32, #tpu.memory_space<hbm>> -> memref<1x4096xf32, #tpu.memory_space<hbm>>
    %dma_start3A_1053 = tpu.memref_squeeze %dma_start3A_1052 : memref<1x4096xf32, #tpu.memory_space<hbm>> -> memref<4096xf32, #tpu.memory_space<hbm>>
    tpu.enqueue_dma source(%arg8 : memref<4096xf32, #tpu.memory_space<vmem>>) target(%dma_start3A_1053 : memref<4096xf32, #tpu.memory_space<hbm>>) target_semaphore(%arg11 : memref<!tpu.dma_semaphore, #tpu.memory_space<semaphore_mem>>)
    %add3A_1054 = arith.constant 12 : i32
    %add3A_1055 = arith.addi %mul3A_2, %add3A_1054 : i32
    %add3A_1056 = arith.constant 12 : i32
    %add3A_1057 = arith.addi %mul3A_2, %add3A_1056 : i32
    %jit3A_1058 = arith.constant 32 : i32
    %div3A_1059 = arith.divsi %add3A_1057, %jit3A_1058 : i32
    %sign3A_1060 = arith.constant 0 : i32
    %sign3A_1061 = arith.cmpi sgt, %add3A_1057, %sign3A_1060 : i32
    %sign3A_1062 = arith.extui %sign3A_1061 : i1 to i32
    %sign3A_1063 = arith.constant 0 : i32
    %sign3A_1064 = arith.cmpi slt, %add3A_1057, %sign3A_1063 : i32
    %sign3A_1065 = arith.extui %sign3A_1064 : i1 to i32
    %sign3A_1066 = arith.subi %sign3A_1062, %sign3A_1065 : i32
    %sign3A_1067 = arith.constant 0 : i32
    %sign3A_1068 = arith.cmpi sgt, %jit3A_1058, %sign3A_1067 : i32
    %sign3A_1069 = arith.extui %sign3A_1068 : i1 to i32
    %sign3A_1070 = arith.constant 0 : i32
    %sign3A_1071 = arith.cmpi slt, %jit3A_1058, %sign3A_1070 : i32
    %sign3A_1072 = arith.extui %sign3A_1071 : i1 to i32
    %sign3A_1073 = arith.subi %sign3A_1069, %sign3A_1072 : i32
    %ne3A_1074 = arith.cmpi ne, %sign3A_1066, %sign3A_1073 : i32
    %rem3A_1075 = arith.remsi %add3A_1057, %jit3A_1058 : i32
    %ne3A_1076 = arith.constant 0 : i32
    %ne3A_1077 = arith.cmpi ne, %rem3A_1075, %ne3A_1076 : i32
    %and3A_1078 = arith.andi %ne3A_1074, %ne3A_1077 : i1
    %sub3A_1079 = arith.constant 1 : i32
    %sub3A_1080 = arith.subi %div3A_1059, %sub3A_1079 : i32
    %select_n3A_1081 = arith.select %and3A_1078, %sub3A_1080, %div3A_1059 : i32
    %add3A_1082 = arith.constant 12 : i32
    %add3A_1083 = arith.addi %mul3A_2, %add3A_1082 : i32
    %sub3A_1084 = arith.constant 1 : i32
    %sub3A_1085 = arith.subi %add3A_1083, %sub3A_1084 : i32
    %jit3A_1086 = arith.constant 32 : i32
    %div3A_1087 = arith.divsi %sub3A_1085, %jit3A_1086 : i32
    %sign3A_1088 = arith.constant 0 : i32
    %sign3A_1089 = arith.cmpi sgt, %sub3A_1085, %sign3A_1088 : i32
    %sign3A_1090 = arith.extui %sign3A_1089 : i1 to i32
    %sign3A_1091 = arith.constant 0 : i32
    %sign3A_1092 = arith.cmpi slt, %sub3A_1085, %sign3A_1091 : i32
    %sign3A_1093 = arith.extui %sign3A_1092 : i1 to i32
    %sign3A_1094 = arith.subi %sign3A_1090, %sign3A_1093 : i32
    %sign3A_1095 = arith.constant 0 : i32
    %sign3A_1096 = arith.cmpi sgt, %jit3A_1086, %sign3A_1095 : i32
    %sign3A_1097 = arith.extui %sign3A_1096 : i1 to i32
    %sign3A_1098 = arith.constant 0 : i32
    %sign3A_1099 = arith.cmpi slt, %jit3A_1086, %sign3A_1098 : i32
    %sign3A_1100 = arith.extui %sign3A_1099 : i1 to i32
    %sign3A_1101 = arith.subi %sign3A_1097, %sign3A_1100 : i32
    %ne3A_1102 = arith.cmpi ne, %sign3A_1094, %sign3A_1101 : i32
    %rem3A_1103 = arith.remsi %sub3A_1085, %jit3A_1086 : i32
    %ne3A_1104 = arith.constant 0 : i32
    %ne3A_1105 = arith.cmpi ne, %rem3A_1103, %ne3A_1104 : i32
    %and3A_1106 = arith.andi %ne3A_1102, %ne3A_1105 : i1
    %sub3A_1107 = arith.constant 1 : i32
    %sub3A_1108 = arith.subi %div3A_1087, %sub3A_1107 : i32
    %select_n3A_1109 = arith.select %and3A_1106, %sub3A_1108, %div3A_1087 : i32
    %ne3A_1110 = arith.cmpi ne, %select_n3A_1081, %select_n3A_1109 : i32
    %convert_element_type3A_1111 = arith.extui %ne3A_1110 : i1 to i32
    %cond3A_1112 = arith.constant 0 : i32
    %cond3A_1113 = arith.cmpi ne, %convert_element_type3A_1111, %cond3A_1112 : i32
    scf.if %cond3A_1113 {
      %jit3A_2346 = arith.constant 32 : i32
      %div3A_2347 = arith.divsi %add3A_1055, %jit3A_2346 : i32
      %sign3A_2348 = arith.constant 0 : i32
      %sign3A_2349 = arith.cmpi sgt, %add3A_1055, %sign3A_2348 : i32
      %sign3A_2350 = arith.extui %sign3A_2349 : i1 to i32
      %sign3A_2351 = arith.constant 0 : i32
      %sign3A_2352 = arith.cmpi slt, %add3A_1055, %sign3A_2351 : i32
      %sign3A_2353 = arith.extui %sign3A_2352 : i1 to i32
      %sign3A_2354 = arith.subi %sign3A_2350, %sign3A_2353 : i32
      %sign3A_2355 = arith.constant 0 : i32
      %sign3A_2356 = arith.cmpi sgt, %jit3A_2346, %sign3A_2355 : i32
      %sign3A_2357 = arith.extui %sign3A_2356 : i1 to i32
      %sign3A_2358 = arith.constant 0 : i32
      %sign3A_2359 = arith.cmpi slt, %jit3A_2346, %sign3A_2358 : i32
      %sign3A_2360 = arith.extui %sign3A_2359 : i1 to i32
      %sign3A_2361 = arith.subi %sign3A_2357, %sign3A_2360 : i32
      %ne3A_2362 = arith.cmpi ne, %sign3A_2354, %sign3A_2361 : i32
      %rem3A_2363 = arith.remsi %add3A_1055, %jit3A_2346 : i32
      %ne3A_2364 = arith.constant 0 : i32
      %ne3A_2365 = arith.cmpi ne, %rem3A_2363, %ne3A_2364 : i32
      %and3A_2366 = arith.andi %ne3A_2362, %ne3A_2365 : i1
      %sub3A_2367 = arith.constant 1 : i32
      %sub3A_2368 = arith.subi %div3A_2347, %sub3A_2367 : i32
      %select_n3A_2369 = arith.select %and3A_2366, %sub3A_2368, %div3A_2347 : i32
      "tpu.region"() ({
        %run_scoped3A = tpu.sem_alloc : memref<!tpu.dma_semaphore, #tpu.memory_space<semaphore_mem>>
        %dma_start3A_2370 = arith.constant 0 : i32
        %dma_start3A_2371 = tpu.memref_slice %arg3[%select_n3A_2369, %dma_start3A_2370] : memref<26x4096xi32, #tpu.memory_space<hbm>> -> memref<1x4096xi32, #tpu.memory_space<hbm>>
        %dma_start3A_2372 = tpu.memref_squeeze %dma_start3A_2371 : memref<1x4096xi32, #tpu.memory_space<hbm>> -> memref<4096xi32, #tpu.memory_space<hbm>>
        %dma_start3A_2373 = arith.constant 0 : i32
        %dma_start3A_2374 = tpu.memref_slice %arg3[%select_n3A_2369, %dma_start3A_2373] : memref<26x4096xi32, #tpu.memory_space<hbm>> -> memref<1x4096xi32, #tpu.memory_space<hbm>>
        %dma_start3A_2375 = tpu.memref_squeeze %dma_start3A_2374 : memref<1x4096xi32, #tpu.memory_space<hbm>> -> memref<4096xi32, #tpu.memory_space<hbm>>
        tpu.enqueue_dma source(%dma_start3A_2375 : memref<4096xi32, #tpu.memory_space<hbm>>) target(%arg6 : memref<4096xi32, #tpu.memory_space<vmem>>) target_semaphore(%run_scoped3A : memref<!tpu.dma_semaphore, #tpu.memory_space<semaphore_mem>>)
        %dma_wait3A_2376 = arith.constant 0 : i32
        %dma_wait3A_2377 = tpu.memref_slice %arg3[%select_n3A_2369, %dma_wait3A_2376] : memref<26x4096xi32, #tpu.memory_space<hbm>> -> memref<1x4096xi32, #tpu.memory_space<hbm>>
        %dma_wait3A_2378 = tpu.memref_squeeze %dma_wait3A_2377 : memref<1x4096xi32, #tpu.memory_space<hbm>> -> memref<4096xi32, #tpu.memory_space<hbm>>
        %dma_wait3A_2379 = arith.constant 0 : i32
        %dma_wait3A_2380 = tpu.memref_slice %arg3[%select_n3A_2369, %dma_wait3A_2379] : memref<26x4096xi32, #tpu.memory_space<hbm>> -> memref<1x4096xi32, #tpu.memory_space<hbm>>
        %dma_wait3A_2381 = tpu.memref_squeeze %dma_wait3A_2380 : memref<1x4096xi32, #tpu.memory_space<hbm>> -> memref<4096xi32, #tpu.memory_space<hbm>>
        tpu.wait_dma2 semaphore(%run_scoped3A : memref<!tpu.dma_semaphore, #tpu.memory_space<semaphore_mem>>) src(%dma_wait3A_2381 : memref<4096xi32, #tpu.memory_space<hbm>>) dst(%arg6 : memref<4096xi32, #tpu.memory_space<vmem>>)
        tpu.yield
      }) : () -> ()
    } else {
    }
    %dma_wait3A_1114 = arith.constant 0 : i32
    %dma_wait3A_1115 = tpu.memref_slice %arg2[%add3A_1041, %dma_wait3A_1114] : memref<832x100000xf32, #tpu.memory_space<hbm>> -> memref<1x100000xf32, #tpu.memory_space<hbm>>
    %dma_wait3A_1116 = tpu.memref_squeeze %dma_wait3A_1115 : memref<1x100000xf32, #tpu.memory_space<hbm>> -> memref<100000xf32, #tpu.memory_space<hbm>>
    %dma_wait3A_1117 = arith.constant 0 : i32
    %dma_wait3A_1118 = tpu.memref_slice %arg2[%add3A_1041, %dma_wait3A_1117] : memref<832x100000xf32, #tpu.memory_space<hbm>> -> memref<1x100000xf32, #tpu.memory_space<hbm>>
    %dma_wait3A_1119 = tpu.memref_squeeze %dma_wait3A_1118 : memref<1x100000xf32, #tpu.memory_space<hbm>> -> memref<100000xf32, #tpu.memory_space<hbm>>
    tpu.wait_dma2 semaphore(%arg9 : memref<!tpu.dma_semaphore, #tpu.memory_space<semaphore_mem>>) src(%dma_wait3A_1119 : memref<100000xf32, #tpu.memory_space<hbm>>) dst(%arg5 : memref<100000xf32, #tpu.memory_space<vmem>>)
    %dma_wait3A_1120 = arith.constant 0 : i32
    %dma_wait3A_1121 = tpu.memref_slice %arg4[%add3A_871, %dma_wait3A_1120] : memref<832x4096xf32, #tpu.memory_space<hbm>> -> memref<1x4096xf32, #tpu.memory_space<hbm>>
    %dma_wait3A_1122 = tpu.memref_squeeze %dma_wait3A_1121 : memref<1x4096xf32, #tpu.memory_space<hbm>> -> memref<4096xf32, #tpu.memory_space<hbm>>
    %dma_wait3A_1123 = arith.constant 0 : i32
    %dma_wait3A_1124 = tpu.memref_slice %arg4[%add3A_871, %dma_wait3A_1123] : memref<832x4096xf32, #tpu.memory_space<hbm>> -> memref<1x4096xf32, #tpu.memory_space<hbm>>
    %dma_wait3A_1125 = tpu.memref_squeeze %dma_wait3A_1124 : memref<1x4096xf32, #tpu.memory_space<hbm>> -> memref<4096xf32, #tpu.memory_space<hbm>>
    tpu.wait_dma2 semaphore(%arg10 : memref<!tpu.dma_semaphore, #tpu.memory_space<semaphore_mem>>) src(%arg7 : memref<4096xf32, #tpu.memory_space<vmem>>) dst(%dma_wait3A_1125 : memref<4096xf32, #tpu.memory_space<hbm>>)
    %scan3A_1126 = arith.constant 0 : i32
    %scan3A_1127 = arith.constant 0 : i32
    %scan3A_1128 = arith.constant 256 : i32
    %scan3A_1129 = arith.addi %scan3A_1127, %scan3A_1128 : i32
    %scan3A_1130 = arith.constant 1 : i32
    scf.for %scan3A_2346 = %scan3A_1127 to %scan3A_1129 step %scan3A_1130  : i32 {
      %mul3A_2347 = arith.constant 16 : i32
      %mul3A_2348 = arith.muli %scan3A_2346, %mul3A_2347 : i32
      %multiple_of3A = tpu.assume_multiple %mul3A_2348, 16 : i32
      %get3A = arith.index_cast %multiple_of3A : i32 to index
      %get3A_2349 = tpu.vector_load %arg6[%get3A] {strides = array<i32>} : memref<4096xi32, #tpu.memory_space<vmem>>, vector<16xi32>,
      %gather3A = tpu.vector_load_idx %arg5[%get3A_2349] : memref<100000xf32, #tpu.memory_space<vmem>>[vector<16xi32>], vector<16xf32>,
      %swap3A = arith.index_cast %multiple_of3A : i32 to index
      %swap3A_2350 = tpu.vector_load %arg7[%swap3A] {strides = array<i32>} : memref<4096xf32, #tpu.memory_space<vmem>>, vector<16xf32>,
      tpu.vector_store %arg7[%swap3A], %gather3A {strides = array<i32>} : memref<4096xf32, #tpu.memory_space<vmem>>, vector<16xf32>,
    }
    %scan3A_1131 = arith.constant 256 : i32
    %add3A_1132 = arith.constant 1 : i32
    %add3A_1133 = arith.addi %add3A_1055, %add3A_1132 : i32
    %dma_start3A_1134 = arith.constant 0 : i32
    %dma_start3A_1135 = tpu.memref_slice %arg2[%add3A_1133, %dma_start3A_1134] : memref<832x100000xf32, #tpu.memory_space<hbm>> -> memref<1x100000xf32, #tpu.memory_space<hbm>>
    %dma_start3A_1136 = tpu.memref_squeeze %dma_start3A_1135 : memref<1x100000xf32, #tpu.memory_space<hbm>> -> memref<100000xf32, #tpu.memory_space<hbm>>
    %dma_start3A_1137 = arith.constant 0 : i32
    %dma_start3A_1138 = tpu.memref_slice %arg2[%add3A_1133, %dma_start3A_1137] : memref<832x100000xf32, #tpu.memory_space<hbm>> -> memref<1x100000xf32, #tpu.memory_space<hbm>>
    %dma_start3A_1139 = tpu.memref_squeeze %dma_start3A_1138 : memref<1x100000xf32, #tpu.memory_space<hbm>> -> memref<100000xf32, #tpu.memory_space<hbm>>
    tpu.enqueue_dma source(%dma_start3A_1139 : memref<100000xf32, #tpu.memory_space<hbm>>) target(%arg5 : memref<100000xf32, #tpu.memory_space<vmem>>) target_semaphore(%arg9 : memref<!tpu.dma_semaphore, #tpu.memory_space<semaphore_mem>>)
    %dma_start3A_1140 = arith.constant 0 : i32
    %dma_start3A_1141 = tpu.memref_slice %arg4[%add3A_1055, %dma_start3A_1140] : memref<832x4096xf32, #tpu.memory_space<hbm>> -> memref<1x4096xf32, #tpu.memory_space<hbm>>
    %dma_start3A_1142 = tpu.memref_squeeze %dma_start3A_1141 : memref<1x4096xf32, #tpu.memory_space<hbm>> -> memref<4096xf32, #tpu.memory_space<hbm>>
    %dma_start3A_1143 = arith.constant 0 : i32
    %dma_start3A_1144 = tpu.memref_slice %arg4[%add3A_1055, %dma_start3A_1143] : memref<832x4096xf32, #tpu.memory_space<hbm>> -> memref<1x4096xf32, #tpu.memory_space<hbm>>
    %dma_start3A_1145 = tpu.memref_squeeze %dma_start3A_1144 : memref<1x4096xf32, #tpu.memory_space<hbm>> -> memref<4096xf32, #tpu.memory_space<hbm>>
    tpu.enqueue_dma source(%arg7 : memref<4096xf32, #tpu.memory_space<vmem>>) target(%dma_start3A_1145 : memref<4096xf32, #tpu.memory_space<hbm>>) target_semaphore(%arg10 : memref<!tpu.dma_semaphore, #tpu.memory_space<semaphore_mem>>)
    %add3A_1146 = arith.constant 13 : i32
    %add3A_1147 = arith.addi %mul3A_2, %add3A_1146 : i32
    %add3A_1148 = arith.constant 13 : i32
    %add3A_1149 = arith.addi %mul3A_2, %add3A_1148 : i32
    %jit3A_1150 = arith.constant 32 : i32
    %div3A_1151 = arith.divsi %add3A_1149, %jit3A_1150 : i32
    %sign3A_1152 = arith.constant 0 : i32
    %sign3A_1153 = arith.cmpi sgt, %add3A_1149, %sign3A_1152 : i32
    %sign3A_1154 = arith.extui %sign3A_1153 : i1 to i32
    %sign3A_1155 = arith.constant 0 : i32
    %sign3A_1156 = arith.cmpi slt, %add3A_1149, %sign3A_1155 : i32
    %sign3A_1157 = arith.extui %sign3A_1156 : i1 to i32
    %sign3A_1158 = arith.subi %sign3A_1154, %sign3A_1157 : i32
    %sign3A_1159 = arith.constant 0 : i32
    %sign3A_1160 = arith.cmpi sgt, %jit3A_1150, %sign3A_1159 : i32
    %sign3A_1161 = arith.extui %sign3A_1160 : i1 to i32
    %sign3A_1162 = arith.constant 0 : i32
    %sign3A_1163 = arith.cmpi slt, %jit3A_1150, %sign3A_1162 : i32
    %sign3A_1164 = arith.extui %sign3A_1163 : i1 to i32
    %sign3A_1165 = arith.subi %sign3A_1161, %sign3A_1164 : i32
    %ne3A_1166 = arith.cmpi ne, %sign3A_1158, %sign3A_1165 : i32
    %rem3A_1167 = arith.remsi %add3A_1149, %jit3A_1150 : i32
    %ne3A_1168 = arith.constant 0 : i32
    %ne3A_1169 = arith.cmpi ne, %rem3A_1167, %ne3A_1168 : i32
    %and3A_1170 = arith.andi %ne3A_1166, %ne3A_1169 : i1
    %sub3A_1171 = arith.constant 1 : i32
    %sub3A_1172 = arith.subi %div3A_1151, %sub3A_1171 : i32
    %select_n3A_1173 = arith.select %and3A_1170, %sub3A_1172, %div3A_1151 : i32
    %add3A_1174 = arith.constant 13 : i32
    %add3A_1175 = arith.addi %mul3A_2, %add3A_1174 : i32
    %sub3A_1176 = arith.constant 1 : i32
    %sub3A_1177 = arith.subi %add3A_1175, %sub3A_1176 : i32
    %jit3A_1178 = arith.constant 32 : i32
    %div3A_1179 = arith.divsi %sub3A_1177, %jit3A_1178 : i32
    %sign3A_1180 = arith.constant 0 : i32
    %sign3A_1181 = arith.cmpi sgt, %sub3A_1177, %sign3A_1180 : i32
    %sign3A_1182 = arith.extui %sign3A_1181 : i1 to i32
    %sign3A_1183 = arith.constant 0 : i32
    %sign3A_1184 = arith.cmpi slt, %sub3A_1177, %sign3A_1183 : i32
    %sign3A_1185 = arith.extui %sign3A_1184 : i1 to i32
    %sign3A_1186 = arith.subi %sign3A_1182, %sign3A_1185 : i32
    %sign3A_1187 = arith.constant 0 : i32
    %sign3A_1188 = arith.cmpi sgt, %jit3A_1178, %sign3A_1187 : i32
    %sign3A_1189 = arith.extui %sign3A_1188 : i1 to i32
    %sign3A_1190 = arith.constant 0 : i32
    %sign3A_1191 = arith.cmpi slt, %jit3A_1178, %sign3A_1190 : i32
    %sign3A_1192 = arith.extui %sign3A_1191 : i1 to i32
    %sign3A_1193 = arith.subi %sign3A_1189, %sign3A_1192 : i32
    %ne3A_1194 = arith.cmpi ne, %sign3A_1186, %sign3A_1193 : i32
    %rem3A_1195 = arith.remsi %sub3A_1177, %jit3A_1178 : i32
    %ne3A_1196 = arith.constant 0 : i32
    %ne3A_1197 = arith.cmpi ne, %rem3A_1195, %ne3A_1196 : i32
    %and3A_1198 = arith.andi %ne3A_1194, %ne3A_1197 : i1
    %sub3A_1199 = arith.constant 1 : i32
    %sub3A_1200 = arith.subi %div3A_1179, %sub3A_1199 : i32
    %select_n3A_1201 = arith.select %and3A_1198, %sub3A_1200, %div3A_1179 : i32
    %ne3A_1202 = arith.cmpi ne, %select_n3A_1173, %select_n3A_1201 : i32
    %convert_element_type3A_1203 = arith.extui %ne3A_1202 : i1 to i32
    %cond3A_1204 = arith.constant 0 : i32
    %cond3A_1205 = arith.cmpi ne, %convert_element_type3A_1203, %cond3A_1204 : i32
    scf.if %cond3A_1205 {
      %jit3A_2346 = arith.constant 32 : i32
      %div3A_2347 = arith.divsi %add3A_1147, %jit3A_2346 : i32
      %sign3A_2348 = arith.constant 0 : i32
      %sign3A_2349 = arith.cmpi sgt, %add3A_1147, %sign3A_2348 : i32
      %sign3A_2350 = arith.extui %sign3A_2349 : i1 to i32
      %sign3A_2351 = arith.constant 0 : i32
      %sign3A_2352 = arith.cmpi slt, %add3A_1147, %sign3A_2351 : i32
      %sign3A_2353 = arith.extui %sign3A_2352 : i1 to i32
      %sign3A_2354 = arith.subi %sign3A_2350, %sign3A_2353 : i32
      %sign3A_2355 = arith.constant 0 : i32
      %sign3A_2356 = arith.cmpi sgt, %jit3A_2346, %sign3A_2355 : i32
      %sign3A_2357 = arith.extui %sign3A_2356 : i1 to i32
      %sign3A_2358 = arith.constant 0 : i32
      %sign3A_2359 = arith.cmpi slt, %jit3A_2346, %sign3A_2358 : i32
      %sign3A_2360 = arith.extui %sign3A_2359 : i1 to i32
      %sign3A_2361 = arith.subi %sign3A_2357, %sign3A_2360 : i32
      %ne3A_2362 = arith.cmpi ne, %sign3A_2354, %sign3A_2361 : i32
      %rem3A_2363 = arith.remsi %add3A_1147, %jit3A_2346 : i32
      %ne3A_2364 = arith.constant 0 : i32
      %ne3A_2365 = arith.cmpi ne, %rem3A_2363, %ne3A_2364 : i32
      %and3A_2366 = arith.andi %ne3A_2362, %ne3A_2365 : i1
      %sub3A_2367 = arith.constant 1 : i32
      %sub3A_2368 = arith.subi %div3A_2347, %sub3A_2367 : i32
      %select_n3A_2369 = arith.select %and3A_2366, %sub3A_2368, %div3A_2347 : i32
      "tpu.region"() ({
        %run_scoped3A = tpu.sem_alloc : memref<!tpu.dma_semaphore, #tpu.memory_space<semaphore_mem>>
        %dma_start3A_2370 = arith.constant 0 : i32
        %dma_start3A_2371 = tpu.memref_slice %arg3[%select_n3A_2369, %dma_start3A_2370] : memref<26x4096xi32, #tpu.memory_space<hbm>> -> memref<1x4096xi32, #tpu.memory_space<hbm>>
        %dma_start3A_2372 = tpu.memref_squeeze %dma_start3A_2371 : memref<1x4096xi32, #tpu.memory_space<hbm>> -> memref<4096xi32, #tpu.memory_space<hbm>>
        %dma_start3A_2373 = arith.constant 0 : i32
        %dma_start3A_2374 = tpu.memref_slice %arg3[%select_n3A_2369, %dma_start3A_2373] : memref<26x4096xi32, #tpu.memory_space<hbm>> -> memref<1x4096xi32, #tpu.memory_space<hbm>>
        %dma_start3A_2375 = tpu.memref_squeeze %dma_start3A_2374 : memref<1x4096xi32, #tpu.memory_space<hbm>> -> memref<4096xi32, #tpu.memory_space<hbm>>
        tpu.enqueue_dma source(%dma_start3A_2375 : memref<4096xi32, #tpu.memory_space<hbm>>) target(%arg6 : memref<4096xi32, #tpu.memory_space<vmem>>) target_semaphore(%run_scoped3A : memref<!tpu.dma_semaphore, #tpu.memory_space<semaphore_mem>>)
        %dma_wait3A_2376 = arith.constant 0 : i32
        %dma_wait3A_2377 = tpu.memref_slice %arg3[%select_n3A_2369, %dma_wait3A_2376] : memref<26x4096xi32, #tpu.memory_space<hbm>> -> memref<1x4096xi32, #tpu.memory_space<hbm>>
        %dma_wait3A_2378 = tpu.memref_squeeze %dma_wait3A_2377 : memref<1x4096xi32, #tpu.memory_space<hbm>> -> memref<4096xi32, #tpu.memory_space<hbm>>
        %dma_wait3A_2379 = arith.constant 0 : i32
        %dma_wait3A_2380 = tpu.memref_slice %arg3[%select_n3A_2369, %dma_wait3A_2379] : memref<26x4096xi32, #tpu.memory_space<hbm>> -> memref<1x4096xi32, #tpu.memory_space<hbm>>
        %dma_wait3A_2381 = tpu.memref_squeeze %dma_wait3A_2380 : memref<1x4096xi32, #tpu.memory_space<hbm>> -> memref<4096xi32, #tpu.memory_space<hbm>>
        tpu.wait_dma2 semaphore(%run_scoped3A : memref<!tpu.dma_semaphore, #tpu.memory_space<semaphore_mem>>) src(%dma_wait3A_2381 : memref<4096xi32, #tpu.memory_space<hbm>>) dst(%arg6 : memref<4096xi32, #tpu.memory_space<vmem>>)
        tpu.yield
      }) : () -> ()
    } else {
    }
    %dma_wait3A_1206 = arith.constant 0 : i32
    %dma_wait3A_1207 = tpu.memref_slice %arg2[%add3A_1133, %dma_wait3A_1206] : memref<832x100000xf32, #tpu.memory_space<hbm>> -> memref<1x100000xf32, #tpu.memory_space<hbm>>
    %dma_wait3A_1208 = tpu.memref_squeeze %dma_wait3A_1207 : memref<1x100000xf32, #tpu.memory_space<hbm>> -> memref<100000xf32, #tpu.memory_space<hbm>>
    %dma_wait3A_1209 = arith.constant 0 : i32
    %dma_wait3A_1210 = tpu.memref_slice %arg2[%add3A_1133, %dma_wait3A_1209] : memref<832x100000xf32, #tpu.memory_space<hbm>> -> memref<1x100000xf32, #tpu.memory_space<hbm>>
    %dma_wait3A_1211 = tpu.memref_squeeze %dma_wait3A_1210 : memref<1x100000xf32, #tpu.memory_space<hbm>> -> memref<100000xf32, #tpu.memory_space<hbm>>
    tpu.wait_dma2 semaphore(%arg9 : memref<!tpu.dma_semaphore, #tpu.memory_space<semaphore_mem>>) src(%dma_wait3A_1211 : memref<100000xf32, #tpu.memory_space<hbm>>) dst(%arg5 : memref<100000xf32, #tpu.memory_space<vmem>>)
    %dma_wait3A_1212 = arith.constant 0 : i32
    %dma_wait3A_1213 = tpu.memref_slice %arg4[%add3A_963, %dma_wait3A_1212] : memref<832x4096xf32, #tpu.memory_space<hbm>> -> memref<1x4096xf32, #tpu.memory_space<hbm>>
    %dma_wait3A_1214 = tpu.memref_squeeze %dma_wait3A_1213 : memref<1x4096xf32, #tpu.memory_space<hbm>> -> memref<4096xf32, #tpu.memory_space<hbm>>
    %dma_wait3A_1215 = arith.constant 0 : i32
    %dma_wait3A_1216 = tpu.memref_slice %arg4[%add3A_963, %dma_wait3A_1215] : memref<832x4096xf32, #tpu.memory_space<hbm>> -> memref<1x4096xf32, #tpu.memory_space<hbm>>
    %dma_wait3A_1217 = tpu.memref_squeeze %dma_wait3A_1216 : memref<1x4096xf32, #tpu.memory_space<hbm>> -> memref<4096xf32, #tpu.memory_space<hbm>>
    tpu.wait_dma2 semaphore(%arg11 : memref<!tpu.dma_semaphore, #tpu.memory_space<semaphore_mem>>) src(%arg8 : memref<4096xf32, #tpu.memory_space<vmem>>) dst(%dma_wait3A_1217 : memref<4096xf32, #tpu.memory_space<hbm>>)
    %scan3A_1218 = arith.constant 0 : i32
    %scan3A_1219 = arith.constant 0 : i32
    %scan3A_1220 = arith.constant 256 : i32
    %scan3A_1221 = arith.addi %scan3A_1219, %scan3A_1220 : i32
    %scan3A_1222 = arith.constant 1 : i32
    scf.for %scan3A_2346 = %scan3A_1219 to %scan3A_1221 step %scan3A_1222  : i32 {
      %mul3A_2347 = arith.constant 16 : i32
      %mul3A_2348 = arith.muli %scan3A_2346, %mul3A_2347 : i32
      %multiple_of3A = tpu.assume_multiple %mul3A_2348, 16 : i32
      %get3A = arith.index_cast %multiple_of3A : i32 to index
      %get3A_2349 = tpu.vector_load %arg6[%get3A] {strides = array<i32>} : memref<4096xi32, #tpu.memory_space<vmem>>, vector<16xi32>,
      %gather3A = tpu.vector_load_idx %arg5[%get3A_2349] : memref<100000xf32, #tpu.memory_space<vmem>>[vector<16xi32>], vector<16xf32>,
      %swap3A = arith.index_cast %multiple_of3A : i32 to index
      %swap3A_2350 = tpu.vector_load %arg8[%swap3A] {strides = array<i32>} : memref<4096xf32, #tpu.memory_space<vmem>>, vector<16xf32>,
      tpu.vector_store %arg8[%swap3A], %gather3A {strides = array<i32>} : memref<4096xf32, #tpu.memory_space<vmem>>, vector<16xf32>,
    }
    %scan3A_1223 = arith.constant 256 : i32
    %add3A_1224 = arith.constant 1 : i32
    %add3A_1225 = arith.addi %add3A_1147, %add3A_1224 : i32
    %dma_start3A_1226 = arith.constant 0 : i32
    %dma_start3A_1227 = tpu.memref_slice %arg2[%add3A_1225, %dma_start3A_1226] : memref<832x100000xf32, #tpu.memory_space<hbm>> -> memref<1x100000xf32, #tpu.memory_space<hbm>>
    %dma_start3A_1228 = tpu.memref_squeeze %dma_start3A_1227 : memref<1x100000xf32, #tpu.memory_space<hbm>> -> memref<100000xf32, #tpu.memory_space<hbm>>
    %dma_start3A_1229 = arith.constant 0 : i32
    %dma_start3A_1230 = tpu.memref_slice %arg2[%add3A_1225, %dma_start3A_1229] : memref<832x100000xf32, #tpu.memory_space<hbm>> -> memref<1x100000xf32, #tpu.memory_space<hbm>>
    %dma_start3A_1231 = tpu.memref_squeeze %dma_start3A_1230 : memref<1x100000xf32, #tpu.memory_space<hbm>> -> memref<100000xf32, #tpu.memory_space<hbm>>
    tpu.enqueue_dma source(%dma_start3A_1231 : memref<100000xf32, #tpu.memory_space<hbm>>) target(%arg5 : memref<100000xf32, #tpu.memory_space<vmem>>) target_semaphore(%arg9 : memref<!tpu.dma_semaphore, #tpu.memory_space<semaphore_mem>>)
    %dma_start3A_1232 = arith.constant 0 : i32
    %dma_start3A_1233 = tpu.memref_slice %arg4[%add3A_1147, %dma_start3A_1232] : memref<832x4096xf32, #tpu.memory_space<hbm>> -> memref<1x4096xf32, #tpu.memory_space<hbm>>
    %dma_start3A_1234 = tpu.memref_squeeze %dma_start3A_1233 : memref<1x4096xf32, #tpu.memory_space<hbm>> -> memref<4096xf32, #tpu.memory_space<hbm>>
    %dma_start3A_1235 = arith.constant 0 : i32
    %dma_start3A_1236 = tpu.memref_slice %arg4[%add3A_1147, %dma_start3A_1235] : memref<832x4096xf32, #tpu.memory_space<hbm>> -> memref<1x4096xf32, #tpu.memory_space<hbm>>
    %dma_start3A_1237 = tpu.memref_squeeze %dma_start3A_1236 : memref<1x4096xf32, #tpu.memory_space<hbm>> -> memref<4096xf32, #tpu.memory_space<hbm>>
    tpu.enqueue_dma source(%arg8 : memref<4096xf32, #tpu.memory_space<vmem>>) target(%dma_start3A_1237 : memref<4096xf32, #tpu.memory_space<hbm>>) target_semaphore(%arg11 : memref<!tpu.dma_semaphore, #tpu.memory_space<semaphore_mem>>)
    %add3A_1238 = arith.constant 14 : i32
    %add3A_1239 = arith.addi %mul3A_2, %add3A_1238 : i32
    %add3A_1240 = arith.constant 14 : i32
    %add3A_1241 = arith.addi %mul3A_2, %add3A_1240 : i32
    %jit3A_1242 = arith.constant 32 : i32
    %div3A_1243 = arith.divsi %add3A_1241, %jit3A_1242 : i32
    %sign3A_1244 = arith.constant 0 : i32
    %sign3A_1245 = arith.cmpi sgt, %add3A_1241, %sign3A_1244 : i32
    %sign3A_1246 = arith.extui %sign3A_1245 : i1 to i32
    %sign3A_1247 = arith.constant 0 : i32
    %sign3A_1248 = arith.cmpi slt, %add3A_1241, %sign3A_1247 : i32
    %sign3A_1249 = arith.extui %sign3A_1248 : i1 to i32
    %sign3A_1250 = arith.subi %sign3A_1246, %sign3A_1249 : i32
    %sign3A_1251 = arith.constant 0 : i32
    %sign3A_1252 = arith.cmpi sgt, %jit3A_1242, %sign3A_1251 : i32
    %sign3A_1253 = arith.extui %sign3A_1252 : i1 to i32
    %sign3A_1254 = arith.constant 0 : i32
    %sign3A_1255 = arith.cmpi slt, %jit3A_1242, %sign3A_1254 : i32
    %sign3A_1256 = arith.extui %sign3A_1255 : i1 to i32
    %sign3A_1257 = arith.subi %sign3A_1253, %sign3A_1256 : i32
    %ne3A_1258 = arith.cmpi ne, %sign3A_1250, %sign3A_1257 : i32
    %rem3A_1259 = arith.remsi %add3A_1241, %jit3A_1242 : i32
    %ne3A_1260 = arith.constant 0 : i32
    %ne3A_1261 = arith.cmpi ne, %rem3A_1259, %ne3A_1260 : i32
    %and3A_1262 = arith.andi %ne3A_1258, %ne3A_1261 : i1
    %sub3A_1263 = arith.constant 1 : i32
    %sub3A_1264 = arith.subi %div3A_1243, %sub3A_1263 : i32
    %select_n3A_1265 = arith.select %and3A_1262, %sub3A_1264, %div3A_1243 : i32
    %add3A_1266 = arith.constant 14 : i32
    %add3A_1267 = arith.addi %mul3A_2, %add3A_1266 : i32
    %sub3A_1268 = arith.constant 1 : i32
    %sub3A_1269 = arith.subi %add3A_1267, %sub3A_1268 : i32
    %jit3A_1270 = arith.constant 32 : i32
    %div3A_1271 = arith.divsi %sub3A_1269, %jit3A_1270 : i32
    %sign3A_1272 = arith.constant 0 : i32
    %sign3A_1273 = arith.cmpi sgt, %sub3A_1269, %sign3A_1272 : i32
    %sign3A_1274 = arith.extui %sign3A_1273 : i1 to i32
    %sign3A_1275 = arith.constant 0 : i32
    %sign3A_1276 = arith.cmpi slt, %sub3A_1269, %sign3A_1275 : i32
    %sign3A_1277 = arith.extui %sign3A_1276 : i1 to i32
    %sign3A_1278 = arith.subi %sign3A_1274, %sign3A_1277 : i32
    %sign3A_1279 = arith.constant 0 : i32
    %sign3A_1280 = arith.cmpi sgt, %jit3A_1270, %sign3A_1279 : i32
    %sign3A_1281 = arith.extui %sign3A_1280 : i1 to i32
    %sign3A_1282 = arith.constant 0 : i32
    %sign3A_1283 = arith.cmpi slt, %jit3A_1270, %sign3A_1282 : i32
    %sign3A_1284 = arith.extui %sign3A_1283 : i1 to i32
    %sign3A_1285 = arith.subi %sign3A_1281, %sign3A_1284 : i32
    %ne3A_1286 = arith.cmpi ne, %sign3A_1278, %sign3A_1285 : i32
    %rem3A_1287 = arith.remsi %sub3A_1269, %jit3A_1270 : i32
    %ne3A_1288 = arith.constant 0 : i32
    %ne3A_1289 = arith.cmpi ne, %rem3A_1287, %ne3A_1288 : i32
    %and3A_1290 = arith.andi %ne3A_1286, %ne3A_1289 : i1
    %sub3A_1291 = arith.constant 1 : i32
    %sub3A_1292 = arith.subi %div3A_1271, %sub3A_1291 : i32
    %select_n3A_1293 = arith.select %and3A_1290, %sub3A_1292, %div3A_1271 : i32
    %ne3A_1294 = arith.cmpi ne, %select_n3A_1265, %select_n3A_1293 : i32
    %convert_element_type3A_1295 = arith.extui %ne3A_1294 : i1 to i32
    %cond3A_1296 = arith.constant 0 : i32
    %cond3A_1297 = arith.cmpi ne, %convert_element_type3A_1295, %cond3A_1296 : i32
    scf.if %cond3A_1297 {
      %jit3A_2346 = arith.constant 32 : i32
      %div3A_2347 = arith.divsi %add3A_1239, %jit3A_2346 : i32
      %sign3A_2348 = arith.constant 0 : i32
      %sign3A_2349 = arith.cmpi sgt, %add3A_1239, %sign3A_2348 : i32
      %sign3A_2350 = arith.extui %sign3A_2349 : i1 to i32
      %sign3A_2351 = arith.constant 0 : i32
      %sign3A_2352 = arith.cmpi slt, %add3A_1239, %sign3A_2351 : i32
      %sign3A_2353 = arith.extui %sign3A_2352 : i1 to i32
      %sign3A_2354 = arith.subi %sign3A_2350, %sign3A_2353 : i32
      %sign3A_2355 = arith.constant 0 : i32
      %sign3A_2356 = arith.cmpi sgt, %jit3A_2346, %sign3A_2355 : i32
      %sign3A_2357 = arith.extui %sign3A_2356 : i1 to i32
      %sign3A_2358 = arith.constant 0 : i32
      %sign3A_2359 = arith.cmpi slt, %jit3A_2346, %sign3A_2358 : i32
      %sign3A_2360 = arith.extui %sign3A_2359 : i1 to i32
      %sign3A_2361 = arith.subi %sign3A_2357, %sign3A_2360 : i32
      %ne3A_2362 = arith.cmpi ne, %sign3A_2354, %sign3A_2361 : i32
      %rem3A_2363 = arith.remsi %add3A_1239, %jit3A_2346 : i32
      %ne3A_2364 = arith.constant 0 : i32
      %ne3A_2365 = arith.cmpi ne, %rem3A_2363, %ne3A_2364 : i32
      %and3A_2366 = arith.andi %ne3A_2362, %ne3A_2365 : i1
      %sub3A_2367 = arith.constant 1 : i32
      %sub3A_2368 = arith.subi %div3A_2347, %sub3A_2367 : i32
      %select_n3A_2369 = arith.select %and3A_2366, %sub3A_2368, %div3A_2347 : i32
      "tpu.region"() ({
        %run_scoped3A = tpu.sem_alloc : memref<!tpu.dma_semaphore, #tpu.memory_space<semaphore_mem>>
        %dma_start3A_2370 = arith.constant 0 : i32
        %dma_start3A_2371 = tpu.memref_slice %arg3[%select_n3A_2369, %dma_start3A_2370] : memref<26x4096xi32, #tpu.memory_space<hbm>> -> memref<1x4096xi32, #tpu.memory_space<hbm>>
        %dma_start3A_2372 = tpu.memref_squeeze %dma_start3A_2371 : memref<1x4096xi32, #tpu.memory_space<hbm>> -> memref<4096xi32, #tpu.memory_space<hbm>>
        %dma_start3A_2373 = arith.constant 0 : i32
        %dma_start3A_2374 = tpu.memref_slice %arg3[%select_n3A_2369, %dma_start3A_2373] : memref<26x4096xi32, #tpu.memory_space<hbm>> -> memref<1x4096xi32, #tpu.memory_space<hbm>>
        %dma_start3A_2375 = tpu.memref_squeeze %dma_start3A_2374 : memref<1x4096xi32, #tpu.memory_space<hbm>> -> memref<4096xi32, #tpu.memory_space<hbm>>
        tpu.enqueue_dma source(%dma_start3A_2375 : memref<4096xi32, #tpu.memory_space<hbm>>) target(%arg6 : memref<4096xi32, #tpu.memory_space<vmem>>) target_semaphore(%run_scoped3A : memref<!tpu.dma_semaphore, #tpu.memory_space<semaphore_mem>>)
        %dma_wait3A_2376 = arith.constant 0 : i32
        %dma_wait3A_2377 = tpu.memref_slice %arg3[%select_n3A_2369, %dma_wait3A_2376] : memref<26x4096xi32, #tpu.memory_space<hbm>> -> memref<1x4096xi32, #tpu.memory_space<hbm>>
        %dma_wait3A_2378 = tpu.memref_squeeze %dma_wait3A_2377 : memref<1x4096xi32, #tpu.memory_space<hbm>> -> memref<4096xi32, #tpu.memory_space<hbm>>
        %dma_wait3A_2379 = arith.constant 0 : i32
        %dma_wait3A_2380 = tpu.memref_slice %arg3[%select_n3A_2369, %dma_wait3A_2379] : memref<26x4096xi32, #tpu.memory_space<hbm>> -> memref<1x4096xi32, #tpu.memory_space<hbm>>
        %dma_wait3A_2381 = tpu.memref_squeeze %dma_wait3A_2380 : memref<1x4096xi32, #tpu.memory_space<hbm>> -> memref<4096xi32, #tpu.memory_space<hbm>>
        tpu.wait_dma2 semaphore(%run_scoped3A : memref<!tpu.dma_semaphore, #tpu.memory_space<semaphore_mem>>) src(%dma_wait3A_2381 : memref<4096xi32, #tpu.memory_space<hbm>>) dst(%arg6 : memref<4096xi32, #tpu.memory_space<vmem>>)
        tpu.yield
      }) : () -> ()
    } else {
    }
    %dma_wait3A_1298 = arith.constant 0 : i32
    %dma_wait3A_1299 = tpu.memref_slice %arg2[%add3A_1225, %dma_wait3A_1298] : memref<832x100000xf32, #tpu.memory_space<hbm>> -> memref<1x100000xf32, #tpu.memory_space<hbm>>
    %dma_wait3A_1300 = tpu.memref_squeeze %dma_wait3A_1299 : memref<1x100000xf32, #tpu.memory_space<hbm>> -> memref<100000xf32, #tpu.memory_space<hbm>>
    %dma_wait3A_1301 = arith.constant 0 : i32
    %dma_wait3A_1302 = tpu.memref_slice %arg2[%add3A_1225, %dma_wait3A_1301] : memref<832x100000xf32, #tpu.memory_space<hbm>> -> memref<1x100000xf32, #tpu.memory_space<hbm>>
    %dma_wait3A_1303 = tpu.memref_squeeze %dma_wait3A_1302 : memref<1x100000xf32, #tpu.memory_space<hbm>> -> memref<100000xf32, #tpu.memory_space<hbm>>
    tpu.wait_dma2 semaphore(%arg9 : memref<!tpu.dma_semaphore, #tpu.memory_space<semaphore_mem>>) src(%dma_wait3A_1303 : memref<100000xf32, #tpu.memory_space<hbm>>) dst(%arg5 : memref<100000xf32, #tpu.memory_space<vmem>>)
    %dma_wait3A_1304 = arith.constant 0 : i32
    %dma_wait3A_1305 = tpu.memref_slice %arg4[%add3A_1055, %dma_wait3A_1304] : memref<832x4096xf32, #tpu.memory_space<hbm>> -> memref<1x4096xf32, #tpu.memory_space<hbm>>
    %dma_wait3A_1306 = tpu.memref_squeeze %dma_wait3A_1305 : memref<1x4096xf32, #tpu.memory_space<hbm>> -> memref<4096xf32, #tpu.memory_space<hbm>>
    %dma_wait3A_1307 = arith.constant 0 : i32
    %dma_wait3A_1308 = tpu.memref_slice %arg4[%add3A_1055, %dma_wait3A_1307] : memref<832x4096xf32, #tpu.memory_space<hbm>> -> memref<1x4096xf32, #tpu.memory_space<hbm>>
    %dma_wait3A_1309 = tpu.memref_squeeze %dma_wait3A_1308 : memref<1x4096xf32, #tpu.memory_space<hbm>> -> memref<4096xf32, #tpu.memory_space<hbm>>
    tpu.wait_dma2 semaphore(%arg10 : memref<!tpu.dma_semaphore, #tpu.memory_space<semaphore_mem>>) src(%arg7 : memref<4096xf32, #tpu.memory_space<vmem>>) dst(%dma_wait3A_1309 : memref<4096xf32, #tpu.memory_space<hbm>>)
    %scan3A_1310 = arith.constant 0 : i32
    %scan3A_1311 = arith.constant 0 : i32
    %scan3A_1312 = arith.constant 256 : i32
    %scan3A_1313 = arith.addi %scan3A_1311, %scan3A_1312 : i32
    %scan3A_1314 = arith.constant 1 : i32
    scf.for %scan3A_2346 = %scan3A_1311 to %scan3A_1313 step %scan3A_1314  : i32 {
      %mul3A_2347 = arith.constant 16 : i32
      %mul3A_2348 = arith.muli %scan3A_2346, %mul3A_2347 : i32
      %multiple_of3A = tpu.assume_multiple %mul3A_2348, 16 : i32
      %get3A = arith.index_cast %multiple_of3A : i32 to index
      %get3A_2349 = tpu.vector_load %arg6[%get3A] {strides = array<i32>} : memref<4096xi32, #tpu.memory_space<vmem>>, vector<16xi32>,
      %gather3A = tpu.vector_load_idx %arg5[%get3A_2349] : memref<100000xf32, #tpu.memory_space<vmem>>[vector<16xi32>], vector<16xf32>,
      %swap3A = arith.index_cast %multiple_of3A : i32 to index
      %swap3A_2350 = tpu.vector_load %arg7[%swap3A] {strides = array<i32>} : memref<4096xf32, #tpu.memory_space<vmem>>, vector<16xf32>,
      tpu.vector_store %arg7[%swap3A], %gather3A {strides = array<i32>} : memref<4096xf32, #tpu.memory_space<vmem>>, vector<16xf32>,
    }
    %scan3A_1315 = arith.constant 256 : i32
    %add3A_1316 = arith.constant 1 : i32
    %add3A_1317 = arith.addi %add3A_1239, %add3A_1316 : i32
    %dma_start3A_1318 = arith.constant 0 : i32
    %dma_start3A_1319 = tpu.memref_slice %arg2[%add3A_1317, %dma_start3A_1318] : memref<832x100000xf32, #tpu.memory_space<hbm>> -> memref<1x100000xf32, #tpu.memory_space<hbm>>
    %dma_start3A_1320 = tpu.memref_squeeze %dma_start3A_1319 : memref<1x100000xf32, #tpu.memory_space<hbm>> -> memref<100000xf32, #tpu.memory_space<hbm>>
    %dma_start3A_1321 = arith.constant 0 : i32
    %dma_start3A_1322 = tpu.memref_slice %arg2[%add3A_1317, %dma_start3A_1321] : memref<832x100000xf32, #tpu.memory_space<hbm>> -> memref<1x100000xf32, #tpu.memory_space<hbm>>
    %dma_start3A_1323 = tpu.memref_squeeze %dma_start3A_1322 : memref<1x100000xf32, #tpu.memory_space<hbm>> -> memref<100000xf32, #tpu.memory_space<hbm>>
    tpu.enqueue_dma source(%dma_start3A_1323 : memref<100000xf32, #tpu.memory_space<hbm>>) target(%arg5 : memref<100000xf32, #tpu.memory_space<vmem>>) target_semaphore(%arg9 : memref<!tpu.dma_semaphore, #tpu.memory_space<semaphore_mem>>)
    %dma_start3A_1324 = arith.constant 0 : i32
    %dma_start3A_1325 = tpu.memref_slice %arg4[%add3A_1239, %dma_start3A_1324] : memref<832x4096xf32, #tpu.memory_space<hbm>> -> memref<1x4096xf32, #tpu.memory_space<hbm>>
    %dma_start3A_1326 = tpu.memref_squeeze %dma_start3A_1325 : memref<1x4096xf32, #tpu.memory_space<hbm>> -> memref<4096xf32, #tpu.memory_space<hbm>>
    %dma_start3A_1327 = arith.constant 0 : i32
    %dma_start3A_1328 = tpu.memref_slice %arg4[%add3A_1239, %dma_start3A_1327] : memref<832x4096xf32, #tpu.memory_space<hbm>> -> memref<1x4096xf32, #tpu.memory_space<hbm>>
    %dma_start3A_1329 = tpu.memref_squeeze %dma_start3A_1328 : memref<1x4096xf32, #tpu.memory_space<hbm>> -> memref<4096xf32, #tpu.memory_space<hbm>>
    tpu.enqueue_dma source(%arg7 : memref<4096xf32, #tpu.memory_space<vmem>>) target(%dma_start3A_1329 : memref<4096xf32, #tpu.memory_space<hbm>>) target_semaphore(%arg10 : memref<!tpu.dma_semaphore, #tpu.memory_space<semaphore_mem>>)
    %add3A_1330 = arith.constant 15 : i32
    %add3A_1331 = arith.addi %mul3A_2, %add3A_1330 : i32
    %add3A_1332 = arith.constant 15 : i32
    %add3A_1333 = arith.addi %mul3A_2, %add3A_1332 : i32
    %jit3A_1334 = arith.constant 32 : i32
    %div3A_1335 = arith.divsi %add3A_1333, %jit3A_1334 : i32
    %sign3A_1336 = arith.constant 0 : i32
    %sign3A_1337 = arith.cmpi sgt, %add3A_1333, %sign3A_1336 : i32
    %sign3A_1338 = arith.extui %sign3A_1337 : i1 to i32
    %sign3A_1339 = arith.constant 0 : i32
    %sign3A_1340 = arith.cmpi slt, %add3A_1333, %sign3A_1339 : i32
    %sign3A_1341 = arith.extui %sign3A_1340 : i1 to i32
    %sign3A_1342 = arith.subi %sign3A_1338, %sign3A_1341 : i32
    %sign3A_1343 = arith.constant 0 : i32
    %sign3A_1344 = arith.cmpi sgt, %jit3A_1334, %sign3A_1343 : i32
    %sign3A_1345 = arith.extui %sign3A_1344 : i1 to i32
    %sign3A_1346 = arith.constant 0 : i32
    %sign3A_1347 = arith.cmpi slt, %jit3A_1334, %sign3A_1346 : i32
    %sign3A_1348 = arith.extui %sign3A_1347 : i1 to i32
    %sign3A_1349 = arith.subi %sign3A_1345, %sign3A_1348 : i32
    %ne3A_1350 = arith.cmpi ne, %sign3A_1342, %sign3A_1349 : i32
    %rem3A_1351 = arith.remsi %add3A_1333, %jit3A_1334 : i32
    %ne3A_1352 = arith.constant 0 : i32
    %ne3A_1353 = arith.cmpi ne, %rem3A_1351, %ne3A_1352 : i32
    %and3A_1354 = arith.andi %ne3A_1350, %ne3A_1353 : i1
    %sub3A_1355 = arith.constant 1 : i32
    %sub3A_1356 = arith.subi %div3A_1335, %sub3A_1355 : i32
    %select_n3A_1357 = arith.select %and3A_1354, %sub3A_1356, %div3A_1335 : i32
    %add3A_1358 = arith.constant 15 : i32
    %add3A_1359 = arith.addi %mul3A_2, %add3A_1358 : i32
    %sub3A_1360 = arith.constant 1 : i32
    %sub3A_1361 = arith.subi %add3A_1359, %sub3A_1360 : i32
    %jit3A_1362 = arith.constant 32 : i32
    %div3A_1363 = arith.divsi %sub3A_1361, %jit3A_1362 : i32
    %sign3A_1364 = arith.constant 0 : i32
    %sign3A_1365 = arith.cmpi sgt, %sub3A_1361, %sign3A_1364 : i32
    %sign3A_1366 = arith.extui %sign3A_1365 : i1 to i32
    %sign3A_1367 = arith.constant 0 : i32
    %sign3A_1368 = arith.cmpi slt, %sub3A_1361, %sign3A_1367 : i32
    %sign3A_1369 = arith.extui %sign3A_1368 : i1 to i32
    %sign3A_1370 = arith.subi %sign3A_1366, %sign3A_1369 : i32
    %sign3A_1371 = arith.constant 0 : i32
    %sign3A_1372 = arith.cmpi sgt, %jit3A_1362, %sign3A_1371 : i32
    %sign3A_1373 = arith.extui %sign3A_1372 : i1 to i32
    %sign3A_1374 = arith.constant 0 : i32
    %sign3A_1375 = arith.cmpi slt, %jit3A_1362, %sign3A_1374 : i32
    %sign3A_1376 = arith.extui %sign3A_1375 : i1 to i32
    %sign3A_1377 = arith.subi %sign3A_1373, %sign3A_1376 : i32
    %ne3A_1378 = arith.cmpi ne, %sign3A_1370, %sign3A_1377 : i32
    %rem3A_1379 = arith.remsi %sub3A_1361, %jit3A_1362 : i32
    %ne3A_1380 = arith.constant 0 : i32
    %ne3A_1381 = arith.cmpi ne, %rem3A_1379, %ne3A_1380 : i32
    %and3A_1382 = arith.andi %ne3A_1378, %ne3A_1381 : i1
    %sub3A_1383 = arith.constant 1 : i32
    %sub3A_1384 = arith.subi %div3A_1363, %sub3A_1383 : i32
    %select_n3A_1385 = arith.select %and3A_1382, %sub3A_1384, %div3A_1363 : i32
    %ne3A_1386 = arith.cmpi ne, %select_n3A_1357, %select_n3A_1385 : i32
    %convert_element_type3A_1387 = arith.extui %ne3A_1386 : i1 to i32
    %cond3A_1388 = arith.constant 0 : i32
    %cond3A_1389 = arith.cmpi ne, %convert_element_type3A_1387, %cond3A_1388 : i32
    scf.if %cond3A_1389 {
      %jit3A_2346 = arith.constant 32 : i32
      %div3A_2347 = arith.divsi %add3A_1331, %jit3A_2346 : i32
      %sign3A_2348 = arith.constant 0 : i32
      %sign3A_2349 = arith.cmpi sgt, %add3A_1331, %sign3A_2348 : i32
      %sign3A_2350 = arith.extui %sign3A_2349 : i1 to i32
      %sign3A_2351 = arith.constant 0 : i32
      %sign3A_2352 = arith.cmpi slt, %add3A_1331, %sign3A_2351 : i32
      %sign3A_2353 = arith.extui %sign3A_2352 : i1 to i32
      %sign3A_2354 = arith.subi %sign3A_2350, %sign3A_2353 : i32
      %sign3A_2355 = arith.constant 0 : i32
      %sign3A_2356 = arith.cmpi sgt, %jit3A_2346, %sign3A_2355 : i32
      %sign3A_2357 = arith.extui %sign3A_2356 : i1 to i32
      %sign3A_2358 = arith.constant 0 : i32
      %sign3A_2359 = arith.cmpi slt, %jit3A_2346, %sign3A_2358 : i32
      %sign3A_2360 = arith.extui %sign3A_2359 : i1 to i32
      %sign3A_2361 = arith.subi %sign3A_2357, %sign3A_2360 : i32
      %ne3A_2362 = arith.cmpi ne, %sign3A_2354, %sign3A_2361 : i32
      %rem3A_2363 = arith.remsi %add3A_1331, %jit3A_2346 : i32
      %ne3A_2364 = arith.constant 0 : i32
      %ne3A_2365 = arith.cmpi ne, %rem3A_2363, %ne3A_2364 : i32
      %and3A_2366 = arith.andi %ne3A_2362, %ne3A_2365 : i1
      %sub3A_2367 = arith.constant 1 : i32
      %sub3A_2368 = arith.subi %div3A_2347, %sub3A_2367 : i32
      %select_n3A_2369 = arith.select %and3A_2366, %sub3A_2368, %div3A_2347 : i32
      "tpu.region"() ({
        %run_scoped3A = tpu.sem_alloc : memref<!tpu.dma_semaphore, #tpu.memory_space<semaphore_mem>>
        %dma_start3A_2370 = arith.constant 0 : i32
        %dma_start3A_2371 = tpu.memref_slice %arg3[%select_n3A_2369, %dma_start3A_2370] : memref<26x4096xi32, #tpu.memory_space<hbm>> -> memref<1x4096xi32, #tpu.memory_space<hbm>>
        %dma_start3A_2372 = tpu.memref_squeeze %dma_start3A_2371 : memref<1x4096xi32, #tpu.memory_space<hbm>> -> memref<4096xi32, #tpu.memory_space<hbm>>
        %dma_start3A_2373 = arith.constant 0 : i32
        %dma_start3A_2374 = tpu.memref_slice %arg3[%select_n3A_2369, %dma_start3A_2373] : memref<26x4096xi32, #tpu.memory_space<hbm>> -> memref<1x4096xi32, #tpu.memory_space<hbm>>
        %dma_start3A_2375 = tpu.memref_squeeze %dma_start3A_2374 : memref<1x4096xi32, #tpu.memory_space<hbm>> -> memref<4096xi32, #tpu.memory_space<hbm>>
        tpu.enqueue_dma source(%dma_start3A_2375 : memref<4096xi32, #tpu.memory_space<hbm>>) target(%arg6 : memref<4096xi32, #tpu.memory_space<vmem>>) target_semaphore(%run_scoped3A : memref<!tpu.dma_semaphore, #tpu.memory_space<semaphore_mem>>)
        %dma_wait3A_2376 = arith.constant 0 : i32
        %dma_wait3A_2377 = tpu.memref_slice %arg3[%select_n3A_2369, %dma_wait3A_2376] : memref<26x4096xi32, #tpu.memory_space<hbm>> -> memref<1x4096xi32, #tpu.memory_space<hbm>>
        %dma_wait3A_2378 = tpu.memref_squeeze %dma_wait3A_2377 : memref<1x4096xi32, #tpu.memory_space<hbm>> -> memref<4096xi32, #tpu.memory_space<hbm>>
        %dma_wait3A_2379 = arith.constant 0 : i32
        %dma_wait3A_2380 = tpu.memref_slice %arg3[%select_n3A_2369, %dma_wait3A_2379] : memref<26x4096xi32, #tpu.memory_space<hbm>> -> memref<1x4096xi32, #tpu.memory_space<hbm>>
        %dma_wait3A_2381 = tpu.memref_squeeze %dma_wait3A_2380 : memref<1x4096xi32, #tpu.memory_space<hbm>> -> memref<4096xi32, #tpu.memory_space<hbm>>
        tpu.wait_dma2 semaphore(%run_scoped3A : memref<!tpu.dma_semaphore, #tpu.memory_space<semaphore_mem>>) src(%dma_wait3A_2381 : memref<4096xi32, #tpu.memory_space<hbm>>) dst(%arg6 : memref<4096xi32, #tpu.memory_space<vmem>>)
        tpu.yield
      }) : () -> ()
    } else {
    }
    %dma_wait3A_1390 = arith.constant 0 : i32
    %dma_wait3A_1391 = tpu.memref_slice %arg2[%add3A_1317, %dma_wait3A_1390] : memref<832x100000xf32, #tpu.memory_space<hbm>> -> memref<1x100000xf32, #tpu.memory_space<hbm>>
    %dma_wait3A_1392 = tpu.memref_squeeze %dma_wait3A_1391 : memref<1x100000xf32, #tpu.memory_space<hbm>> -> memref<100000xf32, #tpu.memory_space<hbm>>
    %dma_wait3A_1393 = arith.constant 0 : i32
    %dma_wait3A_1394 = tpu.memref_slice %arg2[%add3A_1317, %dma_wait3A_1393] : memref<832x100000xf32, #tpu.memory_space<hbm>> -> memref<1x100000xf32, #tpu.memory_space<hbm>>
    %dma_wait3A_1395 = tpu.memref_squeeze %dma_wait3A_1394 : memref<1x100000xf32, #tpu.memory_space<hbm>> -> memref<100000xf32, #tpu.memory_space<hbm>>
    tpu.wait_dma2 semaphore(%arg9 : memref<!tpu.dma_semaphore, #tpu.memory_space<semaphore_mem>>) src(%dma_wait3A_1395 : memref<100000xf32, #tpu.memory_space<hbm>>) dst(%arg5 : memref<100000xf32, #tpu.memory_space<vmem>>)
    %dma_wait3A_1396 = arith.constant 0 : i32
    %dma_wait3A_1397 = tpu.memref_slice %arg4[%add3A_1147, %dma_wait3A_1396] : memref<832x4096xf32, #tpu.memory_space<hbm>> -> memref<1x4096xf32, #tpu.memory_space<hbm>>
    %dma_wait3A_1398 = tpu.memref_squeeze %dma_wait3A_1397 : memref<1x4096xf32, #tpu.memory_space<hbm>> -> memref<4096xf32, #tpu.memory_space<hbm>>
    %dma_wait3A_1399 = arith.constant 0 : i32
    %dma_wait3A_1400 = tpu.memref_slice %arg4[%add3A_1147, %dma_wait3A_1399] : memref<832x4096xf32, #tpu.memory_space<hbm>> -> memref<1x4096xf32, #tpu.memory_space<hbm>>
    %dma_wait3A_1401 = tpu.memref_squeeze %dma_wait3A_1400 : memref<1x4096xf32, #tpu.memory_space<hbm>> -> memref<4096xf32, #tpu.memory_space<hbm>>
    tpu.wait_dma2 semaphore(%arg11 : memref<!tpu.dma_semaphore, #tpu.memory_space<semaphore_mem>>) src(%arg8 : memref<4096xf32, #tpu.memory_space<vmem>>) dst(%dma_wait3A_1401 : memref<4096xf32, #tpu.memory_space<hbm>>)
    %scan3A_1402 = arith.constant 0 : i32
    %scan3A_1403 = arith.constant 0 : i32
    %scan3A_1404 = arith.constant 256 : i32
    %scan3A_1405 = arith.addi %scan3A_1403, %scan3A_1404 : i32
    %scan3A_1406 = arith.constant 1 : i32
    scf.for %scan3A_2346 = %scan3A_1403 to %scan3A_1405 step %scan3A_1406  : i32 {
      %mul3A_2347 = arith.constant 16 : i32
      %mul3A_2348 = arith.muli %scan3A_2346, %mul3A_2347 : i32
      %multiple_of3A = tpu.assume_multiple %mul3A_2348, 16 : i32
      %get3A = arith.index_cast %multiple_of3A : i32 to index
      %get3A_2349 = tpu.vector_load %arg6[%get3A] {strides = array<i32>} : memref<4096xi32, #tpu.memory_space<vmem>>, vector<16xi32>,
      %gather3A = tpu.vector_load_idx %arg5[%get3A_2349] : memref<100000xf32, #tpu.memory_space<vmem>>[vector<16xi32>], vector<16xf32>,
      %swap3A = arith.index_cast %multiple_of3A : i32 to index
      %swap3A_2350 = tpu.vector_load %arg8[%swap3A] {strides = array<i32>} : memref<4096xf32, #tpu.memory_space<vmem>>, vector<16xf32>,
      tpu.vector_store %arg8[%swap3A], %gather3A {strides = array<i32>} : memref<4096xf32, #tpu.memory_space<vmem>>, vector<16xf32>,
    }
    %scan3A_1407 = arith.constant 256 : i32
    %add3A_1408 = arith.constant 1 : i32
    %add3A_1409 = arith.addi %add3A_1331, %add3A_1408 : i32
    %dma_start3A_1410 = arith.constant 0 : i32
    %dma_start3A_1411 = tpu.memref_slice %arg2[%add3A_1409, %dma_start3A_1410] : memref<832x100000xf32, #tpu.memory_space<hbm>> -> memref<1x100000xf32, #tpu.memory_space<hbm>>
    %dma_start3A_1412 = tpu.memref_squeeze %dma_start3A_1411 : memref<1x100000xf32, #tpu.memory_space<hbm>> -> memref<100000xf32, #tpu.memory_space<hbm>>
    %dma_start3A_1413 = arith.constant 0 : i32
    %dma_start3A_1414 = tpu.memref_slice %arg2[%add3A_1409, %dma_start3A_1413] : memref<832x100000xf32, #tpu.memory_space<hbm>> -> memref<1x100000xf32, #tpu.memory_space<hbm>>
    %dma_start3A_1415 = tpu.memref_squeeze %dma_start3A_1414 : memref<1x100000xf32, #tpu.memory_space<hbm>> -> memref<100000xf32, #tpu.memory_space<hbm>>
    tpu.enqueue_dma source(%dma_start3A_1415 : memref<100000xf32, #tpu.memory_space<hbm>>) target(%arg5 : memref<100000xf32, #tpu.memory_space<vmem>>) target_semaphore(%arg9 : memref<!tpu.dma_semaphore, #tpu.memory_space<semaphore_mem>>)
    %dma_start3A_1416 = arith.constant 0 : i32
    %dma_start3A_1417 = tpu.memref_slice %arg4[%add3A_1331, %dma_start3A_1416] : memref<832x4096xf32, #tpu.memory_space<hbm>> -> memref<1x4096xf32, #tpu.memory_space<hbm>>
    %dma_start3A_1418 = tpu.memref_squeeze %dma_start3A_1417 : memref<1x4096xf32, #tpu.memory_space<hbm>> -> memref<4096xf32, #tpu.memory_space<hbm>>
    %dma_start3A_1419 = arith.constant 0 : i32
    %dma_start3A_1420 = tpu.memref_slice %arg4[%add3A_1331, %dma_start3A_1419] : memref<832x4096xf32, #tpu.memory_space<hbm>> -> memref<1x4096xf32, #tpu.memory_space<hbm>>
    %dma_start3A_1421 = tpu.memref_squeeze %dma_start3A_1420 : memref<1x4096xf32, #tpu.memory_space<hbm>> -> memref<4096xf32, #tpu.memory_space<hbm>>
    tpu.enqueue_dma source(%arg8 : memref<4096xf32, #tpu.memory_space<vmem>>) target(%dma_start3A_1421 : memref<4096xf32, #tpu.memory_space<hbm>>) target_semaphore(%arg11 : memref<!tpu.dma_semaphore, #tpu.memory_space<semaphore_mem>>)
    %add3A_1422 = arith.constant 16 : i32
    %add3A_1423 = arith.addi %mul3A_2, %add3A_1422 : i32
    %add3A_1424 = arith.constant 16 : i32
    %add3A_1425 = arith.addi %mul3A_2, %add3A_1424 : i32
    %jit3A_1426 = arith.constant 32 : i32
    %div3A_1427 = arith.divsi %add3A_1425, %jit3A_1426 : i32
    %sign3A_1428 = arith.constant 0 : i32
    %sign3A_1429 = arith.cmpi sgt, %add3A_1425, %sign3A_1428 : i32
    %sign3A_1430 = arith.extui %sign3A_1429 : i1 to i32
    %sign3A_1431 = arith.constant 0 : i32
    %sign3A_1432 = arith.cmpi slt, %add3A_1425, %sign3A_1431 : i32
    %sign3A_1433 = arith.extui %sign3A_1432 : i1 to i32
    %sign3A_1434 = arith.subi %sign3A_1430, %sign3A_1433 : i32
    %sign3A_1435 = arith.constant 0 : i32
    %sign3A_1436 = arith.cmpi sgt, %jit3A_1426, %sign3A_1435 : i32
    %sign3A_1437 = arith.extui %sign3A_1436 : i1 to i32
    %sign3A_1438 = arith.constant 0 : i32
    %sign3A_1439 = arith.cmpi slt, %jit3A_1426, %sign3A_1438 : i32
    %sign3A_1440 = arith.extui %sign3A_1439 : i1 to i32
    %sign3A_1441 = arith.subi %sign3A_1437, %sign3A_1440 : i32
    %ne3A_1442 = arith.cmpi ne, %sign3A_1434, %sign3A_1441 : i32
    %rem3A_1443 = arith.remsi %add3A_1425, %jit3A_1426 : i32
    %ne3A_1444 = arith.constant 0 : i32
    %ne3A_1445 = arith.cmpi ne, %rem3A_1443, %ne3A_1444 : i32
    %and3A_1446 = arith.andi %ne3A_1442, %ne3A_1445 : i1
    %sub3A_1447 = arith.constant 1 : i32
    %sub3A_1448 = arith.subi %div3A_1427, %sub3A_1447 : i32
    %select_n3A_1449 = arith.select %and3A_1446, %sub3A_1448, %div3A_1427 : i32
    %add3A_1450 = arith.constant 16 : i32
    %add3A_1451 = arith.addi %mul3A_2, %add3A_1450 : i32
    %sub3A_1452 = arith.constant 1 : i32
    %sub3A_1453 = arith.subi %add3A_1451, %sub3A_1452 : i32
    %jit3A_1454 = arith.constant 32 : i32
    %div3A_1455 = arith.divsi %sub3A_1453, %jit3A_1454 : i32
    %sign3A_1456 = arith.constant 0 : i32
    %sign3A_1457 = arith.cmpi sgt, %sub3A_1453, %sign3A_1456 : i32
    %sign3A_1458 = arith.extui %sign3A_1457 : i1 to i32
    %sign3A_1459 = arith.constant 0 : i32
    %sign3A_1460 = arith.cmpi slt, %sub3A_1453, %sign3A_1459 : i32
    %sign3A_1461 = arith.extui %sign3A_1460 : i1 to i32
    %sign3A_1462 = arith.subi %sign3A_1458, %sign3A_1461 : i32
    %sign3A_1463 = arith.constant 0 : i32
    %sign3A_1464 = arith.cmpi sgt, %jit3A_1454, %sign3A_1463 : i32
    %sign3A_1465 = arith.extui %sign3A_1464 : i1 to i32
    %sign3A_1466 = arith.constant 0 : i32
    %sign3A_1467 = arith.cmpi slt, %jit3A_1454, %sign3A_1466 : i32
    %sign3A_1468 = arith.extui %sign3A_1467 : i1 to i32
    %sign3A_1469 = arith.subi %sign3A_1465, %sign3A_1468 : i32
    %ne3A_1470 = arith.cmpi ne, %sign3A_1462, %sign3A_1469 : i32
    %rem3A_1471 = arith.remsi %sub3A_1453, %jit3A_1454 : i32
    %ne3A_1472 = arith.constant 0 : i32
    %ne3A_1473 = arith.cmpi ne, %rem3A_1471, %ne3A_1472 : i32
    %and3A_1474 = arith.andi %ne3A_1470, %ne3A_1473 : i1
    %sub3A_1475 = arith.constant 1 : i32
    %sub3A_1476 = arith.subi %div3A_1455, %sub3A_1475 : i32
    %select_n3A_1477 = arith.select %and3A_1474, %sub3A_1476, %div3A_1455 : i32
    %ne3A_1478 = arith.cmpi ne, %select_n3A_1449, %select_n3A_1477 : i32
    %convert_element_type3A_1479 = arith.extui %ne3A_1478 : i1 to i32
    %cond3A_1480 = arith.constant 0 : i32
    %cond3A_1481 = arith.cmpi ne, %convert_element_type3A_1479, %cond3A_1480 : i32
    scf.if %cond3A_1481 {
      %jit3A_2346 = arith.constant 32 : i32
      %div3A_2347 = arith.divsi %add3A_1423, %jit3A_2346 : i32
      %sign3A_2348 = arith.constant 0 : i32
      %sign3A_2349 = arith.cmpi sgt, %add3A_1423, %sign3A_2348 : i32
      %sign3A_2350 = arith.extui %sign3A_2349 : i1 to i32
      %sign3A_2351 = arith.constant 0 : i32
      %sign3A_2352 = arith.cmpi slt, %add3A_1423, %sign3A_2351 : i32
      %sign3A_2353 = arith.extui %sign3A_2352 : i1 to i32
      %sign3A_2354 = arith.subi %sign3A_2350, %sign3A_2353 : i32
      %sign3A_2355 = arith.constant 0 : i32
      %sign3A_2356 = arith.cmpi sgt, %jit3A_2346, %sign3A_2355 : i32
      %sign3A_2357 = arith.extui %sign3A_2356 : i1 to i32
      %sign3A_2358 = arith.constant 0 : i32
      %sign3A_2359 = arith.cmpi slt, %jit3A_2346, %sign3A_2358 : i32
      %sign3A_2360 = arith.extui %sign3A_2359 : i1 to i32
      %sign3A_2361 = arith.subi %sign3A_2357, %sign3A_2360 : i32
      %ne3A_2362 = arith.cmpi ne, %sign3A_2354, %sign3A_2361 : i32
      %rem3A_2363 = arith.remsi %add3A_1423, %jit3A_2346 : i32
      %ne3A_2364 = arith.constant 0 : i32
      %ne3A_2365 = arith.cmpi ne, %rem3A_2363, %ne3A_2364 : i32
      %and3A_2366 = arith.andi %ne3A_2362, %ne3A_2365 : i1
      %sub3A_2367 = arith.constant 1 : i32
      %sub3A_2368 = arith.subi %div3A_2347, %sub3A_2367 : i32
      %select_n3A_2369 = arith.select %and3A_2366, %sub3A_2368, %div3A_2347 : i32
      "tpu.region"() ({
        %run_scoped3A = tpu.sem_alloc : memref<!tpu.dma_semaphore, #tpu.memory_space<semaphore_mem>>
        %dma_start3A_2370 = arith.constant 0 : i32
        %dma_start3A_2371 = tpu.memref_slice %arg3[%select_n3A_2369, %dma_start3A_2370] : memref<26x4096xi32, #tpu.memory_space<hbm>> -> memref<1x4096xi32, #tpu.memory_space<hbm>>
        %dma_start3A_2372 = tpu.memref_squeeze %dma_start3A_2371 : memref<1x4096xi32, #tpu.memory_space<hbm>> -> memref<4096xi32, #tpu.memory_space<hbm>>
        %dma_start3A_2373 = arith.constant 0 : i32
        %dma_start3A_2374 = tpu.memref_slice %arg3[%select_n3A_2369, %dma_start3A_2373] : memref<26x4096xi32, #tpu.memory_space<hbm>> -> memref<1x4096xi32, #tpu.memory_space<hbm>>
        %dma_start3A_2375 = tpu.memref_squeeze %dma_start3A_2374 : memref<1x4096xi32, #tpu.memory_space<hbm>> -> memref<4096xi32, #tpu.memory_space<hbm>>
        tpu.enqueue_dma source(%dma_start3A_2375 : memref<4096xi32, #tpu.memory_space<hbm>>) target(%arg6 : memref<4096xi32, #tpu.memory_space<vmem>>) target_semaphore(%run_scoped3A : memref<!tpu.dma_semaphore, #tpu.memory_space<semaphore_mem>>)
        %dma_wait3A_2376 = arith.constant 0 : i32
        %dma_wait3A_2377 = tpu.memref_slice %arg3[%select_n3A_2369, %dma_wait3A_2376] : memref<26x4096xi32, #tpu.memory_space<hbm>> -> memref<1x4096xi32, #tpu.memory_space<hbm>>
        %dma_wait3A_2378 = tpu.memref_squeeze %dma_wait3A_2377 : memref<1x4096xi32, #tpu.memory_space<hbm>> -> memref<4096xi32, #tpu.memory_space<hbm>>
        %dma_wait3A_2379 = arith.constant 0 : i32
        %dma_wait3A_2380 = tpu.memref_slice %arg3[%select_n3A_2369, %dma_wait3A_2379] : memref<26x4096xi32, #tpu.memory_space<hbm>> -> memref<1x4096xi32, #tpu.memory_space<hbm>>
        %dma_wait3A_2381 = tpu.memref_squeeze %dma_wait3A_2380 : memref<1x4096xi32, #tpu.memory_space<hbm>> -> memref<4096xi32, #tpu.memory_space<hbm>>
        tpu.wait_dma2 semaphore(%run_scoped3A : memref<!tpu.dma_semaphore, #tpu.memory_space<semaphore_mem>>) src(%dma_wait3A_2381 : memref<4096xi32, #tpu.memory_space<hbm>>) dst(%arg6 : memref<4096xi32, #tpu.memory_space<vmem>>)
        tpu.yield
      }) : () -> ()
    } else {
    }
    %dma_wait3A_1482 = arith.constant 0 : i32
    %dma_wait3A_1483 = tpu.memref_slice %arg2[%add3A_1409, %dma_wait3A_1482] : memref<832x100000xf32, #tpu.memory_space<hbm>> -> memref<1x100000xf32, #tpu.memory_space<hbm>>
    %dma_wait3A_1484 = tpu.memref_squeeze %dma_wait3A_1483 : memref<1x100000xf32, #tpu.memory_space<hbm>> -> memref<100000xf32, #tpu.memory_space<hbm>>
    %dma_wait3A_1485 = arith.constant 0 : i32
    %dma_wait3A_1486 = tpu.memref_slice %arg2[%add3A_1409, %dma_wait3A_1485] : memref<832x100000xf32, #tpu.memory_space<hbm>> -> memref<1x100000xf32, #tpu.memory_space<hbm>>
    %dma_wait3A_1487 = tpu.memref_squeeze %dma_wait3A_1486 : memref<1x100000xf32, #tpu.memory_space<hbm>> -> memref<100000xf32, #tpu.memory_space<hbm>>
    tpu.wait_dma2 semaphore(%arg9 : memref<!tpu.dma_semaphore, #tpu.memory_space<semaphore_mem>>) src(%dma_wait3A_1487 : memref<100000xf32, #tpu.memory_space<hbm>>) dst(%arg5 : memref<100000xf32, #tpu.memory_space<vmem>>)
    %dma_wait3A_1488 = arith.constant 0 : i32
    %dma_wait3A_1489 = tpu.memref_slice %arg4[%add3A_1239, %dma_wait3A_1488] : memref<832x4096xf32, #tpu.memory_space<hbm>> -> memref<1x4096xf32, #tpu.memory_space<hbm>>
    %dma_wait3A_1490 = tpu.memref_squeeze %dma_wait3A_1489 : memref<1x4096xf32, #tpu.memory_space<hbm>> -> memref<4096xf32, #tpu.memory_space<hbm>>
    %dma_wait3A_1491 = arith.constant 0 : i32
    %dma_wait3A_1492 = tpu.memref_slice %arg4[%add3A_1239, %dma_wait3A_1491] : memref<832x4096xf32, #tpu.memory_space<hbm>> -> memref<1x4096xf32, #tpu.memory_space<hbm>>
    %dma_wait3A_1493 = tpu.memref_squeeze %dma_wait3A_1492 : memref<1x4096xf32, #tpu.memory_space<hbm>> -> memref<4096xf32, #tpu.memory_space<hbm>>
    tpu.wait_dma2 semaphore(%arg10 : memref<!tpu.dma_semaphore, #tpu.memory_space<semaphore_mem>>) src(%arg7 : memref<4096xf32, #tpu.memory_space<vmem>>) dst(%dma_wait3A_1493 : memref<4096xf32, #tpu.memory_space<hbm>>)
    %scan3A_1494 = arith.constant 0 : i32
    %scan3A_1495 = arith.constant 0 : i32
    %scan3A_1496 = arith.constant 256 : i32
    %scan3A_1497 = arith.addi %scan3A_1495, %scan3A_1496 : i32
    %scan3A_1498 = arith.constant 1 : i32
    scf.for %scan3A_2346 = %scan3A_1495 to %scan3A_1497 step %scan3A_1498  : i32 {
      %mul3A_2347 = arith.constant 16 : i32
      %mul3A_2348 = arith.muli %scan3A_2346, %mul3A_2347 : i32
      %multiple_of3A = tpu.assume_multiple %mul3A_2348, 16 : i32
      %get3A = arith.index_cast %multiple_of3A : i32 to index
      %get3A_2349 = tpu.vector_load %arg6[%get3A] {strides = array<i32>} : memref<4096xi32, #tpu.memory_space<vmem>>, vector<16xi32>,
      %gather3A = tpu.vector_load_idx %arg5[%get3A_2349] : memref<100000xf32, #tpu.memory_space<vmem>>[vector<16xi32>], vector<16xf32>,
      %swap3A = arith.index_cast %multiple_of3A : i32 to index
      %swap3A_2350 = tpu.vector_load %arg7[%swap3A] {strides = array<i32>} : memref<4096xf32, #tpu.memory_space<vmem>>, vector<16xf32>,
      tpu.vector_store %arg7[%swap3A], %gather3A {strides = array<i32>} : memref<4096xf32, #tpu.memory_space<vmem>>, vector<16xf32>,
    }
    %scan3A_1499 = arith.constant 256 : i32
    %add3A_1500 = arith.constant 1 : i32
    %add3A_1501 = arith.addi %add3A_1423, %add3A_1500 : i32
    %dma_start3A_1502 = arith.constant 0 : i32
    %dma_start3A_1503 = tpu.memref_slice %arg2[%add3A_1501, %dma_start3A_1502] : memref<832x100000xf32, #tpu.memory_space<hbm>> -> memref<1x100000xf32, #tpu.memory_space<hbm>>
    %dma_start3A_1504 = tpu.memref_squeeze %dma_start3A_1503 : memref<1x100000xf32, #tpu.memory_space<hbm>> -> memref<100000xf32, #tpu.memory_space<hbm>>
    %dma_start3A_1505 = arith.constant 0 : i32
    %dma_start3A_1506 = tpu.memref_slice %arg2[%add3A_1501, %dma_start3A_1505] : memref<832x100000xf32, #tpu.memory_space<hbm>> -> memref<1x100000xf32, #tpu.memory_space<hbm>>
    %dma_start3A_1507 = tpu.memref_squeeze %dma_start3A_1506 : memref<1x100000xf32, #tpu.memory_space<hbm>> -> memref<100000xf32, #tpu.memory_space<hbm>>
    tpu.enqueue_dma source(%dma_start3A_1507 : memref<100000xf32, #tpu.memory_space<hbm>>) target(%arg5 : memref<100000xf32, #tpu.memory_space<vmem>>) target_semaphore(%arg9 : memref<!tpu.dma_semaphore, #tpu.memory_space<semaphore_mem>>)
    %dma_start3A_1508 = arith.constant 0 : i32
    %dma_start3A_1509 = tpu.memref_slice %arg4[%add3A_1423, %dma_start3A_1508] : memref<832x4096xf32, #tpu.memory_space<hbm>> -> memref<1x4096xf32, #tpu.memory_space<hbm>>
    %dma_start3A_1510 = tpu.memref_squeeze %dma_start3A_1509 : memref<1x4096xf32, #tpu.memory_space<hbm>> -> memref<4096xf32, #tpu.memory_space<hbm>>
    %dma_start3A_1511 = arith.constant 0 : i32
    %dma_start3A_1512 = tpu.memref_slice %arg4[%add3A_1423, %dma_start3A_1511] : memref<832x4096xf32, #tpu.memory_space<hbm>> -> memref<1x4096xf32, #tpu.memory_space<hbm>>
    %dma_start3A_1513 = tpu.memref_squeeze %dma_start3A_1512 : memref<1x4096xf32, #tpu.memory_space<hbm>> -> memref<4096xf32, #tpu.memory_space<hbm>>
    tpu.enqueue_dma source(%arg7 : memref<4096xf32, #tpu.memory_space<vmem>>) target(%dma_start3A_1513 : memref<4096xf32, #tpu.memory_space<hbm>>) target_semaphore(%arg10 : memref<!tpu.dma_semaphore, #tpu.memory_space<semaphore_mem>>)
    %add3A_1514 = arith.constant 17 : i32
    %add3A_1515 = arith.addi %mul3A_2, %add3A_1514 : i32
    %add3A_1516 = arith.constant 17 : i32
    %add3A_1517 = arith.addi %mul3A_2, %add3A_1516 : i32
    %jit3A_1518 = arith.constant 32 : i32
    %div3A_1519 = arith.divsi %add3A_1517, %jit3A_1518 : i32
    %sign3A_1520 = arith.constant 0 : i32
    %sign3A_1521 = arith.cmpi sgt, %add3A_1517, %sign3A_1520 : i32
    %sign3A_1522 = arith.extui %sign3A_1521 : i1 to i32
    %sign3A_1523 = arith.constant 0 : i32
    %sign3A_1524 = arith.cmpi slt, %add3A_1517, %sign3A_1523 : i32
    %sign3A_1525 = arith.extui %sign3A_1524 : i1 to i32
    %sign3A_1526 = arith.subi %sign3A_1522, %sign3A_1525 : i32
    %sign3A_1527 = arith.constant 0 : i32
    %sign3A_1528 = arith.cmpi sgt, %jit3A_1518, %sign3A_1527 : i32
    %sign3A_1529 = arith.extui %sign3A_1528 : i1 to i32
    %sign3A_1530 = arith.constant 0 : i32
    %sign3A_1531 = arith.cmpi slt, %jit3A_1518, %sign3A_1530 : i32
    %sign3A_1532 = arith.extui %sign3A_1531 : i1 to i32
    %sign3A_1533 = arith.subi %sign3A_1529, %sign3A_1532 : i32
    %ne3A_1534 = arith.cmpi ne, %sign3A_1526, %sign3A_1533 : i32
    %rem3A_1535 = arith.remsi %add3A_1517, %jit3A_1518 : i32
    %ne3A_1536 = arith.constant 0 : i32
    %ne3A_1537 = arith.cmpi ne, %rem3A_1535, %ne3A_1536 : i32
    %and3A_1538 = arith.andi %ne3A_1534, %ne3A_1537 : i1
    %sub3A_1539 = arith.constant 1 : i32
    %sub3A_1540 = arith.subi %div3A_1519, %sub3A_1539 : i32
    %select_n3A_1541 = arith.select %and3A_1538, %sub3A_1540, %div3A_1519 : i32
    %add3A_1542 = arith.constant 17 : i32
    %add3A_1543 = arith.addi %mul3A_2, %add3A_1542 : i32
    %sub3A_1544 = arith.constant 1 : i32
    %sub3A_1545 = arith.subi %add3A_1543, %sub3A_1544 : i32
    %jit3A_1546 = arith.constant 32 : i32
    %div3A_1547 = arith.divsi %sub3A_1545, %jit3A_1546 : i32
    %sign3A_1548 = arith.constant 0 : i32
    %sign3A_1549 = arith.cmpi sgt, %sub3A_1545, %sign3A_1548 : i32
    %sign3A_1550 = arith.extui %sign3A_1549 : i1 to i32
    %sign3A_1551 = arith.constant 0 : i32
    %sign3A_1552 = arith.cmpi slt, %sub3A_1545, %sign3A_1551 : i32
    %sign3A_1553 = arith.extui %sign3A_1552 : i1 to i32
    %sign3A_1554 = arith.subi %sign3A_1550, %sign3A_1553 : i32
    %sign3A_1555 = arith.constant 0 : i32
    %sign3A_1556 = arith.cmpi sgt, %jit3A_1546, %sign3A_1555 : i32
    %sign3A_1557 = arith.extui %sign3A_1556 : i1 to i32
    %sign3A_1558 = arith.constant 0 : i32
    %sign3A_1559 = arith.cmpi slt, %jit3A_1546, %sign3A_1558 : i32
    %sign3A_1560 = arith.extui %sign3A_1559 : i1 to i32
    %sign3A_1561 = arith.subi %sign3A_1557, %sign3A_1560 : i32
    %ne3A_1562 = arith.cmpi ne, %sign3A_1554, %sign3A_1561 : i32
    %rem3A_1563 = arith.remsi %sub3A_1545, %jit3A_1546 : i32
    %ne3A_1564 = arith.constant 0 : i32
    %ne3A_1565 = arith.cmpi ne, %rem3A_1563, %ne3A_1564 : i32
    %and3A_1566 = arith.andi %ne3A_1562, %ne3A_1565 : i1
    %sub3A_1567 = arith.constant 1 : i32
    %sub3A_1568 = arith.subi %div3A_1547, %sub3A_1567 : i32
    %select_n3A_1569 = arith.select %and3A_1566, %sub3A_1568, %div3A_1547 : i32
    %ne3A_1570 = arith.cmpi ne, %select_n3A_1541, %select_n3A_1569 : i32
    %convert_element_type3A_1571 = arith.extui %ne3A_1570 : i1 to i32
    %cond3A_1572 = arith.constant 0 : i32
    %cond3A_1573 = arith.cmpi ne, %convert_element_type3A_1571, %cond3A_1572 : i32
    scf.if %cond3A_1573 {
      %jit3A_2346 = arith.constant 32 : i32
      %div3A_2347 = arith.divsi %add3A_1515, %jit3A_2346 : i32
      %sign3A_2348 = arith.constant 0 : i32
      %sign3A_2349 = arith.cmpi sgt, %add3A_1515, %sign3A_2348 : i32
      %sign3A_2350 = arith.extui %sign3A_2349 : i1 to i32
      %sign3A_2351 = arith.constant 0 : i32
      %sign3A_2352 = arith.cmpi slt, %add3A_1515, %sign3A_2351 : i32
      %sign3A_2353 = arith.extui %sign3A_2352 : i1 to i32
      %sign3A_2354 = arith.subi %sign3A_2350, %sign3A_2353 : i32
      %sign3A_2355 = arith.constant 0 : i32
      %sign3A_2356 = arith.cmpi sgt, %jit3A_2346, %sign3A_2355 : i32
      %sign3A_2357 = arith.extui %sign3A_2356 : i1 to i32
      %sign3A_2358 = arith.constant 0 : i32
      %sign3A_2359 = arith.cmpi slt, %jit3A_2346, %sign3A_2358 : i32
      %sign3A_2360 = arith.extui %sign3A_2359 : i1 to i32
      %sign3A_2361 = arith.subi %sign3A_2357, %sign3A_2360 : i32
      %ne3A_2362 = arith.cmpi ne, %sign3A_2354, %sign3A_2361 : i32
      %rem3A_2363 = arith.remsi %add3A_1515, %jit3A_2346 : i32
      %ne3A_2364 = arith.constant 0 : i32
      %ne3A_2365 = arith.cmpi ne, %rem3A_2363, %ne3A_2364 : i32
      %and3A_2366 = arith.andi %ne3A_2362, %ne3A_2365 : i1
      %sub3A_2367 = arith.constant 1 : i32
      %sub3A_2368 = arith.subi %div3A_2347, %sub3A_2367 : i32
      %select_n3A_2369 = arith.select %and3A_2366, %sub3A_2368, %div3A_2347 : i32
      "tpu.region"() ({
        %run_scoped3A = tpu.sem_alloc : memref<!tpu.dma_semaphore, #tpu.memory_space<semaphore_mem>>
        %dma_start3A_2370 = arith.constant 0 : i32
        %dma_start3A_2371 = tpu.memref_slice %arg3[%select_n3A_2369, %dma_start3A_2370] : memref<26x4096xi32, #tpu.memory_space<hbm>> -> memref<1x4096xi32, #tpu.memory_space<hbm>>
        %dma_start3A_2372 = tpu.memref_squeeze %dma_start3A_2371 : memref<1x4096xi32, #tpu.memory_space<hbm>> -> memref<4096xi32, #tpu.memory_space<hbm>>
        %dma_start3A_2373 = arith.constant 0 : i32
        %dma_start3A_2374 = tpu.memref_slice %arg3[%select_n3A_2369, %dma_start3A_2373] : memref<26x4096xi32, #tpu.memory_space<hbm>> -> memref<1x4096xi32, #tpu.memory_space<hbm>>
        %dma_start3A_2375 = tpu.memref_squeeze %dma_start3A_2374 : memref<1x4096xi32, #tpu.memory_space<hbm>> -> memref<4096xi32, #tpu.memory_space<hbm>>
        tpu.enqueue_dma source(%dma_start3A_2375 : memref<4096xi32, #tpu.memory_space<hbm>>) target(%arg6 : memref<4096xi32, #tpu.memory_space<vmem>>) target_semaphore(%run_scoped3A : memref<!tpu.dma_semaphore, #tpu.memory_space<semaphore_mem>>)
        %dma_wait3A_2376 = arith.constant 0 : i32
        %dma_wait3A_2377 = tpu.memref_slice %arg3[%select_n3A_2369, %dma_wait3A_2376] : memref<26x4096xi32, #tpu.memory_space<hbm>> -> memref<1x4096xi32, #tpu.memory_space<hbm>>
        %dma_wait3A_2378 = tpu.memref_squeeze %dma_wait3A_2377 : memref<1x4096xi32, #tpu.memory_space<hbm>> -> memref<4096xi32, #tpu.memory_space<hbm>>
        %dma_wait3A_2379 = arith.constant 0 : i32
        %dma_wait3A_2380 = tpu.memref_slice %arg3[%select_n3A_2369, %dma_wait3A_2379] : memref<26x4096xi32, #tpu.memory_space<hbm>> -> memref<1x4096xi32, #tpu.memory_space<hbm>>
        %dma_wait3A_2381 = tpu.memref_squeeze %dma_wait3A_2380 : memref<1x4096xi32, #tpu.memory_space<hbm>> -> memref<4096xi32, #tpu.memory_space<hbm>>
        tpu.wait_dma2 semaphore(%run_scoped3A : memref<!tpu.dma_semaphore, #tpu.memory_space<semaphore_mem>>) src(%dma_wait3A_2381 : memref<4096xi32, #tpu.memory_space<hbm>>) dst(%arg6 : memref<4096xi32, #tpu.memory_space<vmem>>)
        tpu.yield
      }) : () -> ()
    } else {
    }
    %dma_wait3A_1574 = arith.constant 0 : i32
    %dma_wait3A_1575 = tpu.memref_slice %arg2[%add3A_1501, %dma_wait3A_1574] : memref<832x100000xf32, #tpu.memory_space<hbm>> -> memref<1x100000xf32, #tpu.memory_space<hbm>>
    %dma_wait3A_1576 = tpu.memref_squeeze %dma_wait3A_1575 : memref<1x100000xf32, #tpu.memory_space<hbm>> -> memref<100000xf32, #tpu.memory_space<hbm>>
    %dma_wait3A_1577 = arith.constant 0 : i32
    %dma_wait3A_1578 = tpu.memref_slice %arg2[%add3A_1501, %dma_wait3A_1577] : memref<832x100000xf32, #tpu.memory_space<hbm>> -> memref<1x100000xf32, #tpu.memory_space<hbm>>
    %dma_wait3A_1579 = tpu.memref_squeeze %dma_wait3A_1578 : memref<1x100000xf32, #tpu.memory_space<hbm>> -> memref<100000xf32, #tpu.memory_space<hbm>>
    tpu.wait_dma2 semaphore(%arg9 : memref<!tpu.dma_semaphore, #tpu.memory_space<semaphore_mem>>) src(%dma_wait3A_1579 : memref<100000xf32, #tpu.memory_space<hbm>>) dst(%arg5 : memref<100000xf32, #tpu.memory_space<vmem>>)
    %dma_wait3A_1580 = arith.constant 0 : i32
    %dma_wait3A_1581 = tpu.memref_slice %arg4[%add3A_1331, %dma_wait3A_1580] : memref<832x4096xf32, #tpu.memory_space<hbm>> -> memref<1x4096xf32, #tpu.memory_space<hbm>>
    %dma_wait3A_1582 = tpu.memref_squeeze %dma_wait3A_1581 : memref<1x4096xf32, #tpu.memory_space<hbm>> -> memref<4096xf32, #tpu.memory_space<hbm>>
    %dma_wait3A_1583 = arith.constant 0 : i32
    %dma_wait3A_1584 = tpu.memref_slice %arg4[%add3A_1331, %dma_wait3A_1583] : memref<832x4096xf32, #tpu.memory_space<hbm>> -> memref<1x4096xf32, #tpu.memory_space<hbm>>
    %dma_wait3A_1585 = tpu.memref_squeeze %dma_wait3A_1584 : memref<1x4096xf32, #tpu.memory_space<hbm>> -> memref<4096xf32, #tpu.memory_space<hbm>>
    tpu.wait_dma2 semaphore(%arg11 : memref<!tpu.dma_semaphore, #tpu.memory_space<semaphore_mem>>) src(%arg8 : memref<4096xf32, #tpu.memory_space<vmem>>) dst(%dma_wait3A_1585 : memref<4096xf32, #tpu.memory_space<hbm>>)
    %scan3A_1586 = arith.constant 0 : i32
    %scan3A_1587 = arith.constant 0 : i32
    %scan3A_1588 = arith.constant 256 : i32
    %scan3A_1589 = arith.addi %scan3A_1587, %scan3A_1588 : i32
    %scan3A_1590 = arith.constant 1 : i32
    scf.for %scan3A_2346 = %scan3A_1587 to %scan3A_1589 step %scan3A_1590  : i32 {
      %mul3A_2347 = arith.constant 16 : i32
      %mul3A_2348 = arith.muli %scan3A_2346, %mul3A_2347 : i32
      %multiple_of3A = tpu.assume_multiple %mul3A_2348, 16 : i32
      %get3A = arith.index_cast %multiple_of3A : i32 to index
      %get3A_2349 = tpu.vector_load %arg6[%get3A] {strides = array<i32>} : memref<4096xi32, #tpu.memory_space<vmem>>, vector<16xi32>,
      %gather3A = tpu.vector_load_idx %arg5[%get3A_2349] : memref<100000xf32, #tpu.memory_space<vmem>>[vector<16xi32>], vector<16xf32>,
      %swap3A = arith.index_cast %multiple_of3A : i32 to index
      %swap3A_2350 = tpu.vector_load %arg8[%swap3A] {strides = array<i32>} : memref<4096xf32, #tpu.memory_space<vmem>>, vector<16xf32>,
      tpu.vector_store %arg8[%swap3A], %gather3A {strides = array<i32>} : memref<4096xf32, #tpu.memory_space<vmem>>, vector<16xf32>,
    }
    %scan3A_1591 = arith.constant 256 : i32
    %add3A_1592 = arith.constant 1 : i32
    %add3A_1593 = arith.addi %add3A_1515, %add3A_1592 : i32
    %dma_start3A_1594 = arith.constant 0 : i32
    %dma_start3A_1595 = tpu.memref_slice %arg2[%add3A_1593, %dma_start3A_1594] : memref<832x100000xf32, #tpu.memory_space<hbm>> -> memref<1x100000xf32, #tpu.memory_space<hbm>>
    %dma_start3A_1596 = tpu.memref_squeeze %dma_start3A_1595 : memref<1x100000xf32, #tpu.memory_space<hbm>> -> memref<100000xf32, #tpu.memory_space<hbm>>
    %dma_start3A_1597 = arith.constant 0 : i32
    %dma_start3A_1598 = tpu.memref_slice %arg2[%add3A_1593, %dma_start3A_1597] : memref<832x100000xf32, #tpu.memory_space<hbm>> -> memref<1x100000xf32, #tpu.memory_space<hbm>>
    %dma_start3A_1599 = tpu.memref_squeeze %dma_start3A_1598 : memref<1x100000xf32, #tpu.memory_space<hbm>> -> memref<100000xf32, #tpu.memory_space<hbm>>
    tpu.enqueue_dma source(%dma_start3A_1599 : memref<100000xf32, #tpu.memory_space<hbm>>) target(%arg5 : memref<100000xf32, #tpu.memory_space<vmem>>) target_semaphore(%arg9 : memref<!tpu.dma_semaphore, #tpu.memory_space<semaphore_mem>>)
    %dma_start3A_1600 = arith.constant 0 : i32
    %dma_start3A_1601 = tpu.memref_slice %arg4[%add3A_1515, %dma_start3A_1600] : memref<832x4096xf32, #tpu.memory_space<hbm>> -> memref<1x4096xf32, #tpu.memory_space<hbm>>
    %dma_start3A_1602 = tpu.memref_squeeze %dma_start3A_1601 : memref<1x4096xf32, #tpu.memory_space<hbm>> -> memref<4096xf32, #tpu.memory_space<hbm>>
    %dma_start3A_1603 = arith.constant 0 : i32
    %dma_start3A_1604 = tpu.memref_slice %arg4[%add3A_1515, %dma_start3A_1603] : memref<832x4096xf32, #tpu.memory_space<hbm>> -> memref<1x4096xf32, #tpu.memory_space<hbm>>
    %dma_start3A_1605 = tpu.memref_squeeze %dma_start3A_1604 : memref<1x4096xf32, #tpu.memory_space<hbm>> -> memref<4096xf32, #tpu.memory_space<hbm>>
    tpu.enqueue_dma source(%arg8 : memref<4096xf32, #tpu.memory_space<vmem>>) target(%dma_start3A_1605 : memref<4096xf32, #tpu.memory_space<hbm>>) target_semaphore(%arg11 : memref<!tpu.dma_semaphore, #tpu.memory_space<semaphore_mem>>)
    %add3A_1606 = arith.constant 18 : i32
    %add3A_1607 = arith.addi %mul3A_2, %add3A_1606 : i32
    %add3A_1608 = arith.constant 18 : i32
    %add3A_1609 = arith.addi %mul3A_2, %add3A_1608 : i32
    %jit3A_1610 = arith.constant 32 : i32
    %div3A_1611 = arith.divsi %add3A_1609, %jit3A_1610 : i32
    %sign3A_1612 = arith.constant 0 : i32
    %sign3A_1613 = arith.cmpi sgt, %add3A_1609, %sign3A_1612 : i32
    %sign3A_1614 = arith.extui %sign3A_1613 : i1 to i32
    %sign3A_1615 = arith.constant 0 : i32
    %sign3A_1616 = arith.cmpi slt, %add3A_1609, %sign3A_1615 : i32
    %sign3A_1617 = arith.extui %sign3A_1616 : i1 to i32
    %sign3A_1618 = arith.subi %sign3A_1614, %sign3A_1617 : i32
    %sign3A_1619 = arith.constant 0 : i32
    %sign3A_1620 = arith.cmpi sgt, %jit3A_1610, %sign3A_1619 : i32
    %sign3A_1621 = arith.extui %sign3A_1620 : i1 to i32
    %sign3A_1622 = arith.constant 0 : i32
    %sign3A_1623 = arith.cmpi slt, %jit3A_1610, %sign3A_1622 : i32
    %sign3A_1624 = arith.extui %sign3A_1623 : i1 to i32
    %sign3A_1625 = arith.subi %sign3A_1621, %sign3A_1624 : i32
    %ne3A_1626 = arith.cmpi ne, %sign3A_1618, %sign3A_1625 : i32
    %rem3A_1627 = arith.remsi %add3A_1609, %jit3A_1610 : i32
    %ne3A_1628 = arith.constant 0 : i32
    %ne3A_1629 = arith.cmpi ne, %rem3A_1627, %ne3A_1628 : i32
    %and3A_1630 = arith.andi %ne3A_1626, %ne3A_1629 : i1
    %sub3A_1631 = arith.constant 1 : i32
    %sub3A_1632 = arith.subi %div3A_1611, %sub3A_1631 : i32
    %select_n3A_1633 = arith.select %and3A_1630, %sub3A_1632, %div3A_1611 : i32
    %add3A_1634 = arith.constant 18 : i32
    %add3A_1635 = arith.addi %mul3A_2, %add3A_1634 : i32
    %sub3A_1636 = arith.constant 1 : i32
    %sub3A_1637 = arith.subi %add3A_1635, %sub3A_1636 : i32
    %jit3A_1638 = arith.constant 32 : i32
    %div3A_1639 = arith.divsi %sub3A_1637, %jit3A_1638 : i32
    %sign3A_1640 = arith.constant 0 : i32
    %sign3A_1641 = arith.cmpi sgt, %sub3A_1637, %sign3A_1640 : i32
    %sign3A_1642 = arith.extui %sign3A_1641 : i1 to i32
    %sign3A_1643 = arith.constant 0 : i32
    %sign3A_1644 = arith.cmpi slt, %sub3A_1637, %sign3A_1643 : i32
    %sign3A_1645 = arith.extui %sign3A_1644 : i1 to i32
    %sign3A_1646 = arith.subi %sign3A_1642, %sign3A_1645 : i32
    %sign3A_1647 = arith.constant 0 : i32
    %sign3A_1648 = arith.cmpi sgt, %jit3A_1638, %sign3A_1647 : i32
    %sign3A_1649 = arith.extui %sign3A_1648 : i1 to i32
    %sign3A_1650 = arith.constant 0 : i32
    %sign3A_1651 = arith.cmpi slt, %jit3A_1638, %sign3A_1650 : i32
    %sign3A_1652 = arith.extui %sign3A_1651 : i1 to i32
    %sign3A_1653 = arith.subi %sign3A_1649, %sign3A_1652 : i32
    %ne3A_1654 = arith.cmpi ne, %sign3A_1646, %sign3A_1653 : i32
    %rem3A_1655 = arith.remsi %sub3A_1637, %jit3A_1638 : i32
    %ne3A_1656 = arith.constant 0 : i32
    %ne3A_1657 = arith.cmpi ne, %rem3A_1655, %ne3A_1656 : i32
    %and3A_1658 = arith.andi %ne3A_1654, %ne3A_1657 : i1
    %sub3A_1659 = arith.constant 1 : i32
    %sub3A_1660 = arith.subi %div3A_1639, %sub3A_1659 : i32
    %select_n3A_1661 = arith.select %and3A_1658, %sub3A_1660, %div3A_1639 : i32
    %ne3A_1662 = arith.cmpi ne, %select_n3A_1633, %select_n3A_1661 : i32
    %convert_element_type3A_1663 = arith.extui %ne3A_1662 : i1 to i32
    %cond3A_1664 = arith.constant 0 : i32
    %cond3A_1665 = arith.cmpi ne, %convert_element_type3A_1663, %cond3A_1664 : i32
    scf.if %cond3A_1665 {
      %jit3A_2346 = arith.constant 32 : i32
      %div3A_2347 = arith.divsi %add3A_1607, %jit3A_2346 : i32
      %sign3A_2348 = arith.constant 0 : i32
      %sign3A_2349 = arith.cmpi sgt, %add3A_1607, %sign3A_2348 : i32
      %sign3A_2350 = arith.extui %sign3A_2349 : i1 to i32
      %sign3A_2351 = arith.constant 0 : i32
      %sign3A_2352 = arith.cmpi slt, %add3A_1607, %sign3A_2351 : i32
      %sign3A_2353 = arith.extui %sign3A_2352 : i1 to i32
      %sign3A_2354 = arith.subi %sign3A_2350, %sign3A_2353 : i32
      %sign3A_2355 = arith.constant 0 : i32
      %sign3A_2356 = arith.cmpi sgt, %jit3A_2346, %sign3A_2355 : i32
      %sign3A_2357 = arith.extui %sign3A_2356 : i1 to i32
      %sign3A_2358 = arith.constant 0 : i32
      %sign3A_2359 = arith.cmpi slt, %jit3A_2346, %sign3A_2358 : i32
      %sign3A_2360 = arith.extui %sign3A_2359 : i1 to i32
      %sign3A_2361 = arith.subi %sign3A_2357, %sign3A_2360 : i32
      %ne3A_2362 = arith.cmpi ne, %sign3A_2354, %sign3A_2361 : i32
      %rem3A_2363 = arith.remsi %add3A_1607, %jit3A_2346 : i32
      %ne3A_2364 = arith.constant 0 : i32
      %ne3A_2365 = arith.cmpi ne, %rem3A_2363, %ne3A_2364 : i32
      %and3A_2366 = arith.andi %ne3A_2362, %ne3A_2365 : i1
      %sub3A_2367 = arith.constant 1 : i32
      %sub3A_2368 = arith.subi %div3A_2347, %sub3A_2367 : i32
      %select_n3A_2369 = arith.select %and3A_2366, %sub3A_2368, %div3A_2347 : i32
      "tpu.region"() ({
        %run_scoped3A = tpu.sem_alloc : memref<!tpu.dma_semaphore, #tpu.memory_space<semaphore_mem>>
        %dma_start3A_2370 = arith.constant 0 : i32
        %dma_start3A_2371 = tpu.memref_slice %arg3[%select_n3A_2369, %dma_start3A_2370] : memref<26x4096xi32, #tpu.memory_space<hbm>> -> memref<1x4096xi32, #tpu.memory_space<hbm>>
        %dma_start3A_2372 = tpu.memref_squeeze %dma_start3A_2371 : memref<1x4096xi32, #tpu.memory_space<hbm>> -> memref<4096xi32, #tpu.memory_space<hbm>>
        %dma_start3A_2373 = arith.constant 0 : i32
        %dma_start3A_2374 = tpu.memref_slice %arg3[%select_n3A_2369, %dma_start3A_2373] : memref<26x4096xi32, #tpu.memory_space<hbm>> -> memref<1x4096xi32, #tpu.memory_space<hbm>>
        %dma_start3A_2375 = tpu.memref_squeeze %dma_start3A_2374 : memref<1x4096xi32, #tpu.memory_space<hbm>> -> memref<4096xi32, #tpu.memory_space<hbm>>
        tpu.enqueue_dma source(%dma_start3A_2375 : memref<4096xi32, #tpu.memory_space<hbm>>) target(%arg6 : memref<4096xi32, #tpu.memory_space<vmem>>) target_semaphore(%run_scoped3A : memref<!tpu.dma_semaphore, #tpu.memory_space<semaphore_mem>>)
        %dma_wait3A_2376 = arith.constant 0 : i32
        %dma_wait3A_2377 = tpu.memref_slice %arg3[%select_n3A_2369, %dma_wait3A_2376] : memref<26x4096xi32, #tpu.memory_space<hbm>> -> memref<1x4096xi32, #tpu.memory_space<hbm>>
        %dma_wait3A_2378 = tpu.memref_squeeze %dma_wait3A_2377 : memref<1x4096xi32, #tpu.memory_space<hbm>> -> memref<4096xi32, #tpu.memory_space<hbm>>
        %dma_wait3A_2379 = arith.constant 0 : i32
        %dma_wait3A_2380 = tpu.memref_slice %arg3[%select_n3A_2369, %dma_wait3A_2379] : memref<26x4096xi32, #tpu.memory_space<hbm>> -> memref<1x4096xi32, #tpu.memory_space<hbm>>
        %dma_wait3A_2381 = tpu.memref_squeeze %dma_wait3A_2380 : memref<1x4096xi32, #tpu.memory_space<hbm>> -> memref<4096xi32, #tpu.memory_space<hbm>>
        tpu.wait_dma2 semaphore(%run_scoped3A : memref<!tpu.dma_semaphore, #tpu.memory_space<semaphore_mem>>) src(%dma_wait3A_2381 : memref<4096xi32, #tpu.memory_space<hbm>>) dst(%arg6 : memref<4096xi32, #tpu.memory_space<vmem>>)
        tpu.yield
      }) : () -> ()
    } else {
    }
    %dma_wait3A_1666 = arith.constant 0 : i32
    %dma_wait3A_1667 = tpu.memref_slice %arg2[%add3A_1593, %dma_wait3A_1666] : memref<832x100000xf32, #tpu.memory_space<hbm>> -> memref<1x100000xf32, #tpu.memory_space<hbm>>
    %dma_wait3A_1668 = tpu.memref_squeeze %dma_wait3A_1667 : memref<1x100000xf32, #tpu.memory_space<hbm>> -> memref<100000xf32, #tpu.memory_space<hbm>>
    %dma_wait3A_1669 = arith.constant 0 : i32
    %dma_wait3A_1670 = tpu.memref_slice %arg2[%add3A_1593, %dma_wait3A_1669] : memref<832x100000xf32, #tpu.memory_space<hbm>> -> memref<1x100000xf32, #tpu.memory_space<hbm>>
    %dma_wait3A_1671 = tpu.memref_squeeze %dma_wait3A_1670 : memref<1x100000xf32, #tpu.memory_space<hbm>> -> memref<100000xf32, #tpu.memory_space<hbm>>
    tpu.wait_dma2 semaphore(%arg9 : memref<!tpu.dma_semaphore, #tpu.memory_space<semaphore_mem>>) src(%dma_wait3A_1671 : memref<100000xf32, #tpu.memory_space<hbm>>) dst(%arg5 : memref<100000xf32, #tpu.memory_space<vmem>>)
    %dma_wait3A_1672 = arith.constant 0 : i32
    %dma_wait3A_1673 = tpu.memref_slice %arg4[%add3A_1423, %dma_wait3A_1672] : memref<832x4096xf32, #tpu.memory_space<hbm>> -> memref<1x4096xf32, #tpu.memory_space<hbm>>
    %dma_wait3A_1674 = tpu.memref_squeeze %dma_wait3A_1673 : memref<1x4096xf32, #tpu.memory_space<hbm>> -> memref<4096xf32, #tpu.memory_space<hbm>>
    %dma_wait3A_1675 = arith.constant 0 : i32
    %dma_wait3A_1676 = tpu.memref_slice %arg4[%add3A_1423, %dma_wait3A_1675] : memref<832x4096xf32, #tpu.memory_space<hbm>> -> memref<1x4096xf32, #tpu.memory_space<hbm>>
    %dma_wait3A_1677 = tpu.memref_squeeze %dma_wait3A_1676 : memref<1x4096xf32, #tpu.memory_space<hbm>> -> memref<4096xf32, #tpu.memory_space<hbm>>
    tpu.wait_dma2 semaphore(%arg10 : memref<!tpu.dma_semaphore, #tpu.memory_space<semaphore_mem>>) src(%arg7 : memref<4096xf32, #tpu.memory_space<vmem>>) dst(%dma_wait3A_1677 : memref<4096xf32, #tpu.memory_space<hbm>>)
    %scan3A_1678 = arith.constant 0 : i32
    %scan3A_1679 = arith.constant 0 : i32
    %scan3A_1680 = arith.constant 256 : i32
    %scan3A_1681 = arith.addi %scan3A_1679, %scan3A_1680 : i32
    %scan3A_1682 = arith.constant 1 : i32
    scf.for %scan3A_2346 = %scan3A_1679 to %scan3A_1681 step %scan3A_1682  : i32 {
      %mul3A_2347 = arith.constant 16 : i32
      %mul3A_2348 = arith.muli %scan3A_2346, %mul3A_2347 : i32
      %multiple_of3A = tpu.assume_multiple %mul3A_2348, 16 : i32
      %get3A = arith.index_cast %multiple_of3A : i32 to index
      %get3A_2349 = tpu.vector_load %arg6[%get3A] {strides = array<i32>} : memref<4096xi32, #tpu.memory_space<vmem>>, vector<16xi32>,
      %gather3A = tpu.vector_load_idx %arg5[%get3A_2349] : memref<100000xf32, #tpu.memory_space<vmem>>[vector<16xi32>], vector<16xf32>,
      %swap3A = arith.index_cast %multiple_of3A : i32 to index
      %swap3A_2350 = tpu.vector_load %arg7[%swap3A] {strides = array<i32>} : memref<4096xf32, #tpu.memory_space<vmem>>, vector<16xf32>,
      tpu.vector_store %arg7[%swap3A], %gather3A {strides = array<i32>} : memref<4096xf32, #tpu.memory_space<vmem>>, vector<16xf32>,
    }
    %scan3A_1683 = arith.constant 256 : i32
    %add3A_1684 = arith.constant 1 : i32
    %add3A_1685 = arith.addi %add3A_1607, %add3A_1684 : i32
    %dma_start3A_1686 = arith.constant 0 : i32
    %dma_start3A_1687 = tpu.memref_slice %arg2[%add3A_1685, %dma_start3A_1686] : memref<832x100000xf32, #tpu.memory_space<hbm>> -> memref<1x100000xf32, #tpu.memory_space<hbm>>
    %dma_start3A_1688 = tpu.memref_squeeze %dma_start3A_1687 : memref<1x100000xf32, #tpu.memory_space<hbm>> -> memref<100000xf32, #tpu.memory_space<hbm>>
    %dma_start3A_1689 = arith.constant 0 : i32
    %dma_start3A_1690 = tpu.memref_slice %arg2[%add3A_1685, %dma_start3A_1689] : memref<832x100000xf32, #tpu.memory_space<hbm>> -> memref<1x100000xf32, #tpu.memory_space<hbm>>
    %dma_start3A_1691 = tpu.memref_squeeze %dma_start3A_1690 : memref<1x100000xf32, #tpu.memory_space<hbm>> -> memref<100000xf32, #tpu.memory_space<hbm>>
    tpu.enqueue_dma source(%dma_start3A_1691 : memref<100000xf32, #tpu.memory_space<hbm>>) target(%arg5 : memref<100000xf32, #tpu.memory_space<vmem>>) target_semaphore(%arg9 : memref<!tpu.dma_semaphore, #tpu.memory_space<semaphore_mem>>)
    %dma_start3A_1692 = arith.constant 0 : i32
    %dma_start3A_1693 = tpu.memref_slice %arg4[%add3A_1607, %dma_start3A_1692] : memref<832x4096xf32, #tpu.memory_space<hbm>> -> memref<1x4096xf32, #tpu.memory_space<hbm>>
    %dma_start3A_1694 = tpu.memref_squeeze %dma_start3A_1693 : memref<1x4096xf32, #tpu.memory_space<hbm>> -> memref<4096xf32, #tpu.memory_space<hbm>>
    %dma_start3A_1695 = arith.constant 0 : i32
    %dma_start3A_1696 = tpu.memref_slice %arg4[%add3A_1607, %dma_start3A_1695] : memref<832x4096xf32, #tpu.memory_space<hbm>> -> memref<1x4096xf32, #tpu.memory_space<hbm>>
    %dma_start3A_1697 = tpu.memref_squeeze %dma_start3A_1696 : memref<1x4096xf32, #tpu.memory_space<hbm>> -> memref<4096xf32, #tpu.memory_space<hbm>>
    tpu.enqueue_dma source(%arg7 : memref<4096xf32, #tpu.memory_space<vmem>>) target(%dma_start3A_1697 : memref<4096xf32, #tpu.memory_space<hbm>>) target_semaphore(%arg10 : memref<!tpu.dma_semaphore, #tpu.memory_space<semaphore_mem>>)
    %add3A_1698 = arith.constant 19 : i32
    %add3A_1699 = arith.addi %mul3A_2, %add3A_1698 : i32
    %add3A_1700 = arith.constant 19 : i32
    %add3A_1701 = arith.addi %mul3A_2, %add3A_1700 : i32
    %jit3A_1702 = arith.constant 32 : i32
    %div3A_1703 = arith.divsi %add3A_1701, %jit3A_1702 : i32
    %sign3A_1704 = arith.constant 0 : i32
    %sign3A_1705 = arith.cmpi sgt, %add3A_1701, %sign3A_1704 : i32
    %sign3A_1706 = arith.extui %sign3A_1705 : i1 to i32
    %sign3A_1707 = arith.constant 0 : i32
    %sign3A_1708 = arith.cmpi slt, %add3A_1701, %sign3A_1707 : i32
    %sign3A_1709 = arith.extui %sign3A_1708 : i1 to i32
    %sign3A_1710 = arith.subi %sign3A_1706, %sign3A_1709 : i32
    %sign3A_1711 = arith.constant 0 : i32
    %sign3A_1712 = arith.cmpi sgt, %jit3A_1702, %sign3A_1711 : i32
    %sign3A_1713 = arith.extui %sign3A_1712 : i1 to i32
    %sign3A_1714 = arith.constant 0 : i32
    %sign3A_1715 = arith.cmpi slt, %jit3A_1702, %sign3A_1714 : i32
    %sign3A_1716 = arith.extui %sign3A_1715 : i1 to i32
    %sign3A_1717 = arith.subi %sign3A_1713, %sign3A_1716 : i32
    %ne3A_1718 = arith.cmpi ne, %sign3A_1710, %sign3A_1717 : i32
    %rem3A_1719 = arith.remsi %add3A_1701, %jit3A_1702 : i32
    %ne3A_1720 = arith.constant 0 : i32
    %ne3A_1721 = arith.cmpi ne, %rem3A_1719, %ne3A_1720 : i32
    %and3A_1722 = arith.andi %ne3A_1718, %ne3A_1721 : i1
    %sub3A_1723 = arith.constant 1 : i32
    %sub3A_1724 = arith.subi %div3A_1703, %sub3A_1723 : i32
    %select_n3A_1725 = arith.select %and3A_1722, %sub3A_1724, %div3A_1703 : i32
    %add3A_1726 = arith.constant 19 : i32
    %add3A_1727 = arith.addi %mul3A_2, %add3A_1726 : i32
    %sub3A_1728 = arith.constant 1 : i32
    %sub3A_1729 = arith.subi %add3A_1727, %sub3A_1728 : i32
    %jit3A_1730 = arith.constant 32 : i32
    %div3A_1731 = arith.divsi %sub3A_1729, %jit3A_1730 : i32
    %sign3A_1732 = arith.constant 0 : i32
    %sign3A_1733 = arith.cmpi sgt, %sub3A_1729, %sign3A_1732 : i32
    %sign3A_1734 = arith.extui %sign3A_1733 : i1 to i32
    %sign3A_1735 = arith.constant 0 : i32
    %sign3A_1736 = arith.cmpi slt, %sub3A_1729, %sign3A_1735 : i32
    %sign3A_1737 = arith.extui %sign3A_1736 : i1 to i32
    %sign3A_1738 = arith.subi %sign3A_1734, %sign3A_1737 : i32
    %sign3A_1739 = arith.constant 0 : i32
    %sign3A_1740 = arith.cmpi sgt, %jit3A_1730, %sign3A_1739 : i32
    %sign3A_1741 = arith.extui %sign3A_1740 : i1 to i32
    %sign3A_1742 = arith.constant 0 : i32
    %sign3A_1743 = arith.cmpi slt, %jit3A_1730, %sign3A_1742 : i32
    %sign3A_1744 = arith.extui %sign3A_1743 : i1 to i32
    %sign3A_1745 = arith.subi %sign3A_1741, %sign3A_1744 : i32
    %ne3A_1746 = arith.cmpi ne, %sign3A_1738, %sign3A_1745 : i32
    %rem3A_1747 = arith.remsi %sub3A_1729, %jit3A_1730 : i32
    %ne3A_1748 = arith.constant 0 : i32
    %ne3A_1749 = arith.cmpi ne, %rem3A_1747, %ne3A_1748 : i32
    %and3A_1750 = arith.andi %ne3A_1746, %ne3A_1749 : i1
    %sub3A_1751 = arith.constant 1 : i32
    %sub3A_1752 = arith.subi %div3A_1731, %sub3A_1751 : i32
    %select_n3A_1753 = arith.select %and3A_1750, %sub3A_1752, %div3A_1731 : i32
    %ne3A_1754 = arith.cmpi ne, %select_n3A_1725, %select_n3A_1753 : i32
    %convert_element_type3A_1755 = arith.extui %ne3A_1754 : i1 to i32
    %cond3A_1756 = arith.constant 0 : i32
    %cond3A_1757 = arith.cmpi ne, %convert_element_type3A_1755, %cond3A_1756 : i32
    scf.if %cond3A_1757 {
      %jit3A_2346 = arith.constant 32 : i32
      %div3A_2347 = arith.divsi %add3A_1699, %jit3A_2346 : i32
      %sign3A_2348 = arith.constant 0 : i32
      %sign3A_2349 = arith.cmpi sgt, %add3A_1699, %sign3A_2348 : i32
      %sign3A_2350 = arith.extui %sign3A_2349 : i1 to i32
      %sign3A_2351 = arith.constant 0 : i32
      %sign3A_2352 = arith.cmpi slt, %add3A_1699, %sign3A_2351 : i32
      %sign3A_2353 = arith.extui %sign3A_2352 : i1 to i32
      %sign3A_2354 = arith.subi %sign3A_2350, %sign3A_2353 : i32
      %sign3A_2355 = arith.constant 0 : i32
      %sign3A_2356 = arith.cmpi sgt, %jit3A_2346, %sign3A_2355 : i32
      %sign3A_2357 = arith.extui %sign3A_2356 : i1 to i32
      %sign3A_2358 = arith.constant 0 : i32
      %sign3A_2359 = arith.cmpi slt, %jit3A_2346, %sign3A_2358 : i32
      %sign3A_2360 = arith.extui %sign3A_2359 : i1 to i32
      %sign3A_2361 = arith.subi %sign3A_2357, %sign3A_2360 : i32
      %ne3A_2362 = arith.cmpi ne, %sign3A_2354, %sign3A_2361 : i32
      %rem3A_2363 = arith.remsi %add3A_1699, %jit3A_2346 : i32
      %ne3A_2364 = arith.constant 0 : i32
      %ne3A_2365 = arith.cmpi ne, %rem3A_2363, %ne3A_2364 : i32
      %and3A_2366 = arith.andi %ne3A_2362, %ne3A_2365 : i1
      %sub3A_2367 = arith.constant 1 : i32
      %sub3A_2368 = arith.subi %div3A_2347, %sub3A_2367 : i32
      %select_n3A_2369 = arith.select %and3A_2366, %sub3A_2368, %div3A_2347 : i32
      "tpu.region"() ({
        %run_scoped3A = tpu.sem_alloc : memref<!tpu.dma_semaphore, #tpu.memory_space<semaphore_mem>>
        %dma_start3A_2370 = arith.constant 0 : i32
        %dma_start3A_2371 = tpu.memref_slice %arg3[%select_n3A_2369, %dma_start3A_2370] : memref<26x4096xi32, #tpu.memory_space<hbm>> -> memref<1x4096xi32, #tpu.memory_space<hbm>>
        %dma_start3A_2372 = tpu.memref_squeeze %dma_start3A_2371 : memref<1x4096xi32, #tpu.memory_space<hbm>> -> memref<4096xi32, #tpu.memory_space<hbm>>
        %dma_start3A_2373 = arith.constant 0 : i32
        %dma_start3A_2374 = tpu.memref_slice %arg3[%select_n3A_2369, %dma_start3A_2373] : memref<26x4096xi32, #tpu.memory_space<hbm>> -> memref<1x4096xi32, #tpu.memory_space<hbm>>
        %dma_start3A_2375 = tpu.memref_squeeze %dma_start3A_2374 : memref<1x4096xi32, #tpu.memory_space<hbm>> -> memref<4096xi32, #tpu.memory_space<hbm>>
        tpu.enqueue_dma source(%dma_start3A_2375 : memref<4096xi32, #tpu.memory_space<hbm>>) target(%arg6 : memref<4096xi32, #tpu.memory_space<vmem>>) target_semaphore(%run_scoped3A : memref<!tpu.dma_semaphore, #tpu.memory_space<semaphore_mem>>)
        %dma_wait3A_2376 = arith.constant 0 : i32
        %dma_wait3A_2377 = tpu.memref_slice %arg3[%select_n3A_2369, %dma_wait3A_2376] : memref<26x4096xi32, #tpu.memory_space<hbm>> -> memref<1x4096xi32, #tpu.memory_space<hbm>>
        %dma_wait3A_2378 = tpu.memref_squeeze %dma_wait3A_2377 : memref<1x4096xi32, #tpu.memory_space<hbm>> -> memref<4096xi32, #tpu.memory_space<hbm>>
        %dma_wait3A_2379 = arith.constant 0 : i32
        %dma_wait3A_2380 = tpu.memref_slice %arg3[%select_n3A_2369, %dma_wait3A_2379] : memref<26x4096xi32, #tpu.memory_space<hbm>> -> memref<1x4096xi32, #tpu.memory_space<hbm>>
        %dma_wait3A_2381 = tpu.memref_squeeze %dma_wait3A_2380 : memref<1x4096xi32, #tpu.memory_space<hbm>> -> memref<4096xi32, #tpu.memory_space<hbm>>
        tpu.wait_dma2 semaphore(%run_scoped3A : memref<!tpu.dma_semaphore, #tpu.memory_space<semaphore_mem>>) src(%dma_wait3A_2381 : memref<4096xi32, #tpu.memory_space<hbm>>) dst(%arg6 : memref<4096xi32, #tpu.memory_space<vmem>>)
        tpu.yield
      }) : () -> ()
    } else {
    }
    %dma_wait3A_1758 = arith.constant 0 : i32
    %dma_wait3A_1759 = tpu.memref_slice %arg2[%add3A_1685, %dma_wait3A_1758] : memref<832x100000xf32, #tpu.memory_space<hbm>> -> memref<1x100000xf32, #tpu.memory_space<hbm>>
    %dma_wait3A_1760 = tpu.memref_squeeze %dma_wait3A_1759 : memref<1x100000xf32, #tpu.memory_space<hbm>> -> memref<100000xf32, #tpu.memory_space<hbm>>
    %dma_wait3A_1761 = arith.constant 0 : i32
    %dma_wait3A_1762 = tpu.memref_slice %arg2[%add3A_1685, %dma_wait3A_1761] : memref<832x100000xf32, #tpu.memory_space<hbm>> -> memref<1x100000xf32, #tpu.memory_space<hbm>>
    %dma_wait3A_1763 = tpu.memref_squeeze %dma_wait3A_1762 : memref<1x100000xf32, #tpu.memory_space<hbm>> -> memref<100000xf32, #tpu.memory_space<hbm>>
    tpu.wait_dma2 semaphore(%arg9 : memref<!tpu.dma_semaphore, #tpu.memory_space<semaphore_mem>>) src(%dma_wait3A_1763 : memref<100000xf32, #tpu.memory_space<hbm>>) dst(%arg5 : memref<100000xf32, #tpu.memory_space<vmem>>)
    %dma_wait3A_1764 = arith.constant 0 : i32
    %dma_wait3A_1765 = tpu.memref_slice %arg4[%add3A_1515, %dma_wait3A_1764] : memref<832x4096xf32, #tpu.memory_space<hbm>> -> memref<1x4096xf32, #tpu.memory_space<hbm>>
    %dma_wait3A_1766 = tpu.memref_squeeze %dma_wait3A_1765 : memref<1x4096xf32, #tpu.memory_space<hbm>> -> memref<4096xf32, #tpu.memory_space<hbm>>
    %dma_wait3A_1767 = arith.constant 0 : i32
    %dma_wait3A_1768 = tpu.memref_slice %arg4[%add3A_1515, %dma_wait3A_1767] : memref<832x4096xf32, #tpu.memory_space<hbm>> -> memref<1x4096xf32, #tpu.memory_space<hbm>>
    %dma_wait3A_1769 = tpu.memref_squeeze %dma_wait3A_1768 : memref<1x4096xf32, #tpu.memory_space<hbm>> -> memref<4096xf32, #tpu.memory_space<hbm>>
    tpu.wait_dma2 semaphore(%arg11 : memref<!tpu.dma_semaphore, #tpu.memory_space<semaphore_mem>>) src(%arg8 : memref<4096xf32, #tpu.memory_space<vmem>>) dst(%dma_wait3A_1769 : memref<4096xf32, #tpu.memory_space<hbm>>)
    %scan3A_1770 = arith.constant 0 : i32
    %scan3A_1771 = arith.constant 0 : i32
    %scan3A_1772 = arith.constant 256 : i32
    %scan3A_1773 = arith.addi %scan3A_1771, %scan3A_1772 : i32
    %scan3A_1774 = arith.constant 1 : i32
    scf.for %scan3A_2346 = %scan3A_1771 to %scan3A_1773 step %scan3A_1774  : i32 {
      %mul3A_2347 = arith.constant 16 : i32
      %mul3A_2348 = arith.muli %scan3A_2346, %mul3A_2347 : i32
      %multiple_of3A = tpu.assume_multiple %mul3A_2348, 16 : i32
      %get3A = arith.index_cast %multiple_of3A : i32 to index
      %get3A_2349 = tpu.vector_load %arg6[%get3A] {strides = array<i32>} : memref<4096xi32, #tpu.memory_space<vmem>>, vector<16xi32>,
      %gather3A = tpu.vector_load_idx %arg5[%get3A_2349] : memref<100000xf32, #tpu.memory_space<vmem>>[vector<16xi32>], vector<16xf32>,
      %swap3A = arith.index_cast %multiple_of3A : i32 to index
      %swap3A_2350 = tpu.vector_load %arg8[%swap3A] {strides = array<i32>} : memref<4096xf32, #tpu.memory_space<vmem>>, vector<16xf32>,
      tpu.vector_store %arg8[%swap3A], %gather3A {strides = array<i32>} : memref<4096xf32, #tpu.memory_space<vmem>>, vector<16xf32>,
    }
    %scan3A_1775 = arith.constant 256 : i32
    %add3A_1776 = arith.constant 1 : i32
    %add3A_1777 = arith.addi %add3A_1699, %add3A_1776 : i32
    %dma_start3A_1778 = arith.constant 0 : i32
    %dma_start3A_1779 = tpu.memref_slice %arg2[%add3A_1777, %dma_start3A_1778] : memref<832x100000xf32, #tpu.memory_space<hbm>> -> memref<1x100000xf32, #tpu.memory_space<hbm>>
    %dma_start3A_1780 = tpu.memref_squeeze %dma_start3A_1779 : memref<1x100000xf32, #tpu.memory_space<hbm>> -> memref<100000xf32, #tpu.memory_space<hbm>>
    %dma_start3A_1781 = arith.constant 0 : i32
    %dma_start3A_1782 = tpu.memref_slice %arg2[%add3A_1777, %dma_start3A_1781] : memref<832x100000xf32, #tpu.memory_space<hbm>> -> memref<1x100000xf32, #tpu.memory_space<hbm>>
    %dma_start3A_1783 = tpu.memref_squeeze %dma_start3A_1782 : memref<1x100000xf32, #tpu.memory_space<hbm>> -> memref<100000xf32, #tpu.memory_space<hbm>>
    tpu.enqueue_dma source(%dma_start3A_1783 : memref<100000xf32, #tpu.memory_space<hbm>>) target(%arg5 : memref<100000xf32, #tpu.memory_space<vmem>>) target_semaphore(%arg9 : memref<!tpu.dma_semaphore, #tpu.memory_space<semaphore_mem>>)
    %dma_start3A_1784 = arith.constant 0 : i32
    %dma_start3A_1785 = tpu.memref_slice %arg4[%add3A_1699, %dma_start3A_1784] : memref<832x4096xf32, #tpu.memory_space<hbm>> -> memref<1x4096xf32, #tpu.memory_space<hbm>>
    %dma_start3A_1786 = tpu.memref_squeeze %dma_start3A_1785 : memref<1x4096xf32, #tpu.memory_space<hbm>> -> memref<4096xf32, #tpu.memory_space<hbm>>
    %dma_start3A_1787 = arith.constant 0 : i32
    %dma_start3A_1788 = tpu.memref_slice %arg4[%add3A_1699, %dma_start3A_1787] : memref<832x4096xf32, #tpu.memory_space<hbm>> -> memref<1x4096xf32, #tpu.memory_space<hbm>>
    %dma_start3A_1789 = tpu.memref_squeeze %dma_start3A_1788 : memref<1x4096xf32, #tpu.memory_space<hbm>> -> memref<4096xf32, #tpu.memory_space<hbm>>
    tpu.enqueue_dma source(%arg8 : memref<4096xf32, #tpu.memory_space<vmem>>) target(%dma_start3A_1789 : memref<4096xf32, #tpu.memory_space<hbm>>) target_semaphore(%arg11 : memref<!tpu.dma_semaphore, #tpu.memory_space<semaphore_mem>>)
    %add3A_1790 = arith.constant 20 : i32
    %add3A_1791 = arith.addi %mul3A_2, %add3A_1790 : i32
    %add3A_1792 = arith.constant 20 : i32
    %add3A_1793 = arith.addi %mul3A_2, %add3A_1792 : i32
    %jit3A_1794 = arith.constant 32 : i32
    %div3A_1795 = arith.divsi %add3A_1793, %jit3A_1794 : i32
    %sign3A_1796 = arith.constant 0 : i32
    %sign3A_1797 = arith.cmpi sgt, %add3A_1793, %sign3A_1796 : i32
    %sign3A_1798 = arith.extui %sign3A_1797 : i1 to i32
    %sign3A_1799 = arith.constant 0 : i32
    %sign3A_1800 = arith.cmpi slt, %add3A_1793, %sign3A_1799 : i32
    %sign3A_1801 = arith.extui %sign3A_1800 : i1 to i32
    %sign3A_1802 = arith.subi %sign3A_1798, %sign3A_1801 : i32
    %sign3A_1803 = arith.constant 0 : i32
    %sign3A_1804 = arith.cmpi sgt, %jit3A_1794, %sign3A_1803 : i32
    %sign3A_1805 = arith.extui %sign3A_1804 : i1 to i32
    %sign3A_1806 = arith.constant 0 : i32
    %sign3A_1807 = arith.cmpi slt, %jit3A_1794, %sign3A_1806 : i32
    %sign3A_1808 = arith.extui %sign3A_1807 : i1 to i32
    %sign3A_1809 = arith.subi %sign3A_1805, %sign3A_1808 : i32
    %ne3A_1810 = arith.cmpi ne, %sign3A_1802, %sign3A_1809 : i32
    %rem3A_1811 = arith.remsi %add3A_1793, %jit3A_1794 : i32
    %ne3A_1812 = arith.constant 0 : i32
    %ne3A_1813 = arith.cmpi ne, %rem3A_1811, %ne3A_1812 : i32
    %and3A_1814 = arith.andi %ne3A_1810, %ne3A_1813 : i1
    %sub3A_1815 = arith.constant 1 : i32
    %sub3A_1816 = arith.subi %div3A_1795, %sub3A_1815 : i32
    %select_n3A_1817 = arith.select %and3A_1814, %sub3A_1816, %div3A_1795 : i32
    %add3A_1818 = arith.constant 20 : i32
    %add3A_1819 = arith.addi %mul3A_2, %add3A_1818 : i32
    %sub3A_1820 = arith.constant 1 : i32
    %sub3A_1821 = arith.subi %add3A_1819, %sub3A_1820 : i32
    %jit3A_1822 = arith.constant 32 : i32
    %div3A_1823 = arith.divsi %sub3A_1821, %jit3A_1822 : i32
    %sign3A_1824 = arith.constant 0 : i32
    %sign3A_1825 = arith.cmpi sgt, %sub3A_1821, %sign3A_1824 : i32
    %sign3A_1826 = arith.extui %sign3A_1825 : i1 to i32
    %sign3A_1827 = arith.constant 0 : i32
    %sign3A_1828 = arith.cmpi slt, %sub3A_1821, %sign3A_1827 : i32
    %sign3A_1829 = arith.extui %sign3A_1828 : i1 to i32
    %sign3A_1830 = arith.subi %sign3A_1826, %sign3A_1829 : i32
    %sign3A_1831 = arith.constant 0 : i32
    %sign3A_1832 = arith.cmpi sgt, %jit3A_1822, %sign3A_1831 : i32
    %sign3A_1833 = arith.extui %sign3A_1832 : i1 to i32
    %sign3A_1834 = arith.constant 0 : i32
    %sign3A_1835 = arith.cmpi slt, %jit3A_1822, %sign3A_1834 : i32
    %sign3A_1836 = arith.extui %sign3A_1835 : i1 to i32
    %sign3A_1837 = arith.subi %sign3A_1833, %sign3A_1836 : i32
    %ne3A_1838 = arith.cmpi ne, %sign3A_1830, %sign3A_1837 : i32
    %rem3A_1839 = arith.remsi %sub3A_1821, %jit3A_1822 : i32
    %ne3A_1840 = arith.constant 0 : i32
    %ne3A_1841 = arith.cmpi ne, %rem3A_1839, %ne3A_1840 : i32
    %and3A_1842 = arith.andi %ne3A_1838, %ne3A_1841 : i1
    %sub3A_1843 = arith.constant 1 : i32
    %sub3A_1844 = arith.subi %div3A_1823, %sub3A_1843 : i32
    %select_n3A_1845 = arith.select %and3A_1842, %sub3A_1844, %div3A_1823 : i32
    %ne3A_1846 = arith.cmpi ne, %select_n3A_1817, %select_n3A_1845 : i32
    %convert_element_type3A_1847 = arith.extui %ne3A_1846 : i1 to i32
    %cond3A_1848 = arith.constant 0 : i32
    %cond3A_1849 = arith.cmpi ne, %convert_element_type3A_1847, %cond3A_1848 : i32
    scf.if %cond3A_1849 {
      %jit3A_2346 = arith.constant 32 : i32
      %div3A_2347 = arith.divsi %add3A_1791, %jit3A_2346 : i32
      %sign3A_2348 = arith.constant 0 : i32
      %sign3A_2349 = arith.cmpi sgt, %add3A_1791, %sign3A_2348 : i32
      %sign3A_2350 = arith.extui %sign3A_2349 : i1 to i32
      %sign3A_2351 = arith.constant 0 : i32
      %sign3A_2352 = arith.cmpi slt, %add3A_1791, %sign3A_2351 : i32
      %sign3A_2353 = arith.extui %sign3A_2352 : i1 to i32
      %sign3A_2354 = arith.subi %sign3A_2350, %sign3A_2353 : i32
      %sign3A_2355 = arith.constant 0 : i32
      %sign3A_2356 = arith.cmpi sgt, %jit3A_2346, %sign3A_2355 : i32
      %sign3A_2357 = arith.extui %sign3A_2356 : i1 to i32
      %sign3A_2358 = arith.constant 0 : i32
      %sign3A_2359 = arith.cmpi slt, %jit3A_2346, %sign3A_2358 : i32
      %sign3A_2360 = arith.extui %sign3A_2359 : i1 to i32
      %sign3A_2361 = arith.subi %sign3A_2357, %sign3A_2360 : i32
      %ne3A_2362 = arith.cmpi ne, %sign3A_2354, %sign3A_2361 : i32
      %rem3A_2363 = arith.remsi %add3A_1791, %jit3A_2346 : i32
      %ne3A_2364 = arith.constant 0 : i32
      %ne3A_2365 = arith.cmpi ne, %rem3A_2363, %ne3A_2364 : i32
      %and3A_2366 = arith.andi %ne3A_2362, %ne3A_2365 : i1
      %sub3A_2367 = arith.constant 1 : i32
      %sub3A_2368 = arith.subi %div3A_2347, %sub3A_2367 : i32
      %select_n3A_2369 = arith.select %and3A_2366, %sub3A_2368, %div3A_2347 : i32
      "tpu.region"() ({
        %run_scoped3A = tpu.sem_alloc : memref<!tpu.dma_semaphore, #tpu.memory_space<semaphore_mem>>
        %dma_start3A_2370 = arith.constant 0 : i32
        %dma_start3A_2371 = tpu.memref_slice %arg3[%select_n3A_2369, %dma_start3A_2370] : memref<26x4096xi32, #tpu.memory_space<hbm>> -> memref<1x4096xi32, #tpu.memory_space<hbm>>
        %dma_start3A_2372 = tpu.memref_squeeze %dma_start3A_2371 : memref<1x4096xi32, #tpu.memory_space<hbm>> -> memref<4096xi32, #tpu.memory_space<hbm>>
        %dma_start3A_2373 = arith.constant 0 : i32
        %dma_start3A_2374 = tpu.memref_slice %arg3[%select_n3A_2369, %dma_start3A_2373] : memref<26x4096xi32, #tpu.memory_space<hbm>> -> memref<1x4096xi32, #tpu.memory_space<hbm>>
        %dma_start3A_2375 = tpu.memref_squeeze %dma_start3A_2374 : memref<1x4096xi32, #tpu.memory_space<hbm>> -> memref<4096xi32, #tpu.memory_space<hbm>>
        tpu.enqueue_dma source(%dma_start3A_2375 : memref<4096xi32, #tpu.memory_space<hbm>>) target(%arg6 : memref<4096xi32, #tpu.memory_space<vmem>>) target_semaphore(%run_scoped3A : memref<!tpu.dma_semaphore, #tpu.memory_space<semaphore_mem>>)
        %dma_wait3A_2376 = arith.constant 0 : i32
        %dma_wait3A_2377 = tpu.memref_slice %arg3[%select_n3A_2369, %dma_wait3A_2376] : memref<26x4096xi32, #tpu.memory_space<hbm>> -> memref<1x4096xi32, #tpu.memory_space<hbm>>
        %dma_wait3A_2378 = tpu.memref_squeeze %dma_wait3A_2377 : memref<1x4096xi32, #tpu.memory_space<hbm>> -> memref<4096xi32, #tpu.memory_space<hbm>>
        %dma_wait3A_2379 = arith.constant 0 : i32
        %dma_wait3A_2380 = tpu.memref_slice %arg3[%select_n3A_2369, %dma_wait3A_2379] : memref<26x4096xi32, #tpu.memory_space<hbm>> -> memref<1x4096xi32, #tpu.memory_space<hbm>>
        %dma_wait3A_2381 = tpu.memref_squeeze %dma_wait3A_2380 : memref<1x4096xi32, #tpu.memory_space<hbm>> -> memref<4096xi32, #tpu.memory_space<hbm>>
        tpu.wait_dma2 semaphore(%run_scoped3A : memref<!tpu.dma_semaphore, #tpu.memory_space<semaphore_mem>>) src(%dma_wait3A_2381 : memref<4096xi32, #tpu.memory_space<hbm>>) dst(%arg6 : memref<4096xi32, #tpu.memory_space<vmem>>)
        tpu.yield
      }) : () -> ()
    } else {
    }
    %dma_wait3A_1850 = arith.constant 0 : i32
    %dma_wait3A_1851 = tpu.memref_slice %arg2[%add3A_1777, %dma_wait3A_1850] : memref<832x100000xf32, #tpu.memory_space<hbm>> -> memref<1x100000xf32, #tpu.memory_space<hbm>>
    %dma_wait3A_1852 = tpu.memref_squeeze %dma_wait3A_1851 : memref<1x100000xf32, #tpu.memory_space<hbm>> -> memref<100000xf32, #tpu.memory_space<hbm>>
    %dma_wait3A_1853 = arith.constant 0 : i32
    %dma_wait3A_1854 = tpu.memref_slice %arg2[%add3A_1777, %dma_wait3A_1853] : memref<832x100000xf32, #tpu.memory_space<hbm>> -> memref<1x100000xf32, #tpu.memory_space<hbm>>
    %dma_wait3A_1855 = tpu.memref_squeeze %dma_wait3A_1854 : memref<1x100000xf32, #tpu.memory_space<hbm>> -> memref<100000xf32, #tpu.memory_space<hbm>>
    tpu.wait_dma2 semaphore(%arg9 : memref<!tpu.dma_semaphore, #tpu.memory_space<semaphore_mem>>) src(%dma_wait3A_1855 : memref<100000xf32, #tpu.memory_space<hbm>>) dst(%arg5 : memref<100000xf32, #tpu.memory_space<vmem>>)
    %dma_wait3A_1856 = arith.constant 0 : i32
    %dma_wait3A_1857 = tpu.memref_slice %arg4[%add3A_1607, %dma_wait3A_1856] : memref<832x4096xf32, #tpu.memory_space<hbm>> -> memref<1x4096xf32, #tpu.memory_space<hbm>>
    %dma_wait3A_1858 = tpu.memref_squeeze %dma_wait3A_1857 : memref<1x4096xf32, #tpu.memory_space<hbm>> -> memref<4096xf32, #tpu.memory_space<hbm>>
    %dma_wait3A_1859 = arith.constant 0 : i32
    %dma_wait3A_1860 = tpu.memref_slice %arg4[%add3A_1607, %dma_wait3A_1859] : memref<832x4096xf32, #tpu.memory_space<hbm>> -> memref<1x4096xf32, #tpu.memory_space<hbm>>
    %dma_wait3A_1861 = tpu.memref_squeeze %dma_wait3A_1860 : memref<1x4096xf32, #tpu.memory_space<hbm>> -> memref<4096xf32, #tpu.memory_space<hbm>>
    tpu.wait_dma2 semaphore(%arg10 : memref<!tpu.dma_semaphore, #tpu.memory_space<semaphore_mem>>) src(%arg7 : memref<4096xf32, #tpu.memory_space<vmem>>) dst(%dma_wait3A_1861 : memref<4096xf32, #tpu.memory_space<hbm>>)
    %scan3A_1862 = arith.constant 0 : i32
    %scan3A_1863 = arith.constant 0 : i32
    %scan3A_1864 = arith.constant 256 : i32
    %scan3A_1865 = arith.addi %scan3A_1863, %scan3A_1864 : i32
    %scan3A_1866 = arith.constant 1 : i32
    scf.for %scan3A_2346 = %scan3A_1863 to %scan3A_1865 step %scan3A_1866  : i32 {
      %mul3A_2347 = arith.constant 16 : i32
      %mul3A_2348 = arith.muli %scan3A_2346, %mul3A_2347 : i32
      %multiple_of3A = tpu.assume_multiple %mul3A_2348, 16 : i32
      %get3A = arith.index_cast %multiple_of3A : i32 to index
      %get3A_2349 = tpu.vector_load %arg6[%get3A] {strides = array<i32>} : memref<4096xi32, #tpu.memory_space<vmem>>, vector<16xi32>,
      %gather3A = tpu.vector_load_idx %arg5[%get3A_2349] : memref<100000xf32, #tpu.memory_space<vmem>>[vector<16xi32>], vector<16xf32>,
      %swap3A = arith.index_cast %multiple_of3A : i32 to index
      %swap3A_2350 = tpu.vector_load %arg7[%swap3A] {strides = array<i32>} : memref<4096xf32, #tpu.memory_space<vmem>>, vector<16xf32>,
      tpu.vector_store %arg7[%swap3A], %gather3A {strides = array<i32>} : memref<4096xf32, #tpu.memory_space<vmem>>, vector<16xf32>,
    }
    %scan3A_1867 = arith.constant 256 : i32
    %add3A_1868 = arith.constant 1 : i32
    %add3A_1869 = arith.addi %add3A_1791, %add3A_1868 : i32
    %dma_start3A_1870 = arith.constant 0 : i32
    %dma_start3A_1871 = tpu.memref_slice %arg2[%add3A_1869, %dma_start3A_1870] : memref<832x100000xf32, #tpu.memory_space<hbm>> -> memref<1x100000xf32, #tpu.memory_space<hbm>>
    %dma_start3A_1872 = tpu.memref_squeeze %dma_start3A_1871 : memref<1x100000xf32, #tpu.memory_space<hbm>> -> memref<100000xf32, #tpu.memory_space<hbm>>
    %dma_start3A_1873 = arith.constant 0 : i32
    %dma_start3A_1874 = tpu.memref_slice %arg2[%add3A_1869, %dma_start3A_1873] : memref<832x100000xf32, #tpu.memory_space<hbm>> -> memref<1x100000xf32, #tpu.memory_space<hbm>>
    %dma_start3A_1875 = tpu.memref_squeeze %dma_start3A_1874 : memref<1x100000xf32, #tpu.memory_space<hbm>> -> memref<100000xf32, #tpu.memory_space<hbm>>
    tpu.enqueue_dma source(%dma_start3A_1875 : memref<100000xf32, #tpu.memory_space<hbm>>) target(%arg5 : memref<100000xf32, #tpu.memory_space<vmem>>) target_semaphore(%arg9 : memref<!tpu.dma_semaphore, #tpu.memory_space<semaphore_mem>>)
    %dma_start3A_1876 = arith.constant 0 : i32
    %dma_start3A_1877 = tpu.memref_slice %arg4[%add3A_1791, %dma_start3A_1876] : memref<832x4096xf32, #tpu.memory_space<hbm>> -> memref<1x4096xf32, #tpu.memory_space<hbm>>
    %dma_start3A_1878 = tpu.memref_squeeze %dma_start3A_1877 : memref<1x4096xf32, #tpu.memory_space<hbm>> -> memref<4096xf32, #tpu.memory_space<hbm>>
    %dma_start3A_1879 = arith.constant 0 : i32
    %dma_start3A_1880 = tpu.memref_slice %arg4[%add3A_1791, %dma_start3A_1879] : memref<832x4096xf32, #tpu.memory_space<hbm>> -> memref<1x4096xf32, #tpu.memory_space<hbm>>
    %dma_start3A_1881 = tpu.memref_squeeze %dma_start3A_1880 : memref<1x4096xf32, #tpu.memory_space<hbm>> -> memref<4096xf32, #tpu.memory_space<hbm>>
    tpu.enqueue_dma source(%arg7 : memref<4096xf32, #tpu.memory_space<vmem>>) target(%dma_start3A_1881 : memref<4096xf32, #tpu.memory_space<hbm>>) target_semaphore(%arg10 : memref<!tpu.dma_semaphore, #tpu.memory_space<semaphore_mem>>)
    %add3A_1882 = arith.constant 21 : i32
    %add3A_1883 = arith.addi %mul3A_2, %add3A_1882 : i32
    %add3A_1884 = arith.constant 21 : i32
    %add3A_1885 = arith.addi %mul3A_2, %add3A_1884 : i32
    %jit3A_1886 = arith.constant 32 : i32
    %div3A_1887 = arith.divsi %add3A_1885, %jit3A_1886 : i32
    %sign3A_1888 = arith.constant 0 : i32
    %sign3A_1889 = arith.cmpi sgt, %add3A_1885, %sign3A_1888 : i32
    %sign3A_1890 = arith.extui %sign3A_1889 : i1 to i32
    %sign3A_1891 = arith.constant 0 : i32
    %sign3A_1892 = arith.cmpi slt, %add3A_1885, %sign3A_1891 : i32
    %sign3A_1893 = arith.extui %sign3A_1892 : i1 to i32
    %sign3A_1894 = arith.subi %sign3A_1890, %sign3A_1893 : i32
    %sign3A_1895 = arith.constant 0 : i32
    %sign3A_1896 = arith.cmpi sgt, %jit3A_1886, %sign3A_1895 : i32
    %sign3A_1897 = arith.extui %sign3A_1896 : i1 to i32
    %sign3A_1898 = arith.constant 0 : i32
    %sign3A_1899 = arith.cmpi slt, %jit3A_1886, %sign3A_1898 : i32
    %sign3A_1900 = arith.extui %sign3A_1899 : i1 to i32
    %sign3A_1901 = arith.subi %sign3A_1897, %sign3A_1900 : i32
    %ne3A_1902 = arith.cmpi ne, %sign3A_1894, %sign3A_1901 : i32
    %rem3A_1903 = arith.remsi %add3A_1885, %jit3A_1886 : i32
    %ne3A_1904 = arith.constant 0 : i32
    %ne3A_1905 = arith.cmpi ne, %rem3A_1903, %ne3A_1904 : i32
    %and3A_1906 = arith.andi %ne3A_1902, %ne3A_1905 : i1
    %sub3A_1907 = arith.constant 1 : i32
    %sub3A_1908 = arith.subi %div3A_1887, %sub3A_1907 : i32
    %select_n3A_1909 = arith.select %and3A_1906, %sub3A_1908, %div3A_1887 : i32
    %add3A_1910 = arith.constant 21 : i32
    %add3A_1911 = arith.addi %mul3A_2, %add3A_1910 : i32
    %sub3A_1912 = arith.constant 1 : i32
    %sub3A_1913 = arith.subi %add3A_1911, %sub3A_1912 : i32
    %jit3A_1914 = arith.constant 32 : i32
    %div3A_1915 = arith.divsi %sub3A_1913, %jit3A_1914 : i32
    %sign3A_1916 = arith.constant 0 : i32
    %sign3A_1917 = arith.cmpi sgt, %sub3A_1913, %sign3A_1916 : i32
    %sign3A_1918 = arith.extui %sign3A_1917 : i1 to i32
    %sign3A_1919 = arith.constant 0 : i32
    %sign3A_1920 = arith.cmpi slt, %sub3A_1913, %sign3A_1919 : i32
    %sign3A_1921 = arith.extui %sign3A_1920 : i1 to i32
    %sign3A_1922 = arith.subi %sign3A_1918, %sign3A_1921 : i32
    %sign3A_1923 = arith.constant 0 : i32
    %sign3A_1924 = arith.cmpi sgt, %jit3A_1914, %sign3A_1923 : i32
    %sign3A_1925 = arith.extui %sign3A_1924 : i1 to i32
    %sign3A_1926 = arith.constant 0 : i32
    %sign3A_1927 = arith.cmpi slt, %jit3A_1914, %sign3A_1926 : i32
    %sign3A_1928 = arith.extui %sign3A_1927 : i1 to i32
    %sign3A_1929 = arith.subi %sign3A_1925, %sign3A_1928 : i32
    %ne3A_1930 = arith.cmpi ne, %sign3A_1922, %sign3A_1929 : i32
    %rem3A_1931 = arith.remsi %sub3A_1913, %jit3A_1914 : i32
    %ne3A_1932 = arith.constant 0 : i32
    %ne3A_1933 = arith.cmpi ne, %rem3A_1931, %ne3A_1932 : i32
    %and3A_1934 = arith.andi %ne3A_1930, %ne3A_1933 : i1
    %sub3A_1935 = arith.constant 1 : i32
    %sub3A_1936 = arith.subi %div3A_1915, %sub3A_1935 : i32
    %select_n3A_1937 = arith.select %and3A_1934, %sub3A_1936, %div3A_1915 : i32
    %ne3A_1938 = arith.cmpi ne, %select_n3A_1909, %select_n3A_1937 : i32
    %convert_element_type3A_1939 = arith.extui %ne3A_1938 : i1 to i32
    %cond3A_1940 = arith.constant 0 : i32
    %cond3A_1941 = arith.cmpi ne, %convert_element_type3A_1939, %cond3A_1940 : i32
    scf.if %cond3A_1941 {
      %jit3A_2346 = arith.constant 32 : i32
      %div3A_2347 = arith.divsi %add3A_1883, %jit3A_2346 : i32
      %sign3A_2348 = arith.constant 0 : i32
      %sign3A_2349 = arith.cmpi sgt, %add3A_1883, %sign3A_2348 : i32
      %sign3A_2350 = arith.extui %sign3A_2349 : i1 to i32
      %sign3A_2351 = arith.constant 0 : i32
      %sign3A_2352 = arith.cmpi slt, %add3A_1883, %sign3A_2351 : i32
      %sign3A_2353 = arith.extui %sign3A_2352 : i1 to i32
      %sign3A_2354 = arith.subi %sign3A_2350, %sign3A_2353 : i32
      %sign3A_2355 = arith.constant 0 : i32
      %sign3A_2356 = arith.cmpi sgt, %jit3A_2346, %sign3A_2355 : i32
      %sign3A_2357 = arith.extui %sign3A_2356 : i1 to i32
      %sign3A_2358 = arith.constant 0 : i32
      %sign3A_2359 = arith.cmpi slt, %jit3A_2346, %sign3A_2358 : i32
      %sign3A_2360 = arith.extui %sign3A_2359 : i1 to i32
      %sign3A_2361 = arith.subi %sign3A_2357, %sign3A_2360 : i32
      %ne3A_2362 = arith.cmpi ne, %sign3A_2354, %sign3A_2361 : i32
      %rem3A_2363 = arith.remsi %add3A_1883, %jit3A_2346 : i32
      %ne3A_2364 = arith.constant 0 : i32
      %ne3A_2365 = arith.cmpi ne, %rem3A_2363, %ne3A_2364 : i32
      %and3A_2366 = arith.andi %ne3A_2362, %ne3A_2365 : i1
      %sub3A_2367 = arith.constant 1 : i32
      %sub3A_2368 = arith.subi %div3A_2347, %sub3A_2367 : i32
      %select_n3A_2369 = arith.select %and3A_2366, %sub3A_2368, %div3A_2347 : i32
      "tpu.region"() ({
        %run_scoped3A = tpu.sem_alloc : memref<!tpu.dma_semaphore, #tpu.memory_space<semaphore_mem>>
        %dma_start3A_2370 = arith.constant 0 : i32
        %dma_start3A_2371 = tpu.memref_slice %arg3[%select_n3A_2369, %dma_start3A_2370] : memref<26x4096xi32, #tpu.memory_space<hbm>> -> memref<1x4096xi32, #tpu.memory_space<hbm>>
        %dma_start3A_2372 = tpu.memref_squeeze %dma_start3A_2371 : memref<1x4096xi32, #tpu.memory_space<hbm>> -> memref<4096xi32, #tpu.memory_space<hbm>>
        %dma_start3A_2373 = arith.constant 0 : i32
        %dma_start3A_2374 = tpu.memref_slice %arg3[%select_n3A_2369, %dma_start3A_2373] : memref<26x4096xi32, #tpu.memory_space<hbm>> -> memref<1x4096xi32, #tpu.memory_space<hbm>>
        %dma_start3A_2375 = tpu.memref_squeeze %dma_start3A_2374 : memref<1x4096xi32, #tpu.memory_space<hbm>> -> memref<4096xi32, #tpu.memory_space<hbm>>
        tpu.enqueue_dma source(%dma_start3A_2375 : memref<4096xi32, #tpu.memory_space<hbm>>) target(%arg6 : memref<4096xi32, #tpu.memory_space<vmem>>) target_semaphore(%run_scoped3A : memref<!tpu.dma_semaphore, #tpu.memory_space<semaphore_mem>>)
        %dma_wait3A_2376 = arith.constant 0 : i32
        %dma_wait3A_2377 = tpu.memref_slice %arg3[%select_n3A_2369, %dma_wait3A_2376] : memref<26x4096xi32, #tpu.memory_space<hbm>> -> memref<1x4096xi32, #tpu.memory_space<hbm>>
        %dma_wait3A_2378 = tpu.memref_squeeze %dma_wait3A_2377 : memref<1x4096xi32, #tpu.memory_space<hbm>> -> memref<4096xi32, #tpu.memory_space<hbm>>
        %dma_wait3A_2379 = arith.constant 0 : i32
        %dma_wait3A_2380 = tpu.memref_slice %arg3[%select_n3A_2369, %dma_wait3A_2379] : memref<26x4096xi32, #tpu.memory_space<hbm>> -> memref<1x4096xi32, #tpu.memory_space<hbm>>
        %dma_wait3A_2381 = tpu.memref_squeeze %dma_wait3A_2380 : memref<1x4096xi32, #tpu.memory_space<hbm>> -> memref<4096xi32, #tpu.memory_space<hbm>>
        tpu.wait_dma2 semaphore(%run_scoped3A : memref<!tpu.dma_semaphore, #tpu.memory_space<semaphore_mem>>) src(%dma_wait3A_2381 : memref<4096xi32, #tpu.memory_space<hbm>>) dst(%arg6 : memref<4096xi32, #tpu.memory_space<vmem>>)
        tpu.yield
      }) : () -> ()
    } else {
    }
    %dma_wait3A_1942 = arith.constant 0 : i32
    %dma_wait3A_1943 = tpu.memref_slice %arg2[%add3A_1869, %dma_wait3A_1942] : memref<832x100000xf32, #tpu.memory_space<hbm>> -> memref<1x100000xf32, #tpu.memory_space<hbm>>
    %dma_wait3A_1944 = tpu.memref_squeeze %dma_wait3A_1943 : memref<1x100000xf32, #tpu.memory_space<hbm>> -> memref<100000xf32, #tpu.memory_space<hbm>>
    %dma_wait3A_1945 = arith.constant 0 : i32
    %dma_wait3A_1946 = tpu.memref_slice %arg2[%add3A_1869, %dma_wait3A_1945] : memref<832x100000xf32, #tpu.memory_space<hbm>> -> memref<1x100000xf32, #tpu.memory_space<hbm>>
    %dma_wait3A_1947 = tpu.memref_squeeze %dma_wait3A_1946 : memref<1x100000xf32, #tpu.memory_space<hbm>> -> memref<100000xf32, #tpu.memory_space<hbm>>
    tpu.wait_dma2 semaphore(%arg9 : memref<!tpu.dma_semaphore, #tpu.memory_space<semaphore_mem>>) src(%dma_wait3A_1947 : memref<100000xf32, #tpu.memory_space<hbm>>) dst(%arg5 : memref<100000xf32, #tpu.memory_space<vmem>>)
    %dma_wait3A_1948 = arith.constant 0 : i32
    %dma_wait3A_1949 = tpu.memref_slice %arg4[%add3A_1699, %dma_wait3A_1948] : memref<832x4096xf32, #tpu.memory_space<hbm>> -> memref<1x4096xf32, #tpu.memory_space<hbm>>
    %dma_wait3A_1950 = tpu.memref_squeeze %dma_wait3A_1949 : memref<1x4096xf32, #tpu.memory_space<hbm>> -> memref<4096xf32, #tpu.memory_space<hbm>>
    %dma_wait3A_1951 = arith.constant 0 : i32
    %dma_wait3A_1952 = tpu.memref_slice %arg4[%add3A_1699, %dma_wait3A_1951] : memref<832x4096xf32, #tpu.memory_space<hbm>> -> memref<1x4096xf32, #tpu.memory_space<hbm>>
    %dma_wait3A_1953 = tpu.memref_squeeze %dma_wait3A_1952 : memref<1x4096xf32, #tpu.memory_space<hbm>> -> memref<4096xf32, #tpu.memory_space<hbm>>
    tpu.wait_dma2 semaphore(%arg11 : memref<!tpu.dma_semaphore, #tpu.memory_space<semaphore_mem>>) src(%arg8 : memref<4096xf32, #tpu.memory_space<vmem>>) dst(%dma_wait3A_1953 : memref<4096xf32, #tpu.memory_space<hbm>>)
    %scan3A_1954 = arith.constant 0 : i32
    %scan3A_1955 = arith.constant 0 : i32
    %scan3A_1956 = arith.constant 256 : i32
    %scan3A_1957 = arith.addi %scan3A_1955, %scan3A_1956 : i32
    %scan3A_1958 = arith.constant 1 : i32
    scf.for %scan3A_2346 = %scan3A_1955 to %scan3A_1957 step %scan3A_1958  : i32 {
      %mul3A_2347 = arith.constant 16 : i32
      %mul3A_2348 = arith.muli %scan3A_2346, %mul3A_2347 : i32
      %multiple_of3A = tpu.assume_multiple %mul3A_2348, 16 : i32
      %get3A = arith.index_cast %multiple_of3A : i32 to index
      %get3A_2349 = tpu.vector_load %arg6[%get3A] {strides = array<i32>} : memref<4096xi32, #tpu.memory_space<vmem>>, vector<16xi32>,
      %gather3A = tpu.vector_load_idx %arg5[%get3A_2349] : memref<100000xf32, #tpu.memory_space<vmem>>[vector<16xi32>], vector<16xf32>,
      %swap3A = arith.index_cast %multiple_of3A : i32 to index
      %swap3A_2350 = tpu.vector_load %arg8[%swap3A] {strides = array<i32>} : memref<4096xf32, #tpu.memory_space<vmem>>, vector<16xf32>,
      tpu.vector_store %arg8[%swap3A], %gather3A {strides = array<i32>} : memref<4096xf32, #tpu.memory_space<vmem>>, vector<16xf32>,
    }
    %scan3A_1959 = arith.constant 256 : i32
    %add3A_1960 = arith.constant 1 : i32
    %add3A_1961 = arith.addi %add3A_1883, %add3A_1960 : i32
    %dma_start3A_1962 = arith.constant 0 : i32
    %dma_start3A_1963 = tpu.memref_slice %arg2[%add3A_1961, %dma_start3A_1962] : memref<832x100000xf32, #tpu.memory_space<hbm>> -> memref<1x100000xf32, #tpu.memory_space<hbm>>
    %dma_start3A_1964 = tpu.memref_squeeze %dma_start3A_1963 : memref<1x100000xf32, #tpu.memory_space<hbm>> -> memref<100000xf32, #tpu.memory_space<hbm>>
    %dma_start3A_1965 = arith.constant 0 : i32
    %dma_start3A_1966 = tpu.memref_slice %arg2[%add3A_1961, %dma_start3A_1965] : memref<832x100000xf32, #tpu.memory_space<hbm>> -> memref<1x100000xf32, #tpu.memory_space<hbm>>
    %dma_start3A_1967 = tpu.memref_squeeze %dma_start3A_1966 : memref<1x100000xf32, #tpu.memory_space<hbm>> -> memref<100000xf32, #tpu.memory_space<hbm>>
    tpu.enqueue_dma source(%dma_start3A_1967 : memref<100000xf32, #tpu.memory_space<hbm>>) target(%arg5 : memref<100000xf32, #tpu.memory_space<vmem>>) target_semaphore(%arg9 : memref<!tpu.dma_semaphore, #tpu.memory_space<semaphore_mem>>)
    %dma_start3A_1968 = arith.constant 0 : i32
    %dma_start3A_1969 = tpu.memref_slice %arg4[%add3A_1883, %dma_start3A_1968] : memref<832x4096xf32, #tpu.memory_space<hbm>> -> memref<1x4096xf32, #tpu.memory_space<hbm>>
    %dma_start3A_1970 = tpu.memref_squeeze %dma_start3A_1969 : memref<1x4096xf32, #tpu.memory_space<hbm>> -> memref<4096xf32, #tpu.memory_space<hbm>>
    %dma_start3A_1971 = arith.constant 0 : i32
    %dma_start3A_1972 = tpu.memref_slice %arg4[%add3A_1883, %dma_start3A_1971] : memref<832x4096xf32, #tpu.memory_space<hbm>> -> memref<1x4096xf32, #tpu.memory_space<hbm>>
    %dma_start3A_1973 = tpu.memref_squeeze %dma_start3A_1972 : memref<1x4096xf32, #tpu.memory_space<hbm>> -> memref<4096xf32, #tpu.memory_space<hbm>>
    tpu.enqueue_dma source(%arg8 : memref<4096xf32, #tpu.memory_space<vmem>>) target(%dma_start3A_1973 : memref<4096xf32, #tpu.memory_space<hbm>>) target_semaphore(%arg11 : memref<!tpu.dma_semaphore, #tpu.memory_space<semaphore_mem>>)
    %add3A_1974 = arith.constant 22 : i32
    %add3A_1975 = arith.addi %mul3A_2, %add3A_1974 : i32
    %add3A_1976 = arith.constant 22 : i32
    %add3A_1977 = arith.addi %mul3A_2, %add3A_1976 : i32
    %jit3A_1978 = arith.constant 32 : i32
    %div3A_1979 = arith.divsi %add3A_1977, %jit3A_1978 : i32
    %sign3A_1980 = arith.constant 0 : i32
    %sign3A_1981 = arith.cmpi sgt, %add3A_1977, %sign3A_1980 : i32
    %sign3A_1982 = arith.extui %sign3A_1981 : i1 to i32
    %sign3A_1983 = arith.constant 0 : i32
    %sign3A_1984 = arith.cmpi slt, %add3A_1977, %sign3A_1983 : i32
    %sign3A_1985 = arith.extui %sign3A_1984 : i1 to i32
    %sign3A_1986 = arith.subi %sign3A_1982, %sign3A_1985 : i32
    %sign3A_1987 = arith.constant 0 : i32
    %sign3A_1988 = arith.cmpi sgt, %jit3A_1978, %sign3A_1987 : i32
    %sign3A_1989 = arith.extui %sign3A_1988 : i1 to i32
    %sign3A_1990 = arith.constant 0 : i32
    %sign3A_1991 = arith.cmpi slt, %jit3A_1978, %sign3A_1990 : i32
    %sign3A_1992 = arith.extui %sign3A_1991 : i1 to i32
    %sign3A_1993 = arith.subi %sign3A_1989, %sign3A_1992 : i32
    %ne3A_1994 = arith.cmpi ne, %sign3A_1986, %sign3A_1993 : i32
    %rem3A_1995 = arith.remsi %add3A_1977, %jit3A_1978 : i32
    %ne3A_1996 = arith.constant 0 : i32
    %ne3A_1997 = arith.cmpi ne, %rem3A_1995, %ne3A_1996 : i32
    %and3A_1998 = arith.andi %ne3A_1994, %ne3A_1997 : i1
    %sub3A_1999 = arith.constant 1 : i32
    %sub3A_2000 = arith.subi %div3A_1979, %sub3A_1999 : i32
    %select_n3A_2001 = arith.select %and3A_1998, %sub3A_2000, %div3A_1979 : i32
    %add3A_2002 = arith.constant 22 : i32
    %add3A_2003 = arith.addi %mul3A_2, %add3A_2002 : i32
    %sub3A_2004 = arith.constant 1 : i32
    %sub3A_2005 = arith.subi %add3A_2003, %sub3A_2004 : i32
    %jit3A_2006 = arith.constant 32 : i32
    %div3A_2007 = arith.divsi %sub3A_2005, %jit3A_2006 : i32
    %sign3A_2008 = arith.constant 0 : i32
    %sign3A_2009 = arith.cmpi sgt, %sub3A_2005, %sign3A_2008 : i32
    %sign3A_2010 = arith.extui %sign3A_2009 : i1 to i32
    %sign3A_2011 = arith.constant 0 : i32
    %sign3A_2012 = arith.cmpi slt, %sub3A_2005, %sign3A_2011 : i32
    %sign3A_2013 = arith.extui %sign3A_2012 : i1 to i32
    %sign3A_2014 = arith.subi %sign3A_2010, %sign3A_2013 : i32
    %sign3A_2015 = arith.constant 0 : i32
    %sign3A_2016 = arith.cmpi sgt, %jit3A_2006, %sign3A_2015 : i32
    %sign3A_2017 = arith.extui %sign3A_2016 : i1 to i32
    %sign3A_2018 = arith.constant 0 : i32
    %sign3A_2019 = arith.cmpi slt, %jit3A_2006, %sign3A_2018 : i32
    %sign3A_2020 = arith.extui %sign3A_2019 : i1 to i32
    %sign3A_2021 = arith.subi %sign3A_2017, %sign3A_2020 : i32
    %ne3A_2022 = arith.cmpi ne, %sign3A_2014, %sign3A_2021 : i32
    %rem3A_2023 = arith.remsi %sub3A_2005, %jit3A_2006 : i32
    %ne3A_2024 = arith.constant 0 : i32
    %ne3A_2025 = arith.cmpi ne, %rem3A_2023, %ne3A_2024 : i32
    %and3A_2026 = arith.andi %ne3A_2022, %ne3A_2025 : i1
    %sub3A_2027 = arith.constant 1 : i32
    %sub3A_2028 = arith.subi %div3A_2007, %sub3A_2027 : i32
    %select_n3A_2029 = arith.select %and3A_2026, %sub3A_2028, %div3A_2007 : i32
    %ne3A_2030 = arith.cmpi ne, %select_n3A_2001, %select_n3A_2029 : i32
    %convert_element_type3A_2031 = arith.extui %ne3A_2030 : i1 to i32
    %cond3A_2032 = arith.constant 0 : i32
    %cond3A_2033 = arith.cmpi ne, %convert_element_type3A_2031, %cond3A_2032 : i32
    scf.if %cond3A_2033 {
      %jit3A_2346 = arith.constant 32 : i32
      %div3A_2347 = arith.divsi %add3A_1975, %jit3A_2346 : i32
      %sign3A_2348 = arith.constant 0 : i32
      %sign3A_2349 = arith.cmpi sgt, %add3A_1975, %sign3A_2348 : i32
      %sign3A_2350 = arith.extui %sign3A_2349 : i1 to i32
      %sign3A_2351 = arith.constant 0 : i32
      %sign3A_2352 = arith.cmpi slt, %add3A_1975, %sign3A_2351 : i32
      %sign3A_2353 = arith.extui %sign3A_2352 : i1 to i32
      %sign3A_2354 = arith.subi %sign3A_2350, %sign3A_2353 : i32
      %sign3A_2355 = arith.constant 0 : i32
      %sign3A_2356 = arith.cmpi sgt, %jit3A_2346, %sign3A_2355 : i32
      %sign3A_2357 = arith.extui %sign3A_2356 : i1 to i32
      %sign3A_2358 = arith.constant 0 : i32
      %sign3A_2359 = arith.cmpi slt, %jit3A_2346, %sign3A_2358 : i32
      %sign3A_2360 = arith.extui %sign3A_2359 : i1 to i32
      %sign3A_2361 = arith.subi %sign3A_2357, %sign3A_2360 : i32
      %ne3A_2362 = arith.cmpi ne, %sign3A_2354, %sign3A_2361 : i32
      %rem3A_2363 = arith.remsi %add3A_1975, %jit3A_2346 : i32
      %ne3A_2364 = arith.constant 0 : i32
      %ne3A_2365 = arith.cmpi ne, %rem3A_2363, %ne3A_2364 : i32
      %and3A_2366 = arith.andi %ne3A_2362, %ne3A_2365 : i1
      %sub3A_2367 = arith.constant 1 : i32
      %sub3A_2368 = arith.subi %div3A_2347, %sub3A_2367 : i32
      %select_n3A_2369 = arith.select %and3A_2366, %sub3A_2368, %div3A_2347 : i32
      "tpu.region"() ({
        %run_scoped3A = tpu.sem_alloc : memref<!tpu.dma_semaphore, #tpu.memory_space<semaphore_mem>>
        %dma_start3A_2370 = arith.constant 0 : i32
        %dma_start3A_2371 = tpu.memref_slice %arg3[%select_n3A_2369, %dma_start3A_2370] : memref<26x4096xi32, #tpu.memory_space<hbm>> -> memref<1x4096xi32, #tpu.memory_space<hbm>>
        %dma_start3A_2372 = tpu.memref_squeeze %dma_start3A_2371 : memref<1x4096xi32, #tpu.memory_space<hbm>> -> memref<4096xi32, #tpu.memory_space<hbm>>
        %dma_start3A_2373 = arith.constant 0 : i32
        %dma_start3A_2374 = tpu.memref_slice %arg3[%select_n3A_2369, %dma_start3A_2373] : memref<26x4096xi32, #tpu.memory_space<hbm>> -> memref<1x4096xi32, #tpu.memory_space<hbm>>
        %dma_start3A_2375 = tpu.memref_squeeze %dma_start3A_2374 : memref<1x4096xi32, #tpu.memory_space<hbm>> -> memref<4096xi32, #tpu.memory_space<hbm>>
        tpu.enqueue_dma source(%dma_start3A_2375 : memref<4096xi32, #tpu.memory_space<hbm>>) target(%arg6 : memref<4096xi32, #tpu.memory_space<vmem>>) target_semaphore(%run_scoped3A : memref<!tpu.dma_semaphore, #tpu.memory_space<semaphore_mem>>)
        %dma_wait3A_2376 = arith.constant 0 : i32
        %dma_wait3A_2377 = tpu.memref_slice %arg3[%select_n3A_2369, %dma_wait3A_2376] : memref<26x4096xi32, #tpu.memory_space<hbm>> -> memref<1x4096xi32, #tpu.memory_space<hbm>>
        %dma_wait3A_2378 = tpu.memref_squeeze %dma_wait3A_2377 : memref<1x4096xi32, #tpu.memory_space<hbm>> -> memref<4096xi32, #tpu.memory_space<hbm>>
        %dma_wait3A_2379 = arith.constant 0 : i32
        %dma_wait3A_2380 = tpu.memref_slice %arg3[%select_n3A_2369, %dma_wait3A_2379] : memref<26x4096xi32, #tpu.memory_space<hbm>> -> memref<1x4096xi32, #tpu.memory_space<hbm>>
        %dma_wait3A_2381 = tpu.memref_squeeze %dma_wait3A_2380 : memref<1x4096xi32, #tpu.memory_space<hbm>> -> memref<4096xi32, #tpu.memory_space<hbm>>
        tpu.wait_dma2 semaphore(%run_scoped3A : memref<!tpu.dma_semaphore, #tpu.memory_space<semaphore_mem>>) src(%dma_wait3A_2381 : memref<4096xi32, #tpu.memory_space<hbm>>) dst(%arg6 : memref<4096xi32, #tpu.memory_space<vmem>>)
        tpu.yield
      }) : () -> ()
    } else {
    }
    %dma_wait3A_2034 = arith.constant 0 : i32
    %dma_wait3A_2035 = tpu.memref_slice %arg2[%add3A_1961, %dma_wait3A_2034] : memref<832x100000xf32, #tpu.memory_space<hbm>> -> memref<1x100000xf32, #tpu.memory_space<hbm>>
    %dma_wait3A_2036 = tpu.memref_squeeze %dma_wait3A_2035 : memref<1x100000xf32, #tpu.memory_space<hbm>> -> memref<100000xf32, #tpu.memory_space<hbm>>
    %dma_wait3A_2037 = arith.constant 0 : i32
    %dma_wait3A_2038 = tpu.memref_slice %arg2[%add3A_1961, %dma_wait3A_2037] : memref<832x100000xf32, #tpu.memory_space<hbm>> -> memref<1x100000xf32, #tpu.memory_space<hbm>>
    %dma_wait3A_2039 = tpu.memref_squeeze %dma_wait3A_2038 : memref<1x100000xf32, #tpu.memory_space<hbm>> -> memref<100000xf32, #tpu.memory_space<hbm>>
    tpu.wait_dma2 semaphore(%arg9 : memref<!tpu.dma_semaphore, #tpu.memory_space<semaphore_mem>>) src(%dma_wait3A_2039 : memref<100000xf32, #tpu.memory_space<hbm>>) dst(%arg5 : memref<100000xf32, #tpu.memory_space<vmem>>)
    %dma_wait3A_2040 = arith.constant 0 : i32
    %dma_wait3A_2041 = tpu.memref_slice %arg4[%add3A_1791, %dma_wait3A_2040] : memref<832x4096xf32, #tpu.memory_space<hbm>> -> memref<1x4096xf32, #tpu.memory_space<hbm>>
    %dma_wait3A_2042 = tpu.memref_squeeze %dma_wait3A_2041 : memref<1x4096xf32, #tpu.memory_space<hbm>> -> memref<4096xf32, #tpu.memory_space<hbm>>
    %dma_wait3A_2043 = arith.constant 0 : i32
    %dma_wait3A_2044 = tpu.memref_slice %arg4[%add3A_1791, %dma_wait3A_2043] : memref<832x4096xf32, #tpu.memory_space<hbm>> -> memref<1x4096xf32, #tpu.memory_space<hbm>>
    %dma_wait3A_2045 = tpu.memref_squeeze %dma_wait3A_2044 : memref<1x4096xf32, #tpu.memory_space<hbm>> -> memref<4096xf32, #tpu.memory_space<hbm>>
    tpu.wait_dma2 semaphore(%arg10 : memref<!tpu.dma_semaphore, #tpu.memory_space<semaphore_mem>>) src(%arg7 : memref<4096xf32, #tpu.memory_space<vmem>>) dst(%dma_wait3A_2045 : memref<4096xf32, #tpu.memory_space<hbm>>)
    %scan3A_2046 = arith.constant 0 : i32
    %scan3A_2047 = arith.constant 0 : i32
    %scan3A_2048 = arith.constant 256 : i32
    %scan3A_2049 = arith.addi %scan3A_2047, %scan3A_2048 : i32
    %scan3A_2050 = arith.constant 1 : i32
    scf.for %scan3A_2346 = %scan3A_2047 to %scan3A_2049 step %scan3A_2050  : i32 {
      %mul3A_2347 = arith.constant 16 : i32
      %mul3A_2348 = arith.muli %scan3A_2346, %mul3A_2347 : i32
      %multiple_of3A = tpu.assume_multiple %mul3A_2348, 16 : i32
      %get3A = arith.index_cast %multiple_of3A : i32 to index
      %get3A_2349 = tpu.vector_load %arg6[%get3A] {strides = array<i32>} : memref<4096xi32, #tpu.memory_space<vmem>>, vector<16xi32>,
      %gather3A = tpu.vector_load_idx %arg5[%get3A_2349] : memref<100000xf32, #tpu.memory_space<vmem>>[vector<16xi32>], vector<16xf32>,
      %swap3A = arith.index_cast %multiple_of3A : i32 to index
      %swap3A_2350 = tpu.vector_load %arg7[%swap3A] {strides = array<i32>} : memref<4096xf32, #tpu.memory_space<vmem>>, vector<16xf32>,
      tpu.vector_store %arg7[%swap3A], %gather3A {strides = array<i32>} : memref<4096xf32, #tpu.memory_space<vmem>>, vector<16xf32>,
    }
    %scan3A_2051 = arith.constant 256 : i32
    %add3A_2052 = arith.constant 1 : i32
    %add3A_2053 = arith.addi %add3A_1975, %add3A_2052 : i32
    %dma_start3A_2054 = arith.constant 0 : i32
    %dma_start3A_2055 = tpu.memref_slice %arg2[%add3A_2053, %dma_start3A_2054] : memref<832x100000xf32, #tpu.memory_space<hbm>> -> memref<1x100000xf32, #tpu.memory_space<hbm>>
    %dma_start3A_2056 = tpu.memref_squeeze %dma_start3A_2055 : memref<1x100000xf32, #tpu.memory_space<hbm>> -> memref<100000xf32, #tpu.memory_space<hbm>>
    %dma_start3A_2057 = arith.constant 0 : i32
    %dma_start3A_2058 = tpu.memref_slice %arg2[%add3A_2053, %dma_start3A_2057] : memref<832x100000xf32, #tpu.memory_space<hbm>> -> memref<1x100000xf32, #tpu.memory_space<hbm>>
    %dma_start3A_2059 = tpu.memref_squeeze %dma_start3A_2058 : memref<1x100000xf32, #tpu.memory_space<hbm>> -> memref<100000xf32, #tpu.memory_space<hbm>>
    tpu.enqueue_dma source(%dma_start3A_2059 : memref<100000xf32, #tpu.memory_space<hbm>>) target(%arg5 : memref<100000xf32, #tpu.memory_space<vmem>>) target_semaphore(%arg9 : memref<!tpu.dma_semaphore, #tpu.memory_space<semaphore_mem>>)
    %dma_start3A_2060 = arith.constant 0 : i32
    %dma_start3A_2061 = tpu.memref_slice %arg4[%add3A_1975, %dma_start3A_2060] : memref<832x4096xf32, #tpu.memory_space<hbm>> -> memref<1x4096xf32, #tpu.memory_space<hbm>>
    %dma_start3A_2062 = tpu.memref_squeeze %dma_start3A_2061 : memref<1x4096xf32, #tpu.memory_space<hbm>> -> memref<4096xf32, #tpu.memory_space<hbm>>
    %dma_start3A_2063 = arith.constant 0 : i32
    %dma_start3A_2064 = tpu.memref_slice %arg4[%add3A_1975, %dma_start3A_2063] : memref<832x4096xf32, #tpu.memory_space<hbm>> -> memref<1x4096xf32, #tpu.memory_space<hbm>>
    %dma_start3A_2065 = tpu.memref_squeeze %dma_start3A_2064 : memref<1x4096xf32, #tpu.memory_space<hbm>> -> memref<4096xf32, #tpu.memory_space<hbm>>
    tpu.enqueue_dma source(%arg7 : memref<4096xf32, #tpu.memory_space<vmem>>) target(%dma_start3A_2065 : memref<4096xf32, #tpu.memory_space<hbm>>) target_semaphore(%arg10 : memref<!tpu.dma_semaphore, #tpu.memory_space<semaphore_mem>>)
    %add3A_2066 = arith.constant 23 : i32
    %add3A_2067 = arith.addi %mul3A_2, %add3A_2066 : i32
    %add3A_2068 = arith.constant 23 : i32
    %add3A_2069 = arith.addi %mul3A_2, %add3A_2068 : i32
    %jit3A_2070 = arith.constant 32 : i32
    %div3A_2071 = arith.divsi %add3A_2069, %jit3A_2070 : i32
    %sign3A_2072 = arith.constant 0 : i32
    %sign3A_2073 = arith.cmpi sgt, %add3A_2069, %sign3A_2072 : i32
    %sign3A_2074 = arith.extui %sign3A_2073 : i1 to i32
    %sign3A_2075 = arith.constant 0 : i32
    %sign3A_2076 = arith.cmpi slt, %add3A_2069, %sign3A_2075 : i32
    %sign3A_2077 = arith.extui %sign3A_2076 : i1 to i32
    %sign3A_2078 = arith.subi %sign3A_2074, %sign3A_2077 : i32
    %sign3A_2079 = arith.constant 0 : i32
    %sign3A_2080 = arith.cmpi sgt, %jit3A_2070, %sign3A_2079 : i32
    %sign3A_2081 = arith.extui %sign3A_2080 : i1 to i32
    %sign3A_2082 = arith.constant 0 : i32
    %sign3A_2083 = arith.cmpi slt, %jit3A_2070, %sign3A_2082 : i32
    %sign3A_2084 = arith.extui %sign3A_2083 : i1 to i32
    %sign3A_2085 = arith.subi %sign3A_2081, %sign3A_2084 : i32
    %ne3A_2086 = arith.cmpi ne, %sign3A_2078, %sign3A_2085 : i32
    %rem3A_2087 = arith.remsi %add3A_2069, %jit3A_2070 : i32
    %ne3A_2088 = arith.constant 0 : i32
    %ne3A_2089 = arith.cmpi ne, %rem3A_2087, %ne3A_2088 : i32
    %and3A_2090 = arith.andi %ne3A_2086, %ne3A_2089 : i1
    %sub3A_2091 = arith.constant 1 : i32
    %sub3A_2092 = arith.subi %div3A_2071, %sub3A_2091 : i32
    %select_n3A_2093 = arith.select %and3A_2090, %sub3A_2092, %div3A_2071 : i32
    %add3A_2094 = arith.constant 23 : i32
    %add3A_2095 = arith.addi %mul3A_2, %add3A_2094 : i32
    %sub3A_2096 = arith.constant 1 : i32
    %sub3A_2097 = arith.subi %add3A_2095, %sub3A_2096 : i32
    %jit3A_2098 = arith.constant 32 : i32
    %div3A_2099 = arith.divsi %sub3A_2097, %jit3A_2098 : i32
    %sign3A_2100 = arith.constant 0 : i32
    %sign3A_2101 = arith.cmpi sgt, %sub3A_2097, %sign3A_2100 : i32
    %sign3A_2102 = arith.extui %sign3A_2101 : i1 to i32
    %sign3A_2103 = arith.constant 0 : i32
    %sign3A_2104 = arith.cmpi slt, %sub3A_2097, %sign3A_2103 : i32
    %sign3A_2105 = arith.extui %sign3A_2104 : i1 to i32
    %sign3A_2106 = arith.subi %sign3A_2102, %sign3A_2105 : i32
    %sign3A_2107 = arith.constant 0 : i32
    %sign3A_2108 = arith.cmpi sgt, %jit3A_2098, %sign3A_2107 : i32
    %sign3A_2109 = arith.extui %sign3A_2108 : i1 to i32
    %sign3A_2110 = arith.constant 0 : i32
    %sign3A_2111 = arith.cmpi slt, %jit3A_2098, %sign3A_2110 : i32
    %sign3A_2112 = arith.extui %sign3A_2111 : i1 to i32
    %sign3A_2113 = arith.subi %sign3A_2109, %sign3A_2112 : i32
    %ne3A_2114 = arith.cmpi ne, %sign3A_2106, %sign3A_2113 : i32
    %rem3A_2115 = arith.remsi %sub3A_2097, %jit3A_2098 : i32
    %ne3A_2116 = arith.constant 0 : i32
    %ne3A_2117 = arith.cmpi ne, %rem3A_2115, %ne3A_2116 : i32
    %and3A_2118 = arith.andi %ne3A_2114, %ne3A_2117 : i1
    %sub3A_2119 = arith.constant 1 : i32
    %sub3A_2120 = arith.subi %div3A_2099, %sub3A_2119 : i32
    %select_n3A_2121 = arith.select %and3A_2118, %sub3A_2120, %div3A_2099 : i32
    %ne3A_2122 = arith.cmpi ne, %select_n3A_2093, %select_n3A_2121 : i32
    %convert_element_type3A_2123 = arith.extui %ne3A_2122 : i1 to i32
    %cond3A_2124 = arith.constant 0 : i32
    %cond3A_2125 = arith.cmpi ne, %convert_element_type3A_2123, %cond3A_2124 : i32
    scf.if %cond3A_2125 {
      %jit3A_2346 = arith.constant 32 : i32
      %div3A_2347 = arith.divsi %add3A_2067, %jit3A_2346 : i32
      %sign3A_2348 = arith.constant 0 : i32
      %sign3A_2349 = arith.cmpi sgt, %add3A_2067, %sign3A_2348 : i32
      %sign3A_2350 = arith.extui %sign3A_2349 : i1 to i32
      %sign3A_2351 = arith.constant 0 : i32
      %sign3A_2352 = arith.cmpi slt, %add3A_2067, %sign3A_2351 : i32
      %sign3A_2353 = arith.extui %sign3A_2352 : i1 to i32
      %sign3A_2354 = arith.subi %sign3A_2350, %sign3A_2353 : i32
      %sign3A_2355 = arith.constant 0 : i32
      %sign3A_2356 = arith.cmpi sgt, %jit3A_2346, %sign3A_2355 : i32
      %sign3A_2357 = arith.extui %sign3A_2356 : i1 to i32
      %sign3A_2358 = arith.constant 0 : i32
      %sign3A_2359 = arith.cmpi slt, %jit3A_2346, %sign3A_2358 : i32
      %sign3A_2360 = arith.extui %sign3A_2359 : i1 to i32
      %sign3A_2361 = arith.subi %sign3A_2357, %sign3A_2360 : i32
      %ne3A_2362 = arith.cmpi ne, %sign3A_2354, %sign3A_2361 : i32
      %rem3A_2363 = arith.remsi %add3A_2067, %jit3A_2346 : i32
      %ne3A_2364 = arith.constant 0 : i32
      %ne3A_2365 = arith.cmpi ne, %rem3A_2363, %ne3A_2364 : i32
      %and3A_2366 = arith.andi %ne3A_2362, %ne3A_2365 : i1
      %sub3A_2367 = arith.constant 1 : i32
      %sub3A_2368 = arith.subi %div3A_2347, %sub3A_2367 : i32
      %select_n3A_2369 = arith.select %and3A_2366, %sub3A_2368, %div3A_2347 : i32
      "tpu.region"() ({
        %run_scoped3A = tpu.sem_alloc : memref<!tpu.dma_semaphore, #tpu.memory_space<semaphore_mem>>
        %dma_start3A_2370 = arith.constant 0 : i32
        %dma_start3A_2371 = tpu.memref_slice %arg3[%select_n3A_2369, %dma_start3A_2370] : memref<26x4096xi32, #tpu.memory_space<hbm>> -> memref<1x4096xi32, #tpu.memory_space<hbm>>
        %dma_start3A_2372 = tpu.memref_squeeze %dma_start3A_2371 : memref<1x4096xi32, #tpu.memory_space<hbm>> -> memref<4096xi32, #tpu.memory_space<hbm>>
        %dma_start3A_2373 = arith.constant 0 : i32
        %dma_start3A_2374 = tpu.memref_slice %arg3[%select_n3A_2369, %dma_start3A_2373] : memref<26x4096xi32, #tpu.memory_space<hbm>> -> memref<1x4096xi32, #tpu.memory_space<hbm>>
        %dma_start3A_2375 = tpu.memref_squeeze %dma_start3A_2374 : memref<1x4096xi32, #tpu.memory_space<hbm>> -> memref<4096xi32, #tpu.memory_space<hbm>>
        tpu.enqueue_dma source(%dma_start3A_2375 : memref<4096xi32, #tpu.memory_space<hbm>>) target(%arg6 : memref<4096xi32, #tpu.memory_space<vmem>>) target_semaphore(%run_scoped3A : memref<!tpu.dma_semaphore, #tpu.memory_space<semaphore_mem>>)
        %dma_wait3A_2376 = arith.constant 0 : i32
        %dma_wait3A_2377 = tpu.memref_slice %arg3[%select_n3A_2369, %dma_wait3A_2376] : memref<26x4096xi32, #tpu.memory_space<hbm>> -> memref<1x4096xi32, #tpu.memory_space<hbm>>
        %dma_wait3A_2378 = tpu.memref_squeeze %dma_wait3A_2377 : memref<1x4096xi32, #tpu.memory_space<hbm>> -> memref<4096xi32, #tpu.memory_space<hbm>>
        %dma_wait3A_2379 = arith.constant 0 : i32
        %dma_wait3A_2380 = tpu.memref_slice %arg3[%select_n3A_2369, %dma_wait3A_2379] : memref<26x4096xi32, #tpu.memory_space<hbm>> -> memref<1x4096xi32, #tpu.memory_space<hbm>>
        %dma_wait3A_2381 = tpu.memref_squeeze %dma_wait3A_2380 : memref<1x4096xi32, #tpu.memory_space<hbm>> -> memref<4096xi32, #tpu.memory_space<hbm>>
        tpu.wait_dma2 semaphore(%run_scoped3A : memref<!tpu.dma_semaphore, #tpu.memory_space<semaphore_mem>>) src(%dma_wait3A_2381 : memref<4096xi32, #tpu.memory_space<hbm>>) dst(%arg6 : memref<4096xi32, #tpu.memory_space<vmem>>)
        tpu.yield
      }) : () -> ()
    } else {
    }
    %dma_wait3A_2126 = arith.constant 0 : i32
    %dma_wait3A_2127 = tpu.memref_slice %arg2[%add3A_2053, %dma_wait3A_2126] : memref<832x100000xf32, #tpu.memory_space<hbm>> -> memref<1x100000xf32, #tpu.memory_space<hbm>>
    %dma_wait3A_2128 = tpu.memref_squeeze %dma_wait3A_2127 : memref<1x100000xf32, #tpu.memory_space<hbm>> -> memref<100000xf32, #tpu.memory_space<hbm>>
    %dma_wait3A_2129 = arith.constant 0 : i32
    %dma_wait3A_2130 = tpu.memref_slice %arg2[%add3A_2053, %dma_wait3A_2129] : memref<832x100000xf32, #tpu.memory_space<hbm>> -> memref<1x100000xf32, #tpu.memory_space<hbm>>
    %dma_wait3A_2131 = tpu.memref_squeeze %dma_wait3A_2130 : memref<1x100000xf32, #tpu.memory_space<hbm>> -> memref<100000xf32, #tpu.memory_space<hbm>>
    tpu.wait_dma2 semaphore(%arg9 : memref<!tpu.dma_semaphore, #tpu.memory_space<semaphore_mem>>) src(%dma_wait3A_2131 : memref<100000xf32, #tpu.memory_space<hbm>>) dst(%arg5 : memref<100000xf32, #tpu.memory_space<vmem>>)
    %dma_wait3A_2132 = arith.constant 0 : i32
    %dma_wait3A_2133 = tpu.memref_slice %arg4[%add3A_1883, %dma_wait3A_2132] : memref<832x4096xf32, #tpu.memory_space<hbm>> -> memref<1x4096xf32, #tpu.memory_space<hbm>>
    %dma_wait3A_2134 = tpu.memref_squeeze %dma_wait3A_2133 : memref<1x4096xf32, #tpu.memory_space<hbm>> -> memref<4096xf32, #tpu.memory_space<hbm>>
    %dma_wait3A_2135 = arith.constant 0 : i32
    %dma_wait3A_2136 = tpu.memref_slice %arg4[%add3A_1883, %dma_wait3A_2135] : memref<832x4096xf32, #tpu.memory_space<hbm>> -> memref<1x4096xf32, #tpu.memory_space<hbm>>
    %dma_wait3A_2137 = tpu.memref_squeeze %dma_wait3A_2136 : memref<1x4096xf32, #tpu.memory_space<hbm>> -> memref<4096xf32, #tpu.memory_space<hbm>>
    tpu.wait_dma2 semaphore(%arg11 : memref<!tpu.dma_semaphore, #tpu.memory_space<semaphore_mem>>) src(%arg8 : memref<4096xf32, #tpu.memory_space<vmem>>) dst(%dma_wait3A_2137 : memref<4096xf32, #tpu.memory_space<hbm>>)
    %scan3A_2138 = arith.constant 0 : i32
    %scan3A_2139 = arith.constant 0 : i32
    %scan3A_2140 = arith.constant 256 : i32
    %scan3A_2141 = arith.addi %scan3A_2139, %scan3A_2140 : i32
    %scan3A_2142 = arith.constant 1 : i32
    scf.for %scan3A_2346 = %scan3A_2139 to %scan3A_2141 step %scan3A_2142  : i32 {
      %mul3A_2347 = arith.constant 16 : i32
      %mul3A_2348 = arith.muli %scan3A_2346, %mul3A_2347 : i32
      %multiple_of3A = tpu.assume_multiple %mul3A_2348, 16 : i32
      %get3A = arith.index_cast %multiple_of3A : i32 to index
      %get3A_2349 = tpu.vector_load %arg6[%get3A] {strides = array<i32>} : memref<4096xi32, #tpu.memory_space<vmem>>, vector<16xi32>,
      %gather3A = tpu.vector_load_idx %arg5[%get3A_2349] : memref<100000xf32, #tpu.memory_space<vmem>>[vector<16xi32>], vector<16xf32>,
      %swap3A = arith.index_cast %multiple_of3A : i32 to index
      %swap3A_2350 = tpu.vector_load %arg8[%swap3A] {strides = array<i32>} : memref<4096xf32, #tpu.memory_space<vmem>>, vector<16xf32>,
      tpu.vector_store %arg8[%swap3A], %gather3A {strides = array<i32>} : memref<4096xf32, #tpu.memory_space<vmem>>, vector<16xf32>,
    }
    %scan3A_2143 = arith.constant 256 : i32
    %add3A_2144 = arith.constant 1 : i32
    %add3A_2145 = arith.addi %add3A_2067, %add3A_2144 : i32
    %dma_start3A_2146 = arith.constant 0 : i32
    %dma_start3A_2147 = tpu.memref_slice %arg2[%add3A_2145, %dma_start3A_2146] : memref<832x100000xf32, #tpu.memory_space<hbm>> -> memref<1x100000xf32, #tpu.memory_space<hbm>>
    %dma_start3A_2148 = tpu.memref_squeeze %dma_start3A_2147 : memref<1x100000xf32, #tpu.memory_space<hbm>> -> memref<100000xf32, #tpu.memory_space<hbm>>
    %dma_start3A_2149 = arith.constant 0 : i32
    %dma_start3A_2150 = tpu.memref_slice %arg2[%add3A_2145, %dma_start3A_2149] : memref<832x100000xf32, #tpu.memory_space<hbm>> -> memref<1x100000xf32, #tpu.memory_space<hbm>>
    %dma_start3A_2151 = tpu.memref_squeeze %dma_start3A_2150 : memref<1x100000xf32, #tpu.memory_space<hbm>> -> memref<100000xf32, #tpu.memory_space<hbm>>
    tpu.enqueue_dma source(%dma_start3A_2151 : memref<100000xf32, #tpu.memory_space<hbm>>) target(%arg5 : memref<100000xf32, #tpu.memory_space<vmem>>) target_semaphore(%arg9 : memref<!tpu.dma_semaphore, #tpu.memory_space<semaphore_mem>>)
    %dma_start3A_2152 = arith.constant 0 : i32
    %dma_start3A_2153 = tpu.memref_slice %arg4[%add3A_2067, %dma_start3A_2152] : memref<832x4096xf32, #tpu.memory_space<hbm>> -> memref<1x4096xf32, #tpu.memory_space<hbm>>
    %dma_start3A_2154 = tpu.memref_squeeze %dma_start3A_2153 : memref<1x4096xf32, #tpu.memory_space<hbm>> -> memref<4096xf32, #tpu.memory_space<hbm>>
    %dma_start3A_2155 = arith.constant 0 : i32
    %dma_start3A_2156 = tpu.memref_slice %arg4[%add3A_2067, %dma_start3A_2155] : memref<832x4096xf32, #tpu.memory_space<hbm>> -> memref<1x4096xf32, #tpu.memory_space<hbm>>
    %dma_start3A_2157 = tpu.memref_squeeze %dma_start3A_2156 : memref<1x4096xf32, #tpu.memory_space<hbm>> -> memref<4096xf32, #tpu.memory_space<hbm>>
    tpu.enqueue_dma source(%arg8 : memref<4096xf32, #tpu.memory_space<vmem>>) target(%dma_start3A_2157 : memref<4096xf32, #tpu.memory_space<hbm>>) target_semaphore(%arg11 : memref<!tpu.dma_semaphore, #tpu.memory_space<semaphore_mem>>)
    %add3A_2158 = arith.constant 24 : i32
    %add3A_2159 = arith.addi %mul3A_2, %add3A_2158 : i32
    %add3A_2160 = arith.constant 24 : i32
    %add3A_2161 = arith.addi %mul3A_2, %add3A_2160 : i32
    %jit3A_2162 = arith.constant 32 : i32
    %div3A_2163 = arith.divsi %add3A_2161, %jit3A_2162 : i32
    %sign3A_2164 = arith.constant 0 : i32
    %sign3A_2165 = arith.cmpi sgt, %add3A_2161, %sign3A_2164 : i32
    %sign3A_2166 = arith.extui %sign3A_2165 : i1 to i32
    %sign3A_2167 = arith.constant 0 : i32
    %sign3A_2168 = arith.cmpi slt, %add3A_2161, %sign3A_2167 : i32
    %sign3A_2169 = arith.extui %sign3A_2168 : i1 to i32
    %sign3A_2170 = arith.subi %sign3A_2166, %sign3A_2169 : i32
    %sign3A_2171 = arith.constant 0 : i32
    %sign3A_2172 = arith.cmpi sgt, %jit3A_2162, %sign3A_2171 : i32
    %sign3A_2173 = arith.extui %sign3A_2172 : i1 to i32
    %sign3A_2174 = arith.constant 0 : i32
    %sign3A_2175 = arith.cmpi slt, %jit3A_2162, %sign3A_2174 : i32
    %sign3A_2176 = arith.extui %sign3A_2175 : i1 to i32
    %sign3A_2177 = arith.subi %sign3A_2173, %sign3A_2176 : i32
    %ne3A_2178 = arith.cmpi ne, %sign3A_2170, %sign3A_2177 : i32
    %rem3A_2179 = arith.remsi %add3A_2161, %jit3A_2162 : i32
    %ne3A_2180 = arith.constant 0 : i32
    %ne3A_2181 = arith.cmpi ne, %rem3A_2179, %ne3A_2180 : i32
    %and3A_2182 = arith.andi %ne3A_2178, %ne3A_2181 : i1
    %sub3A_2183 = arith.constant 1 : i32
    %sub3A_2184 = arith.subi %div3A_2163, %sub3A_2183 : i32
    %select_n3A_2185 = arith.select %and3A_2182, %sub3A_2184, %div3A_2163 : i32
    %add3A_2186 = arith.constant 24 : i32
    %add3A_2187 = arith.addi %mul3A_2, %add3A_2186 : i32
    %sub3A_2188 = arith.constant 1 : i32
    %sub3A_2189 = arith.subi %add3A_2187, %sub3A_2188 : i32
    %jit3A_2190 = arith.constant 32 : i32
    %div3A_2191 = arith.divsi %sub3A_2189, %jit3A_2190 : i32
    %sign3A_2192 = arith.constant 0 : i32
    %sign3A_2193 = arith.cmpi sgt, %sub3A_2189, %sign3A_2192 : i32
    %sign3A_2194 = arith.extui %sign3A_2193 : i1 to i32
    %sign3A_2195 = arith.constant 0 : i32
    %sign3A_2196 = arith.cmpi slt, %sub3A_2189, %sign3A_2195 : i32
    %sign3A_2197 = arith.extui %sign3A_2196 : i1 to i32
    %sign3A_2198 = arith.subi %sign3A_2194, %sign3A_2197 : i32
    %sign3A_2199 = arith.constant 0 : i32
    %sign3A_2200 = arith.cmpi sgt, %jit3A_2190, %sign3A_2199 : i32
    %sign3A_2201 = arith.extui %sign3A_2200 : i1 to i32
    %sign3A_2202 = arith.constant 0 : i32
    %sign3A_2203 = arith.cmpi slt, %jit3A_2190, %sign3A_2202 : i32
    %sign3A_2204 = arith.extui %sign3A_2203 : i1 to i32
    %sign3A_2205 = arith.subi %sign3A_2201, %sign3A_2204 : i32
    %ne3A_2206 = arith.cmpi ne, %sign3A_2198, %sign3A_2205 : i32
    %rem3A_2207 = arith.remsi %sub3A_2189, %jit3A_2190 : i32
    %ne3A_2208 = arith.constant 0 : i32
    %ne3A_2209 = arith.cmpi ne, %rem3A_2207, %ne3A_2208 : i32
    %and3A_2210 = arith.andi %ne3A_2206, %ne3A_2209 : i1
    %sub3A_2211 = arith.constant 1 : i32
    %sub3A_2212 = arith.subi %div3A_2191, %sub3A_2211 : i32
    %select_n3A_2213 = arith.select %and3A_2210, %sub3A_2212, %div3A_2191 : i32
    %ne3A_2214 = arith.cmpi ne, %select_n3A_2185, %select_n3A_2213 : i32
    %convert_element_type3A_2215 = arith.extui %ne3A_2214 : i1 to i32
    %cond3A_2216 = arith.constant 0 : i32
    %cond3A_2217 = arith.cmpi ne, %convert_element_type3A_2215, %cond3A_2216 : i32
    scf.if %cond3A_2217 {
      %jit3A_2346 = arith.constant 32 : i32
      %div3A_2347 = arith.divsi %add3A_2159, %jit3A_2346 : i32
      %sign3A_2348 = arith.constant 0 : i32
      %sign3A_2349 = arith.cmpi sgt, %add3A_2159, %sign3A_2348 : i32
      %sign3A_2350 = arith.extui %sign3A_2349 : i1 to i32
      %sign3A_2351 = arith.constant 0 : i32
      %sign3A_2352 = arith.cmpi slt, %add3A_2159, %sign3A_2351 : i32
      %sign3A_2353 = arith.extui %sign3A_2352 : i1 to i32
      %sign3A_2354 = arith.subi %sign3A_2350, %sign3A_2353 : i32
      %sign3A_2355 = arith.constant 0 : i32
      %sign3A_2356 = arith.cmpi sgt, %jit3A_2346, %sign3A_2355 : i32
      %sign3A_2357 = arith.extui %sign3A_2356 : i1 to i32
      %sign3A_2358 = arith.constant 0 : i32
      %sign3A_2359 = arith.cmpi slt, %jit3A_2346, %sign3A_2358 : i32
      %sign3A_2360 = arith.extui %sign3A_2359 : i1 to i32
      %sign3A_2361 = arith.subi %sign3A_2357, %sign3A_2360 : i32
      %ne3A_2362 = arith.cmpi ne, %sign3A_2354, %sign3A_2361 : i32
      %rem3A_2363 = arith.remsi %add3A_2159, %jit3A_2346 : i32
      %ne3A_2364 = arith.constant 0 : i32
      %ne3A_2365 = arith.cmpi ne, %rem3A_2363, %ne3A_2364 : i32
      %and3A_2366 = arith.andi %ne3A_2362, %ne3A_2365 : i1
      %sub3A_2367 = arith.constant 1 : i32
      %sub3A_2368 = arith.subi %div3A_2347, %sub3A_2367 : i32
      %select_n3A_2369 = arith.select %and3A_2366, %sub3A_2368, %div3A_2347 : i32
      "tpu.region"() ({
        %run_scoped3A = tpu.sem_alloc : memref<!tpu.dma_semaphore, #tpu.memory_space<semaphore_mem>>
        %dma_start3A_2370 = arith.constant 0 : i32
        %dma_start3A_2371 = tpu.memref_slice %arg3[%select_n3A_2369, %dma_start3A_2370] : memref<26x4096xi32, #tpu.memory_space<hbm>> -> memref<1x4096xi32, #tpu.memory_space<hbm>>
        %dma_start3A_2372 = tpu.memref_squeeze %dma_start3A_2371 : memref<1x4096xi32, #tpu.memory_space<hbm>> -> memref<4096xi32, #tpu.memory_space<hbm>>
        %dma_start3A_2373 = arith.constant 0 : i32
        %dma_start3A_2374 = tpu.memref_slice %arg3[%select_n3A_2369, %dma_start3A_2373] : memref<26x4096xi32, #tpu.memory_space<hbm>> -> memref<1x4096xi32, #tpu.memory_space<hbm>>
        %dma_start3A_2375 = tpu.memref_squeeze %dma_start3A_2374 : memref<1x4096xi32, #tpu.memory_space<hbm>> -> memref<4096xi32, #tpu.memory_space<hbm>>
        tpu.enqueue_dma source(%dma_start3A_2375 : memref<4096xi32, #tpu.memory_space<hbm>>) target(%arg6 : memref<4096xi32, #tpu.memory_space<vmem>>) target_semaphore(%run_scoped3A : memref<!tpu.dma_semaphore, #tpu.memory_space<semaphore_mem>>)
        %dma_wait3A_2376 = arith.constant 0 : i32
        %dma_wait3A_2377 = tpu.memref_slice %arg3[%select_n3A_2369, %dma_wait3A_2376] : memref<26x4096xi32, #tpu.memory_space<hbm>> -> memref<1x4096xi32, #tpu.memory_space<hbm>>
        %dma_wait3A_2378 = tpu.memref_squeeze %dma_wait3A_2377 : memref<1x4096xi32, #tpu.memory_space<hbm>> -> memref<4096xi32, #tpu.memory_space<hbm>>
        %dma_wait3A_2379 = arith.constant 0 : i32
        %dma_wait3A_2380 = tpu.memref_slice %arg3[%select_n3A_2369, %dma_wait3A_2379] : memref<26x4096xi32, #tpu.memory_space<hbm>> -> memref<1x4096xi32, #tpu.memory_space<hbm>>
        %dma_wait3A_2381 = tpu.memref_squeeze %dma_wait3A_2380 : memref<1x4096xi32, #tpu.memory_space<hbm>> -> memref<4096xi32, #tpu.memory_space<hbm>>
        tpu.wait_dma2 semaphore(%run_scoped3A : memref<!tpu.dma_semaphore, #tpu.memory_space<semaphore_mem>>) src(%dma_wait3A_2381 : memref<4096xi32, #tpu.memory_space<hbm>>) dst(%arg6 : memref<4096xi32, #tpu.memory_space<vmem>>)
        tpu.yield
      }) : () -> ()
    } else {
    }
    %dma_wait3A_2218 = arith.constant 0 : i32
    %dma_wait3A_2219 = tpu.memref_slice %arg2[%add3A_2145, %dma_wait3A_2218] : memref<832x100000xf32, #tpu.memory_space<hbm>> -> memref<1x100000xf32, #tpu.memory_space<hbm>>
    %dma_wait3A_2220 = tpu.memref_squeeze %dma_wait3A_2219 : memref<1x100000xf32, #tpu.memory_space<hbm>> -> memref<100000xf32, #tpu.memory_space<hbm>>
    %dma_wait3A_2221 = arith.constant 0 : i32
    %dma_wait3A_2222 = tpu.memref_slice %arg2[%add3A_2145, %dma_wait3A_2221] : memref<832x100000xf32, #tpu.memory_space<hbm>> -> memref<1x100000xf32, #tpu.memory_space<hbm>>
    %dma_wait3A_2223 = tpu.memref_squeeze %dma_wait3A_2222 : memref<1x100000xf32, #tpu.memory_space<hbm>> -> memref<100000xf32, #tpu.memory_space<hbm>>
    tpu.wait_dma2 semaphore(%arg9 : memref<!tpu.dma_semaphore, #tpu.memory_space<semaphore_mem>>) src(%dma_wait3A_2223 : memref<100000xf32, #tpu.memory_space<hbm>>) dst(%arg5 : memref<100000xf32, #tpu.memory_space<vmem>>)
    %dma_wait3A_2224 = arith.constant 0 : i32
    %dma_wait3A_2225 = tpu.memref_slice %arg4[%add3A_1975, %dma_wait3A_2224] : memref<832x4096xf32, #tpu.memory_space<hbm>> -> memref<1x4096xf32, #tpu.memory_space<hbm>>
    %dma_wait3A_2226 = tpu.memref_squeeze %dma_wait3A_2225 : memref<1x4096xf32, #tpu.memory_space<hbm>> -> memref<4096xf32, #tpu.memory_space<hbm>>
    %dma_wait3A_2227 = arith.constant 0 : i32
    %dma_wait3A_2228 = tpu.memref_slice %arg4[%add3A_1975, %dma_wait3A_2227] : memref<832x4096xf32, #tpu.memory_space<hbm>> -> memref<1x4096xf32, #tpu.memory_space<hbm>>
    %dma_wait3A_2229 = tpu.memref_squeeze %dma_wait3A_2228 : memref<1x4096xf32, #tpu.memory_space<hbm>> -> memref<4096xf32, #tpu.memory_space<hbm>>
    tpu.wait_dma2 semaphore(%arg10 : memref<!tpu.dma_semaphore, #tpu.memory_space<semaphore_mem>>) src(%arg7 : memref<4096xf32, #tpu.memory_space<vmem>>) dst(%dma_wait3A_2229 : memref<4096xf32, #tpu.memory_space<hbm>>)
    %scan3A_2230 = arith.constant 0 : i32
    %scan3A_2231 = arith.constant 0 : i32
    %scan3A_2232 = arith.constant 256 : i32
    %scan3A_2233 = arith.addi %scan3A_2231, %scan3A_2232 : i32
    %scan3A_2234 = arith.constant 1 : i32
    scf.for %scan3A_2346 = %scan3A_2231 to %scan3A_2233 step %scan3A_2234  : i32 {
      %mul3A_2347 = arith.constant 16 : i32
      %mul3A_2348 = arith.muli %scan3A_2346, %mul3A_2347 : i32
      %multiple_of3A = tpu.assume_multiple %mul3A_2348, 16 : i32
      %get3A = arith.index_cast %multiple_of3A : i32 to index
      %get3A_2349 = tpu.vector_load %arg6[%get3A] {strides = array<i32>} : memref<4096xi32, #tpu.memory_space<vmem>>, vector<16xi32>,
      %gather3A = tpu.vector_load_idx %arg5[%get3A_2349] : memref<100000xf32, #tpu.memory_space<vmem>>[vector<16xi32>], vector<16xf32>,
      %swap3A = arith.index_cast %multiple_of3A : i32 to index
      %swap3A_2350 = tpu.vector_load %arg7[%swap3A] {strides = array<i32>} : memref<4096xf32, #tpu.memory_space<vmem>>, vector<16xf32>,
      tpu.vector_store %arg7[%swap3A], %gather3A {strides = array<i32>} : memref<4096xf32, #tpu.memory_space<vmem>>, vector<16xf32>,
    }
    %scan3A_2235 = arith.constant 256 : i32
    %add3A_2236 = arith.constant 1 : i32
    %add3A_2237 = arith.addi %add3A_2159, %add3A_2236 : i32
    %dma_start3A_2238 = arith.constant 0 : i32
    %dma_start3A_2239 = tpu.memref_slice %arg2[%add3A_2237, %dma_start3A_2238] : memref<832x100000xf32, #tpu.memory_space<hbm>> -> memref<1x100000xf32, #tpu.memory_space<hbm>>
    %dma_start3A_2240 = tpu.memref_squeeze %dma_start3A_2239 : memref<1x100000xf32, #tpu.memory_space<hbm>> -> memref<100000xf32, #tpu.memory_space<hbm>>
    %dma_start3A_2241 = arith.constant 0 : i32
    %dma_start3A_2242 = tpu.memref_slice %arg2[%add3A_2237, %dma_start3A_2241] : memref<832x100000xf32, #tpu.memory_space<hbm>> -> memref<1x100000xf32, #tpu.memory_space<hbm>>
    %dma_start3A_2243 = tpu.memref_squeeze %dma_start3A_2242 : memref<1x100000xf32, #tpu.memory_space<hbm>> -> memref<100000xf32, #tpu.memory_space<hbm>>
    tpu.enqueue_dma source(%dma_start3A_2243 : memref<100000xf32, #tpu.memory_space<hbm>>) target(%arg5 : memref<100000xf32, #tpu.memory_space<vmem>>) target_semaphore(%arg9 : memref<!tpu.dma_semaphore, #tpu.memory_space<semaphore_mem>>)
    %dma_start3A_2244 = arith.constant 0 : i32
    %dma_start3A_2245 = tpu.memref_slice %arg4[%add3A_2159, %dma_start3A_2244] : memref<832x4096xf32, #tpu.memory_space<hbm>> -> memref<1x4096xf32, #tpu.memory_space<hbm>>
    %dma_start3A_2246 = tpu.memref_squeeze %dma_start3A_2245 : memref<1x4096xf32, #tpu.memory_space<hbm>> -> memref<4096xf32, #tpu.memory_space<hbm>>
    %dma_start3A_2247 = arith.constant 0 : i32
    %dma_start3A_2248 = tpu.memref_slice %arg4[%add3A_2159, %dma_start3A_2247] : memref<832x4096xf32, #tpu.memory_space<hbm>> -> memref<1x4096xf32, #tpu.memory_space<hbm>>
    %dma_start3A_2249 = tpu.memref_squeeze %dma_start3A_2248 : memref<1x4096xf32, #tpu.memory_space<hbm>> -> memref<4096xf32, #tpu.memory_space<hbm>>
    tpu.enqueue_dma source(%arg7 : memref<4096xf32, #tpu.memory_space<vmem>>) target(%dma_start3A_2249 : memref<4096xf32, #tpu.memory_space<hbm>>) target_semaphore(%arg10 : memref<!tpu.dma_semaphore, #tpu.memory_space<semaphore_mem>>)
    %add3A_2250 = arith.constant 25 : i32
    %add3A_2251 = arith.addi %mul3A_2, %add3A_2250 : i32
    %add3A_2252 = arith.constant 25 : i32
    %add3A_2253 = arith.addi %mul3A_2, %add3A_2252 : i32
    %jit3A_2254 = arith.constant 32 : i32
    %div3A_2255 = arith.divsi %add3A_2253, %jit3A_2254 : i32
    %sign3A_2256 = arith.constant 0 : i32
    %sign3A_2257 = arith.cmpi sgt, %add3A_2253, %sign3A_2256 : i32
    %sign3A_2258 = arith.extui %sign3A_2257 : i1 to i32
    %sign3A_2259 = arith.constant 0 : i32
    %sign3A_2260 = arith.cmpi slt, %add3A_2253, %sign3A_2259 : i32
    %sign3A_2261 = arith.extui %sign3A_2260 : i1 to i32
    %sign3A_2262 = arith.subi %sign3A_2258, %sign3A_2261 : i32
    %sign3A_2263 = arith.constant 0 : i32
    %sign3A_2264 = arith.cmpi sgt, %jit3A_2254, %sign3A_2263 : i32
    %sign3A_2265 = arith.extui %sign3A_2264 : i1 to i32
    %sign3A_2266 = arith.constant 0 : i32
    %sign3A_2267 = arith.cmpi slt, %jit3A_2254, %sign3A_2266 : i32
    %sign3A_2268 = arith.extui %sign3A_2267 : i1 to i32
    %sign3A_2269 = arith.subi %sign3A_2265, %sign3A_2268 : i32
    %ne3A_2270 = arith.cmpi ne, %sign3A_2262, %sign3A_2269 : i32
    %rem3A_2271 = arith.remsi %add3A_2253, %jit3A_2254 : i32
    %ne3A_2272 = arith.constant 0 : i32
    %ne3A_2273 = arith.cmpi ne, %rem3A_2271, %ne3A_2272 : i32
    %and3A_2274 = arith.andi %ne3A_2270, %ne3A_2273 : i1
    %sub3A_2275 = arith.constant 1 : i32
    %sub3A_2276 = arith.subi %div3A_2255, %sub3A_2275 : i32
    %select_n3A_2277 = arith.select %and3A_2274, %sub3A_2276, %div3A_2255 : i32
    %add3A_2278 = arith.constant 25 : i32
    %add3A_2279 = arith.addi %mul3A_2, %add3A_2278 : i32
    %sub3A_2280 = arith.constant 1 : i32
    %sub3A_2281 = arith.subi %add3A_2279, %sub3A_2280 : i32
    %jit3A_2282 = arith.constant 32 : i32
    %div3A_2283 = arith.divsi %sub3A_2281, %jit3A_2282 : i32
    %sign3A_2284 = arith.constant 0 : i32
    %sign3A_2285 = arith.cmpi sgt, %sub3A_2281, %sign3A_2284 : i32
    %sign3A_2286 = arith.extui %sign3A_2285 : i1 to i32
    %sign3A_2287 = arith.constant 0 : i32
    %sign3A_2288 = arith.cmpi slt, %sub3A_2281, %sign3A_2287 : i32
    %sign3A_2289 = arith.extui %sign3A_2288 : i1 to i32
    %sign3A_2290 = arith.subi %sign3A_2286, %sign3A_2289 : i32
    %sign3A_2291 = arith.constant 0 : i32
    %sign3A_2292 = arith.cmpi sgt, %jit3A_2282, %sign3A_2291 : i32
    %sign3A_2293 = arith.extui %sign3A_2292 : i1 to i32
    %sign3A_2294 = arith.constant 0 : i32
    %sign3A_2295 = arith.cmpi slt, %jit3A_2282, %sign3A_2294 : i32
    %sign3A_2296 = arith.extui %sign3A_2295 : i1 to i32
    %sign3A_2297 = arith.subi %sign3A_2293, %sign3A_2296 : i32
    %ne3A_2298 = arith.cmpi ne, %sign3A_2290, %sign3A_2297 : i32
    %rem3A_2299 = arith.remsi %sub3A_2281, %jit3A_2282 : i32
    %ne3A_2300 = arith.constant 0 : i32
    %ne3A_2301 = arith.cmpi ne, %rem3A_2299, %ne3A_2300 : i32
    %and3A_2302 = arith.andi %ne3A_2298, %ne3A_2301 : i1
    %sub3A_2303 = arith.constant 1 : i32
    %sub3A_2304 = arith.subi %div3A_2283, %sub3A_2303 : i32
    %select_n3A_2305 = arith.select %and3A_2302, %sub3A_2304, %div3A_2283 : i32
    %ne3A_2306 = arith.cmpi ne, %select_n3A_2277, %select_n3A_2305 : i32
    %convert_element_type3A_2307 = arith.extui %ne3A_2306 : i1 to i32
    %cond3A_2308 = arith.constant 0 : i32
    %cond3A_2309 = arith.cmpi ne, %convert_element_type3A_2307, %cond3A_2308 : i32
    scf.if %cond3A_2309 {
      %jit3A_2346 = arith.constant 32 : i32
      %div3A_2347 = arith.divsi %add3A_2251, %jit3A_2346 : i32
      %sign3A_2348 = arith.constant 0 : i32
      %sign3A_2349 = arith.cmpi sgt, %add3A_2251, %sign3A_2348 : i32
      %sign3A_2350 = arith.extui %sign3A_2349 : i1 to i32
      %sign3A_2351 = arith.constant 0 : i32
      %sign3A_2352 = arith.cmpi slt, %add3A_2251, %sign3A_2351 : i32
      %sign3A_2353 = arith.extui %sign3A_2352 : i1 to i32
      %sign3A_2354 = arith.subi %sign3A_2350, %sign3A_2353 : i32
      %sign3A_2355 = arith.constant 0 : i32
      %sign3A_2356 = arith.cmpi sgt, %jit3A_2346, %sign3A_2355 : i32
      %sign3A_2357 = arith.extui %sign3A_2356 : i1 to i32
      %sign3A_2358 = arith.constant 0 : i32
      %sign3A_2359 = arith.cmpi slt, %jit3A_2346, %sign3A_2358 : i32
      %sign3A_2360 = arith.extui %sign3A_2359 : i1 to i32
      %sign3A_2361 = arith.subi %sign3A_2357, %sign3A_2360 : i32
      %ne3A_2362 = arith.cmpi ne, %sign3A_2354, %sign3A_2361 : i32
      %rem3A_2363 = arith.remsi %add3A_2251, %jit3A_2346 : i32
      %ne3A_2364 = arith.constant 0 : i32
      %ne3A_2365 = arith.cmpi ne, %rem3A_2363, %ne3A_2364 : i32
      %and3A_2366 = arith.andi %ne3A_2362, %ne3A_2365 : i1
      %sub3A_2367 = arith.constant 1 : i32
      %sub3A_2368 = arith.subi %div3A_2347, %sub3A_2367 : i32
      %select_n3A_2369 = arith.select %and3A_2366, %sub3A_2368, %div3A_2347 : i32
      "tpu.region"() ({
        %run_scoped3A = tpu.sem_alloc : memref<!tpu.dma_semaphore, #tpu.memory_space<semaphore_mem>>
        %dma_start3A_2370 = arith.constant 0 : i32
        %dma_start3A_2371 = tpu.memref_slice %arg3[%select_n3A_2369, %dma_start3A_2370] : memref<26x4096xi32, #tpu.memory_space<hbm>> -> memref<1x4096xi32, #tpu.memory_space<hbm>>
        %dma_start3A_2372 = tpu.memref_squeeze %dma_start3A_2371 : memref<1x4096xi32, #tpu.memory_space<hbm>> -> memref<4096xi32, #tpu.memory_space<hbm>>
        %dma_start3A_2373 = arith.constant 0 : i32
        %dma_start3A_2374 = tpu.memref_slice %arg3[%select_n3A_2369, %dma_start3A_2373] : memref<26x4096xi32, #tpu.memory_space<hbm>> -> memref<1x4096xi32, #tpu.memory_space<hbm>>
        %dma_start3A_2375 = tpu.memref_squeeze %dma_start3A_2374 : memref<1x4096xi32, #tpu.memory_space<hbm>> -> memref<4096xi32, #tpu.memory_space<hbm>>
        tpu.enqueue_dma source(%dma_start3A_2375 : memref<4096xi32, #tpu.memory_space<hbm>>) target(%arg6 : memref<4096xi32, #tpu.memory_space<vmem>>) target_semaphore(%run_scoped3A : memref<!tpu.dma_semaphore, #tpu.memory_space<semaphore_mem>>)
        %dma_wait3A_2376 = arith.constant 0 : i32
        %dma_wait3A_2377 = tpu.memref_slice %arg3[%select_n3A_2369, %dma_wait3A_2376] : memref<26x4096xi32, #tpu.memory_space<hbm>> -> memref<1x4096xi32, #tpu.memory_space<hbm>>
        %dma_wait3A_2378 = tpu.memref_squeeze %dma_wait3A_2377 : memref<1x4096xi32, #tpu.memory_space<hbm>> -> memref<4096xi32, #tpu.memory_space<hbm>>
        %dma_wait3A_2379 = arith.constant 0 : i32
        %dma_wait3A_2380 = tpu.memref_slice %arg3[%select_n3A_2369, %dma_wait3A_2379] : memref<26x4096xi32, #tpu.memory_space<hbm>> -> memref<1x4096xi32, #tpu.memory_space<hbm>>
        %dma_wait3A_2381 = tpu.memref_squeeze %dma_wait3A_2380 : memref<1x4096xi32, #tpu.memory_space<hbm>> -> memref<4096xi32, #tpu.memory_space<hbm>>
        tpu.wait_dma2 semaphore(%run_scoped3A : memref<!tpu.dma_semaphore, #tpu.memory_space<semaphore_mem>>) src(%dma_wait3A_2381 : memref<4096xi32, #tpu.memory_space<hbm>>) dst(%arg6 : memref<4096xi32, #tpu.memory_space<vmem>>)
        tpu.yield
      }) : () -> ()
    } else {
    }
    %dma_wait3A_2310 = arith.constant 0 : i32
    %dma_wait3A_2311 = tpu.memref_slice %arg2[%add3A_2237, %dma_wait3A_2310] : memref<832x100000xf32, #tpu.memory_space<hbm>> -> memref<1x100000xf32, #tpu.memory_space<hbm>>
    %dma_wait3A_2312 = tpu.memref_squeeze %dma_wait3A_2311 : memref<1x100000xf32, #tpu.memory_space<hbm>> -> memref<100000xf32, #tpu.memory_space<hbm>>
    %dma_wait3A_2313 = arith.constant 0 : i32
    %dma_wait3A_2314 = tpu.memref_slice %arg2[%add3A_2237, %dma_wait3A_2313] : memref<832x100000xf32, #tpu.memory_space<hbm>> -> memref<1x100000xf32, #tpu.memory_space<hbm>>
    %dma_wait3A_2315 = tpu.memref_squeeze %dma_wait3A_2314 : memref<1x100000xf32, #tpu.memory_space<hbm>> -> memref<100000xf32, #tpu.memory_space<hbm>>
    tpu.wait_dma2 semaphore(%arg9 : memref<!tpu.dma_semaphore, #tpu.memory_space<semaphore_mem>>) src(%dma_wait3A_2315 : memref<100000xf32, #tpu.memory_space<hbm>>) dst(%arg5 : memref<100000xf32, #tpu.memory_space<vmem>>)
    %dma_wait3A_2316 = arith.constant 0 : i32
    %dma_wait3A_2317 = tpu.memref_slice %arg4[%add3A_2067, %dma_wait3A_2316] : memref<832x4096xf32, #tpu.memory_space<hbm>> -> memref<1x4096xf32, #tpu.memory_space<hbm>>
    %dma_wait3A_2318 = tpu.memref_squeeze %dma_wait3A_2317 : memref<1x4096xf32, #tpu.memory_space<hbm>> -> memref<4096xf32, #tpu.memory_space<hbm>>
    %dma_wait3A_2319 = arith.constant 0 : i32
    %dma_wait3A_2320 = tpu.memref_slice %arg4[%add3A_2067, %dma_wait3A_2319] : memref<832x4096xf32, #tpu.memory_space<hbm>> -> memref<1x4096xf32, #tpu.memory_space<hbm>>
    %dma_wait3A_2321 = tpu.memref_squeeze %dma_wait3A_2320 : memref<1x4096xf32, #tpu.memory_space<hbm>> -> memref<4096xf32, #tpu.memory_space<hbm>>
    tpu.wait_dma2 semaphore(%arg11 : memref<!tpu.dma_semaphore, #tpu.memory_space<semaphore_mem>>) src(%arg8 : memref<4096xf32, #tpu.memory_space<vmem>>) dst(%dma_wait3A_2321 : memref<4096xf32, #tpu.memory_space<hbm>>)
    %scan3A_2322 = arith.constant 0 : i32
    %scan3A_2323 = arith.constant 0 : i32
    %scan3A_2324 = arith.constant 256 : i32
    %scan3A_2325 = arith.addi %scan3A_2323, %scan3A_2324 : i32
    %scan3A_2326 = arith.constant 1 : i32
    scf.for %scan3A_2346 = %scan3A_2323 to %scan3A_2325 step %scan3A_2326  : i32 {
      %mul3A_2347 = arith.constant 16 : i32
      %mul3A_2348 = arith.muli %scan3A_2346, %mul3A_2347 : i32
      %multiple_of3A = tpu.assume_multiple %mul3A_2348, 16 : i32
      %get3A = arith.index_cast %multiple_of3A : i32 to index
      %get3A_2349 = tpu.vector_load %arg6[%get3A] {strides = array<i32>} : memref<4096xi32, #tpu.memory_space<vmem>>, vector<16xi32>,
      %gather3A = tpu.vector_load_idx %arg5[%get3A_2349] : memref<100000xf32, #tpu.memory_space<vmem>>[vector<16xi32>], vector<16xf32>,
      %swap3A = arith.index_cast %multiple_of3A : i32 to index
      %swap3A_2350 = tpu.vector_load %arg8[%swap3A] {strides = array<i32>} : memref<4096xf32, #tpu.memory_space<vmem>>, vector<16xf32>,
      tpu.vector_store %arg8[%swap3A], %gather3A {strides = array<i32>} : memref<4096xf32, #tpu.memory_space<vmem>>, vector<16xf32>,
    }
    %scan3A_2327 = arith.constant 256 : i32
    %dma_start3A_2328 = arith.constant 0 : i32
    %dma_start3A_2329 = tpu.memref_slice %arg4[%add3A_2251, %dma_start3A_2328] : memref<832x4096xf32, #tpu.memory_space<hbm>> -> memref<1x4096xf32, #tpu.memory_space<hbm>>
    %dma_start3A_2330 = tpu.memref_squeeze %dma_start3A_2329 : memref<1x4096xf32, #tpu.memory_space<hbm>> -> memref<4096xf32, #tpu.memory_space<hbm>>
    %dma_start3A_2331 = arith.constant 0 : i32
    %dma_start3A_2332 = tpu.memref_slice %arg4[%add3A_2251, %dma_start3A_2331] : memref<832x4096xf32, #tpu.memory_space<hbm>> -> memref<1x4096xf32, #tpu.memory_space<hbm>>
    %dma_start3A_2333 = tpu.memref_squeeze %dma_start3A_2332 : memref<1x4096xf32, #tpu.memory_space<hbm>> -> memref<4096xf32, #tpu.memory_space<hbm>>
    tpu.enqueue_dma source(%arg8 : memref<4096xf32, #tpu.memory_space<vmem>>) target(%dma_start3A_2333 : memref<4096xf32, #tpu.memory_space<hbm>>) target_semaphore(%arg11 : memref<!tpu.dma_semaphore, #tpu.memory_space<semaphore_mem>>)
    %dma_wait3A_2334 = arith.constant 0 : i32
    %dma_wait3A_2335 = tpu.memref_slice %arg4[%add3A_2159, %dma_wait3A_2334] : memref<832x4096xf32, #tpu.memory_space<hbm>> -> memref<1x4096xf32, #tpu.memory_space<hbm>>
    %dma_wait3A_2336 = tpu.memref_squeeze %dma_wait3A_2335 : memref<1x4096xf32, #tpu.memory_space<hbm>> -> memref<4096xf32, #tpu.memory_space<hbm>>
    %dma_wait3A_2337 = arith.constant 0 : i32
    %dma_wait3A_2338 = tpu.memref_slice %arg4[%add3A_2159, %dma_wait3A_2337] : memref<832x4096xf32, #tpu.memory_space<hbm>> -> memref<1x4096xf32, #tpu.memory_space<hbm>>
    %dma_wait3A_2339 = tpu.memref_squeeze %dma_wait3A_2338 : memref<1x4096xf32, #tpu.memory_space<hbm>> -> memref<4096xf32, #tpu.memory_space<hbm>>
    tpu.wait_dma2 semaphore(%arg10 : memref<!tpu.dma_semaphore, #tpu.memory_space<semaphore_mem>>) src(%arg7 : memref<4096xf32, #tpu.memory_space<vmem>>) dst(%dma_wait3A_2339 : memref<4096xf32, #tpu.memory_space<hbm>>)
    %dma_wait3A_2340 = arith.constant 0 : i32
    %dma_wait3A_2341 = tpu.memref_slice %arg4[%add3A_2251, %dma_wait3A_2340] : memref<832x4096xf32, #tpu.memory_space<hbm>> -> memref<1x4096xf32, #tpu.memory_space<hbm>>
    %dma_wait3A_2342 = tpu.memref_squeeze %dma_wait3A_2341 : memref<1x4096xf32, #tpu.memory_space<hbm>> -> memref<4096xf32, #tpu.memory_space<hbm>>
    %dma_wait3A_2343 = arith.constant 0 : i32
    %dma_wait3A_2344 = tpu.memref_slice %arg4[%add3A_2251, %dma_wait3A_2343] : memref<832x4096xf32, #tpu.memory_space<hbm>> -> memref<1x4096xf32, #tpu.memory_space<hbm>>
    %dma_wait3A_2345 = tpu.memref_squeeze %dma_wait3A_2344 : memref<1x4096xf32, #tpu.memory_space<hbm>> -> memref<4096xf32, #tpu.memory_space<hbm>>
    tpu.wait_dma2 semaphore(%arg11 : memref<!tpu.dma_semaphore, #tpu.memory_space<semaphore_mem>>) src(%arg8 : memref<4096xf32, #tpu.memory_space<vmem>>) dst(%dma_wait3A_2345 : memref<4096xf32, #tpu.memory_space<hbm>>)
    return
  }
}

module attributes {stable_mosaic.version = 14 : i64} {
  func.func @_mlp_kernel(%arg0: i32, %arg1: memref<832x2048xf32, #tpu.memory_space<vmem>>, %arg2: memref<16x2048xf32, #tpu.memory_space<vmem>>, %arg3: memref<512x832xf32, #tpu.memory_space<vmem>>, %arg4: memref<512x16xf32, #tpu.memory_space<vmem>>, %arg5: memref<512x1xf32, #tpu.memory_space<vmem>>, %arg6: memref<256x512xf32, #tpu.memory_space<vmem>>, %arg7: memref<256x1xf32, #tpu.memory_space<vmem>>, %arg8: memref<128x256xf32, #tpu.memory_space<vmem>>, %arg9: memref<128x1xf32, #tpu.memory_space<vmem>>, %arg10: memref<128x1xf32, #tpu.memory_space<vmem>>, %arg11: memref<1x1xf32, #tpu.memory_space<vmem>>, %arg12: memref<1x2048xf32, #tpu.memory_space<vmem>>) attributes {dimension_semantics = [#tpu.dimension_semantics<arbitrary>], iteration_bounds = array<i64: 2>, scalar_prefetch = 0 : i64, scratch_operands = 0 : i64, tpu.core_type = #tpu.core_type<tc>, window_params = [{transform_indices = @transform_0, window_bounds = array<i64: 832, 2048>}, {transform_indices = @transform_1, window_bounds = array<i64: 16, 2048>}, {pipeline_mode = #tpu.pipeline_mode<synchronous>, transform_indices = @transform_2, window_bounds = array<i64: 512, 832>}, {pipeline_mode = #tpu.pipeline_mode<synchronous>, transform_indices = @transform_3, window_bounds = array<i64: 512, 16>}, {pipeline_mode = #tpu.pipeline_mode<synchronous>, transform_indices = @transform_4, window_bounds = array<i64: 512, 1>}, {pipeline_mode = #tpu.pipeline_mode<synchronous>, transform_indices = @transform_5, window_bounds = array<i64: 256, 512>}, {pipeline_mode = #tpu.pipeline_mode<synchronous>, transform_indices = @transform_6, window_bounds = array<i64: 256, 1>}, {pipeline_mode = #tpu.pipeline_mode<synchronous>, transform_indices = @transform_7, window_bounds = array<i64: 128, 256>}, {pipeline_mode = #tpu.pipeline_mode<synchronous>, transform_indices = @transform_8, window_bounds = array<i64: 128, 1>}, {pipeline_mode = #tpu.pipeline_mode<synchronous>, transform_indices = @transform_9, window_bounds = array<i64: 128, 1>}, {pipeline_mode = #tpu.pipeline_mode<synchronous>, transform_indices = @transform_10, window_bounds = array<i64: 1, 1>}, {transform_indices = @transform_11, window_bounds = array<i64: 1, 2048>}]} {
    %get3A = arith.constant 0 : index
    %get3A_0 = arith.constant 0 : index
    %get3A_1 = vector.load %arg3[%get3A, %get3A_0] : memref<512x832xf32, #tpu.memory_space<vmem>>, vector<512x832xf32>
    %get3A_2 = arith.constant 0 : index
    %get3A_3 = arith.constant 0 : index
    %get3A_4 = vector.load %arg1[%get3A_2, %get3A_3] : memref<832x2048xf32, #tpu.memory_space<vmem>>, vector<832x2048xf32>
    %dot_general3A = arith.constant dense<0.000000e+00> : vector<512x2048xf32>
    %dot_general3A_5 = tpu.matmul %get3A_1, %get3A_4, %dot_general3A {dimension_numbers = #tpu.dot_dimension_numbers<[1], [0], [0], [1], [0, 0, 1, 1], [], []>, transpose_lhs_hint = false} : vector<512x832xf32>, vector<832x2048xf32>, vector<512x2048xf32> -> vector<512x2048xf32>
    %get3A_6 = arith.constant 0 : index
    %get3A_7 = arith.constant 0 : index
    %get3A_8 = vector.load %arg4[%get3A_6, %get3A_7] : memref<512x16xf32, #tpu.memory_space<vmem>>, vector<512x16xf32>
    %get3A_9 = arith.constant 0 : index
    %get3A_10 = arith.constant 0 : index
    %get3A_11 = vector.load %arg2[%get3A_9, %get3A_10] : memref<16x2048xf32, #tpu.memory_space<vmem>>, vector<16x2048xf32>
    %dot_general3A_12 = arith.constant dense<0.000000e+00> : vector<512x2048xf32>
    %dot_general3A_13 = tpu.matmul %get3A_8, %get3A_11, %dot_general3A_12 {dimension_numbers = #tpu.dot_dimension_numbers<[1], [0], [0], [1], [0, 0, 1, 1], [], []>, transpose_lhs_hint = false} : vector<512x16xf32>, vector<16x2048xf32>, vector<512x2048xf32> -> vector<512x2048xf32>
    %add3A = arith.addf %dot_general3A_5, %dot_general3A_13 : vector<512x2048xf32>
    %get3A_14 = arith.constant 0 : index
    %get3A_15 = arith.constant 0 : index
    %get3A_16 = vector.load %arg5[%get3A_14, %get3A_15] : memref<512x1xf32, #tpu.memory_space<vmem>>, vector<512x1xf32>
    %add3A_17 = vector.broadcast %get3A_16 : vector<512x1xf32> to vector<512x2048xf32>
    %add3A_18 = arith.addf %add3A, %add3A_17 : vector<512x2048xf32>
    %max3A = arith.constant 0.000000e+00 : f32
    %max3A_19 = vector.broadcast %max3A : f32 to vector<512x2048xf32>
    %max3A_20 = arith.maximumf %add3A_18, %max3A_19 : vector<512x2048xf32>
    %get3A_21 = arith.constant 0 : index
    %get3A_22 = arith.constant 0 : index
    %get3A_23 = vector.load %arg6[%get3A_21, %get3A_22] : memref<256x512xf32, #tpu.memory_space<vmem>>, vector<256x512xf32>
    %dot_general3A_24 = arith.constant dense<0.000000e+00> : vector<256x2048xf32>
    %dot_general3A_25 = tpu.matmul %get3A_23, %max3A_20, %dot_general3A_24 {dimension_numbers = #tpu.dot_dimension_numbers<[1], [0], [0], [1], [0, 0, 1, 1], [], []>, transpose_lhs_hint = false} : vector<256x512xf32>, vector<512x2048xf32>, vector<256x2048xf32> -> vector<256x2048xf32>
    %get3A_26 = arith.constant 0 : index
    %get3A_27 = arith.constant 0 : index
    %get3A_28 = vector.load %arg7[%get3A_26, %get3A_27] : memref<256x1xf32, #tpu.memory_space<vmem>>, vector<256x1xf32>
    %add3A_29 = vector.broadcast %get3A_28 : vector<256x1xf32> to vector<256x2048xf32>
    %add3A_30 = arith.addf %dot_general3A_25, %add3A_29 : vector<256x2048xf32>
    %max3A_31 = arith.constant 0.000000e+00 : f32
    %max3A_32 = vector.broadcast %max3A_31 : f32 to vector<256x2048xf32>
    %max3A_33 = arith.maximumf %add3A_30, %max3A_32 : vector<256x2048xf32>
    %get3A_34 = arith.constant 0 : index
    %get3A_35 = arith.constant 0 : index
    %get3A_36 = vector.load %arg8[%get3A_34, %get3A_35] : memref<128x256xf32, #tpu.memory_space<vmem>>, vector<128x256xf32>
    %dot_general3A_37 = arith.constant dense<0.000000e+00> : vector<128x2048xf32>
    %dot_general3A_38 = tpu.matmul %get3A_36, %max3A_33, %dot_general3A_37 {dimension_numbers = #tpu.dot_dimension_numbers<[1], [0], [0], [1], [0, 0, 1, 1], [], []>, transpose_lhs_hint = false} : vector<128x256xf32>, vector<256x2048xf32>, vector<128x2048xf32> -> vector<128x2048xf32>
    %get3A_39 = arith.constant 0 : index
    %get3A_40 = arith.constant 0 : index
    %get3A_41 = vector.load %arg9[%get3A_39, %get3A_40] : memref<128x1xf32, #tpu.memory_space<vmem>>, vector<128x1xf32>
    %add3A_42 = vector.broadcast %get3A_41 : vector<128x1xf32> to vector<128x2048xf32>
    %add3A_43 = arith.addf %dot_general3A_38, %add3A_42 : vector<128x2048xf32>
    %max3A_44 = arith.constant 0.000000e+00 : f32
    %max3A_45 = vector.broadcast %max3A_44 : f32 to vector<128x2048xf32>
    %max3A_46 = arith.maximumf %add3A_43, %max3A_45 : vector<128x2048xf32>
    %get3A_47 = arith.constant 0 : index
    %get3A_48 = arith.constant 0 : index
    %get3A_49 = vector.load %arg10[%get3A_47, %get3A_48] : memref<128x1xf32, #tpu.memory_space<vmem>>, vector<128x1xf32>
    %mul3A = vector.broadcast %get3A_49 : vector<128x1xf32> to vector<128x2048xf32>
    %mul3A_50 = arith.mulf %max3A_46, %mul3A : vector<128x2048xf32>
    %reduce_sum3A = arith.constant dense<0.000000e+00> : vector<2048xf32>
    %reduce_sum3A_51 = vector.multi_reduction <add>, %mul3A_50, %reduce_sum3A [0] : vector<128x2048xf32> to vector<2048xf32>
    %broadcast_in_dim3A = vector.shape_cast %reduce_sum3A_51 : vector<2048xf32> to vector<1x2048xf32>
    %get3A_52 = arith.constant 0 : index
    %get3A_53 = arith.constant 0 : index
    %get3A_54 = vector.load %arg11[%get3A_52, %get3A_53] : memref<1x1xf32, #tpu.memory_space<vmem>>, vector<1x1xf32>
    %add3A_55 = vector.broadcast %get3A_54 : vector<1x1xf32> to vector<1x2048xf32>
    %add3A_56 = arith.addf %broadcast_in_dim3A, %add3A_55 : vector<1x2048xf32>
    %swap3A = arith.constant 0 : index
    %swap3A_57 = arith.constant 0 : index
    %swap3A_58 = vector.load %arg12[%swap3A, %swap3A_57] : memref<1x2048xf32, #tpu.memory_space<vmem>>, vector<1x2048xf32>
    tpu.vector_store %arg12[%swap3A, %swap3A_57], %add3A_56 {strides = array<i32>} : memref<1x2048xf32, #tpu.memory_space<vmem>>, vector<1x2048xf32>,
    return
  }
  func.func @transform_0(%arg0: i32) -> (i32, i32) {
    %c0_i32 = arith.constant 0 : i32
    %c0_i32_0 = arith.constant 0 : i32
    return %c0_i32, %arg0 : i32, i32
  }
  func.func @transform_1(%arg0: i32) -> (i32, i32) {
    %c0_i32 = arith.constant 0 : i32
    %c0_i32_0 = arith.constant 0 : i32
    return %c0_i32, %arg0 : i32, i32
  }
  func.func @transform_2(%arg0: i32) -> (i32, i32) {
    %c0_i32 = arith.constant 0 : i32
    %c0_i32_0 = arith.constant 0 : i32
    %c0_i32_1 = arith.constant 0 : i32
    return %c0_i32, %c0_i32_0 : i32, i32
  }
  func.func @transform_3(%arg0: i32) -> (i32, i32) {
    %c0_i32 = arith.constant 0 : i32
    %c0_i32_0 = arith.constant 0 : i32
    %c0_i32_1 = arith.constant 0 : i32
    return %c0_i32, %c0_i32_0 : i32, i32
  }
  func.func @transform_4(%arg0: i32) -> (i32, i32) {
    %c0_i32 = arith.constant 0 : i32
    %c0_i32_0 = arith.constant 0 : i32
    %c0_i32_1 = arith.constant 0 : i32
    return %c0_i32, %c0_i32_0 : i32, i32
  }
  func.func @transform_5(%arg0: i32) -> (i32, i32) {
    %c0_i32 = arith.constant 0 : i32
    %c0_i32_0 = arith.constant 0 : i32
    %c0_i32_1 = arith.constant 0 : i32
    return %c0_i32, %c0_i32_0 : i32, i32
  }
  func.func @transform_6(%arg0: i32) -> (i32, i32) {
    %c0_i32 = arith.constant 0 : i32
    %c0_i32_0 = arith.constant 0 : i32
    %c0_i32_1 = arith.constant 0 : i32
    return %c0_i32, %c0_i32_0 : i32, i32
  }
  func.func @transform_7(%arg0: i32) -> (i32, i32) {
    %c0_i32 = arith.constant 0 : i32
    %c0_i32_0 = arith.constant 0 : i32
    %c0_i32_1 = arith.constant 0 : i32
    return %c0_i32, %c0_i32_0 : i32, i32
  }
  func.func @transform_8(%arg0: i32) -> (i32, i32) {
    %c0_i32 = arith.constant 0 : i32
    %c0_i32_0 = arith.constant 0 : i32
    %c0_i32_1 = arith.constant 0 : i32
    return %c0_i32, %c0_i32_0 : i32, i32
  }
  func.func @transform_9(%arg0: i32) -> (i32, i32) {
    %c0_i32 = arith.constant 0 : i32
    %c0_i32_0 = arith.constant 0 : i32
    %c0_i32_1 = arith.constant 0 : i32
    return %c0_i32, %c0_i32_0 : i32, i32
  }
  func.func @transform_10(%arg0: i32) -> (i32, i32) {
    %c0_i32 = arith.constant 0 : i32
    %c0_i32_0 = arith.constant 0 : i32
    %c0_i32_1 = arith.constant 0 : i32
    return %c0_i32, %c0_i32_0 : i32, i32
  }
  func.func @transform_11(%arg0: i32) -> (i32, i32) {
    %c0_i32 = arith.constant 0 : i32
    %c0_i32_0 = arith.constant 0 : i32
    return %c0_i32, %arg0 : i32, i32
  }
}

</mosaic_0001>

<sc_bundles>
// kernel: kernel.4.cloned.1.call-start
scs
__scs_entry_jumppad:
0x0: {  	(pc) =	sbr.rel $0x88, $3  }
0x1: {  	(tag) =	ssettag $0x0;
	lr =	simm.s32 $0x1  }
0x2: {  	[smem:$0x3F96] =	sst lr;
	_ =	strace $0xD0000000  }
0x3: {  	_ = 	snop  }
0x4: {  	_ = 	snop  }
0x5: {  	_ = 	snop  }
0x6: {  	_ = 	snop  }
0x7: {  	_ = 	snop  }
__scs_overlays_trampoline_lowered:
0x8: {  	[smem:$0x3FA5] =	sst s0  }
0x9: {  	[smem:$0x3FA6] =	sst s1  }
0xa: {  	[smem:$0x3FA7] =	sst s2  }
0xb: {  	[smem:$0x3FA8] =	sst s3  }
0xc: {  	[smem:$0x3FA9] =	sst s4  }
0xd: {  	[smem:$0x3FAA] =	sst s5  }
0xe: {  	[smem:$0x3FAB] =	sst s6  }
0xf: {  	[smem:$0x3FAC] =	sst s7  }
0x10: {  	[smem:$0x3FAD] =	sst s8  }
0x11: {  	[smem:$0x3FAE] =	sst s9;
	s0 =	simm.s32 @!p0 $0x0  }
0x12: {  	s1 =	sld [smem:$0x3F94];
	s0 =	simm.s32 @p0 $0x1  }
0x13: {  	[smem:$0x3FAF] =	sst s0;
	s0 =	simm.s32 @!p1 $0x0  }
0x14: {  	s2 =	sld [smem:$0x3F93];
	s0 =	simm.s32 @p1 $0x1  }
0x15: {  	[smem:$0x3FB0] =	sst s0;
	s0 =	simm.s32 @!p2 $0x0  }
0x16: {  	s3 =	sld [smem:$0x3FDB];
	s0 =	simm.s32 @p2 $0x1  }
0x17: {  	s4 =	simm.s32 $0x1BF5;
	[smem:$0x3FB2] =	sst s0  }
0x18: {  	s0 =	sld [smem:$0x3F95];
	_ =	swait.ge [sflag:s4], $0x0  }
0x19: {  	s7 =	sld [smem:$0x3F96]  }
0x1a: {  	s8 =	sadd.s32 $0xFFFFE003, lr  }
0x1b: {  	s9 =	sadd.s32 $0xFFFFFEF7, lr;
	s5 =	simm.s32 $0xFFFFFFFF;
	p2 =	slt.u32 s8, $0xFFFFF086  }
0x1c: {  	p1 =	slt.u32 s9, $0xF7A;
	s5 =	simm.s32 @!p2 $0x0  }
0x1d: {  	s5 =	simm.s32 @p1 $0x1;
	p0 =	seq.s32 s7, s2  }
0x1e: {  	s7 =	smul.u32 @!p0 $0xF7A, s2;
	p2 =	seq.s32 @!p0 s5, $0x0  }
0x1f: {  	s9 =	smul.u32 $0xF7A, s1;
	s8 =	simm.s32 @!p0 $0x1BF5;
	p2 =	por !p2, p0  }
0x20: {  	[sflag:s8] =	ssyncset.s32 @!p0 $0xFFFFF086;
	s6 =	sadd.s32 @!p0 s3, s7;
	s7 =	simm.s32 @!p0 $0x108  }
0x21: {  	s3 =	sadd.s32 s3, s9;
	s6 =	sadd.s32 @!p0 $0x88, s6;
	s7 =	simm.s32 @p2 $0x1082  }
0x22: {  	[simem:s7], [sflag:s8] =	dma.local @!p0 [hbm:s6], $0xF7A  }
0x23: {  	s9 =	sor.u32 $0xD0000000, s2;
	s6 =	simm.s32 $0x108;
	_ =	swait.ge @!p0 [sflag:s8], $0x0  }
0x24: {  	s3 =	sadd.s32 $0x88, s3;
	s6 =	simm.s32 @!p1 $0x1082;
	[sflag:s4] =	ssyncset.s32 $0xFFFFF086  }
0x25: {  	[simem:s6], [sflag:s4] =	dma.local [hbm:s3], $0xF7A  }
0x26: {  	[smem:$0x3F96] =	sst s1;
	(tag) =	ssettag s2;
	_ =	strace s9  }
0x27: {  	s1 =	sld [smem:$0x3FA6]  }
0x28: {  	s2 =	sld [smem:$0x3FA7]  }
0x29: {  	s4 =	sld [smem:$0x3FA9]  }
0x2a: {  	p0 =	seq.s32 s5, $0x0;
	s5 =	sld [smem:$0x3FAA]  }
0x2b: {  	s6 =	sld [smem:$0x3FAB]  }
0x2c: {  	s7 =	sld [smem:$0x3FAC]  }
0x2d: {  	s3 =	simm.s32 $0x108;
	s8 =	sld [smem:$0x3FAD]  }
0x2e: {  	s3 =	simm.s32 @!p0 $0x1082;
	s9 =	sld [smem:$0x3FAE]  }
0x2f: {  	lr =	sadd.s32 s0, s3;
	s0 =	sld [smem:$0x3FA5]  }
0x30: {  	s3 =	sld [smem:$0x3FA8]  }
0x31: {  	[smem:$0x3FB1] =	sst s10  }
0x32: {  	s10 =	sld [smem:$0x3FAF];
	_ =	sdelay $0x3  }
0x33: {  	p0 =	seq.s32 s10, $0x1;
	s10 =	sld [smem:$0x3FB1];
	_ =	sdelay $0x3  }
0x34: {  	[smem:$0x3FB1] =	sst s10  }
0x35: {  	s10 =	sld [smem:$0x3FB0];
	_ =	sdelay $0x3  }
0x36: {  	p1 =	seq.s32 s10, $0x1;
	s10 =	sld [smem:$0x3FB1];
	_ =	sdelay $0x3  }
0x37: {  	[smem:$0x3FB1] =	sst s10  }
0x38: {  	s10 =	sld [smem:$0x3FB2]  }
0x39: {  	_ = 	snop;
	(pc) =	sbr.ind lr, $3  }
0x3a: {  	_ = 	snop  }
0x3b: {  	_ = 	snop  }
0x3c: {  	p2 =	seq.s32 s10, $0x1;
	s10 =	sld [smem:$0x3FB1]  }
0x3d: {  	_ =	shalt  }
0x3e: {  	_ =	shalt  }
0x3f: {  	_ =	shalt  }
0x40: {  	_ =	shalt  }
0x41: {  	_ =	shalt  }
0x42: {  	_ =	shalt  }
0x43: {  	_ =	shalt  }
0x44: {  	_ =	shalt  }
0x45: {  	_ =	shalt  }
0x46: {  	_ =	shalt  }
0x47: {  	_ =	shalt  }
0x48: {  	_ =	shalt  }
0x49: {  	_ =	shalt  }
0x4a: {  	_ =	shalt  }
0x4b: {  	_ =	shalt  }
0x4c: {  	_ =	shalt  }
0x4d: {  	_ =	shalt  }
0x4e: {  	_ =	shalt  }
0x4f: {  	_ =	shalt  }
0x50: {  	_ =	shalt  }
0x51: {  	_ =	shalt  }
0x52: {  	_ =	shalt  }
0x53: {  	_ =	shalt  }
0x54: {  	_ =	shalt  }
0x55: {  	_ =	shalt  }
0x56: {  	_ =	shalt  }
0x57: {  	_ =	shalt  }
0x58: {  	_ =	shalt  }
0x59: {  	_ =	shalt  }
0x5a: {  	_ =	shalt  }
0x5b: {  	_ =	shalt  }
0x5c: {  	_ =	shalt  }
0x5d: {  	_ =	shalt  }
0x5e: {  	_ =	shalt  }
0x5f: {  	_ =	shalt  }
0x60: {  	_ =	shalt  }
0x61: {  	_ =	shalt  }
0x62: {  	_ =	shalt  }
0x63: {  	_ =	shalt  }
0x64: {  	_ =	shalt  }
0x65: {  	_ =	shalt  }
0x66: {  	_ =	shalt  }
0x67: {  	_ =	shalt  }
0x68: {  	_ =	shalt  }
0x69: {  	_ =	shalt  }
0x6a: {  	_ =	shalt  }
0x6b: {  	_ =	shalt  }
0x6c: {  	_ =	shalt  }
0x6d: {  	_ =	shalt  }
0x6e: {  	_ =	shalt  }
0x6f: {  	_ =	shalt  }
0x70: {  	_ =	shalt  }
0x71: {  	_ =	shalt  }
0x72: {  	_ =	shalt  }
0x73: {  	_ =	shalt  }
0x74: {  	_ =	shalt  }
0x75: {  	_ =	shalt  }
0x76: {  	_ =	shalt  }
0x77: {  	_ =	shalt  }
0x78: {  	_ =	shalt  }
0x79: {  	_ =	shalt  }
0x7a: {  	_ =	shalt  }
0x7b: {  	_ =	shalt  }
0x7c: {  	_ =	shalt  }
0x7d: {  	_ =	shalt  }
0x7e: {  	_ =	shalt  }
0x7f: {  	_ =	shalt  }
0x80: {  	_ =	shalt  }
0x81: {  	_ =	shalt  }
0x82: {  	_ =	shalt  }
0x83: {  	_ =	shalt  }
0x84: {  	_ =	shalt  }
0x85: {  	_ =	shalt  }
0x86: {  	_ =	shalt  }
0x87: {  	_ =	shalt  }
.Lfunc_end0:
.L_simem_size_0:
called_computation_lowered:
.L_overlay_start_0:
0x88: {  	s2 =	sld [smem:$0x3FD9]  }
0x89: {  	s3 =	sld [smem:$0x3FFE];
	_ =	sdelay $0x1  }
0x8a: {  	s1 =	srdreg.scid  }
0x8b: {  	s0 =	sand.u32 $0x1, s1  }
0x8c: {  	s17 =	sshll.u32 s0, $0xA;
	s2 =	sadd.s32 s3, s2  }
0x8d: {  	s2 =	sadd.s32 s2, s17  }
0x8e: {  	[smem:$0x3FBD] =	sst s2  }
0x8f: {  	_ = 	snop  }
0x90: {  	s2 =	sld [smem:$0x3FC8]  }
0x91: {  	s18 =	sld [smem:$0x3FC7];
	(tm) =	ssettm $0x1  }
0x92: {  	s4 =	sld [smem:$0x3FFB];
	_ =	sdelay $0x3  }
0x93: {  	_ =	strace s4  }
0x94: {  	s4 =	sld [smem:$0x3FFC];
	_ =	sdelay $0x3  }
0x95: {  	_ =	strace s4  }
0x96: {  	s4 =	sld [smem:$0x3FFD];
	_ =	sdelay $0x3  }
0x97: {  	_ =	strace s4  }
0x98: {  	_ =	strace $0x8FFFFFFF  }
0x99: {  	s19 =	sld [smem:$0x3FDB];
	_ =	sdelay $0x1  }
0x9a: {  	s5 =	simm.s32 $_scs_section_size  }
0x9b: {  	s6 =	simm.s32 $_size__tile_overlayer_lowered;
	s7 =	simm.s32 $_tile_overlayer_lowered  }
0x9c: {  	s22 =	simm.s32 $0x1BFF;
	s21 =	sshll.u32 s7, $0x1;
	s4 =	sadd.s32 s5, s19  }
0x9d: {  	s8 =	simm.s32 $0x0;
	s20 =	sshll.u32 s6, $0x1;
	s6 =	sadd.s32 s21, s4  }
0x9e: {  	[timem:s8], [sflag:s22] =	dma.local [hbm:s6], s20  }
0x9f: {  	_ =	swait.ge [sflag:s22], s20  }
0xa0: {  	s5 =	ssub.s32 $0x0, s20;
	[sflag:s22] =	ssyncset.done $0x0  }
0xa1: {  	[sflag:s22] =	ssyncadd.s32 s5;
	_ =	sdelay $0x1  }
0xa2: {  	s23 =	simm.s32 $0x1B8B  }
0xa3: {  	_ =	swait.ge [sflag:s23], $0x1  }
0xa4: {  	[sflag:s23] =	ssyncset.done $0x0  }
0xa5: {  	s25 =	simm.s32 $0x1B8E;
	s24 =	sld [smem:$0x3FFE];
	[sflag:s23] =	ssyncadd.s32 $0xFFFFFFFF  }
0xa6: {  	s26 =	simm.s32 $execute0_lowered;
	[smem:$0x3FD2] =	sst s25  }
0xa7: {  	s6 =	sshll.u32 s26, $0x1;
	_ =	strace $0x80000046;
	[dreg:$0x1] =	wrdreg $0xFFFFFFFF  }
0xa8: {  	s28 =	simm.s32 $_size_execute0_lowered;
	s4 =	sadd.s32 s4, s6;
	[dreg:$0x0] =	wrdreg $0x0  }
0xa9: {  	s6 =	sshll.u32 s28, $0x1;
	[dreg:$0x2] =	wrdreg s4  }
0xaa: {  	[dreg:$0x3] =	wrdreg s6  }
0xab: {  	[dreg:$0x4] =	wrdreg $0xC0  }
0xac: {  	_ =	task [dreg:s8], $0x5FFFF  }
0xad: {  	[dreg:$0x1] =	wrdreg $0xFFFFFFFF  }
0xae: {  	[dreg:$0x0] =	wrdreg $0x60  }
0xaf: {  	[dreg:$0x2] =	wrdreg s18  }
0xb0: {  	[dreg:$0x3] =	wrdreg s2  }
0xb1: {  	[dreg:$0x4] =	wrdreg s24  }
0xb2: {  	[dreg:$0x5] =	wrdreg $0x9  }
0xb3: {  	_ =	task.clear_ibuf [dreg:s8], $0x6FFFF;
	_ =	strace $0x90000046  }
0xb4: {  	s29 =	simm.s32 $0x9;
	_ =	strace $0x80000048  }
0xb5: {  	_ =	swait.ge [sflag:s29], $0x1  }
0xb6: {  	[sflag:s29] =	ssyncadd.s32 $0xFFFFFFFF  }
0xb7: {  	_ =	strace $0x90000048  }
0xb8: {  	_ =	sfence  }
0xb9: {  	s30 =	sld [smem:$0x0];
	_ =	sdelay $0x2  }
0xba: {  	s31 =	sshll.u32 s1, $0xD;
	s1 =	sshrl.u32 s1, $0x2  }
0xbb: {  	s3 =	sand.u32 $0x4000, s31;
	s1 =	sadd.s32 s1, s30  }
0xbc: {  	s0 =	sor.u32 s3, s0;
	s1 =	sshll.u32 s1, $0x11  }
0xbd: {  	s0 =	sor.u32 s1, s0  }
0xbe: {  	s0 =	sadd.s32 $0x8F2B, s0  }
0xbf: {  	[sflag:s0] =	ssyncadd.remote.s32 $0x1  }
0xc0: {  	_ =	sfence.sel $0xFFFF  }
0xc1: {  	[dreg:$0x0] =	wrdreg $0xFFFFFFFF;
	(pc) =	sbr.abs _section_cstart, $3  }
0xc2: {  	[dreg:$0x1] =	wrdreg $0xFFFFFFFF  }
0xc3: {  	_ =	task.clear_ibuf [dreg:s8], $0x2FFFF;
	_ =	strace $0x9FFFFFFF  }
0xc4: {  	(tm) =	ssettm $0x7FFFFFFF  }
0xc5: {  	_ =	shalt  }
tec
execute0_lowered:
.L_overlay_start_1:
0x0: {  	(tag) =	ssettag $0x1  }
0x1: {  	s0 =	srdreg.scid;
	s1 =	stileid.u32  }
0x2: {  	s0 =	sand.u32 $0x1, s0;
	s1 =	sshll.u32 s1, $0x1  }
0x3: {  	s1 =	sor.u32 s0, s1  }
0x4: {  	s5 =	smul.u32 $0x1A, s1;
	_ =	sdelay $0x1  }
0x5: {  	s0 =	ssub.s32 $0x2, s0;
	[smem:$0x7C3] =	sst s1;
	s1 =	sshrl.u32 s5, $0x5  }
0x6: {  	s2 =	sadd.s32 $0x2, s5;
	s3 =	sadd.s32 $0x3, s5;
	s18 =	sadd.s32 $0x4, s5  }
0x7: {  	s17 =	sadd.s32 $0x5, s5;
	s14 =	sadd.s32 $0x6, s5;
	s13 =	sadd.s32 $0x7, s5  }
0x8: {  	s23 =	sadd.s32 $0x8, s5;
	s12 =	sadd.s32 $0x9, s5;
	s10 =	sadd.s32 $0xA, s5  }
0x9: {  	s9 =	sadd.s32 $0xB, s5;
	s16 =	sadd.s32 $0xC, s5;
	s6 =	sshrl.u32 s2, $0x5  }
0xa: {  	s11 =	sadd.s32 $0xD, s5;
	s22 =	sadd.s32 $0x11, s5;
	p0 =	seq.s32 s6, s1  }
0xb: {  	s7 =	sshrl.u32 s3, $0x5;
	s8 =	sshrl.u32 s18, $0x5;
	s1 =	simm.s32 @!p0 $0x0  }
0xc: {  	s15 =	sshrl.u32 s17, $0x5;
	s1 =	simm.s32 @p0 $0x1;
	p0 =	seq.s32 s7, s6  }
0xd: {  	s19 =	sshrl.u32 s14, $0x5;
	s20 =	sshrl.u32 s13, $0x5;
	s4 =	simm.s32 @!p0 $0x0  }
0xe: {  	s21 =	sshrl.u32 s23, $0x5;
	s4 =	simm.s32 @p0 $0x1;
	p0 =	seq.s32 s8, s7  }
0xf: {  	s24 =	sshrl.u32 s12, $0x5;
	[smem:$0x7B1] =	sst s4;
	s4 =	simm.s32 @!p0 $0x0  }
0x10: {  	s25 =	sshrl.u32 s10, $0x5;
	s4 =	simm.s32 @p0 $0x1;
	p0 =	seq.s32 s15, s8  }
0x11: {  	s28 =	sshrl.u32 s9, $0x5;
	[smem:$0x7B2] =	sst s4;
	s4 =	simm.s32 @!p0 $0x0  }
0x12: {  	s31 =	sshrl.u32 s16, $0x5;
	s4 =	simm.s32 @p0 $0x1;
	p0 =	seq.s32 s19, s15  }
0x13: {  	s26 =	sshrl.u32 s11, $0x5;
	[smem:$0x7B3] =	sst s4;
	s4 =	simm.s32 @!p0 $0x0  }
0x14: {  	[smem:$0x7C7] =	sst s23;
	s4 =	simm.s32 @p0 $0x1;
	p0 =	seq.s32 s20, s19  }
0x15: {  	s6 =	sadd.s32 $0xE, s5;
	[smem:$0x7B4] =	sst s4;
	s4 =	simm.s32 @!p0 $0x0  }
0x16: {  	[smem:$0x7B0] =	sst s1;
	s4 =	simm.s32 @p0 $0x1;
	p0 =	seq.s32 s21, s20  }
0x17: {  	s29 =	sshrl.u32 s6, $0x5;
	s8 =	sshrl.u32 s0, $0x1;
	s7 =	simm.s32 @!p0 $0x0  }
0x18: {  	s0 =	ssub.s32 s0, s8;
	s7 =	simm.s32 @p0 $0x1;
	p0 =	seq.s32 s24, s21  }
0x19: {  	s15 =	sadd.s32 $0x17, s5;
	[smem:$0x7B6] =	sst s7;
	s7 =	simm.s32 @!p0 $0x0  }
0x1a: {  	[smem:$0x7FD] =	sst s0;
	s7 =	simm.s32 @p0 $0x1;
	p0 =	seq.s32 s25, s24  }
0x1b: {  	s0 =	sshrl.u32 s2, $0x3;
	s19 =	sadd.s32 $0x16, s5;
	s20 =	simm.s32 @!p0 $0x0  }
0x1c: {  	[smem:$0x7B5] =	sst s4;
	s20 =	simm.s32 @p0 $0x1;
	p0 =	seq.s32 s28, s25  }
0x1d: {  	s4 =	sadd.s32 $0xF, s5;
	[smem:$0x7B8] =	sst s20;
	s20 =	simm.s32 @!p0 $0x0  }
0x1e: {  	s30 =	sshrl.u32 s4, $0x5;
	s20 =	simm.s32 @p0 $0x1;
	p0 =	seq.s32 s31, s28  }
0x1f: {  	s21 =	sadd.s32 $0x10, s5;
	[smem:$0x7B7] =	sst s7;
	s7 =	simm.s32 @!p0 $0x0  }
0x20: {  	[smem:$0x7C2] =	sst s21;
	s7 =	simm.s32 @p0 $0x1;
	p0 =	seq.s32 s26, s31  }
0x21: {  	s24 =	sshrl.u32 s21, $0x5;
	s21 =	sadd.s32 $0x15, s5;
	s1 =	simm.s32 @!p0 $0x0  }
0x22: {  	s25 =	sshrl.u32 s22, $0x5;
	s1 =	simm.s32 @p0 $0x1;
	p0 =	seq.s32 s29, s26  }
0x23: {  	s28 =	sadd.s32 $0x13, s5;
	[smem:$0x7BB] =	sst s1;
	s1 =	simm.s32 @!p0 $0x0  }
0x24: {  	[smem:$0x7B9] =	sst s20;
	s1 =	simm.s32 @p0 $0x1;
	p0 =	seq.s32 s30, s29  }
0x25: {  	s20 =	sshrl.u32 s19, $0x5;
	[smem:$0x7BA] =	sst s7;
	s7 =	simm.s32 @!p0 $0x0  }
0x26: {  	s31 =	sadd.s32 $0x12, s5;
	s7 =	simm.s32 @p0 $0x1;
	p0 =	seq.s32 s24, s30  }
0x27: {  	s26 =	sshrl.u32 s31, $0x5;
	[smem:$0x7BD] =	sst s7;
	s7 =	simm.s32 @!p0 $0x0  }
0x28: {  	[smem:$0x7BC] =	sst s1;
	s7 =	simm.s32 @p0 $0x1;
	p0 =	seq.s32 s25, s24  }
0x29: {  	s29 =	sshrl.u32 s28, $0x5;
	[smem:$0x7BE] =	sst s7;
	s7 =	simm.s32 @!p0 $0x0  }
0x2a: {  	s24 =	sadd.s32 $0x14, s5;
	s7 =	simm.s32 @p0 $0x1;
	p0 =	seq.s32 s26, s25  }
0x2b: {  	s30 =	sshrl.u32 s24, $0x5;
	[smem:$0x7BF] =	sst s7;
	s7 =	simm.s32 @!p0 $0x0  }
0x2c: {  	p4 =	seq.s32 s30, s29;
	s7 =	simm.s32 @p0 $0x1;
	p0 =	seq.s32 s29, s26  }
0x2d: {  	s26 =	sadd.s32 $0x18, s5;
	s29 =	sshrl.u32 s15, $0x5;
	[smem:$0x7C0] =	sst s7  }
0x2e: {  	s1 =	simm.s32 @!p0 $0x0;
	s7 =	sshrl.u32 s21, $0x5;
	[smem:$0x7C4] =	sst s26  }
0x2f: {  	s25 =	sshrl.u32 s26, $0x5;
	s1 =	simm.s32 @p0 $0x1;
	p5 =	seq.s32 s7, s30  }
0x30: {  	p6 =	seq.s32 s20, s7;
	p0 =	seq.s32 s29, s20;
	p1 =	seq.s32 s25, s29  }
0x31: {  	s30 =	sshll.u32 s5, $0x4;
	s7 =	sshrl.u32 s5, $0x1;
	s20 =	sadd.s32 $0x19, s5  }
0x32: {  	s29 =	sand.u32 $0x3000, s30;
	s30 =	sand.u32 $0x70, s7;
	s7 =	rddreg [dreg:$0x1]  }
0x33: {  	[smem:$0x7C1] =	sst s1;
	s26 =	sshrl.u32 s20, $0x5;
	s30 =	sadd.s32 s7, s30  }
0x34: {  	p2 =	seq.s32 s26, s25;
	s26 =	sshll.u32 s2, $0x7;
	s25 =	sadd.s32 s29, s30  }
0x35: {  	s29 =	sshrl.u32 s2, $0x1;
	s2 =	sshll.u32 s2, $0x4;
	s30 =	smul.u32 $0xC3800, s0  }
0x36: {  	s1 =	sand.u32 $0x300, s26;
	s0 =	sshll.u32 s0, $0xF;
	s26 =	sshrl.u32 s3, $0x1  }
0x37: {  	[dreg:$0x4] =	wrdreg s25;
	s25 =	sand.u32 $0x70, s29;
	s2 =	sand.u32 $0x7000, s2  }
0x38: {  	s0 =	sor.u32 s1, s0;
	s29 =	sshll.u32 s3, $0x7;
	s25 =	sadd.s32 s7, s25  }
0x39: {  	s8 =	sor.u32 s1, s30;
	[smem:$0x7E6] =	sst s0;
	s1 =	sand.u32 $0x70, s26  }
0x3a: {  	s26 =	sshrl.u32 s18, $0x3;
	s2 =	sadd.s32 s2, s25;
	[smem:$0x7C5] =	sst s8  }
0x3b: {  	s25 =	sshrl.u32 s3, $0x3;
	s3 =	sshll.u32 s3, $0x4;
	s1 =	sadd.s32 s7, s1  }
0x3c: {  	s8 =	sand.u32 $0x380, s29;
	[dreg:$0x5] =	wrdreg s2;
	s3 =	sand.u32 $0x7000, s3  }
0x3d: {  	s30 =	smul.u32 $0xC3800, s25;
	s0 =	sshll.u32 s25, $0xF;
	s1 =	sadd.s32 s3, s1  }
0x3e: {  	s29 =	sshrl.u32 s18, $0x1;
	s0 =	sor.u32 s8, s0;
	[dreg:$0x6] =	wrdreg s1  }
0x3f: {  	s25 =	sshll.u32 s18, $0x7;
	s2 =	sor.u32 s8, s30;
	[smem:$0x7E8] =	sst s0  }
0x40: {  	s0 =	sand.u32 $0x300, s25;
	s30 =	sshll.u32 s18, $0x4;
	s8 =	smul.u32 $0xC3800, s26  }
0x41: {  	s1 =	sshll.u32 s26, $0xF;
	s25 =	sshrl.u32 s17, $0x3;
	s26 =	sshll.u32 s17, $0x7  }
0x42: {  	[smem:$0x7C6] =	sst s2;
	s2 =	sand.u32 $0x70, s29;
	s3 =	sand.u32 $0x7000, s30  }
0x43: {  	s29 =	sshrl.u32 s17, $0x1;
	s30 =	sshll.u32 s17, $0x4;
	s2 =	sadd.s32 s7, s2  }
0x44: {  	s18 =	sor.u32 s0, s8;
	s0 =	sor.u32 s0, s1;
	s8 =	smul.u32 $0xC3800, s25  }
0x45: {  	s1 =	sand.u32 $0x380, s26;
	s26 =	sshll.u32 s14, $0x4;
	[smem:$0x7C8] =	sst s18  }
0x46: {  	s2 =	sadd.s32 s3, s2;
	[smem:$0x7E9] =	sst s0;
	s3 =	sand.u32 $0x7000, s30  }
0x47: {  	s0 =	sshll.u32 s25, $0xF;
	s18 =	sshrl.u32 s14, $0x1;
	s25 =	sshll.u32 s14, $0x7  }
0x48: {  	[dreg:$0x7] =	wrdreg s2;
	s2 =	sand.u32 $0x70, s29;
	s17 =	sor.u32 s1, s8  }
0x49: {  	s0 =	sor.u32 s1, s0;
	s1 =	sand.u32 $0x70, s18;
	s30 =	sand.u32 $0x300, s25  }
0x4a: {  	s8 =	sshrl.u32 s13, $0x1;
	s25 =	sshll.u32 s13, $0x7;
	[smem:$0x7C9] =	sst s17  }
0x4b: {  	s2 =	sadd.s32 s7, s2;
	[smem:$0x7EC] =	sst s0;
	s0 =	sshrl.u32 s14, $0x3  }
0x4c: {  	s1 =	sadd.s32 s7, s1;
	s17 =	sshll.u32 s13, $0x4;
	s2 =	sadd.s32 s3, s2  }
0x4d: {  	s3 =	sand.u32 $0x7000, s26;
	s29 =	smul.u32 $0xC3800, s0;
	s0 =	sshll.u32 s0, $0xF  }
0x4e: {  	s26 =	sshrl.u32 s13, $0x3;
	[dreg:$0x8] =	wrdreg s2;
	s1 =	sadd.s32 s3, s1  }
0x4f: {  	s2 =	sand.u32 $0x70, s8;
	s3 =	sand.u32 $0x7000, s17;
	s0 =	sor.u32 s30, s0  }
0x50: {  	s8 =	sshll.u32 s23, $0x4;
	s17 =	sshrl.u32 s12, $0x3;
	[dreg:$0x9] =	wrdreg s1  }
0x51: {  	s14 =	sor.u32 s30, s29;
	s2 =	sadd.s32 s7, s2;
	[smem:$0x7EE] =	sst s0  }
0x52: {  	s0 =	sand.u32 $0x380, s25;
	s29 =	sshrl.u32 s23, $0x1;
	s30 =	smul.u32 $0xC3800, s26  }
0x53: {  	s1 =	sshll.u32 s26, $0xF;
	s13 =	sand.u32 $0x7000, s8;
	s23 =	sshrl.u32 s12, $0x1  }
0x54: {  	s25 =	sshll.u32 s12, $0x4;
	s26 =	smul.u32 $0xC3800, s17;
	s8 =	sshrl.u32 s10, $0x1  }
0x55: {  	[smem:$0x7CC] =	sst s14;
	s18 =	sadd.s32 s3, s2;
	s2 =	sand.u32 $0x70, s29  }
0x56: {  	[dreg:$0xa] =	wrdreg s18;
	s2 =	sadd.s32 s7, s2;
	s3 =	sor.u32 s0, s30  }
0x57: {  	s0 =	sor.u32 s0, s1;
	s18 =	sshll.u32 s12, $0x7;
	[smem:$0x7CD] =	sst s3  }
0x58: {  	s30 =	sshrl.u32 s10, $0x3;
	s12 =	sshll.u32 s10, $0x7;
	[smem:$0x7EF] =	sst s0  }
0x59: {  	s14 =	sadd.s32 s13, s2;
	s2 =	sand.u32 $0x70, s23;
	s1 =	sand.u32 $0x380, s18  }
0x5a: {  	s3 =	sand.u32 $0x7000, s25;
	s0 =	sshll.u32 s17, $0xF;
	s13 =	sshll.u32 s10, $0x4  }
0x5b: {  	s17 =	sand.u32 $0x300, s12;
	s18 =	sshll.u32 s9, $0x7;
	s23 =	sshrl.u32 s9, $0x3  }
0x5c: {  	s25 =	sshrl.u32 s9, $0x1;
	s10 =	sshll.u32 s16, $0x7;
	s12 =	sshrl.u32 s16, $0x1  }
0x5d: {  	[dreg:$0xb] =	wrdreg s14;
	s2 =	sadd.s32 s7, s2;
	s29 =	sor.u32 s1, s26  }
0x5e: {  	s0 =	sor.u32 s1, s0;
	s1 =	sand.u32 $0x70, s8;
	s14 =	smul.u32 $0xC3800, s30  }
0x5f: {  	s26 =	sshll.u32 s9, $0x4;
	s8 =	sshrl.u32 s16, $0x3;
	[smem:$0x7D1] =	sst s29  }
0x60: {  	s9 =	sshll.u32 s6, $0x7;
	s2 =	sadd.s32 s3, s2;
	[smem:$0x7F3] =	sst s0  }
0x61: {  	s3 =	sand.u32 $0x7000, s13;
	s1 =	sadd.s32 s7, s1;
	s0 =	sshll.u32 s30, $0xF  }
0x62: {  	s29 =	smul.u32 $0xC3800, s23;
	s13 =	sshll.u32 s16, $0x4;
	s16 =	sshrl.u32 s11, $0x3  }
0x63: {  	[dreg:$0xc] =	wrdreg s2;
	s1 =	sadd.s32 s3, s1;
	s30 =	sor.u32 s17, s14  }
0x64: {  	s0 =	sor.u32 s17, s0;
	s2 =	sand.u32 $0x70, s25;
	s3 =	sand.u32 $0x7000, s26  }
0x65: {  	s14 =	smul.u32 $0xC3800, s8;
	s17 =	sshrl.u32 s11, $0x1;
	[dreg:$0xd] =	wrdreg s1  }
0x66: {  	s26 =	smul.u32 $0xC3800, s16;
	[smem:$0x7F4] =	sst s0;
	s0 =	sand.u32 $0x380, s18  }
0x67: {  	s2 =	sadd.s32 s7, s2;
	s1 =	sshll.u32 s23, $0xF;
	s18 =	sshll.u32 s11, $0x7  }
0x68: {  	s23 =	sshll.u32 s11, $0x4;
	s11 =	sshrl.u32 s6, $0x1;
	s2 =	sadd.s32 s3, s2  }
0x69: {  	s29 =	sor.u32 s0, s29;
	s0 =	sor.u32 s0, s1;
	s1 =	sand.u32 $0x300, s10  }
0x6a: {  	s3 =	sand.u32 $0x7000, s13;
	s10 =	sshrl.u32 s6, $0x3;
	[dreg:$0xe] =	wrdreg s2  }
0x6b: {  	[smem:$0x7F6] =	sst s0;
	s2 =	sand.u32 $0x70, s12;
	s25 =	sor.u32 s1, s14  }
0x6c: {  	s0 =	sshll.u32 s8, $0xF;
	s8 =	sand.u32 $0x380, s18;
	s12 =	sshll.u32 s6, $0x4  }
0x6d: {  	s13 =	smul.u32 $0xC3800, s10;
	s14 =	sshrl.u32 s4, $0x3;
	s6 =	sshrl.u32 s31, $0x1  }
0x6e: {  	s2 =	sadd.s32 s7, s2;
	s0 =	sor.u32 s1, s0;
	s1 =	sand.u32 $0x70, s17  }
0x6f: {  	s18 =	sor.u32 s8, s26;
	s26 =	sshll.u32 s4, $0x4;
	s2 =	sadd.s32 s3, s2  }
0x70: {  	[smem:$0x7F7] =	sst s0;
	s3 =	sand.u32 $0x7000, s23;
	s1 =	sadd.s32 s7, s1  }
0x71: {  	s0 =	sshll.u32 s16, $0xF;
	s16 =	sshll.u32 s4, $0x7;
	s23 =	sshrl.u32 s4, $0x1  }
0x72: {  	s4 =	smul.u32 $0xC3800, s14;
	[dreg:$0xf] =	wrdreg s2;
	s1 =	sadd.s32 s3, s1  }
0x73: {  	s0 =	sor.u32 s8, s0;
	s2 =	sand.u32 $0x70, s11;
	[dreg:$0x10] =	wrdreg s1  }
0x74: {  	s3 =	sand.u32 $0x7000, s12;
	s12 =	sshrl.u32 s22, $0x3;
	[smem:$0x7F8] =	sst s0  }
0x75: {  	s0 =	sand.u32 $0x300, s9;
	s2 =	sadd.s32 s7, s2;
	s1 =	sshll.u32 s10, $0xF  }
0x76: {  	s2 =	sadd.s32 s3, s2;
	s17 =	sor.u32 s0, s13;
	s0 =	sor.u32 s0, s1  }
0x77: {  	s1 =	sand.u32 $0x380, s16;
	s3 =	sand.u32 $0x7000, s26;
	[dreg:$0x11] =	wrdreg s2  }
0x78: {  	s13 =	sshrl.u32 s22, $0x1;
	s26 =	smul.u32 $0xC3800, s12;
	[smem:$0x7F9] =	sst s0  }
0x79: {  	s2 =	sand.u32 $0x70, s23;
	s16 =	sor.u32 s1, s4;
	s23 =	sld [smem:$0x7C2]  }
0x7a: {  	s0 =	sshll.u32 s14, $0xF;
	s14 =	sshll.u32 s22, $0x7;
	s22 =	sshll.u32 s22, $0x4  }
0x7b: {  	s4 =	sshrl.u32 s31, $0x3;
	s2 =	sadd.s32 s7, s2;
	s0 =	sor.u32 s1, s0  }
0x7c: {  	s1 =	sand.u32 $0x70, s13;
	s13 =	sshll.u32 s28, $0x4;
	s2 =	sadd.s32 s3, s2  }
0x7d: {  	[smem:$0x7FA] =	sst s0;
	s3 =	sand.u32 $0x7000, s22;
	s1 =	sadd.s32 s7, s1  }
0x7e: {  	[dreg:$0x12] =	wrdreg s2;
	s8 =	sshrl.u32 s23, $0x1;
	s9 =	sshll.u32 s23, $0x4  }
0x7f: {  	s1 =	sadd.s32 s3, s1;
	s3 =	sshll.u32 s31, $0x7;
	s2 =	sand.u32 $0x70, s8  }
0x80: {  	s10 =	sand.u32 $0x7000, s9;
	[dreg:$0x14] =	wrdreg s1;
	s8 =	sshll.u32 s31, $0x4  }
0x81: {  	s9 =	smul.u32 $0xC3800, s4;
	s1 =	sshll.u32 s4, $0xF;
	s11 =	sadd.s32 s7, s2  }
0x82: {  	s4 =	sshll.u32 s24, $0x7;
	s2 =	sand.u32 $0x380, s14;
	s0 =	sadd.s32 s10, s11  }
0x83: {  	s14 =	sor.u32 s2, s26;
	s10 =	sshrl.u32 s28, $0x3;
	s11 =	sshll.u32 s28, $0x7  }
0x84: {  	s26 =	sshrl.u32 s24, $0x3;
	[dreg:$0x13] =	wrdreg s0;
	s0 =	sshll.u32 s12, $0xF  }
0x85: {  	s12 =	sshrl.u32 s28, $0x1;
	s22 =	smul.u32 $0xC3800, s10;
	s0 =	sor.u32 s2, s0  }
0x86: {  	s2 =	sand.u32 $0x70, s6;
	s6 =	sshll.u32 s24, $0x4;
	[smem:$0x7FB] =	sst s0  }
0x87: {  	s0 =	sand.u32 $0x300, s3;
	s3 =	sand.u32 $0x7000, s8;
	s2 =	sadd.s32 s7, s2  }
0x88: {  	s8 =	smul.u32 $0xC3800, s26;
	s2 =	sadd.s32 s3, s2;
	s31 =	sor.u32 s0, s9  }
0x89: {  	s0 =	sor.u32 s0, s1;
	s1 =	sand.u32 $0x380, s11;
	[dreg:$0x15] =	wrdreg s2  }
0x8a: {  	s3 =	sand.u32 $0x7000, s13;
	s9 =	sand.u32 $0x300, s4;
	[smem:$0x7FC] =	sst s0  }
0x8b: {  	s2 =	sand.u32 $0x70, s12;
	s13 =	sor.u32 s1, s22;
	s0 =	sshll.u32 s10, $0xF  }
0x8c: {  	s11 =	sor.u32 s9, s8;
	s10 =	sshll.u32 s21, $0x7;
	s12 =	sshrl.u32 s21, $0x3  }
0x8d: {  	s22 =	sshrl.u32 s21, $0x1;
	s8 =	sshrl.u32 s19, $0x3;
	s2 =	sadd.s32 s7, s2  }
0x8e: {  	s28 =	sor.u32 s1, s0;
	s0 =	sshll.u32 s26, $0xF;
	s26 =	sshll.u32 s21, $0x4  }
0x8f: {  	s4 =	smul.u32 $0xC3800, s12;
	s2 =	sadd.s32 s3, s2;
	s3 =	sshrl.u32 s24, $0x1  }
0x90: {  	s24 =	sor.u32 s9, s0;
	s0 =	sand.u32 $0x380, s10;
	s9 =	sshll.u32 s19, $0x7  }
0x91: {  	[dreg:$0x16] =	wrdreg s2;
	s1 =	sand.u32 $0x70, s3;
	s3 =	sand.u32 $0x7000, s6  }
0x92: {  	s2 =	sand.u32 $0x70, s22;
	s10 =	sor.u32 s0, s4;
	s22 =	sshll.u32 s19, $0x4  }
0x93: {  	s4 =	sand.u32 $0x300, s9;
	s1 =	sadd.s32 s7, s1;
	s2 =	sadd.s32 s7, s2  }
0x94: {  	s6 =	sand.u32 $0x7000, s22;
	s22 =	sshll.u32 s15, $0x7;
	s1 =	sadd.s32 s3, s1  }
0x95: {  	s3 =	sand.u32 $0x7000, s26;
	s26 =	smul.u32 $0xC3800, s8;
	[dreg:$0x17] =	wrdreg s1  }
0x96: {  	s1 =	sshll.u32 s12, $0xF;
	s2 =	sadd.s32 s3, s2;
	s12 =	sshrl.u32 s19, $0x1  }
0x97: {  	[dreg:$0x18] =	wrdreg s2;
	s21 =	sor.u32 s0, s1;
	s2 =	sand.u32 $0x70, s12  }
0x98: {  	s9 =	sor.u32 s4, s26;
	s0 =	sshll.u32 s8, $0xF;
	s8 =	sshrl.u32 s15, $0x3  }
0x99: {  	s12 =	sshrl.u32 s15, $0x1;
	s15 =	sshll.u32 s15, $0x4;
	s2 =	sadd.s32 s7, s2  }
0x9a: {  	s19 =	sor.u32 s4, s0;
	s26 =	smul.u32 $0xC3800, s8;
	s0 =	sshll.u32 s8, $0xF  }
0x9b: {  	s8 =	sld [smem:$0x7C3];
	s1 =	sadd.s32 s6, s2;
	s2 =	sand.u32 $0x70, s12  }
0x9c: {  	s15 =	sand.u32 $0x7000, s15;
	s2 =	sadd.s32 s7, s2  }
0x9d: {  	s6 =	sand.u32 $0x380, s22;
	s4 =	sadd.s32 s15, s2  }
0x9e: {  	s15 =	sor.u32 s6, s0;
	s0 =	sshll.u32 s8, $0x8;
	s8 =	sld [smem:$0x7C4]  }
0x9f: {  	_ = 	snop  }
0xa0: {  	[dreg:$0x19] =	wrdreg s1  }
0xa1: {  	s12 =	sor.u32 s6, s26;
	s26 =	sshrl.u32 s5, $0x3;
	s22 =	sshrl.u32 s8, $0x1  }
0xa2: {  	s5 =	sand.u32 $0x300, s0;
	s3 =	sshll.u32 s8, $0x4;
	s0 =	sand.u32 $0x70, s22  }
0xa3: {  	[dreg:$0x1a] =	wrdreg s4;
	s4 =	sand.u32 $0x7000, s3;
	s1 =	sadd.s32 s7, s0  }
0xa4: {  	s22 =	smul.u32 $0xC3800, s26;
	s0 =	sadd.s32 s4, s1  }
0xa5: {  	s6 =	sor.u32 $0x80, s5;
	[dreg:$0x1b] =	wrdreg s0  }
0xa6: {  	s3 =	sor.u32 s6, s22;
	s0 =	rddreg [dreg:$0x0]  }
0xa7: {  	s2 =	sor.u32 s5, s22;
	s1 =	sshrl.u32 s3, $0x3;
	s3 =	sld [smem:$0x7C5]  }
0xa8: {  	s4 =	sshrl.u32 s2, $0x3;
	s2 =	sld [smem:$0x7C8]  }
0xa9: {  	s22 =	sadd.s32 s0, s4;
	s4 =	sld [smem:$0x7C6]  }
0xaa: {  	s1 =	sadd.s32 s0, s1;
	[dreg:$0x1c] =	wrdreg s22  }
0xab: {  	[dreg:$0x1d] =	wrdreg s1  }
0xac: {  	s1 =	sshrl.u32 s3, $0x3;
	s3 =	sshrl.u32 s4, $0x3;
	s4 =	sld [smem:$0x7C9]  }
0xad: {  	s22 =	sld [smem:$0x7C7];
	s1 =	sadd.s32 s0, s1  }
0xae: {  	[dreg:$0x1e] =	wrdreg s1;
	s3 =	sadd.s32 s0, s3  }
0xaf: {  	s1 =	sshrl.u32 s2, $0x3;
	[dreg:$0x1f] =	wrdreg s3;
	s2 =	sshrl.u32 s4, $0x3  }
0xb0: {  	s3 =	sadd.s32 s0, s2;
	s2 =	sld [smem:$0x7CC]  }
0xb1: {  	s9 =	sshrl.u32 s9, $0x3;
	[smem:$0x7CB] =	sst s3  }
0xb2: {  	s9 =	sadd.s32 s0, s9;
	s22 =	sshrl.u32 s22, $0x3;
	s3 =	sld [smem:$0x7CD]  }
0xb3: {  	[smem:$0x7DF] =	sst s9;
	s1 =	sadd.s32 s0, s1;
	s4 =	smul.u32 $0xC3800, s22  }
0xb4: {  	[smem:$0x7CA] =	sst s1  }
0xb5: {  	s4 =	sor.u32 s5, s4;
	s1 =	sshrl.u32 s2, $0x3;
	s2 =	sshrl.u32 s3, $0x3  }
0xb6: {  	s1 =	sadd.s32 s0, s1;
	s3 =	sshrl.u32 s4, $0x3;
	s4 =	sld [smem:$0x7D1]  }
0xb7: {  	[smem:$0x7CE] =	sst s1;
	s2 =	sadd.s32 s0, s2  }
0xb8: {  	s30 =	sshrl.u32 s30, $0x3;
	s1 =	sadd.s32 s0, s3;
	[smem:$0x7CF] =	sst s2  }
0xb9: {  	s3 =	sadd.s32 s0, s30;
	s30 =	sshrl.u32 s18, $0x3;
	[smem:$0x7D0] =	sst s1  }
0xba: {  	[smem:$0x7D3] =	sst s3;
	s3 =	sshrl.u32 s17, $0x3;
	s1 =	sshrl.u32 s4, $0x3  }
0xbb: {  	s17 =	sshrl.u32 s16, $0x3;
	s4 =	sshrl.u32 s29, $0x3;
	s1 =	sadd.s32 s0, s1  }
0xbc: {  	s2 =	sadd.s32 s0, s4;
	[smem:$0x7D2] =	sst s1;
	s1 =	sshrl.u32 s23, $0x3  }
0xbd: {  	s23 =	sshrl.u32 s25, $0x3;
	[smem:$0x7D4] =	sst s2;
	s2 =	sadd.s32 s0, s30  }
0xbe: {  	s25 =	smul.u32 $0xC3800, s1;
	s29 =	sadd.s32 s0, s23;
	[smem:$0x7D6] =	sst s2  }
0xbf: {  	s2 =	sadd.s32 s0, s3;
	s23 =	sshrl.u32 s14, $0x3;
	[smem:$0x7D5] =	sst s29  }
0xc0: {  	s14 =	sshll.u32 s20, $0x7;
	s1 =	sshll.u32 s1, $0xF;
	[smem:$0x7D7] =	sst s2  }
0xc1: {  	s2 =	sadd.s32 s0, s17;
	s29 =	sshrl.u32 s13, $0x3;
	s13 =	sshrl.u32 s20, $0x3  }
0xc2: {  	s17 =	sand.u32 $0x380, s14;
	s4 =	sor.u32 s5, s25;
	[smem:$0x7D8] =	sst s2  }
0xc3: {  	s2 =	sadd.s32 s0, s23;
	s25 =	sshrl.u32 s31, $0x3;
	s30 =	sadd.s32 s0, s29  }
0xc4: {  	s31 =	sshrl.u32 s11, $0x3;
	s16 =	smul.u32 $0xC3800, s13;
	s29 =	sshrl.u32 s20, $0x1  }
0xc5: {  	s3 =	sshrl.u32 s4, $0x3;
	[smem:$0x7DA] =	sst s2;
	s2 =	sadd.s32 s0, s25  }
0xc6: {  	[smem:$0x7DC] =	sst s30;
	s4 =	sshrl.u32 s8, $0x3;
	s30 =	sand.u32 $0x70, s29  }
0xc7: {  	s18 =	sadd.s32 s0, s3;
	[smem:$0x7DB] =	sst s2;
	s2 =	sadd.s32 s0, s31  }
0xc8: {  	s3 =	sshrl.u32 s10, $0x3;
	s10 =	sor.u32 s17, s16;
	[smem:$0x7D9] =	sst s18  }
0xc9: {  	s31 =	sshll.u32 s20, $0x4;
	s20 =	simm.s32 $0x0;
	[smem:$0x7DD] =	sst s2  }
0xca: {  	s11 =	smul.u32 $0xC3800, s4;
	s23 =	sshrl.u32 s10, $0x3;
	[smem:$0x7FF] =	sst s20  }
0xcb: {  	s10 =	sor.u32 s5, s1;
	s1 =	sadd.s32 s7, s30;
	s7 =	sld [smem:$0x7E8]  }
0xcc: {  	s2 =	sadd.s32 s0, s3;
	s18 =	sshrl.u32 s12, $0x3;
	s12 =	sld [smem:$0x7EE]  }
0xcd: {  	s3 =	sshll.u32 s4, $0xF;
	s4 =	sshll.u32 s13, $0xF;
	s13 =	sld [smem:$0x7EF]  }
0xce: {  	s25 =	sshll.u32 s26, $0xF;
	s30 =	sld [smem:$0x7F7]  }
0xcf: {  	s6 =	sor.u32 s6, s25;
	[smem:$0x7DE] =	sst s2  }
0xd0: {  	s17 =	sor.u32 s17, s4;
	s4 =	sshrl.u32 s6, $0x3;
	s6 =	sld [smem:$0x7E6]  }
0xd1: {  	s2 =	sor.u32 s5, s11;
	s8 =	sadd.s32 s0, s18;
	s11 =	sld [smem:$0x7EC]  }
0xd2: {  	s16 =	sor.u32 s5, s3;
	s3 =	sand.u32 $0x7000, s31;
	[smem:$0x7E0] =	sst s8  }
0xd3: {  	s1 =	sadd.s32 s3, s1;
	s3 =	rddreg [dreg:$0x2]  }
0xd4: {  	s8 =	sld [smem:$0x7E9]  }
0xd5: {  	s2 =	sshrl.u32 s2, $0x3;
	[smem:$0x7E3] =	sst s1  }
0xd6: {  	s2 =	sadd.s32 s0, s2;
	s0 =	sadd.s32 s0, s23;
	s23 =	sld [smem:$0x7F3]  }
0xd7: {  	[smem:$0x7E1] =	sst s2  }
0xd8: {  	[smem:$0x7E2] =	sst s0  }
0xd9: {  	s26 =	sshll.u32 s22, $0xF;
	s0 =	sor.u32 s5, s25;
	s25 =	sld [smem:$0x7F4]  }
0xda: {  	s18 =	sadd.s32 $0x1C00, s3;
	s2 =	sor.u32 s5, s26;
	s26 =	sld [smem:$0x7F6]  }
0xdb: {  	s10 =	sshrl.u32 s10, $0x3;
	s5 =	sadd.s32 s18, s4;
	s4 =	sld [smem:$0x7F8]  }
0xdc: {  	s31 =	sshrl.u32 s30, $0x3;
	s0 =	sshrl.u32 s0, $0x3;
	[smem:$0x7E5] =	sst s5  }
0xdd: {  	s1 =	sshrl.u32 s8, $0x3;
	s8 =	sld [smem:$0x7FA];
	s0 =	sadd.s32 s18, s0  }
0xde: {  	s9 =	sadd.s32 s18, s1;
	s1 =	sshrl.u32 s13, $0x3;
	s13 =	sld [smem:$0x7FC]  }
0xdf: {  	s30 =	sshrl.u32 s17, $0x3;
	s3 =	sadd.s32 s18, s31;
	[smem:$0x7E4] =	sst s0  }
0xe0: {  	s22 =	sshrl.u32 s2, $0x3;
	s0 =	sshrl.u32 s6, $0x3;
	[smem:$0x7EB] =	sst s9  }
0xe1: {  	s14 =	sadd.s32 s18, s1;
	s1 =	sshrl.u32 s25, $0x3;
	s29 =	sshrl.u32 s26, $0x3  }
0xe2: {  	s5 =	sshrl.u32 s4, $0x3;
	s6 =	sld [smem:$0x7F9];
	s25 =	sshrl.u32 s19, $0x3  }
0xe3: {  	s26 =	sshrl.u32 s15, $0x3;
	s19 =	simm.s32 $0x400;
	s0 =	sadd.s32 s18, s0  }
0xe4: {  	[smem:$0x7F1] =	sst s14;
	s1 =	sadd.s32 s18, s1;
	s2 =	sadd.s32 s18, s29  }
0xe5: {  	s4 =	sadd.s32 s18, s5;
	s9 =	sshrl.u32 s8, $0x3;
	s29 =	sshrl.u32 s16, $0x3  }
0xe6: {  	s16 =	sadd.s32 s18, s30;
	[smem:$0x7E7] =	sst s0;
	s0 =	sshrl.u32 s7, $0x3  }
0xe7: {  	s14 =	sshrl.u32 s13, $0x3;
	s13 =	sadd.s32 s18, s25;
	s0 =	sadd.s32 s18, s0  }
0xe8: {  	s15 =	sadd.s32 s18, s29;
	[smem:$0x7EA] =	sst s0;
	s0 =	sshrl.u32 s11, $0x3  }
0xe9: {  	s25 =	simm.s32 $0x2;
	s7 =	sshrl.u32 s6, $0x3;
	s0 =	sadd.s32 s18, s0  }
0xea: {  	s6 =	sadd.s32 s18, s9;
	[smem:$0x7ED] =	sst s0;
	s0 =	sshrl.u32 s12, $0x3  }
0xeb: {  	s9 =	sadd.s32 s18, s14;
	s11 =	sld [smem:$0x7FB];
	s0 =	sadd.s32 s18, s0  }
0xec: {  	s14 =	sadd.s32 s18, s26;
	[smem:$0x7F0] =	sst s0;
	s0 =	sadd.s32 s18, s22  }
0xed: {  	s26 =	simm.s32 $0x3;
	[smem:$0x7F2] =	sst s0;
	s0 =	sshrl.u32 s23, $0x3  }
0xee: {  	s5 =	sadd.s32 s18, s7;
	s12 =	sshrl.u32 s11, $0x3;
	s0 =	sadd.s32 s18, s0  }
0xef: {  	s7 =	sadd.s32 s18, s10;
	s8 =	sadd.s32 s18, s12;
	[smem:$0x7F5] =	sst s0  }
0xf0: {  	s22 =	sshrl.u32 s28, $0x3;
	s28 =	simm.s32 $0x0;
	_ =	strace $0x80000047  }
0xf1: {  	s10 =	sadd.s32 s18, s22;
	s23 =	sshrl.u32 s24, $0x3;
	s31 =	sld [smem:$0x7FD]  }
0xf2: {  	s24 =	sshrl.u32 s21, $0x3;
	s21 =	simm.s32 $0x4;
	s22 =	simm.s32 $0x1  }
0xf3: {  	s11 =	sadd.s32 s18, s23;
	s12 =	sadd.s32 s18, s24;
	s18 =	simm.s32 $0x80  }
0xf4: {  	s23 =	simm.s32 $0x19700;
	s24 =	simm.s32 $0x1A700;
	s17 =	smax.u32 s31, $0x1  }
.LBB2_1:
0xf5: {  	s29 =	rddreg [dreg:$0x4];
	s0 =	simm.s32 $0x18700  }
0xf6: {  	[tilespmem:s0], [sflag:$0x4] =	stream.strided.gather [hbm4b:s29+s18], $0x1000, s19, s18, $0x38;
	[tilespmem:$0x1B700] =	vst v63  }
0xf7: {  	_ =	swait.ge [sflag:s21], $0x1000  }
0xf8: {  	[sflag:s21] =	ssyncset.done $0x0  }
0xf9: {  	s0 =	rddreg [dreg:$0x1c];
	[sflag:s21] =	ssyncadd.s32 $0xFFFFF000  }
0xfa: {  	[tilespmem:s20], [sflag:$0x1] =	stream.strided.gather [hbm4b:s0+s18], $0x18700, s19, s18, $0x38;
	[tilespmem:$0x1B700] =	vst v63  }
0xfb: {  	_ =	swait.ge [sflag:s22], $0x18700  }
0xfc: {  	[sflag:s22] =	ssyncset.done $0x0  }
0xfd: {  	s29 =	simm.s32 $0x0;
	[sflag:s22] =	ssyncadd.s32 $0xFFFE7900  }
0xfe: {  	v0 =	vld [tilespmem:s29+$0x18700];
	_ =	sdelay $0x7  }
0xff: {  	s30 =	simm.s32 $0x10;
	s31 =	simm.s32 $0x80;
	v0 =	vld.idx.msk [tilespmem:v0+s20+$0x0], $0xffff  }
.LBB2_2:
0x100: {  	p3 =	sne.s32 s31, $0x3FC0;
	v1 =	vld [tilespmem:s30+$0x18700];
	_ =	sdelay $0x3  }
.Ltmp0:
0x101: {  	(pc) =	sbr.rel @p3 .LBB2_2-.Ltmp0, $2  }
0x102: {  	[tilespmem:s29+$0x19700] =	vst v0;
	s29 =	smov.u32 s30;
	_ =	sdelay $0x2  }
0x103: {  	s30 =	sshra.s32 s31, $0x2;
	s31 =	sadd.s32 $0x40, s31;
	v0 =	vld.idx.msk [tilespmem:v1+s20+$0x0], $0xffff  }
0x104: {  	v1 =	vld [tilespmem:s30+$0x18700];
	_ =	sdelay $0x6  }
0x105: {  	[tilespmem:s29+$0x19700] =	vst v0  }
0x106: {  	v0 =	vld.idx.msk [tilespmem:v1+s20+$0x0], $0xffff;
	_ =	sdelay $0x4  }
0x107: {  	s0 =	rddreg [dreg:$0x1d];
	s29 =	simm.s32 $0x0;
	[tilespmem:s30+$0x19700] =	vst v0  }
0x108: {  	[tilespmem:s29], [sflag:$0x1] =	stream.strided.gather [hbm4b:s0+s18], $0x18700, s19, s18, $0x38;
	[tilespmem:$0x1B700] =	vst v63  }
0x109: {  	s0 =	sld [smem:$0x7E4];
	_ =	sdelay $0x2  }
0x10a: {  	[hbm4b:s0+s18] =	stream.strided.scatter [tilespmem:s23], [sflag:$0x2], $0x1000, s19, s18, $0x38;
	[tilespmem:$0x1B700] =	vst v63  }
0x10b: {  	_ =	swait.ge [sflag:s22], $0x18700  }
0x10c: {  	[sflag:s22] =	ssyncset.done $0x0  }
0x10d: {  	s29 =	simm.s32 $0x0;
	[sflag:s22] =	ssyncadd.s32 $0xFFFE7900  }
0x10e: {  	v0 =	vld [tilespmem:s29+$0x18700];
	_ =	sdelay $0x7  }
0x10f: {  	s31 =	simm.s32 $0x80;
	s30 =	simm.s32 $0x10;
	v0 =	vld.idx.msk [tilespmem:v0+s20+$0x0], $0xffff  }
.LBB2_4:
0x110: {  	p3 =	sne.s32 s31, $0x3FC0;
	v1 =	vld [tilespmem:s30+$0x18700];
	_ =	sdelay $0x3  }
.Ltmp1:
0x111: {  	(pc) =	sbr.rel @p3 .LBB2_4-.Ltmp1, $2  }
0x112: {  	[tilespmem:s29+$0x1A700] =	vst v0;
	s29 =	smov.u32 s30;
	_ =	sdelay $0x2  }
0x113: {  	s30 =	sshra.s32 s31, $0x2;
	s31 =	sadd.s32 $0x40, s31;
	v0 =	vld.idx.msk [tilespmem:v1+s20+$0x0], $0xffff  }
0x114: {  	v1 =	vld [tilespmem:s30+$0x18700];
	_ =	sdelay $0x6  }
0x115: {  	[tilespmem:s29+$0x1A700] =	vst v0  }
0x116: {  	v0 =	vld.idx.msk [tilespmem:v1+s20+$0x0], $0xffff;
	_ =	sdelay $0x4  }
0x117: {  	s0 =	rddreg [dreg:$0x1e];
	[tilespmem:s30+$0x1A700] =	vst v0  }
0x118: {  	[tilespmem:s20], [sflag:$0x1] =	stream.strided.gather [hbm4b:s0+s18], $0x18700, s19, s18, $0x38;
	[tilespmem:$0x1B700] =	vst v63  }
0x119: {  	s0 =	sld [smem:$0x7E5];
	_ =	sdelay $0x2  }
0x11a: {  	[hbm4b:s0+s18] =	stream.strided.scatter [tilespmem:s24], [sflag:$0x3], $0x1000, s19, s18, $0x38;
	[tilespmem:$0x1B700] =	vst v63  }
0x11b: {  	s0 =	sld [smem:$0x7B0];
	_ =	sdelay $0x2  }
0x11c: {  	p3 =	seq.s32 s0, $0x1;
	s0 =	rddreg [dreg:$0x5]  }
0x11d: {  	s29 =	simm.s32 @!p3 $0x80;
	s30 =	simm.s32 @!p3 $0x400;
	s31 =	simm.s32 @!p3 $0x18700  }
0x11e: {  	[tilespmem:s31], [sflag:$0x4] =	stream.strided.gather @!p3 [hbm4b:s0+s29], $0x1000, s30, s29, $0x38;
	[tilespmem:$0x1B700] =	vst v63  }
0x11f: {  	s29 =	simm.s32 @!p3 $0x4  }
0x120: {  	_ =	swait.ge @!p3 [sflag:s29], $0x1000  }
0x121: {  	[sflag:s29] =	ssyncset.done @!p3 $0x0  }
0x122: {  	[sflag:s29] =	ssyncadd.s32 @!p3 $0xFFFFF000  }
0x123: {  	_ =	swait.ge [sflag:s22], $0x18700  }
0x124: {  	[sflag:s22] =	ssyncset.done $0x0  }
0x125: {  	[sflag:s22] =	ssyncadd.s32 $0xFFFE7900  }
0x126: {  	_ =	swait.ge [sflag:s25], $0x1000  }
0x127: {  	[sflag:s25] =	ssyncset.done $0x0  }
0x128: {  	s29 =	simm.s32 $0x0;
	[sflag:s25] =	ssyncadd.s32 $0xFFFFF000  }
0x129: {  	v0 =	vld [tilespmem:s29+$0x18700];
	_ =	sdelay $0x7  }
0x12a: {  	s30 =	simm.s32 $0x10;
	s31 =	simm.s32 $0x80;
	v0 =	vld.idx.msk [tilespmem:v0+s20+$0x0], $0xffff  }
.LBB2_6:
0x12b: {  	p3 =	sne.s32 s31, $0x3FC0;
	v1 =	vld [tilespmem:s30+$0x18700];
	_ =	sdelay $0x3  }
.Ltmp2:
0x12c: {  	(pc) =	sbr.rel @p3 .LBB2_6-.Ltmp2, $2  }
0x12d: {  	[tilespmem:s29+$0x19700] =	vst v0;
	s29 =	smov.u32 s30;
	_ =	sdelay $0x2  }
0x12e: {  	s30 =	sshra.s32 s31, $0x2;
	s31 =	sadd.s32 $0x40, s31;
	v0 =	vld.idx.msk [tilespmem:v1+s20+$0x0], $0xffff  }
0x12f: {  	v1 =	vld [tilespmem:s30+$0x18700];
	_ =	sdelay $0x6  }
0x130: {  	[tilespmem:s29+$0x19700] =	vst v0  }
0x131: {  	v0 =	vld.idx.msk [tilespmem:v1+s20+$0x0], $0xffff;
	_ =	sdelay $0x4  }
0x132: {  	s0 =	rddreg [dreg:$0x1f];
	[tilespmem:s30+$0x19700] =	vst v0  }
0x133: {  	[tilespmem:s20], [sflag:$0x1] =	stream.strided.gather [hbm4b:s0+s18], $0x18700, s19, s18, $0x38;
	[tilespmem:$0x1B700] =	vst v63  }
0x134: {  	s0 =	sld [smem:$0x7E7];
	_ =	sdelay $0x2  }
0x135: {  	[hbm4b:s0+s18] =	stream.strided.scatter [tilespmem:s23], [sflag:$0x2], $0x1000, s19, s18, $0x38;
	[tilespmem:$0x1B700] =	vst v63  }
0x136: {  	s0 =	sld [smem:$0x7B1];
	_ =	sdelay $0x2  }
0x137: {  	p3 =	seq.s32 s0, $0x1;
	s0 =	rddreg [dreg:$0x6]  }
0x138: {  	s29 =	simm.s32 @!p3 $0x80;
	s30 =	simm.s32 @!p3 $0x400;
	s31 =	simm.s32 @!p3 $0x18700  }
0x139: {  	[tilespmem:s31], [sflag:$0x4] =	stream.strided.gather @!p3 [hbm4b:s0+s29], $0x1000, s30, s29, $0x38;
	[tilespmem:$0x1B700] =	vst v63  }
0x13a: {  	s29 =	simm.s32 @!p3 $0x4  }
0x13b: {  	_ =	swait.ge @!p3 [sflag:s29], $0x1000  }
0x13c: {  	[sflag:s29] =	ssyncset.done @!p3 $0x0  }
0x13d: {  	[sflag:s29] =	ssyncadd.s32 @!p3 $0xFFFFF000  }
0x13e: {  	_ =	swait.ge [sflag:s22], $0x18700  }
0x13f: {  	[sflag:s22] =	ssyncset.done $0x0  }
0x140: {  	[sflag:s22] =	ssyncadd.s32 $0xFFFE7900  }
0x141: {  	_ =	swait.ge [sflag:s26], $0x1000  }
0x142: {  	[sflag:s26] =	ssyncset.done $0x0  }
0x143: {  	s29 =	simm.s32 $0x0;
	[sflag:s26] =	ssyncadd.s32 $0xFFFFF000  }
0x144: {  	v0 =	vld [tilespmem:s29+$0x18700];
	_ =	sdelay $0x7  }
0x145: {  	s30 =	simm.s32 $0x10;
	s31 =	simm.s32 $0x80;
	v0 =	vld.idx.msk [tilespmem:v0+s20+$0x0], $0xffff  }
.LBB2_8:
0x146: {  	p3 =	sne.s32 s31, $0x3FC0;
	v1 =	vld [tilespmem:s30+$0x18700];
	_ =	sdelay $0x3  }
.Ltmp3:
0x147: {  	(pc) =	sbr.rel @p3 .LBB2_8-.Ltmp3, $2  }
0x148: {  	[tilespmem:s29+$0x1A700] =	vst v0;
	s29 =	smov.u32 s30;
	_ =	sdelay $0x2  }
0x149: {  	s30 =	sshra.s32 s31, $0x2;
	s31 =	sadd.s32 $0x40, s31;
	v0 =	vld.idx.msk [tilespmem:v1+s20+$0x0], $0xffff  }
0x14a: {  	v1 =	vld [tilespmem:s30+$0x18700];
	_ =	sdelay $0x6  }
0x14b: {  	[tilespmem:s29+$0x1A700] =	vst v0  }
0x14c: {  	v0 =	vld.idx.msk [tilespmem:v1+s20+$0x0], $0xffff;
	_ =	sdelay $0x2  }
0x14d: {  	s0 =	sld [smem:$0x7CA];
	_ =	sdelay $0x1  }
0x14e: {  	[tilespmem:s30+$0x1A700] =	vst v0  }
0x14f: {  	[tilespmem:s20], [sflag:$0x1] =	stream.strided.gather [hbm4b:s0+s18], $0x18700, s19, s18, $0x38;
	[tilespmem:$0x1B700] =	vst v63  }
0x150: {  	s0 =	sld [smem:$0x7EA];
	_ =	sdelay $0x2  }
0x151: {  	[hbm4b:s0+s18] =	stream.strided.scatter [tilespmem:s24], [sflag:$0x3], $0x1000, s19, s18, $0x38;
	[tilespmem:$0x1B700] =	vst v63  }
0x152: {  	s0 =	sld [smem:$0x7B2];
	_ =	sdelay $0x2  }
0x153: {  	p3 =	seq.s32 s0, $0x1;
	s0 =	rddreg [dreg:$0x7]  }
0x154: {  	s29 =	simm.s32 @!p3 $0x80;
	s30 =	simm.s32 @!p3 $0x400;
	s31 =	simm.s32 @!p3 $0x18700  }
0x155: {  	[tilespmem:s31], [sflag:$0x4] =	stream.strided.gather @!p3 [hbm4b:s0+s29], $0x1000, s30, s29, $0x38;
	[tilespmem:$0x1B700] =	vst v63  }
0x156: {  	s29 =	simm.s32 @!p3 $0x4  }
0x157: {  	_ =	swait.ge @!p3 [sflag:s29], $0x1000  }
0x158: {  	[sflag:s29] =	ssyncset.done @!p3 $0x0  }
0x159: {  	[sflag:s29] =	ssyncadd.s32 @!p3 $0xFFFFF000  }
0x15a: {  	_ =	swait.ge [sflag:s22], $0x18700  }
0x15b: {  	[sflag:s22] =	ssyncset.done $0x0  }
0x15c: {  	[sflag:s22] =	ssyncadd.s32 $0xFFFE7900  }
0x15d: {  	_ =	swait.ge [sflag:s25], $0x1000  }
0x15e: {  	[sflag:s25] =	ssyncset.done $0x0  }
0x15f: {  	s29 =	simm.s32 $0x0;
	[sflag:s25] =	ssyncadd.s32 $0xFFFFF000  }
0x160: {  	v0 =	vld [tilespmem:s29+$0x18700];
	_ =	sdelay $0x7  }
0x161: {  	s30 =	simm.s32 $0x10;
	s31 =	simm.s32 $0x80;
	v0 =	vld.idx.msk [tilespmem:v0+s20+$0x0], $0xffff  }
.LBB2_10:
0x162: {  	p3 =	sne.s32 s31, $0x3FC0;
	v1 =	vld [tilespmem:s30+$0x18700];
	_ =	sdelay $0x3  }
.Ltmp4:
0x163: {  	(pc) =	sbr.rel @p3 .LBB2_10-.Ltmp4, $2  }
0x164: {  	[tilespmem:s29+$0x19700] =	vst v0;
	s29 =	smov.u32 s30;
	_ =	sdelay $0x2  }
0x165: {  	s30 =	sshra.s32 s31, $0x2;
	s31 =	sadd.s32 $0x40, s31;
	v0 =	vld.idx.msk [tilespmem:v1+s20+$0x0], $0xffff  }
0x166: {  	v1 =	vld [tilespmem:s30+$0x18700];
	_ =	sdelay $0x6  }
0x167: {  	[tilespmem:s29+$0x19700] =	vst v0  }
0x168: {  	v0 =	vld.idx.msk [tilespmem:v1+s20+$0x0], $0xffff;
	_ =	sdelay $0x2  }
0x169: {  	s0 =	sld [smem:$0x7CB];
	_ =	sdelay $0x1  }
0x16a: {  	[tilespmem:s30+$0x19700] =	vst v0  }
0x16b: {  	[tilespmem:s20], [sflag:$0x1] =	stream.strided.gather [hbm4b:s0+s18], $0x18700, s19, s18, $0x38;
	[tilespmem:$0x1B700] =	vst v63  }
0x16c: {  	s0 =	sld [smem:$0x7EB];
	_ =	sdelay $0x2  }
0x16d: {  	[hbm4b:s0+s18] =	stream.strided.scatter [tilespmem:s23], [sflag:$0x2], $0x1000, s19, s18, $0x38;
	[tilespmem:$0x1B700] =	vst v63  }
0x16e: {  	s0 =	sld [smem:$0x7B3];
	_ =	sdelay $0x2  }
0x16f: {  	p3 =	seq.s32 s0, $0x1;
	s0 =	rddreg [dreg:$0x8]  }
0x170: {  	s29 =	simm.s32 @!p3 $0x80;
	s30 =	simm.s32 @!p3 $0x400;
	s31 =	simm.s32 @!p3 $0x18700  }
0x171: {  	[tilespmem:s31], [sflag:$0x4] =	stream.strided.gather @!p3 [hbm4b:s0+s29], $0x1000, s30, s29, $0x38;
	[tilespmem:$0x1B700] =	vst v63  }
0x172: {  	s29 =	simm.s32 @!p3 $0x4  }
0x173: {  	_ =	swait.ge @!p3 [sflag:s29], $0x1000  }
0x174: {  	[sflag:s29] =	ssyncset.done @!p3 $0x0  }
0x175: {  	[sflag:s29] =	ssyncadd.s32 @!p3 $0xFFFFF000  }
0x176: {  	_ =	swait.ge [sflag:s22], $0x18700  }
0x177: {  	[sflag:s22] =	ssyncset.done $0x0  }
0x178: {  	[sflag:s22] =	ssyncadd.s32 $0xFFFE7900  }
0x179: {  	_ =	swait.ge [sflag:s26], $0x1000  }
0x17a: {  	[sflag:s26] =	ssyncset.done $0x0  }
0x17b: {  	s29 =	simm.s32 $0x0;
	[sflag:s26] =	ssyncadd.s32 $0xFFFFF000  }
0x17c: {  	v0 =	vld [tilespmem:s29+$0x18700];
	_ =	sdelay $0x7  }
0x17d: {  	s30 =	simm.s32 $0x10;
	s31 =	simm.s32 $0x80;
	v0 =	vld.idx.msk [tilespmem:v0+s20+$0x0], $0xffff  }
.LBB2_12:
0x17e: {  	p3 =	sne.s32 s31, $0x3FC0;
	v1 =	vld [tilespmem:s30+$0x18700];
	_ =	sdelay $0x3  }
.Ltmp5:
0x17f: {  	(pc) =	sbr.rel @p3 .LBB2_12-.Ltmp5, $2  }
0x180: {  	[tilespmem:s29+$0x1A700] =	vst v0;
	s29 =	smov.u32 s30;
	_ =	sdelay $0x2  }
0x181: {  	s30 =	sshra.s32 s31, $0x2;
	s31 =	sadd.s32 $0x40, s31;
	v0 =	vld.idx.msk [tilespmem:v1+s20+$0x0], $0xffff  }
0x182: {  	v1 =	vld [tilespmem:s30+$0x18700];
	_ =	sdelay $0x6  }
0x183: {  	[tilespmem:s29+$0x1A700] =	vst v0  }
0x184: {  	v0 =	vld.idx.msk [tilespmem:v1+s20+$0x0], $0xffff;
	_ =	sdelay $0x2  }
0x185: {  	s0 =	sld [smem:$0x7CE];
	_ =	sdelay $0x1  }
0x186: {  	[tilespmem:s30+$0x1A700] =	vst v0  }
0x187: {  	[tilespmem:s20], [sflag:$0x1] =	stream.strided.gather [hbm4b:s0+s18], $0x18700, s19, s18, $0x38;
	[tilespmem:$0x1B700] =	vst v63  }
0x188: {  	s0 =	sld [smem:$0x7ED];
	_ =	sdelay $0x2  }
0x189: {  	[hbm4b:s0+s18] =	stream.strided.scatter [tilespmem:s24], [sflag:$0x3], $0x1000, s19, s18, $0x38;
	[tilespmem:$0x1B700] =	vst v63  }
0x18a: {  	s0 =	sld [smem:$0x7B4];
	_ =	sdelay $0x2  }
0x18b: {  	p3 =	seq.s32 s0, $0x1;
	s0 =	rddreg [dreg:$0x9]  }
0x18c: {  	s29 =	simm.s32 @!p3 $0x80;
	s30 =	simm.s32 @!p3 $0x400;
	s31 =	simm.s32 @!p3 $0x18700  }
0x18d: {  	[tilespmem:s31], [sflag:$0x4] =	stream.strided.gather @!p3 [hbm4b:s0+s29], $0x1000, s30, s29, $0x38;
	[tilespmem:$0x1B700] =	vst v63  }
0x18e: {  	s29 =	simm.s32 @!p3 $0x4  }
0x18f: {  	_ =	swait.ge @!p3 [sflag:s29], $0x1000  }
0x190: {  	[sflag:s29] =	ssyncset.done @!p3 $0x0  }
0x191: {  	[sflag:s29] =	ssyncadd.s32 @!p3 $0xFFFFF000  }
0x192: {  	_ =	swait.ge [sflag:s22], $0x18700  }
0x193: {  	[sflag:s22] =	ssyncset.done $0x0  }
0x194: {  	[sflag:s22] =	ssyncadd.s32 $0xFFFE7900  }
0x195: {  	_ =	swait.ge [sflag:s25], $0x1000  }
0x196: {  	[sflag:s25] =	ssyncset.done $0x0  }
0x197: {  	s29 =	simm.s32 $0x0;
	[sflag:s25] =	ssyncadd.s32 $0xFFFFF000  }
0x198: {  	v0 =	vld [tilespmem:s29+$0x18700];
	_ =	sdelay $0x7  }
0x199: {  	s30 =	simm.s32 $0x10;
	s31 =	simm.s32 $0x80;
	v0 =	vld.idx.msk [tilespmem:v0+s20+$0x0], $0xffff  }
.LBB2_14:
0x19a: {  	p3 =	sne.s32 s31, $0x3FC0;
	v1 =	vld [tilespmem:s30+$0x18700];
	_ =	sdelay $0x3  }
.Ltmp6:
0x19b: {  	(pc) =	sbr.rel @p3 .LBB2_14-.Ltmp6, $2  }
0x19c: {  	[tilespmem:s29+$0x19700] =	vst v0;
	s29 =	smov.u32 s30;
	_ =	sdelay $0x2  }
0x19d: {  	s30 =	sshra.s32 s31, $0x2;
	s31 =	sadd.s32 $0x40, s31;
	v0 =	vld.idx.msk [tilespmem:v1+s20+$0x0], $0xffff  }
0x19e: {  	v1 =	vld [tilespmem:s30+$0x18700];
	_ =	sdelay $0x6  }
0x19f: {  	[tilespmem:s29+$0x19700] =	vst v0  }
0x1a0: {  	v0 =	vld.idx.msk [tilespmem:v1+s20+$0x0], $0xffff;
	_ =	sdelay $0x2  }
0x1a1: {  	s0 =	sld [smem:$0x7CF];
	_ =	sdelay $0x1  }
0x1a2: {  	[tilespmem:s30+$0x19700] =	vst v0  }
0x1a3: {  	[tilespmem:s20], [sflag:$0x1] =	stream.strided.gather [hbm4b:s0+s18], $0x18700, s19, s18, $0x38;
	[tilespmem:$0x1B700] =	vst v63  }
0x1a4: {  	s0 =	sld [smem:$0x7F0];
	_ =	sdelay $0x2  }
0x1a5: {  	[hbm4b:s0+s18] =	stream.strided.scatter [tilespmem:s23], [sflag:$0x2], $0x1000, s19, s18, $0x38;
	[tilespmem:$0x1B700] =	vst v63  }
0x1a6: {  	s0 =	sld [smem:$0x7B5];
	_ =	sdelay $0x2  }
0x1a7: {  	p3 =	seq.s32 s0, $0x1;
	s0 =	rddreg [dreg:$0xa]  }
0x1a8: {  	s29 =	simm.s32 @!p3 $0x80;
	s30 =	simm.s32 @!p3 $0x400;
	s31 =	simm.s32 @!p3 $0x18700  }
0x1a9: {  	[tilespmem:s31], [sflag:$0x4] =	stream.strided.gather @!p3 [hbm4b:s0+s29], $0x1000, s30, s29, $0x38;
	[tilespmem:$0x1B700] =	vst v63  }
0x1aa: {  	s29 =	simm.s32 @!p3 $0x4  }
0x1ab: {  	_ =	swait.ge @!p3 [sflag:s29], $0x1000  }
0x1ac: {  	[sflag:s29] =	ssyncset.done @!p3 $0x0  }
0x1ad: {  	[sflag:s29] =	ssyncadd.s32 @!p3 $0xFFFFF000  }
0x1ae: {  	_ =	swait.ge [sflag:s22], $0x18700  }
0x1af: {  	[sflag:s22] =	ssyncset.done $0x0  }
0x1b0: {  	[sflag:s22] =	ssyncadd.s32 $0xFFFE7900  }
0x1b1: {  	_ =	swait.ge [sflag:s26], $0x1000  }
0x1b2: {  	[sflag:s26] =	ssyncset.done $0x0  }
0x1b3: {  	s29 =	simm.s32 $0x0;
	[sflag:s26] =	ssyncadd.s32 $0xFFFFF000  }
0x1b4: {  	v0 =	vld [tilespmem:s29+$0x18700];
	_ =	sdelay $0x7  }
0x1b5: {  	s30 =	simm.s32 $0x10;
	s31 =	simm.s32 $0x80;
	v0 =	vld.idx.msk [tilespmem:v0+s20+$0x0], $0xffff  }
.LBB2_16:
0x1b6: {  	p3 =	sne.s32 s31, $0x3FC0;
	v1 =	vld [tilespmem:s30+$0x18700];
	_ =	sdelay $0x3  }
.Ltmp7:
0x1b7: {  	(pc) =	sbr.rel @p3 .LBB2_16-.Ltmp7, $2  }
0x1b8: {  	[tilespmem:s29+$0x1A700] =	vst v0;
	s29 =	smov.u32 s30;
	_ =	sdelay $0x2  }
0x1b9: {  	s30 =	sshra.s32 s31, $0x2;
	s31 =	sadd.s32 $0x40, s31;
	v0 =	vld.idx.msk [tilespmem:v1+s20+$0x0], $0xffff  }
0x1ba: {  	v1 =	vld [tilespmem:s30+$0x18700];
	_ =	sdelay $0x6  }
0x1bb: {  	[tilespmem:s29+$0x1A700] =	vst v0  }
0x1bc: {  	v0 =	vld.idx.msk [tilespmem:v1+s20+$0x0], $0xffff;
	_ =	sdelay $0x2  }
0x1bd: {  	s0 =	sld [smem:$0x7D0];
	_ =	sdelay $0x1  }
0x1be: {  	[tilespmem:s30+$0x1A700] =	vst v0  }
0x1bf: {  	[tilespmem:s20], [sflag:$0x1] =	stream.strided.gather [hbm4b:s0+s18], $0x18700, s19, s18, $0x38;
	[tilespmem:$0x1B700] =	vst v63  }
0x1c0: {  	s0 =	sld [smem:$0x7F1];
	_ =	sdelay $0x2  }
0x1c1: {  	[hbm4b:s0+s18] =	stream.strided.scatter [tilespmem:s24], [sflag:$0x3], $0x1000, s19, s18, $0x38;
	[tilespmem:$0x1B700] =	vst v63  }
0x1c2: {  	s0 =	sld [smem:$0x7B6];
	_ =	sdelay $0x2  }
0x1c3: {  	p3 =	seq.s32 s0, $0x1;
	s0 =	rddreg [dreg:$0xb]  }
0x1c4: {  	s29 =	simm.s32 @!p3 $0x80;
	s30 =	simm.s32 @!p3 $0x400;
	s31 =	simm.s32 @!p3 $0x18700  }
0x1c5: {  	[tilespmem:s31], [sflag:$0x4] =	stream.strided.gather @!p3 [hbm4b:s0+s29], $0x1000, s30, s29, $0x38;
	[tilespmem:$0x1B700] =	vst v63  }
0x1c6: {  	s29 =	simm.s32 @!p3 $0x4  }
0x1c7: {  	_ =	swait.ge @!p3 [sflag:s29], $0x1000  }
0x1c8: {  	[sflag:s29] =	ssyncset.done @!p3 $0x0  }
0x1c9: {  	[sflag:s29] =	ssyncadd.s32 @!p3 $0xFFFFF000  }
0x1ca: {  	_ =	swait.ge [sflag:s22], $0x18700  }
0x1cb: {  	[sflag:s22] =	ssyncset.done $0x0  }
0x1cc: {  	[sflag:s22] =	ssyncadd.s32 $0xFFFE7900  }
0x1cd: {  	_ =	swait.ge [sflag:s25], $0x1000  }
0x1ce: {  	[sflag:s25] =	ssyncset.done $0x0  }
0x1cf: {  	s29 =	simm.s32 $0x0;
	[sflag:s25] =	ssyncadd.s32 $0xFFFFF000  }
0x1d0: {  	v0 =	vld [tilespmem:s29+$0x18700];
	_ =	sdelay $0x7  }
0x1d1: {  	s30 =	simm.s32 $0x10;
	s31 =	simm.s32 $0x80;
	v0 =	vld.idx.msk [tilespmem:v0+s20+$0x0], $0xffff  }
.LBB2_18:
0x1d2: {  	p3 =	sne.s32 s31, $0x3FC0;
	v1 =	vld [tilespmem:s30+$0x18700];
	_ =	sdelay $0x3  }
.Ltmp8:
0x1d3: {  	(pc) =	sbr.rel @p3 .LBB2_18-.Ltmp8, $2  }
0x1d4: {  	[tilespmem:s29+$0x19700] =	vst v0;
	s29 =	smov.u32 s30;
	_ =	sdelay $0x2  }
0x1d5: {  	s30 =	sshra.s32 s31, $0x2;
	s31 =	sadd.s32 $0x40, s31;
	v0 =	vld.idx.msk [tilespmem:v1+s20+$0x0], $0xffff  }
0x1d6: {  	v1 =	vld [tilespmem:s30+$0x18700];
	_ =	sdelay $0x6  }
0x1d7: {  	[tilespmem:s29+$0x19700] =	vst v0  }
0x1d8: {  	v0 =	vld.idx.msk [tilespmem:v1+s20+$0x0], $0xffff;
	_ =	sdelay $0x2  }
0x1d9: {  	s0 =	sld [smem:$0x7D2];
	_ =	sdelay $0x1  }
0x1da: {  	[tilespmem:s30+$0x19700] =	vst v0  }
0x1db: {  	[tilespmem:s20], [sflag:$0x1] =	stream.strided.gather [hbm4b:s0+s18], $0x18700, s19, s18, $0x38;
	[tilespmem:$0x1B700] =	vst v63  }
0x1dc: {  	s0 =	sld [smem:$0x7F2];
	_ =	sdelay $0x2  }
0x1dd: {  	[hbm4b:s0+s18] =	stream.strided.scatter [tilespmem:s23], [sflag:$0x2], $0x1000, s19, s18, $0x38;
	[tilespmem:$0x1B700] =	vst v63  }
0x1de: {  	s0 =	sld [smem:$0x7B7];
	_ =	sdelay $0x2  }
0x1df: {  	p3 =	seq.s32 s0, $0x1;
	s0 =	rddreg [dreg:$0xc]  }
0x1e0: {  	s29 =	simm.s32 @!p3 $0x80;
	s30 =	simm.s32 @!p3 $0x400;
	s31 =	simm.s32 @!p3 $0x18700  }
0x1e1: {  	[tilespmem:s31], [sflag:$0x4] =	stream.strided.gather @!p3 [hbm4b:s0+s29], $0x1000, s30, s29, $0x38;
	[tilespmem:$0x1B700] =	vst v63  }
0x1e2: {  	s29 =	simm.s32 @!p3 $0x4  }
0x1e3: {  	_ =	swait.ge @!p3 [sflag:s29], $0x1000  }
0x1e4: {  	[sflag:s29] =	ssyncset.done @!p3 $0x0  }
0x1e5: {  	[sflag:s29] =	ssyncadd.s32 @!p3 $0xFFFFF000  }
0x1e6: {  	_ =	swait.ge [sflag:s22], $0x18700  }
0x1e7: {  	[sflag:s22] =	ssyncset.done $0x0  }
0x1e8: {  	[sflag:s22] =	ssyncadd.s32 $0xFFFE7900  }
0x1e9: {  	_ =	swait.ge [sflag:s26], $0x1000  }
0x1ea: {  	[sflag:s26] =	ssyncset.done $0x0  }
0x1eb: {  	s29 =	simm.s32 $0x0;
	[sflag:s26] =	ssyncadd.s32 $0xFFFFF000  }
0x1ec: {  	v0 =	vld [tilespmem:s29+$0x18700];
	_ =	sdelay $0x7  }
0x1ed: {  	s30 =	simm.s32 $0x10;
	s31 =	simm.s32 $0x80;
	v0 =	vld.idx.msk [tilespmem:v0+s20+$0x0], $0xffff  }
.LBB2_20:
0x1ee: {  	p3 =	sne.s32 s31, $0x3FC0;
	v1 =	vld [tilespmem:s30+$0x18700];
	_ =	sdelay $0x3  }
.Ltmp9:
0x1ef: {  	(pc) =	sbr.rel @p3 .LBB2_20-.Ltmp9, $2  }
0x1f0: {  	[tilespmem:s29+$0x1A700] =	vst v0;
	s29 =	smov.u32 s30;
	_ =	sdelay $0x2  }
0x1f1: {  	s30 =	sshra.s32 s31, $0x2;
	s31 =	sadd.s32 $0x40, s31;
	v0 =	vld.idx.msk [tilespmem:v1+s20+$0x0], $0xffff  }
0x1f2: {  	v1 =	vld [tilespmem:s30+$0x18700];
	_ =	sdelay $0x6  }
0x1f3: {  	[tilespmem:s29+$0x1A700] =	vst v0  }
0x1f4: {  	v0 =	vld.idx.msk [tilespmem:v1+s20+$0x0], $0xffff;
	_ =	sdelay $0x2  }
0x1f5: {  	s0 =	sld [smem:$0x7D3];
	_ =	sdelay $0x1  }
0x1f6: {  	[tilespmem:s30+$0x1A700] =	vst v0  }
0x1f7: {  	[tilespmem:s20], [sflag:$0x1] =	stream.strided.gather [hbm4b:s0+s18], $0x18700, s19, s18, $0x38;
	[tilespmem:$0x1B700] =	vst v63  }
0x1f8: {  	s0 =	sld [smem:$0x7F5];
	_ =	sdelay $0x2  }
0x1f9: {  	[hbm4b:s0+s18] =	stream.strided.scatter [tilespmem:s24], [sflag:$0x3], $0x1000, s19, s18, $0x38;
	[tilespmem:$0x1B700] =	vst v63  }
0x1fa: {  	s0 =	sld [smem:$0x7B8];
	_ =	sdelay $0x2  }
0x1fb: {  	p3 =	seq.s32 s0, $0x1;
	s0 =	rddreg [dreg:$0xd]  }
0x1fc: {  	s29 =	simm.s32 @!p3 $0x80;
	s30 =	simm.s32 @!p3 $0x400;
	s31 =	simm.s32 @!p3 $0x18700  }
0x1fd: {  	[tilespmem:s31], [sflag:$0x4] =	stream.strided.gather @!p3 [hbm4b:s0+s29], $0x1000, s30, s29, $0x38;
	[tilespmem:$0x1B700] =	vst v63  }
0x1fe: {  	s29 =	simm.s32 @!p3 $0x4  }
0x1ff: {  	_ =	swait.ge @!p3 [sflag:s29], $0x1000  }
0x200: {  	[sflag:s29] =	ssyncset.done @!p3 $0x0  }
0x201: {  	[sflag:s29] =	ssyncadd.s32 @!p3 $0xFFFFF000  }
0x202: {  	_ =	swait.ge [sflag:s22], $0x18700  }
0x203: {  	[sflag:s22] =	ssyncset.done $0x0  }
0x204: {  	[sflag:s22] =	ssyncadd.s32 $0xFFFE7900  }
0x205: {  	_ =	swait.ge [sflag:s25], $0x1000  }
0x206: {  	[sflag:s25] =	ssyncset.done $0x0  }
0x207: {  	s29 =	simm.s32 $0x0;
	[sflag:s25] =	ssyncadd.s32 $0xFFFFF000  }
0x208: {  	v0 =	vld [tilespmem:s29+$0x18700];
	_ =	sdelay $0x7  }
0x209: {  	s30 =	simm.s32 $0x10;
	s31 =	simm.s32 $0x80;
	v0 =	vld.idx.msk [tilespmem:v0+s20+$0x0], $0xffff  }
.LBB2_22:
0x20a: {  	p3 =	sne.s32 s31, $0x3FC0;
	v1 =	vld [tilespmem:s30+$0x18700];
	_ =	sdelay $0x3  }
.Ltmp10:
0x20b: {  	(pc) =	sbr.rel @p3 .LBB2_22-.Ltmp10, $2  }
0x20c: {  	[tilespmem:s29+$0x19700] =	vst v0;
	s29 =	smov.u32 s30;
	_ =	sdelay $0x2  }
0x20d: {  	s30 =	sshra.s32 s31, $0x2;
	s31 =	sadd.s32 $0x40, s31;
	v0 =	vld.idx.msk [tilespmem:v1+s20+$0x0], $0xffff  }
0x20e: {  	v1 =	vld [tilespmem:s30+$0x18700];
	_ =	sdelay $0x6  }
0x20f: {  	[tilespmem:s29+$0x19700] =	vst v0  }
0x210: {  	v0 =	vld.idx.msk [tilespmem:v1+s20+$0x0], $0xffff;
	_ =	sdelay $0x2  }
0x211: {  	s0 =	sld [smem:$0x7D4];
	_ =	sdelay $0x1  }
0x212: {  	[tilespmem:s30+$0x19700] =	vst v0  }
0x213: {  	[tilespmem:s20], [sflag:$0x1] =	stream.strided.gather [hbm4b:s0+s18], $0x18700, s19, s18, $0x38;
	[tilespmem:$0x1B700] =	vst v63  }
0x214: {  	s0 =	sld [smem:$0x7B9];
	_ =	sdelay $0x1  }
0x215: {  	[hbm4b:s1+s18] =	stream.strided.scatter [tilespmem:s23], [sflag:$0x2], $0x1000, s19, s18, $0x38;
	[tilespmem:$0x1B700] =	vst v63  }
0x216: {  	p3 =	seq.s32 s0, $0x1;
	s0 =	rddreg [dreg:$0xe]  }
0x217: {  	s29 =	simm.s32 @!p3 $0x80;
	s30 =	simm.s32 @!p3 $0x400;
	s31 =	simm.s32 @!p3 $0x18700  }
0x218: {  	[tilespmem:s31], [sflag:$0x4] =	stream.strided.gather @!p3 [hbm4b:s0+s29], $0x1000, s30, s29, $0x38;
	[tilespmem:$0x1B700] =	vst v63  }
0x219: {  	s29 =	simm.s32 @!p3 $0x4  }
0x21a: {  	_ =	swait.ge @!p3 [sflag:s29], $0x1000  }
0x21b: {  	[sflag:s29] =	ssyncset.done @!p3 $0x0  }
0x21c: {  	[sflag:s29] =	ssyncadd.s32 @!p3 $0xFFFFF000  }
0x21d: {  	_ =	swait.ge [sflag:s22], $0x18700  }
0x21e: {  	[sflag:s22] =	ssyncset.done $0x0  }
0x21f: {  	[sflag:s22] =	ssyncadd.s32 $0xFFFE7900  }
0x220: {  	_ =	swait.ge [sflag:s26], $0x1000  }
0x221: {  	[sflag:s26] =	ssyncset.done $0x0  }
0x222: {  	s29 =	simm.s32 $0x0;
	[sflag:s26] =	ssyncadd.s32 $0xFFFFF000  }
0x223: {  	v0 =	vld [tilespmem:s29+$0x18700];
	_ =	sdelay $0x7  }
0x224: {  	s30 =	simm.s32 $0x10;
	s31 =	simm.s32 $0x80;
	v0 =	vld.idx.msk [tilespmem:v0+s20+$0x0], $0xffff  }
.LBB2_24:
0x225: {  	p3 =	sne.s32 s31, $0x3FC0;
	v1 =	vld [tilespmem:s30+$0x18700];
	_ =	sdelay $0x3  }
.Ltmp11:
0x226: {  	(pc) =	sbr.rel @p3 .LBB2_24-.Ltmp11, $2  }
0x227: {  	[tilespmem:s29+$0x1A700] =	vst v0;
	s29 =	smov.u32 s30;
	_ =	sdelay $0x2  }
0x228: {  	s30 =	sshra.s32 s31, $0x2;
	s31 =	sadd.s32 $0x40, s31;
	v0 =	vld.idx.msk [tilespmem:v1+s20+$0x0], $0xffff  }
0x229: {  	v1 =	vld [tilespmem:s30+$0x18700];
	_ =	sdelay $0x6  }
0x22a: {  	[tilespmem:s29+$0x1A700] =	vst v0  }
0x22b: {  	v0 =	vld.idx.msk [tilespmem:v1+s20+$0x0], $0xffff;
	_ =	sdelay $0x2  }
0x22c: {  	s0 =	sld [smem:$0x7D5];
	_ =	sdelay $0x1  }
0x22d: {  	[tilespmem:s30+$0x1A700] =	vst v0  }
0x22e: {  	[tilespmem:s20], [sflag:$0x1] =	stream.strided.gather [hbm4b:s0+s18], $0x18700, s19, s18, $0x38;
	[tilespmem:$0x1B700] =	vst v63  }
0x22f: {  	s0 =	sld [smem:$0x7BA];
	_ =	sdelay $0x1  }
0x230: {  	[hbm4b:s2+s18] =	stream.strided.scatter [tilespmem:s24], [sflag:$0x3], $0x1000, s19, s18, $0x38;
	[tilespmem:$0x1B700] =	vst v63  }
0x231: {  	p3 =	seq.s32 s0, $0x1;
	s0 =	rddreg [dreg:$0xf]  }
0x232: {  	s29 =	simm.s32 @!p3 $0x80;
	s30 =	simm.s32 @!p3 $0x400;
	s31 =	simm.s32 @!p3 $0x18700  }
0x233: {  	[tilespmem:s31], [sflag:$0x4] =	stream.strided.gather @!p3 [hbm4b:s0+s29], $0x1000, s30, s29, $0x38;
	[tilespmem:$0x1B700] =	vst v63  }
0x234: {  	s29 =	simm.s32 @!p3 $0x4  }
0x235: {  	_ =	swait.ge @!p3 [sflag:s29], $0x1000  }
0x236: {  	[sflag:s29] =	ssyncset.done @!p3 $0x0  }
0x237: {  	[sflag:s29] =	ssyncadd.s32 @!p3 $0xFFFFF000  }
0x238: {  	_ =	swait.ge [sflag:s22], $0x18700  }
0x239: {  	[sflag:s22] =	ssyncset.done $0x0  }
0x23a: {  	[sflag:s22] =	ssyncadd.s32 $0xFFFE7900  }
0x23b: {  	_ =	swait.ge [sflag:s25], $0x1000  }
0x23c: {  	[sflag:s25] =	ssyncset.done $0x0  }
0x23d: {  	s29 =	simm.s32 $0x0;
	[sflag:s25] =	ssyncadd.s32 $0xFFFFF000  }
0x23e: {  	v0 =	vld [tilespmem:s29+$0x18700];
	_ =	sdelay $0x7  }
0x23f: {  	s30 =	simm.s32 $0x10;
	s31 =	simm.s32 $0x80;
	v0 =	vld.idx.msk [tilespmem:v0+s20+$0x0], $0xffff  }
.LBB2_26:
0x240: {  	p3 =	sne.s32 s31, $0x3FC0;
	v1 =	vld [tilespmem:s30+$0x18700];
	_ =	sdelay $0x3  }
.Ltmp12:
0x241: {  	(pc) =	sbr.rel @p3 .LBB2_26-.Ltmp12, $2  }
0x242: {  	[tilespmem:s29+$0x19700] =	vst v0;
	s29 =	smov.u32 s30;
	_ =	sdelay $0x2  }
0x243: {  	s30 =	sshra.s32 s31, $0x2;
	s31 =	sadd.s32 $0x40, s31;
	v0 =	vld.idx.msk [tilespmem:v1+s20+$0x0], $0xffff  }
0x244: {  	v1 =	vld [tilespmem:s30+$0x18700];
	_ =	sdelay $0x6  }
0x245: {  	[tilespmem:s29+$0x19700] =	vst v0  }
0x246: {  	v0 =	vld.idx.msk [tilespmem:v1+s20+$0x0], $0xffff;
	_ =	sdelay $0x2  }
0x247: {  	s0 =	sld [smem:$0x7D6];
	_ =	sdelay $0x1  }
0x248: {  	[tilespmem:s30+$0x19700] =	vst v0  }
0x249: {  	[tilespmem:s20], [sflag:$0x1] =	stream.strided.gather [hbm4b:s0+s18], $0x18700, s19, s18, $0x38;
	[tilespmem:$0x1B700] =	vst v63  }
0x24a: {  	s0 =	sld [smem:$0x7BB];
	_ =	sdelay $0x1  }
0x24b: {  	[hbm4b:s3+s18] =	stream.strided.scatter [tilespmem:s23], [sflag:$0x2], $0x1000, s19, s18, $0x38;
	[tilespmem:$0x1B700] =	vst v63  }
0x24c: {  	p3 =	seq.s32 s0, $0x1;
	s0 =	rddreg [dreg:$0x10]  }
0x24d: {  	s29 =	simm.s32 @!p3 $0x80;
	s30 =	simm.s32 @!p3 $0x400;
	s31 =	simm.s32 @!p3 $0x18700  }
0x24e: {  	[tilespmem:s31], [sflag:$0x4] =	stream.strided.gather @!p3 [hbm4b:s0+s29], $0x1000, s30, s29, $0x38;
	[tilespmem:$0x1B700] =	vst v63  }
0x24f: {  	s29 =	simm.s32 @!p3 $0x4  }
0x250: {  	_ =	swait.ge @!p3 [sflag:s29], $0x1000  }
0x251: {  	[sflag:s29] =	ssyncset.done @!p3 $0x0  }
0x252: {  	[sflag:s29] =	ssyncadd.s32 @!p3 $0xFFFFF000  }
0x253: {  	_ =	swait.ge [sflag:s22], $0x18700  }
0x254: {  	[sflag:s22] =	ssyncset.done $0x0  }
0x255: {  	[sflag:s22] =	ssyncadd.s32 $0xFFFE7900  }
0x256: {  	_ =	swait.ge [sflag:s26], $0x1000  }
0x257: {  	[sflag:s26] =	ssyncset.done $0x0  }
0x258: {  	s29 =	simm.s32 $0x0;
	[sflag:s26] =	ssyncadd.s32 $0xFFFFF000  }
0x259: {  	v0 =	vld [tilespmem:s29+$0x18700];
	_ =	sdelay $0x7  }
0x25a: {  	s30 =	simm.s32 $0x10;
	s31 =	simm.s32 $0x80;
	v0 =	vld.idx.msk [tilespmem:v0+s20+$0x0], $0xffff  }
.LBB2_28:
0x25b: {  	p3 =	sne.s32 s31, $0x3FC0;
	v1 =	vld [tilespmem:s30+$0x18700];
	_ =	sdelay $0x3  }
.Ltmp13:
0x25c: {  	(pc) =	sbr.rel @p3 .LBB2_28-.Ltmp13, $2  }
0x25d: {  	[tilespmem:s29+$0x1A700] =	vst v0;
	s29 =	smov.u32 s30;
	_ =	sdelay $0x2  }
0x25e: {  	s30 =	sshra.s32 s31, $0x2;
	s31 =	sadd.s32 $0x40, s31;
	v0 =	vld.idx.msk [tilespmem:v1+s20+$0x0], $0xffff  }
0x25f: {  	v1 =	vld [tilespmem:s30+$0x18700];
	_ =	sdelay $0x6  }
0x260: {  	[tilespmem:s29+$0x1A700] =	vst v0  }
0x261: {  	v0 =	vld.idx.msk [tilespmem:v1+s20+$0x0], $0xffff;
	_ =	sdelay $0x2  }
0x262: {  	s0 =	sld [smem:$0x7D7];
	_ =	sdelay $0x1  }
0x263: {  	[tilespmem:s30+$0x1A700] =	vst v0  }
0x264: {  	[tilespmem:s20], [sflag:$0x1] =	stream.strided.gather [hbm4b:s0+s18], $0x18700, s19, s18, $0x38;
	[tilespmem:$0x1B700] =	vst v63  }
0x265: {  	s0 =	sld [smem:$0x7BC];
	_ =	sdelay $0x1  }
0x266: {  	[hbm4b:s4+s18] =	stream.strided.scatter [tilespmem:s24], [sflag:$0x3], $0x1000, s19, s18, $0x38;
	[tilespmem:$0x1B700] =	vst v63  }
0x267: {  	p3 =	seq.s32 s0, $0x1;
	s0 =	rddreg [dreg:$0x11]  }
0x268: {  	s29 =	simm.s32 @!p3 $0x80;
	s30 =	simm.s32 @!p3 $0x400;
	s31 =	simm.s32 @!p3 $0x18700  }
0x269: {  	[tilespmem:s31], [sflag:$0x4] =	stream.strided.gather @!p3 [hbm4b:s0+s29], $0x1000, s30, s29, $0x38;
	[tilespmem:$0x1B700] =	vst v63  }
0x26a: {  	s29 =	simm.s32 @!p3 $0x4  }
0x26b: {  	_ =	swait.ge @!p3 [sflag:s29], $0x1000  }
0x26c: {  	[sflag:s29] =	ssyncset.done @!p3 $0x0  }
0x26d: {  	[sflag:s29] =	ssyncadd.s32 @!p3 $0xFFFFF000  }
0x26e: {  	_ =	swait.ge [sflag:s22], $0x18700  }
0x26f: {  	[sflag:s22] =	ssyncset.done $0x0  }
0x270: {  	[sflag:s22] =	ssyncadd.s32 $0xFFFE7900  }
0x271: {  	_ =	swait.ge [sflag:s25], $0x1000  }
0x272: {  	[sflag:s25] =	ssyncset.done $0x0  }
0x273: {  	s29 =	simm.s32 $0x0;
	[sflag:s25] =	ssyncadd.s32 $0xFFFFF000  }
0x274: {  	v0 =	vld [tilespmem:s29+$0x18700];
	_ =	sdelay $0x7  }
0x275: {  	s30 =	simm.s32 $0x10;
	s31 =	simm.s32 $0x80;
	v0 =	vld.idx.msk [tilespmem:v0+s20+$0x0], $0xffff  }
.LBB2_30:
0x276: {  	p3 =	sne.s32 s31, $0x3FC0;
	v1 =	vld [tilespmem:s30+$0x18700];
	_ =	sdelay $0x3  }
.Ltmp14:
0x277: {  	(pc) =	sbr.rel @p3 .LBB2_30-.Ltmp14, $2  }
0x278: {  	[tilespmem:s29+$0x19700] =	vst v0;
	s29 =	smov.u32 s30;
	_ =	sdelay $0x2  }
0x279: {  	s30 =	sshra.s32 s31, $0x2;
	s31 =	sadd.s32 $0x40, s31;
	v0 =	vld.idx.msk [tilespmem:v1+s20+$0x0], $0xffff  }
0x27a: {  	v1 =	vld [tilespmem:s30+$0x18700];
	_ =	sdelay $0x6  }
0x27b: {  	[tilespmem:s29+$0x19700] =	vst v0  }
0x27c: {  	v0 =	vld.idx.msk [tilespmem:v1+s20+$0x0], $0xffff;
	_ =	sdelay $0x2  }
0x27d: {  	s0 =	sld [smem:$0x7D8];
	_ =	sdelay $0x1  }
0x27e: {  	[tilespmem:s30+$0x19700] =	vst v0  }
0x27f: {  	[tilespmem:s20], [sflag:$0x1] =	stream.strided.gather [hbm4b:s0+s18], $0x18700, s19, s18, $0x38;
	[tilespmem:$0x1B700] =	vst v63  }
0x280: {  	s0 =	sld [smem:$0x7BD];
	_ =	sdelay $0x1  }
0x281: {  	[hbm4b:s5+s18] =	stream.strided.scatter [tilespmem:s23], [sflag:$0x2], $0x1000, s19, s18, $0x38;
	[tilespmem:$0x1B700] =	vst v63  }
0x282: {  	p3 =	seq.s32 s0, $0x1;
	s0 =	rddreg [dreg:$0x12]  }
0x283: {  	s29 =	simm.s32 @!p3 $0x80;
	s30 =	simm.s32 @!p3 $0x400;
	s31 =	simm.s32 @!p3 $0x18700  }
0x284: {  	[tilespmem:s31], [sflag:$0x4] =	stream.strided.gather @!p3 [hbm4b:s0+s29], $0x1000, s30, s29, $0x38;
	[tilespmem:$0x1B700] =	vst v63  }
0x285: {  	s29 =	simm.s32 @!p3 $0x4  }
0x286: {  	_ =	swait.ge @!p3 [sflag:s29], $0x1000  }
0x287: {  	[sflag:s29] =	ssyncset.done @!p3 $0x0  }
0x288: {  	[sflag:s29] =	ssyncadd.s32 @!p3 $0xFFFFF000  }
0x289: {  	_ =	swait.ge [sflag:s22], $0x18700  }
0x28a: {  	[sflag:s22] =	ssyncset.done $0x0  }
0x28b: {  	[sflag:s22] =	ssyncadd.s32 $0xFFFE7900  }
0x28c: {  	_ =	swait.ge [sflag:s26], $0x1000  }
0x28d: {  	[sflag:s26] =	ssyncset.done $0x0  }
0x28e: {  	s29 =	simm.s32 $0x0;
	[sflag:s26] =	ssyncadd.s32 $0xFFFFF000  }
0x28f: {  	v0 =	vld [tilespmem:s29+$0x18700];
	_ =	sdelay $0x7  }
0x290: {  	s30 =	simm.s32 $0x10;
	s31 =	simm.s32 $0x80;
	v0 =	vld.idx.msk [tilespmem:v0+s20+$0x0], $0xffff  }
.LBB2_32:
0x291: {  	p3 =	sne.s32 s31, $0x3FC0;
	v1 =	vld [tilespmem:s30+$0x18700];
	_ =	sdelay $0x3  }
.Ltmp15:
0x292: {  	(pc) =	sbr.rel @p3 .LBB2_32-.Ltmp15, $2  }
0x293: {  	[tilespmem:s29+$0x1A700] =	vst v0;
	s29 =	smov.u32 s30;
	_ =	sdelay $0x2  }
0x294: {  	s30 =	sshra.s32 s31, $0x2;
	s31 =	sadd.s32 $0x40, s31;
	v0 =	vld.idx.msk [tilespmem:v1+s20+$0x0], $0xffff  }
0x295: {  	v1 =	vld [tilespmem:s30+$0x18700];
	_ =	sdelay $0x6  }
0x296: {  	[tilespmem:s29+$0x1A700] =	vst v0  }
0x297: {  	v0 =	vld.idx.msk [tilespmem:v1+s20+$0x0], $0xffff;
	_ =	sdelay $0x2  }
0x298: {  	s0 =	sld [smem:$0x7D9];
	_ =	sdelay $0x1  }
0x299: {  	[tilespmem:s30+$0x1A700] =	vst v0  }
0x29a: {  	[tilespmem:s20], [sflag:$0x1] =	stream.strided.gather [hbm4b:s0+s18], $0x18700, s19, s18, $0x38;
	[tilespmem:$0x1B700] =	vst v63  }
0x29b: {  	s0 =	sld [smem:$0x7BE];
	_ =	sdelay $0x1  }
0x29c: {  	[hbm4b:s6+s18] =	stream.strided.scatter [tilespmem:s24], [sflag:$0x3], $0x1000, s19, s18, $0x38;
	[tilespmem:$0x1B700] =	vst v63  }
0x29d: {  	p3 =	seq.s32 s0, $0x1;
	s0 =	rddreg [dreg:$0x13]  }
0x29e: {  	s29 =	simm.s32 @!p3 $0x80;
	s30 =	simm.s32 @!p3 $0x400;
	s31 =	simm.s32 @!p3 $0x18700  }
0x29f: {  	[tilespmem:s31], [sflag:$0x4] =	stream.strided.gather @!p3 [hbm4b:s0+s29], $0x1000, s30, s29, $0x38;
	[tilespmem:$0x1B700] =	vst v63  }
0x2a0: {  	s29 =	simm.s32 @!p3 $0x4  }
0x2a1: {  	_ =	swait.ge @!p3 [sflag:s29], $0x1000  }
0x2a2: {  	[sflag:s29] =	ssyncset.done @!p3 $0x0  }
0x2a3: {  	[sflag:s29] =	ssyncadd.s32 @!p3 $0xFFFFF000  }
0x2a4: {  	_ =	swait.ge [sflag:s22], $0x18700  }
0x2a5: {  	[sflag:s22] =	ssyncset.done $0x0  }
0x2a6: {  	[sflag:s22] =	ssyncadd.s32 $0xFFFE7900  }
0x2a7: {  	_ =	swait.ge [sflag:s25], $0x1000  }
0x2a8: {  	[sflag:s25] =	ssyncset.done $0x0  }
0x2a9: {  	s29 =	simm.s32 $0x0;
	[sflag:s25] =	ssyncadd.s32 $0xFFFFF000  }
0x2aa: {  	v0 =	vld [tilespmem:s29+$0x18700];
	_ =	sdelay $0x7  }
0x2ab: {  	s30 =	simm.s32 $0x10;
	s31 =	simm.s32 $0x80;
	v0 =	vld.idx.msk [tilespmem:v0+s20+$0x0], $0xffff  }
.LBB2_34:
0x2ac: {  	p3 =	sne.s32 s31, $0x3FC0;
	v1 =	vld [tilespmem:s30+$0x18700];
	_ =	sdelay $0x3  }
.Ltmp16:
0x2ad: {  	(pc) =	sbr.rel @p3 .LBB2_34-.Ltmp16, $2  }
0x2ae: {  	[tilespmem:s29+$0x19700] =	vst v0;
	s29 =	smov.u32 s30;
	_ =	sdelay $0x2  }
0x2af: {  	s30 =	sshra.s32 s31, $0x2;
	s31 =	sadd.s32 $0x40, s31;
	v0 =	vld.idx.msk [tilespmem:v1+s20+$0x0], $0xffff  }
0x2b0: {  	v1 =	vld [tilespmem:s30+$0x18700];
	_ =	sdelay $0x6  }
0x2b1: {  	[tilespmem:s29+$0x19700] =	vst v0  }
0x2b2: {  	v0 =	vld.idx.msk [tilespmem:v1+s20+$0x0], $0xffff;
	_ =	sdelay $0x2  }
0x2b3: {  	s0 =	sld [smem:$0x7DA];
	_ =	sdelay $0x1  }
0x2b4: {  	[tilespmem:s30+$0x19700] =	vst v0  }
0x2b5: {  	[tilespmem:s20], [sflag:$0x1] =	stream.strided.gather [hbm4b:s0+s18], $0x18700, s19, s18, $0x38;
	[tilespmem:$0x1B700] =	vst v63  }
0x2b6: {  	s0 =	sld [smem:$0x7BF];
	_ =	sdelay $0x1  }
0x2b7: {  	[hbm4b:s7+s18] =	stream.strided.scatter [tilespmem:s23], [sflag:$0x2], $0x1000, s19, s18, $0x38;
	[tilespmem:$0x1B700] =	vst v63  }
0x2b8: {  	p3 =	seq.s32 s0, $0x1;
	s0 =	rddreg [dreg:$0x14]  }
0x2b9: {  	s29 =	simm.s32 @!p3 $0x80;
	s30 =	simm.s32 @!p3 $0x400;
	s31 =	simm.s32 @!p3 $0x18700  }
0x2ba: {  	[tilespmem:s31], [sflag:$0x4] =	stream.strided.gather @!p3 [hbm4b:s0+s29], $0x1000, s30, s29, $0x38;
	[tilespmem:$0x1B700] =	vst v63  }
0x2bb: {  	s29 =	simm.s32 @!p3 $0x4  }
0x2bc: {  	_ =	swait.ge @!p3 [sflag:s29], $0x1000  }
0x2bd: {  	[sflag:s29] =	ssyncset.done @!p3 $0x0  }
0x2be: {  	[sflag:s29] =	ssyncadd.s32 @!p3 $0xFFFFF000  }
0x2bf: {  	_ =	swait.ge [sflag:s22], $0x18700  }
0x2c0: {  	[sflag:s22] =	ssyncset.done $0x0  }
0x2c1: {  	[sflag:s22] =	ssyncadd.s32 $0xFFFE7900  }
0x2c2: {  	_ =	swait.ge [sflag:s26], $0x1000  }
0x2c3: {  	[sflag:s26] =	ssyncset.done $0x0  }
0x2c4: {  	s29 =	simm.s32 $0x0;
	[sflag:s26] =	ssyncadd.s32 $0xFFFFF000  }
0x2c5: {  	v0 =	vld [tilespmem:s29+$0x18700];
	_ =	sdelay $0x7  }
0x2c6: {  	s30 =	simm.s32 $0x10;
	s31 =	simm.s32 $0x80;
	v0 =	vld.idx.msk [tilespmem:v0+s20+$0x0], $0xffff  }
.LBB2_36:
0x2c7: {  	p3 =	sne.s32 s31, $0x3FC0;
	v1 =	vld [tilespmem:s30+$0x18700];
	_ =	sdelay $0x3  }
.Ltmp17:
0x2c8: {  	(pc) =	sbr.rel @p3 .LBB2_36-.Ltmp17, $2  }
0x2c9: {  	[tilespmem:s29+$0x1A700] =	vst v0;
	s29 =	smov.u32 s30;
	_ =	sdelay $0x2  }
0x2ca: {  	s30 =	sshra.s32 s31, $0x2;
	s31 =	sadd.s32 $0x40, s31;
	v0 =	vld.idx.msk [tilespmem:v1+s20+$0x0], $0xffff  }
0x2cb: {  	v1 =	vld [tilespmem:s30+$0x18700];
	_ =	sdelay $0x6  }
0x2cc: {  	[tilespmem:s29+$0x1A700] =	vst v0  }
0x2cd: {  	v0 =	vld.idx.msk [tilespmem:v1+s20+$0x0], $0xffff;
	_ =	sdelay $0x2  }
0x2ce: {  	s0 =	sld [smem:$0x7DB];
	_ =	sdelay $0x1  }
0x2cf: {  	[tilespmem:s30+$0x1A700] =	vst v0  }
0x2d0: {  	[tilespmem:s20], [sflag:$0x1] =	stream.strided.gather [hbm4b:s0+s18], $0x18700, s19, s18, $0x38;
	[tilespmem:$0x1B700] =	vst v63  }
0x2d1: {  	s0 =	sld [smem:$0x7C0];
	_ =	sdelay $0x1  }
0x2d2: {  	[hbm4b:s8+s18] =	stream.strided.scatter [tilespmem:s24], [sflag:$0x3], $0x1000, s19, s18, $0x38;
	[tilespmem:$0x1B700] =	vst v63  }
0x2d3: {  	p3 =	seq.s32 s0, $0x1;
	s0 =	rddreg [dreg:$0x15]  }
0x2d4: {  	s29 =	simm.s32 @!p3 $0x80;
	s30 =	simm.s32 @!p3 $0x400;
	s31 =	simm.s32 @!p3 $0x18700  }
0x2d5: {  	[tilespmem:s31], [sflag:$0x4] =	stream.strided.gather @!p3 [hbm4b:s0+s29], $0x1000, s30, s29, $0x38;
	[tilespmem:$0x1B700] =	vst v63  }
0x2d6: {  	s29 =	simm.s32 @!p3 $0x4  }
0x2d7: {  	_ =	swait.ge @!p3 [sflag:s29], $0x1000  }
0x2d8: {  	[sflag:s29] =	ssyncset.done @!p3 $0x0  }
0x2d9: {  	[sflag:s29] =	ssyncadd.s32 @!p3 $0xFFFFF000  }
0x2da: {  	_ =	swait.ge [sflag:s22], $0x18700  }
0x2db: {  	[sflag:s22] =	ssyncset.done $0x0  }
0x2dc: {  	[sflag:s22] =	ssyncadd.s32 $0xFFFE7900  }
0x2dd: {  	_ =	swait.ge [sflag:s25], $0x1000  }
0x2de: {  	[sflag:s25] =	ssyncset.done $0x0  }
0x2df: {  	s29 =	simm.s32 $0x0;
	[sflag:s25] =	ssyncadd.s32 $0xFFFFF000  }
0x2e0: {  	v0 =	vld [tilespmem:s29+$0x18700];
	_ =	sdelay $0x7  }
0x2e1: {  	s30 =	simm.s32 $0x10;
	s31 =	simm.s32 $0x80;
	v0 =	vld.idx.msk [tilespmem:v0+s20+$0x0], $0xffff  }
.LBB2_38:
0x2e2: {  	p3 =	sne.s32 s31, $0x3FC0;
	v1 =	vld [tilespmem:s30+$0x18700];
	_ =	sdelay $0x3  }
.Ltmp18:
0x2e3: {  	(pc) =	sbr.rel @p3 .LBB2_38-.Ltmp18, $2  }
0x2e4: {  	[tilespmem:s29+$0x19700] =	vst v0;
	s29 =	smov.u32 s30;
	_ =	sdelay $0x2  }
0x2e5: {  	s30 =	sshra.s32 s31, $0x2;
	s31 =	sadd.s32 $0x40, s31;
	v0 =	vld.idx.msk [tilespmem:v1+s20+$0x0], $0xffff  }
0x2e6: {  	v1 =	vld [tilespmem:s30+$0x18700];
	_ =	sdelay $0x6  }
0x2e7: {  	[tilespmem:s29+$0x19700] =	vst v0  }
0x2e8: {  	v0 =	vld.idx.msk [tilespmem:v1+s20+$0x0], $0xffff;
	_ =	sdelay $0x2  }
0x2e9: {  	s0 =	sld [smem:$0x7DC];
	_ =	sdelay $0x1  }
0x2ea: {  	[tilespmem:s30+$0x19700] =	vst v0  }
0x2eb: {  	[tilespmem:s20], [sflag:$0x1] =	stream.strided.gather [hbm4b:s0+s18], $0x18700, s19, s18, $0x38;
	[tilespmem:$0x1B700] =	vst v63  }
0x2ec: {  	s0 =	sld [smem:$0x7C1];
	_ =	sdelay $0x1  }
0x2ed: {  	[hbm4b:s9+s18] =	stream.strided.scatter [tilespmem:s23], [sflag:$0x2], $0x1000, s19, s18, $0x38;
	[tilespmem:$0x1B700] =	vst v63  }
0x2ee: {  	p3 =	seq.s32 s0, $0x1;
	s0 =	rddreg [dreg:$0x16]  }
0x2ef: {  	s29 =	simm.s32 @!p3 $0x80;
	s30 =	simm.s32 @!p3 $0x400;
	s31 =	simm.s32 @!p3 $0x18700  }
0x2f0: {  	[tilespmem:s31], [sflag:$0x4] =	stream.strided.gather @!p3 [hbm4b:s0+s29], $0x1000, s30, s29, $0x38;
	[tilespmem:$0x1B700] =	vst v63  }
0x2f1: {  	s29 =	simm.s32 @!p3 $0x4  }
0x2f2: {  	_ =	swait.ge @!p3 [sflag:s29], $0x1000  }
0x2f3: {  	[sflag:s29] =	ssyncset.done @!p3 $0x0  }
0x2f4: {  	[sflag:s29] =	ssyncadd.s32 @!p3 $0xFFFFF000  }
0x2f5: {  	_ =	swait.ge [sflag:s22], $0x18700  }
0x2f6: {  	[sflag:s22] =	ssyncset.done $0x0  }
0x2f7: {  	[sflag:s22] =	ssyncadd.s32 $0xFFFE7900  }
0x2f8: {  	_ =	swait.ge [sflag:s26], $0x1000  }
0x2f9: {  	[sflag:s26] =	ssyncset.done $0x0  }
0x2fa: {  	s29 =	simm.s32 $0x0;
	[sflag:s26] =	ssyncadd.s32 $0xFFFFF000  }
0x2fb: {  	v0 =	vld [tilespmem:s29+$0x18700];
	_ =	sdelay $0x7  }
0x2fc: {  	s30 =	simm.s32 $0x10;
	s31 =	simm.s32 $0x80;
	v0 =	vld.idx.msk [tilespmem:v0+s20+$0x0], $0xffff  }
.LBB2_40:
0x2fd: {  	p3 =	sne.s32 s31, $0x3FC0;
	v1 =	vld [tilespmem:s30+$0x18700];
	_ =	sdelay $0x3  }
.Ltmp19:
0x2fe: {  	(pc) =	sbr.rel @p3 .LBB2_40-.Ltmp19, $2  }
0x2ff: {  	[tilespmem:s29+$0x1A700] =	vst v0;
	s29 =	smov.u32 s30;
	_ =	sdelay $0x2  }
0x300: {  	s30 =	sshra.s32 s31, $0x2;
	s31 =	sadd.s32 $0x40, s31;
	v0 =	vld.idx.msk [tilespmem:v1+s20+$0x0], $0xffff  }
0x301: {  	v1 =	vld [tilespmem:s30+$0x18700];
	_ =	sdelay $0x6  }
0x302: {  	[tilespmem:s29+$0x1A700] =	vst v0  }
0x303: {  	v0 =	vld.idx.msk [tilespmem:v1+s20+$0x0], $0xffff;
	_ =	sdelay $0x2  }
0x304: {  	s0 =	sld [smem:$0x7DD];
	_ =	sdelay $0x1  }
0x305: {  	[tilespmem:s30+$0x1A700] =	vst v0  }
0x306: {  	[tilespmem:s20], [sflag:$0x1] =	stream.strided.gather [hbm4b:s0+s18], $0x18700, s19, s18, $0x38;
	[tilespmem:$0x1B700] =	vst v63  }
0x307: {  	s31 =	simm.s32 @!p4 $0x18700  }
0x308: {  	[hbm4b:s10+s18] =	stream.strided.scatter [tilespmem:s24], [sflag:$0x3], $0x1000, s19, s18, $0x38;
	[tilespmem:$0x1B700] =	vst v63  }
0x309: {  	s29 =	simm.s32 @!p4 $0x80;
	s30 =	simm.s32 @!p4 $0x400;
	s0 =	rddreg [dreg:$0x17]  }
0x30a: {  	[tilespmem:s31], [sflag:$0x4] =	stream.strided.gather @!p4 [hbm4b:s0+s29], $0x1000, s30, s29, $0x38;
	[tilespmem:$0x1B700] =	vst v63  }
0x30b: {  	s29 =	simm.s32 @!p4 $0x4  }
0x30c: {  	_ =	swait.ge @!p4 [sflag:s29], $0x1000  }
0x30d: {  	[sflag:s29] =	ssyncset.done @!p4 $0x0  }
0x30e: {  	[sflag:s29] =	ssyncadd.s32 @!p4 $0xFFFFF000  }
0x30f: {  	_ =	swait.ge [sflag:s22], $0x18700  }
0x310: {  	[sflag:s22] =	ssyncset.done $0x0  }
0x311: {  	[sflag:s22] =	ssyncadd.s32 $0xFFFE7900  }
0x312: {  	_ =	swait.ge [sflag:s25], $0x1000  }
0x313: {  	[sflag:s25] =	ssyncset.done $0x0  }
0x314: {  	s29 =	simm.s32 $0x0;
	[sflag:s25] =	ssyncadd.s32 $0xFFFFF000  }
0x315: {  	v0 =	vld [tilespmem:s29+$0x18700];
	_ =	sdelay $0x7  }
0x316: {  	s30 =	simm.s32 $0x10;
	s31 =	simm.s32 $0x80;
	v0 =	vld.idx.msk [tilespmem:v0+s20+$0x0], $0xffff  }
.LBB2_42:
0x317: {  	p3 =	sne.s32 s31, $0x3FC0;
	v1 =	vld [tilespmem:s30+$0x18700];
	_ =	sdelay $0x3  }
.Ltmp20:
0x318: {  	(pc) =	sbr.rel @p3 .LBB2_42-.Ltmp20, $2  }
0x319: {  	[tilespmem:s29+$0x19700] =	vst v0;
	s29 =	smov.u32 s30;
	_ =	sdelay $0x2  }
0x31a: {  	s30 =	sshra.s32 s31, $0x2;
	s31 =	sadd.s32 $0x40, s31;
	v0 =	vld.idx.msk [tilespmem:v1+s20+$0x0], $0xffff  }
0x31b: {  	v1 =	vld [tilespmem:s30+$0x18700];
	_ =	sdelay $0x6  }
0x31c: {  	[tilespmem:s29+$0x19700] =	vst v0  }
0x31d: {  	v0 =	vld.idx.msk [tilespmem:v1+s20+$0x0], $0xffff;
	_ =	sdelay $0x2  }
0x31e: {  	s0 =	sld [smem:$0x7DE];
	_ =	sdelay $0x1  }
0x31f: {  	[tilespmem:s30+$0x19700] =	vst v0  }
0x320: {  	[tilespmem:s20], [sflag:$0x1] =	stream.strided.gather [hbm4b:s0+s18], $0x18700, s19, s18, $0x38;
	[tilespmem:$0x1B700] =	vst v63  }
0x321: {  	s31 =	simm.s32 @!p5 $0x18700  }
0x322: {  	[hbm4b:s11+s18] =	stream.strided.scatter [tilespmem:s23], [sflag:$0x2], $0x1000, s19, s18, $0x38;
	[tilespmem:$0x1B700] =	vst v63  }
0x323: {  	s29 =	simm.s32 @!p5 $0x80;
	s30 =	simm.s32 @!p5 $0x400;
	s0 =	rddreg [dreg:$0x18]  }
0x324: {  	[tilespmem:s31], [sflag:$0x4] =	stream.strided.gather @!p5 [hbm4b:s0+s29], $0x1000, s30, s29, $0x38;
	[tilespmem:$0x1B700] =	vst v63  }
0x325: {  	s29 =	simm.s32 @!p5 $0x4  }
0x326: {  	_ =	swait.ge @!p5 [sflag:s29], $0x1000  }
0x327: {  	[sflag:s29] =	ssyncset.done @!p5 $0x0  }
0x328: {  	[sflag:s29] =	ssyncadd.s32 @!p5 $0xFFFFF000  }
0x329: {  	_ =	swait.ge [sflag:s22], $0x18700  }
0x32a: {  	[sflag:s22] =	ssyncset.done $0x0  }
0x32b: {  	[sflag:s22] =	ssyncadd.s32 $0xFFFE7900  }
0x32c: {  	_ =	swait.ge [sflag:s26], $0x1000  }
0x32d: {  	[sflag:s26] =	ssyncset.done $0x0  }
0x32e: {  	s29 =	simm.s32 $0x0;
	[sflag:s26] =	ssyncadd.s32 $0xFFFFF000  }
0x32f: {  	v0 =	vld [tilespmem:s29+$0x18700];
	_ =	sdelay $0x7  }
0x330: {  	s30 =	simm.s32 $0x10;
	s31 =	simm.s32 $0x80;
	v0 =	vld.idx.msk [tilespmem:v0+s20+$0x0], $0xffff  }
.LBB2_44:
0x331: {  	p3 =	sne.s32 s31, $0x3FC0;
	v1 =	vld [tilespmem:s30+$0x18700];
	_ =	sdelay $0x3  }
.Ltmp21:
0x332: {  	(pc) =	sbr.rel @p3 .LBB2_44-.Ltmp21, $2  }
0x333: {  	[tilespmem:s29+$0x1A700] =	vst v0;
	s29 =	smov.u32 s30;
	_ =	sdelay $0x2  }
0x334: {  	s30 =	sshra.s32 s31, $0x2;
	s31 =	sadd.s32 $0x40, s31;
	v0 =	vld.idx.msk [tilespmem:v1+s20+$0x0], $0xffff  }
0x335: {  	v1 =	vld [tilespmem:s30+$0x18700];
	_ =	sdelay $0x6  }
0x336: {  	[tilespmem:s29+$0x1A700] =	vst v0  }
0x337: {  	v0 =	vld.idx.msk [tilespmem:v1+s20+$0x0], $0xffff;
	_ =	sdelay $0x2  }
0x338: {  	s0 =	sld [smem:$0x7DF];
	_ =	sdelay $0x1  }
0x339: {  	[tilespmem:s30+$0x1A700] =	vst v0  }
0x33a: {  	[tilespmem:s20], [sflag:$0x1] =	stream.strided.gather [hbm4b:s0+s18], $0x18700, s19, s18, $0x38;
	[tilespmem:$0x1B700] =	vst v63  }
0x33b: {  	s31 =	simm.s32 @!p6 $0x18700  }
0x33c: {  	[hbm4b:s12+s18] =	stream.strided.scatter [tilespmem:s24], [sflag:$0x3], $0x1000, s19, s18, $0x38;
	[tilespmem:$0x1B700] =	vst v63  }
0x33d: {  	s29 =	simm.s32 @!p6 $0x80;
	s30 =	simm.s32 @!p6 $0x400;
	s0 =	rddreg [dreg:$0x19]  }
0x33e: {  	[tilespmem:s31], [sflag:$0x4] =	stream.strided.gather @!p6 [hbm4b:s0+s29], $0x1000, s30, s29, $0x38;
	[tilespmem:$0x1B700] =	vst v63  }
0x33f: {  	s29 =	simm.s32 @!p6 $0x4  }
0x340: {  	_ =	swait.ge @!p6 [sflag:s29], $0x1000  }
0x341: {  	[sflag:s29] =	ssyncset.done @!p6 $0x0  }
0x342: {  	[sflag:s29] =	ssyncadd.s32 @!p6 $0xFFFFF000  }
0x343: {  	_ =	swait.ge [sflag:s22], $0x18700  }
0x344: {  	[sflag:s22] =	ssyncset.done $0x0  }
0x345: {  	[sflag:s22] =	ssyncadd.s32 $0xFFFE7900  }
0x346: {  	_ =	swait.ge [sflag:s25], $0x1000  }
0x347: {  	[sflag:s25] =	ssyncset.done $0x0  }
0x348: {  	s29 =	simm.s32 $0x0;
	[sflag:s25] =	ssyncadd.s32 $0xFFFFF000  }
0x349: {  	v0 =	vld [tilespmem:s29+$0x18700];
	_ =	sdelay $0x7  }
0x34a: {  	s30 =	simm.s32 $0x10;
	s31 =	simm.s32 $0x80;
	v0 =	vld.idx.msk [tilespmem:v0+s20+$0x0], $0xffff  }
.LBB2_46:
0x34b: {  	p3 =	sne.s32 s31, $0x3FC0;
	v1 =	vld [tilespmem:s30+$0x18700];
	_ =	sdelay $0x3  }
.Ltmp22:
0x34c: {  	(pc) =	sbr.rel @p3 .LBB2_46-.Ltmp22, $2  }
0x34d: {  	[tilespmem:s29+$0x19700] =	vst v0;
	s29 =	smov.u32 s30;
	_ =	sdelay $0x2  }
0x34e: {  	s30 =	sshra.s32 s31, $0x2;
	s31 =	sadd.s32 $0x40, s31;
	v0 =	vld.idx.msk [tilespmem:v1+s20+$0x0], $0xffff  }
0x34f: {  	v1 =	vld [tilespmem:s30+$0x18700];
	_ =	sdelay $0x6  }
0x350: {  	[tilespmem:s29+$0x19700] =	vst v0  }
0x351: {  	v0 =	vld.idx.msk [tilespmem:v1+s20+$0x0], $0xffff;
	_ =	sdelay $0x2  }
0x352: {  	s0 =	sld [smem:$0x7E0];
	_ =	sdelay $0x1  }
0x353: {  	[tilespmem:s30+$0x19700] =	vst v0  }
0x354: {  	[tilespmem:s20], [sflag:$0x1] =	stream.strided.gather [hbm4b:s0+s18], $0x18700, s19, s18, $0x38;
	[tilespmem:$0x1B700] =	vst v63  }
0x355: {  	s31 =	simm.s32 @!p0 $0x18700  }
0x356: {  	[hbm4b:s13+s18] =	stream.strided.scatter [tilespmem:s23], [sflag:$0x2], $0x1000, s19, s18, $0x38;
	[tilespmem:$0x1B700] =	vst v63  }
0x357: {  	s29 =	simm.s32 @!p0 $0x80;
	s30 =	simm.s32 @!p0 $0x400;
	s0 =	rddreg [dreg:$0x1a]  }
0x358: {  	[tilespmem:s31], [sflag:$0x4] =	stream.strided.gather @!p0 [hbm4b:s0+s29], $0x1000, s30, s29, $0x38;
	[tilespmem:$0x1B700] =	vst v63  }
0x359: {  	s29 =	simm.s32 @!p0 $0x4  }
0x35a: {  	_ =	swait.ge @!p0 [sflag:s29], $0x1000  }
0x35b: {  	[sflag:s29] =	ssyncset.done @!p0 $0x0  }
0x35c: {  	[sflag:s29] =	ssyncadd.s32 @!p0 $0xFFFFF000  }
0x35d: {  	_ =	swait.ge [sflag:s22], $0x18700  }
0x35e: {  	[sflag:s22] =	ssyncset.done $0x0  }
0x35f: {  	[sflag:s22] =	ssyncadd.s32 $0xFFFE7900  }
0x360: {  	_ =	swait.ge [sflag:s26], $0x1000  }
0x361: {  	[sflag:s26] =	ssyncset.done $0x0  }
0x362: {  	s29 =	simm.s32 $0x0;
	[sflag:s26] =	ssyncadd.s32 $0xFFFFF000  }
0x363: {  	v0 =	vld [tilespmem:s29+$0x18700];
	_ =	sdelay $0x7  }
0x364: {  	s30 =	simm.s32 $0x10;
	s31 =	simm.s32 $0x80;
	v0 =	vld.idx.msk [tilespmem:v0+s20+$0x0], $0xffff  }
.LBB2_48:
0x365: {  	p3 =	sne.s32 s31, $0x3FC0;
	v1 =	vld [tilespmem:s30+$0x18700];
	_ =	sdelay $0x3  }
.Ltmp23:
0x366: {  	(pc) =	sbr.rel @p3 .LBB2_48-.Ltmp23, $2  }
0x367: {  	[tilespmem:s29+$0x1A700] =	vst v0;
	s29 =	smov.u32 s30;
	_ =	sdelay $0x2  }
0x368: {  	s30 =	sshra.s32 s31, $0x2;
	s31 =	sadd.s32 $0x40, s31;
	v0 =	vld.idx.msk [tilespmem:v1+s20+$0x0], $0xffff  }
0x369: {  	v1 =	vld [tilespmem:s30+$0x18700];
	_ =	sdelay $0x6  }
0x36a: {  	[tilespmem:s29+$0x1A700] =	vst v0  }
0x36b: {  	v0 =	vld.idx.msk [tilespmem:v1+s20+$0x0], $0xffff;
	_ =	sdelay $0x2  }
0x36c: {  	s0 =	sld [smem:$0x7E1];
	_ =	sdelay $0x1  }
0x36d: {  	[tilespmem:s30+$0x1A700] =	vst v0  }
0x36e: {  	[tilespmem:s20], [sflag:$0x1] =	stream.strided.gather [hbm4b:s0+s18], $0x18700, s19, s18, $0x38;
	[tilespmem:$0x1B700] =	vst v63  }
0x36f: {  	s31 =	simm.s32 @!p1 $0x18700  }
0x370: {  	[hbm4b:s14+s18] =	stream.strided.scatter [tilespmem:s24], [sflag:$0x3], $0x1000, s19, s18, $0x38;
	[tilespmem:$0x1B700] =	vst v63  }
0x371: {  	s29 =	simm.s32 @!p1 $0x80;
	s30 =	simm.s32 @!p1 $0x400;
	s0 =	rddreg [dreg:$0x1b]  }
0x372: {  	[tilespmem:s31], [sflag:$0x4] =	stream.strided.gather @!p1 [hbm4b:s0+s29], $0x1000, s30, s29, $0x38;
	[tilespmem:$0x1B700] =	vst v63  }
0x373: {  	s29 =	simm.s32 @!p1 $0x4  }
0x374: {  	_ =	swait.ge @!p1 [sflag:s29], $0x1000  }
0x375: {  	[sflag:s29] =	ssyncset.done @!p1 $0x0  }
0x376: {  	[sflag:s29] =	ssyncadd.s32 @!p1 $0xFFFFF000  }
0x377: {  	_ =	swait.ge [sflag:s22], $0x18700  }
0x378: {  	[sflag:s22] =	ssyncset.done $0x0  }
0x379: {  	[sflag:s22] =	ssyncadd.s32 $0xFFFE7900  }
0x37a: {  	_ =	swait.ge [sflag:s25], $0x1000  }
0x37b: {  	[sflag:s25] =	ssyncset.done $0x0  }
0x37c: {  	s29 =	simm.s32 $0x0;
	[sflag:s25] =	ssyncadd.s32 $0xFFFFF000  }
0x37d: {  	v0 =	vld [tilespmem:s29+$0x18700];
	_ =	sdelay $0x7  }
0x37e: {  	s30 =	simm.s32 $0x10;
	s31 =	simm.s32 $0x80;
	v0 =	vld.idx.msk [tilespmem:v0+s20+$0x0], $0xffff  }
.LBB2_50:
0x37f: {  	p3 =	sne.s32 s31, $0x3FC0;
	v1 =	vld [tilespmem:s30+$0x18700];
	_ =	sdelay $0x3  }
.Ltmp24:
0x380: {  	(pc) =	sbr.rel @p3 .LBB2_50-.Ltmp24, $2  }
0x381: {  	[tilespmem:s29+$0x19700] =	vst v0;
	s29 =	smov.u32 s30;
	_ =	sdelay $0x2  }
0x382: {  	s30 =	sshra.s32 s31, $0x2;
	s31 =	sadd.s32 $0x40, s31;
	v0 =	vld.idx.msk [tilespmem:v1+s20+$0x0], $0xffff  }
0x383: {  	v1 =	vld [tilespmem:s30+$0x18700];
	_ =	sdelay $0x6  }
0x384: {  	[tilespmem:s29+$0x19700] =	vst v0  }
0x385: {  	v0 =	vld.idx.msk [tilespmem:v1+s20+$0x0], $0xffff;
	_ =	sdelay $0x2  }
0x386: {  	s0 =	sld [smem:$0x7E2];
	_ =	sdelay $0x1  }
0x387: {  	[tilespmem:s30+$0x19700] =	vst v0  }
0x388: {  	[tilespmem:s20], [sflag:$0x1] =	stream.strided.gather [hbm4b:s0+s18], $0x18700, s19, s18, $0x38;
	[tilespmem:$0x1B700] =	vst v63  }
0x389: {  	s0 =	sld [smem:$0x7E3]  }
0x38a: {  	[hbm4b:s15+s18] =	stream.strided.scatter [tilespmem:s23], [sflag:$0x2], $0x1000, s19, s18, $0x38;
	[tilespmem:$0x1B700] =	vst v63  }
0x38b: {  	s31 =	simm.s32 @!p2 $0x18700;
	s29 =	simm.s32 @!p2 $0x80;
	s30 =	simm.s32 @!p2 $0x400  }
0x38c: {  	[tilespmem:s31], [sflag:$0x4] =	stream.strided.gather @!p2 [hbm4b:s0+s29], $0x1000, s30, s29, $0x38;
	[tilespmem:$0x1B700] =	vst v63  }
0x38d: {  	s29 =	simm.s32 @!p2 $0x4  }
0x38e: {  	_ =	swait.ge @!p2 [sflag:s29], $0x1000  }
0x38f: {  	[sflag:s29] =	ssyncset.done @!p2 $0x0  }
0x390: {  	[sflag:s29] =	ssyncadd.s32 @!p2 $0xFFFFF000  }
0x391: {  	_ =	swait.ge [sflag:s22], $0x18700  }
0x392: {  	[sflag:s22] =	ssyncset.done $0x0  }
0x393: {  	[sflag:s22] =	ssyncadd.s32 $0xFFFE7900  }
0x394: {  	_ =	swait.ge [sflag:s26], $0x1000  }
0x395: {  	[sflag:s26] =	ssyncset.done $0x0  }
0x396: {  	s29 =	simm.s32 $0x0;
	[sflag:s26] =	ssyncadd.s32 $0xFFFFF000  }
0x397: {  	v0 =	vld [tilespmem:s29+$0x18700];
	_ =	sdelay $0x7  }
0x398: {  	s30 =	simm.s32 $0x10;
	s31 =	simm.s32 $0x80;
	v0 =	vld.idx.msk [tilespmem:v0+s20+$0x0], $0xffff  }
.LBB2_52:
0x399: {  	p3 =	sne.s32 s31, $0x3FC0;
	v1 =	vld [tilespmem:s30+$0x18700];
	_ =	sdelay $0x3  }
.Ltmp25:
0x39a: {  	(pc) =	sbr.rel @p3 .LBB2_52-.Ltmp25, $2  }
0x39b: {  	[tilespmem:s29+$0x1A700] =	vst v0;
	s29 =	smov.u32 s30;
	_ =	sdelay $0x2  }
0x39c: {  	s30 =	sshra.s32 s31, $0x2;
	s31 =	sadd.s32 $0x40, s31;
	v0 =	vld.idx.msk [tilespmem:v1+s20+$0x0], $0xffff  }
0x39d: {  	v1 =	vld [tilespmem:s30+$0x18700];
	_ =	sdelay $0x6  }
0x39e: {  	[tilespmem:s29+$0x1A700] =	vst v0  }
0x39f: {  	v0 =	vld.idx.msk [tilespmem:v1+s20+$0x0], $0xffff;
	_ =	sdelay $0x4  }
0x3a0: {  	s28 =	sadd.s32 $0x1, s28;
	[tilespmem:s30+$0x1A700] =	vst v0  }
0x3a1: {  	[hbm4b:s16+s18] =	stream.strided.scatter [tilespmem:s24], [sflag:$0x3], $0x1000, s19, s18, $0x38;
	[tilespmem:$0x1B700] =	vst v63  }
0x3a2: {  	p3 =	sne.s32 s28, s17;
	_ =	swait.ge [sflag:s25], $0x1000  }
.Ltmp26:
0x3a3: {  	[sflag:s25] =	ssyncset.done $0x0;
	(pc) =	sbr.rel @p3 .LBB2_1-.Ltmp26, $4  }
0x3a4: {  	[sflag:s25] =	ssyncadd.s32 $0xFFFFF000  }
0x3a5: {  	_ =	swait.ge [sflag:s26], $0x1000  }
0x3a6: {  	[sflag:s26] =	ssyncset.done $0x0  }
0x3a7: {  	[sflag:s26] =	ssyncadd.s32 $0xFFFFF000  }
0x3a8: {  	_ =	sfence.sel $0x180000  }
0x3a9: {  	[bflag:$0x0] =	sbarrier.arrive $0xFFFF  }
0x3aa: {  	_ =	strace $0x90000047  }
0x3ab: {  	s0 =	stileid.u32;
	[bflag:$0x2] =	sbarrier.arrive $0xFFFF  }
0x3ac: {  	p0 =	sne.s32 s0, $0x0;
	s0 =	rddreg [dreg:$0x3]  }
0x3ad: {  	s0 =	sadd.s32 @!p0 $0x100000, s0  }
0x3ae: {  	[sflag:s0] =	ssyncadd.tile.s32 @!p0 $0x1;
	_ =	shalt  }
.Lfunc_end2:
_tile_overlayer_lowered:
.L_overlay_start_2:
0x3af: {  	(tag) =	ssettag $0x2  }
0x3b0: {  	s0 =	rddreg [dreg:$0x0];
	s2 =	stileid.u32  }
0x3b1: {  	s1 =	rddreg [dreg:$0x1];
	p0 =	sne.s32 s2, $0x0  }
0x3b2: {  	s3 =	rddreg [dreg:$0x2];
	[bflag:$0x3] =	sbarrier.arrive $0xFFFF;
	s2 =	simm.s32 @!p0 $0x1C04  }
0x3b3: {  	[timem:s3], [sflag:s2] =	dma.local @!p0 [hbm:s0], s1  }
0x3b4: {  	s0 =	simm.s32 @!p0 $0x4  }
0x3b5: {  	_ =	swait.ge @!p0 [sflag:s0], s1  }
0x3b6: {  	s1 =	ssub.s32 @!p0 $0x0, s1;
	[sflag:s0] =	ssyncset.done @!p0 $0x0  }
0x3b7: {  	[sflag:s0] =	ssyncadd.s32 @!p0 s1  }
0x3b8: {  	[bflag:$0x3] =	sbarrier.arrive $0xFFFF  }
0x3b9: {  	_ =	shalt  }

</sc_bundles>
